<compile_context>
chip_gen: v7x
topology: tpu7x:2x2x1
jax: 0.10.2.dev20260603
libtpu: 0.0.44.dev20260713+nightly
codegen_flags: <defaults>
</compile_context>

<pallas_src>
import jax
import jax.numpy as jnp
from jax import lax
from jax.experimental import pallas as pl
from jax.experimental.pallas import tpu as pltpu
from jax.experimental.pallas import tpu_sc as plsc


N_NODES = 10000
N_MSG = 32
N_FEAT = 128
LANES = 16

NUM_CORES = 2
NUM_SUBCORES = 16
NUM_WORKERS = NUM_CORES * NUM_SUBCORES

TC_NODES = 6000
TC_BLK = 400
SC_NODES = N_NODES - TC_NODES
C_NODES = 5
ROWS = C_NODES * N_MSG
N_CHUNKS = N_NODES // C_NODES
BASE = TC_NODES // C_NODES
SC_CHUNKS = SC_NODES // C_NODES
T_PER_W = SC_CHUNKS // NUM_WORKERS


def _acc_node(buf, j, ob):
    accs = []
    for ch in range(N_FEAT // LANES):
        sl = pl.ds(ch * LANES, LANES)
        acc = buf[j * N_MSG, sl]
        for r in range(1, N_MSG):
            acc = acc + buf[j * N_MSG + r, sl]
        accs.append((sl, acc))
    for sl, acc in accs:
        ob[j, sl] = acc


def _sc_body(x_hbm, o_hbm, b0, b1, ob0, ob1, s0, s1, so0, so1):
    c = lax.axis_index("c")
    s = lax.axis_index("s")
    w = s * NUM_CORES + c

    pltpu.async_copy(x_hbm.at[BASE + w], b0, s0)
    pltpu.async_copy(x_hbm.at[BASE + w + NUM_WORKERS], b1, s1)

    def step(t, carry):
        def run(buf, ob, si, so):
            chunk = BASE + w + NUM_WORKERS * t
            @pl.when(t >= 2)
            def _():
                pltpu.make_async_copy(ob, o_hbm.at[0], so).wait()
            pltpu.make_async_copy(x_hbm.at[0], buf, si).wait()
            def node(j, carry2):
                _acc_node(buf, j, ob)
                return carry2
            lax.fori_loop(0, C_NODES, node, 0, unroll=False)
            @pl.when(t + 2 < T_PER_W)
            def _():
                pltpu.async_copy(
                    x_hbm.at[chunk + 2 * NUM_WORKERS], buf, si)
            pltpu.async_copy(ob, o_hbm.at[chunk - BASE], so)

        @pl.when(t % 2 == 0)
        def _():
            run(b0, ob0, s0, so0)

        @pl.when(t % 2 == 1)
        def _():
            run(b1, ob1, s1, so1)

        return carry

    lax.fori_loop(0, T_PER_W, step, 0, unroll=False)
    pltpu.make_async_copy(ob0, o_hbm.at[0], so0).wait()
    pltpu.make_async_copy(ob1, o_hbm.at[0], so1).wait()


def _sc_reduce(x):
    mesh = plsc.VectorSubcoreMesh(core_axis_name="c", subcore_axis_name="s")
    f = pl.kernel(
        _sc_body,
        out_type=jax.ShapeDtypeStruct((SC_CHUNKS, C_NODES, N_FEAT),
                                      jnp.float32),
        mesh=mesh,
        scratch_types=[
            pltpu.VMEM((ROWS, N_FEAT), jnp.float32),
            pltpu.VMEM((ROWS, N_FEAT), jnp.float32),
            pltpu.VMEM((C_NODES, N_FEAT), jnp.float32),
            pltpu.VMEM((C_NODES, N_FEAT), jnp.float32),
            pltpu.SemaphoreType.DMA,
            pltpu.SemaphoreType.DMA,
            pltpu.SemaphoreType.DMA,
            pltpu.SemaphoreType.DMA,
        ],
    )
    return f(x)


def _tc_reduce_body(x_ref, o_ref):
    o_ref[...] = jnp.sum(x_ref[...], axis=1)


def _tc_reduce(x):
    return pl.pallas_call(
        _tc_reduce_body,
        grid=(TC_NODES // TC_BLK,),
        in_specs=[pl.BlockSpec((TC_BLK, N_MSG, N_FEAT), lambda i: (i, 0, 0))],
        out_specs=pl.BlockSpec((TC_BLK, N_FEAT), lambda i: (i, 0)),
        out_shape=jax.ShapeDtypeStruct((N_NODES, N_FEAT), jnp.float32),
    )(x)


def kernel(messages):
    x = messages.reshape(N_NODES, N_MSG, N_FEAT)
    tc_out = _tc_reduce(x)
    sc_out = _sc_reduce(x.reshape(N_CHUNKS, ROWS, N_FEAT))
    out = lax.dynamic_update_slice(
        tc_out, sc_out.reshape(SC_NODES, N_FEAT), (TC_NODES, 0))
    return out.reshape(1, N_NODES, N_FEAT)

# --- scband reference (transcript-rebuilt; emitter-appended) ---
"""Pipeline reference for scband-message-agg-16406775071588 (READ-ONLY COPY).

The authoritative reference and input builder live on the scoring server;
editing this copy changes nothing except your own understanding.
"""

import jax, jax.numpy as jnp
import numpy as np

def setup_inputs(seed: int = 0) -> dict:
    key = jax.random.key(seed)
    messages = jax.random.normal(key, (1, 10000, 32, 128), dtype=jnp.float32)
    return {"messages": messages}

def reference(messages):
    # Faithful translation of tf.math.reduce_sum(messages, 2)
    return jnp.sum(messages, axis=2)

if __name__ == "__main__":
    import jax
    _d = setup_inputs()
    print(jax.jit(kernel)(*tuple(_d.values())))

</pallas_src>

<mosaic_0001>
#map = affine_map<(d0, d1) -> (0, 0, 0)>
module attributes {stable_mosaic.version = 14 : i64} {
  func.func @_sc_body(%arg0: i32, %arg1: i32, %arg2: memref<2000x160x128xf32, #tpu.memory_space<hbm>>, %arg3: memref<800x5x128xf32, #tpu.memory_space<hbm>>, %arg4: memref<160x128xf32, #tpu.memory_space<vmem>>, %arg5: memref<160x128xf32, #tpu.memory_space<vmem>>, %arg6: memref<5x128xf32, #tpu.memory_space<vmem>>, %arg7: memref<5x128xf32, #tpu.memory_space<vmem>>, %arg8: memref<!tpu.dma_semaphore, #tpu.memory_space<semaphore_mem>>, %arg9: memref<!tpu.dma_semaphore, #tpu.memory_space<semaphore_mem>>, %arg10: memref<!tpu.dma_semaphore, #tpu.memory_space<semaphore_mem>>, %arg11: memref<!tpu.dma_semaphore, #tpu.memory_space<semaphore_mem>>) attributes {dimension_semantics = [#tpu.dimension_semantics<core_parallel>, #tpu.dimension_semantics<subcore_parallel>], iteration_bounds = array<i64: 2, 16>, scalar_prefetch = 0 : i64, scratch_operands = 8 : i64, tpu.core_type = #tpu.core_type<sc_vector_subcore>, window_params = [{transform_indices = #map}, {transform_indices = #map}]} {
    %mul3A = arith.constant 2 : i32
    %mul3A_0 = arith.muli %arg1, %mul3A : i32
    %add3A = arith.addi %mul3A_0, %arg0 : i32
    %add3A_1 = arith.constant 1200 : i32
    %add3A_2 = arith.addi %add3A_1, %add3A : i32
    %dma_start3A = arith.constant 0 : i32
    %dma_start3A_3 = arith.constant 0 : i32
    %dma_start3A_4 = tpu.memref_slice %arg2[%add3A_2, %dma_start3A, %dma_start3A_3] : memref<2000x160x128xf32, #tpu.memory_space<hbm>> -> memref<1x160x128xf32, #tpu.memory_space<hbm>>
    %dma_start3A_5 = tpu.memref_squeeze %dma_start3A_4 : memref<1x160x128xf32, #tpu.memory_space<hbm>> -> memref<160x128xf32, #tpu.memory_space<hbm>>
    %dma_start3A_6 = arith.constant 0 : i32
    %dma_start3A_7 = arith.constant 0 : i32
    %dma_start3A_8 = tpu.memref_slice %arg2[%add3A_2, %dma_start3A_6, %dma_start3A_7] : memref<2000x160x128xf32, #tpu.memory_space<hbm>> -> memref<1x160x128xf32, #tpu.memory_space<hbm>>
    %dma_start3A_9 = tpu.memref_squeeze %dma_start3A_8 : memref<1x160x128xf32, #tpu.memory_space<hbm>> -> memref<160x128xf32, #tpu.memory_space<hbm>>
    tpu.enqueue_dma source(%dma_start3A_9 : memref<160x128xf32, #tpu.memory_space<hbm>>) target(%arg4 : memref<160x128xf32, #tpu.memory_space<vmem>>) target_semaphore(%arg8 : memref<!tpu.dma_semaphore, #tpu.memory_space<semaphore_mem>>)
    %add3A_10 = arith.constant 1200 : i32
    %add3A_11 = arith.addi %add3A_10, %add3A : i32
    %add3A_12 = arith.constant 32 : i32
    %add3A_13 = arith.addi %add3A_11, %add3A_12 : i32
    %dma_start3A_14 = arith.constant 0 : i32
    %dma_start3A_15 = arith.constant 0 : i32
    %dma_start3A_16 = tpu.memref_slice %arg2[%add3A_13, %dma_start3A_14, %dma_start3A_15] : memref<2000x160x128xf32, #tpu.memory_space<hbm>> -> memref<1x160x128xf32, #tpu.memory_space<hbm>>
    %dma_start3A_17 = tpu.memref_squeeze %dma_start3A_16 : memref<1x160x128xf32, #tpu.memory_space<hbm>> -> memref<160x128xf32, #tpu.memory_space<hbm>>
    %dma_start3A_18 = arith.constant 0 : i32
    %dma_start3A_19 = arith.constant 0 : i32
    %dma_start3A_20 = tpu.memref_slice %arg2[%add3A_13, %dma_start3A_18, %dma_start3A_19] : memref<2000x160x128xf32, #tpu.memory_space<hbm>> -> memref<1x160x128xf32, #tpu.memory_space<hbm>>
    %dma_start3A_21 = tpu.memref_squeeze %dma_start3A_20 : memref<1x160x128xf32, #tpu.memory_space<hbm>> -> memref<160x128xf32, #tpu.memory_space<hbm>>
    tpu.enqueue_dma source(%dma_start3A_21 : memref<160x128xf32, #tpu.memory_space<hbm>>) target(%arg5 : memref<160x128xf32, #tpu.memory_space<vmem>>) target_semaphore(%arg9 : memref<!tpu.dma_semaphore, #tpu.memory_space<semaphore_mem>>)
    %scan3A = arith.constant 0 : i32
    %scan3A_22 = arith.constant 0 : i32
    %scan3A_23 = arith.constant 25 : i32
    %scan3A_24 = arith.addi %scan3A_22, %scan3A_23 : i32
    %scan3A_25 = arith.constant 1 : i32
    scf.for %scan3A_44 = %scan3A_22 to %scan3A_24 step %scan3A_25  : i32 {
      %jit3A = arith.constant 2 : i32
      %eq3A = arith.constant 0 : i32
      %eq3A_45 = arith.cmpi eq, %jit3A, %eq3A : i32
      %jit3A_46 = arith.constant 1 : i32
      %select_n3A = arith.select %eq3A_45, %jit3A_46, %jit3A : i32
      %rem3A = arith.remsi %scan3A_44, %select_n3A : i32
      %ne3A = arith.constant 0 : i32
      %ne3A_47 = arith.cmpi ne, %rem3A, %ne3A : i32
      %lt3A = arith.constant 0 : i32
      %lt3A_48 = arith.cmpi slt, %rem3A, %lt3A : i32
      %lt3A_49 = arith.constant 0 : i32
      %lt3A_50 = arith.cmpi slt, %select_n3A, %lt3A_49 : i32
      %ne3A_51 = arith.xori %lt3A_48, %lt3A_50 : i1
      %and3A = arith.andi %ne3A_51, %ne3A_47 : i1
      %add3A_52 = arith.addi %rem3A, %select_n3A : i32
      %select_n3A_53 = arith.select %and3A, %add3A_52, %rem3A : i32
      %eq3A_54 = arith.constant 0 : i32
      %eq3A_55 = arith.cmpi eq, %select_n3A_53, %eq3A_54 : i32
      %convert_element_type3A = arith.extui %eq3A_55 : i1 to i32
      %cond3A = arith.constant 0 : i32
      %cond3A_56 = arith.cmpi ne, %convert_element_type3A, %cond3A : i32
      scf.if %cond3A_56 {
        %add3A_78 = arith.constant 1200 : i32
        %add3A_79 = arith.addi %add3A_78, %add3A : i32
        %mul3A_80 = arith.constant 32 : i32
        %mul3A_81 = arith.muli %mul3A_80, %scan3A_44 : i32
        %add3A_82 = arith.addi %add3A_79, %mul3A_81 : i32
        %ge3A = arith.constant 2 : i32
        %ge3A_83 = arith.cmpi sge, %scan3A_44, %ge3A : i32
        %convert_element_type3A_84 = arith.extui %ge3A_83 : i1 to i32
        %cond3A_85 = arith.constant 0 : i32
        %cond3A_86 = arith.cmpi ne, %convert_element_type3A_84, %cond3A_85 : i32
        scf.if %cond3A_86 {
          %dma_wait3A_118 = arith.constant 0 : i32
          %dma_wait3A_119 = arith.constant 0 : i32
          %dma_wait3A_120 = arith.constant 0 : i32
          %dma_wait3A_121 = tpu.memref_slice %arg3[%dma_wait3A_118, %dma_wait3A_119, %dma_wait3A_120] : memref<800x5x128xf32, #tpu.memory_space<hbm>> -> memref<1x5x128xf32, #tpu.memory_space<hbm>>
          %dma_wait3A_122 = tpu.memref_squeeze %dma_wait3A_121 : memref<1x5x128xf32, #tpu.memory_space<hbm>> -> memref<5x128xf32, #tpu.memory_space<hbm>>
          %dma_wait3A_123 = arith.constant 0 : i32
          %dma_wait3A_124 = arith.constant 0 : i32
          %dma_wait3A_125 = tpu.memref_slice %arg3[%dma_wait3A_118, %dma_wait3A_123, %dma_wait3A_124] : memref<800x5x128xf32, #tpu.memory_space<hbm>> -> memref<1x5x128xf32, #tpu.memory_space<hbm>>
          %dma_wait3A_126 = tpu.memref_squeeze %dma_wait3A_125 : memref<1x5x128xf32, #tpu.memory_space<hbm>> -> memref<5x128xf32, #tpu.memory_space<hbm>>
          tpu.wait_dma2 semaphore(%arg10 : memref<!tpu.dma_semaphore, #tpu.memory_space<semaphore_mem>>) src(%arg6 : memref<5x128xf32, #tpu.memory_space<vmem>>) dst(%dma_wait3A_126 : memref<5x128xf32, #tpu.memory_space<hbm>>)
        } else {
        }
        %dma_wait3A_87 = arith.constant 0 : i32
        %dma_wait3A_88 = arith.constant 0 : i32
        %dma_wait3A_89 = arith.constant 0 : i32
        %dma_wait3A_90 = tpu.memref_slice %arg2[%dma_wait3A_87, %dma_wait3A_88, %dma_wait3A_89] : memref<2000x160x128xf32, #tpu.memory_space<hbm>> -> memref<1x160x128xf32, #tpu.memory_space<hbm>>
        %dma_wait3A_91 = tpu.memref_squeeze %dma_wait3A_90 : memref<1x160x128xf32, #tpu.memory_space<hbm>> -> memref<160x128xf32, #tpu.memory_space<hbm>>
        %dma_wait3A_92 = arith.constant 0 : i32
        %dma_wait3A_93 = arith.constant 0 : i32
        %dma_wait3A_94 = tpu.memref_slice %arg2[%dma_wait3A_87, %dma_wait3A_92, %dma_wait3A_93] : memref<2000x160x128xf32, #tpu.memory_space<hbm>> -> memref<1x160x128xf32, #tpu.memory_space<hbm>>
        %dma_wait3A_95 = tpu.memref_squeeze %dma_wait3A_94 : memref<1x160x128xf32, #tpu.memory_space<hbm>> -> memref<160x128xf32, #tpu.memory_space<hbm>>
        tpu.wait_dma2 semaphore(%arg8 : memref<!tpu.dma_semaphore, #tpu.memory_space<semaphore_mem>>) src(%dma_wait3A_95 : memref<160x128xf32, #tpu.memory_space<hbm>>) dst(%arg4 : memref<160x128xf32, #tpu.memory_space<vmem>>)
        %scan3A_96 = arith.constant 0 : i32
        %scan3A_97 = arith.constant 0 : i32
        %scan3A_98 = arith.constant 5 : i32
        %scan3A_99 = arith.addi %scan3A_97, %scan3A_98 : i32
        %scan3A_100 = arith.constant 1 : i32
        scf.for %scan3A_118 = %scan3A_97 to %scan3A_99 step %scan3A_100  : i32 {
          %mul3A_119 = arith.constant 32 : i32
          %mul3A_120 = arith.muli %scan3A_118, %mul3A_119 : i32
          %get3A = arith.index_cast %mul3A_120 : i32 to index
          %get3A_121 = arith.constant 0 : index
          %get3A_122 = tpu.vector_load %arg4[%get3A, %get3A_121] {strides = array<i32>} : memref<160x128xf32, #tpu.memory_space<vmem>>, vector<1x16xf32>,
          %get3A_123 = vector.shape_cast %get3A_122 : vector<1x16xf32> to vector<16xf32>
          %mul3A_124 = arith.constant 32 : i32
          %mul3A_125 = arith.muli %scan3A_118, %mul3A_124 : i32
          %add3A_126 = arith.constant 1 : i32
          %add3A_127 = arith.addi %mul3A_125, %add3A_126 : i32
          %get3A_128 = arith.index_cast %add3A_127 : i32 to index
          %get3A_129 = arith.constant 0 : index
          %get3A_130 = tpu.vector_load %arg4[%get3A_128, %get3A_129] {strides = array<i32>} : memref<160x128xf32, #tpu.memory_space<vmem>>, vector<1x16xf32>,
          %get3A_131 = vector.shape_cast %get3A_130 : vector<1x16xf32> to vector<16xf32>
          %add3A_132 = arith.addf %get3A_123, %get3A_131 : vector<16xf32>
          %mul3A_133 = arith.constant 32 : i32
          %mul3A_134 = arith.muli %scan3A_118, %mul3A_133 : i32
          %add3A_135 = arith.constant 2 : i32
          %add3A_136 = arith.addi %mul3A_134, %add3A_135 : i32
          %get3A_137 = arith.index_cast %add3A_136 : i32 to index
          %get3A_138 = arith.constant 0 : index
          %get3A_139 = tpu.vector_load %arg4[%get3A_137, %get3A_138] {strides = array<i32>} : memref<160x128xf32, #tpu.memory_space<vmem>>, vector<1x16xf32>,
          %get3A_140 = vector.shape_cast %get3A_139 : vector<1x16xf32> to vector<16xf32>
          %add3A_141 = arith.addf %add3A_132, %get3A_140 : vector<16xf32>
          %mul3A_142 = arith.constant 32 : i32
          %mul3A_143 = arith.muli %scan3A_118, %mul3A_142 : i32
          %add3A_144 = arith.constant 3 : i32
          %add3A_145 = arith.addi %mul3A_143, %add3A_144 : i32
          %get3A_146 = arith.index_cast %add3A_145 : i32 to index
          %get3A_147 = arith.constant 0 : index
          %get3A_148 = tpu.vector_load %arg4[%get3A_146, %get3A_147] {strides = array<i32>} : memref<160x128xf32, #tpu.memory_space<vmem>>, vector<1x16xf32>,
          %get3A_149 = vector.shape_cast %get3A_148 : vector<1x16xf32> to vector<16xf32>
          %add3A_150 = arith.addf %add3A_141, %get3A_149 : vector<16xf32>
          %mul3A_151 = arith.constant 32 : i32
          %mul3A_152 = arith.muli %scan3A_118, %mul3A_151 : i32
          %add3A_153 = arith.constant 4 : i32
          %add3A_154 = arith.addi %mul3A_152, %add3A_153 : i32
          %get3A_155 = arith.index_cast %add3A_154 : i32 to index
          %get3A_156 = arith.constant 0 : index
          %get3A_157 = tpu.vector_load %arg4[%get3A_155, %get3A_156] {strides = array<i32>} : memref<160x128xf32, #tpu.memory_space<vmem>>, vector<1x16xf32>,
          %get3A_158 = vector.shape_cast %get3A_157 : vector<1x16xf32> to vector<16xf32>
          %add3A_159 = arith.addf %add3A_150, %get3A_158 : vector<16xf32>
          %mul3A_160 = arith.constant 32 : i32
          %mul3A_161 = arith.muli %scan3A_118, %mul3A_160 : i32
          %add3A_162 = arith.constant 5 : i32
          %add3A_163 = arith.addi %mul3A_161, %add3A_162 : i32
          %get3A_164 = arith.index_cast %add3A_163 : i32 to index
          %get3A_165 = arith.constant 0 : index
          %get3A_166 = tpu.vector_load %arg4[%get3A_164, %get3A_165] {strides = array<i32>} : memref<160x128xf32, #tpu.memory_space<vmem>>, vector<1x16xf32>,
          %get3A_167 = vector.shape_cast %get3A_166 : vector<1x16xf32> to vector<16xf32>
          %add3A_168 = arith.addf %add3A_159, %get3A_167 : vector<16xf32>
          %mul3A_169 = arith.constant 32 : i32
          %mul3A_170 = arith.muli %scan3A_118, %mul3A_169 : i32
          %add3A_171 = arith.constant 6 : i32
          %add3A_172 = arith.addi %mul3A_170, %add3A_171 : i32
          %get3A_173 = arith.index_cast %add3A_172 : i32 to index
          %get3A_174 = arith.constant 0 : index
          %get3A_175 = tpu.vector_load %arg4[%get3A_173, %get3A_174] {strides = array<i32>} : memref<160x128xf32, #tpu.memory_space<vmem>>, vector<1x16xf32>,
          %get3A_176 = vector.shape_cast %get3A_175 : vector<1x16xf32> to vector<16xf32>
          %add3A_177 = arith.addf %add3A_168, %get3A_176 : vector<16xf32>
          %mul3A_178 = arith.constant 32 : i32
          %mul3A_179 = arith.muli %scan3A_118, %mul3A_178 : i32
          %add3A_180 = arith.constant 7 : i32
          %add3A_181 = arith.addi %mul3A_179, %add3A_180 : i32
          %get3A_182 = arith.index_cast %add3A_181 : i32 to index
          %get3A_183 = arith.constant 0 : index
          %get3A_184 = tpu.vector_load %arg4[%get3A_182, %get3A_183] {strides = array<i32>} : memref<160x128xf32, #tpu.memory_space<vmem>>, vector<1x16xf32>,
          %get3A_185 = vector.shape_cast %get3A_184 : vector<1x16xf32> to vector<16xf32>
          %add3A_186 = arith.addf %add3A_177, %get3A_185 : vector<16xf32>
          %mul3A_187 = arith.constant 32 : i32
          %mul3A_188 = arith.muli %scan3A_118, %mul3A_187 : i32
          %add3A_189 = arith.constant 8 : i32
          %add3A_190 = arith.addi %mul3A_188, %add3A_189 : i32
          %get3A_191 = arith.index_cast %add3A_190 : i32 to index
          %get3A_192 = arith.constant 0 : index
          %get3A_193 = tpu.vector_load %arg4[%get3A_191, %get3A_192] {strides = array<i32>} : memref<160x128xf32, #tpu.memory_space<vmem>>, vector<1x16xf32>,
          %get3A_194 = vector.shape_cast %get3A_193 : vector<1x16xf32> to vector<16xf32>
          %add3A_195 = arith.addf %add3A_186, %get3A_194 : vector<16xf32>
          %mul3A_196 = arith.constant 32 : i32
          %mul3A_197 = arith.muli %scan3A_118, %mul3A_196 : i32
          %add3A_198 = arith.constant 9 : i32
          %add3A_199 = arith.addi %mul3A_197, %add3A_198 : i32
          %get3A_200 = arith.index_cast %add3A_199 : i32 to index
          %get3A_201 = arith.constant 0 : index
          %get3A_202 = tpu.vector_load %arg4[%get3A_200, %get3A_201] {strides = array<i32>} : memref<160x128xf32, #tpu.memory_space<vmem>>, vector<1x16xf32>,
          %get3A_203 = vector.shape_cast %get3A_202 : vector<1x16xf32> to vector<16xf32>
          %add3A_204 = arith.addf %add3A_195, %get3A_203 : vector<16xf32>
          %mul3A_205 = arith.constant 32 : i32
          %mul3A_206 = arith.muli %scan3A_118, %mul3A_205 : i32
          %add3A_207 = arith.constant 10 : i32
          %add3A_208 = arith.addi %mul3A_206, %add3A_207 : i32
          %get3A_209 = arith.index_cast %add3A_208 : i32 to index
          %get3A_210 = arith.constant 0 : index
          %get3A_211 = tpu.vector_load %arg4[%get3A_209, %get3A_210] {strides = array<i32>} : memref<160x128xf32, #tpu.memory_space<vmem>>, vector<1x16xf32>,
          %get3A_212 = vector.shape_cast %get3A_211 : vector<1x16xf32> to vector<16xf32>
          %add3A_213 = arith.addf %add3A_204, %get3A_212 : vector<16xf32>
          %mul3A_214 = arith.constant 32 : i32
          %mul3A_215 = arith.muli %scan3A_118, %mul3A_214 : i32
          %add3A_216 = arith.constant 11 : i32
          %add3A_217 = arith.addi %mul3A_215, %add3A_216 : i32
          %get3A_218 = arith.index_cast %add3A_217 : i32 to index
          %get3A_219 = arith.constant 0 : index
          %get3A_220 = tpu.vector_load %arg4[%get3A_218, %get3A_219] {strides = array<i32>} : memref<160x128xf32, #tpu.memory_space<vmem>>, vector<1x16xf32>,
          %get3A_221 = vector.shape_cast %get3A_220 : vector<1x16xf32> to vector<16xf32>
          %add3A_222 = arith.addf %add3A_213, %get3A_221 : vector<16xf32>
          %mul3A_223 = arith.constant 32 : i32
          %mul3A_224 = arith.muli %scan3A_118, %mul3A_223 : i32
          %add3A_225 = arith.constant 12 : i32
          %add3A_226 = arith.addi %mul3A_224, %add3A_225 : i32
          %get3A_227 = arith.index_cast %add3A_226 : i32 to index
          %get3A_228 = arith.constant 0 : index
          %get3A_229 = tpu.vector_load %arg4[%get3A_227, %get3A_228] {strides = array<i32>} : memref<160x128xf32, #tpu.memory_space<vmem>>, vector<1x16xf32>,
          %get3A_230 = vector.shape_cast %get3A_229 : vector<1x16xf32> to vector<16xf32>
          %add3A_231 = arith.addf %add3A_222, %get3A_230 : vector<16xf32>
          %mul3A_232 = arith.constant 32 : i32
          %mul3A_233 = arith.muli %scan3A_118, %mul3A_232 : i32
          %add3A_234 = arith.constant 13 : i32
          %add3A_235 = arith.addi %mul3A_233, %add3A_234 : i32
          %get3A_236 = arith.index_cast %add3A_235 : i32 to index
          %get3A_237 = arith.constant 0 : index
          %get3A_238 = tpu.vector_load %arg4[%get3A_236, %get3A_237] {strides = array<i32>} : memref<160x128xf32, #tpu.memory_space<vmem>>, vector<1x16xf32>,
          %get3A_239 = vector.shape_cast %get3A_238 : vector<1x16xf32> to vector<16xf32>
          %add3A_240 = arith.addf %add3A_231, %get3A_239 : vector<16xf32>
          %mul3A_241 = arith.constant 32 : i32
          %mul3A_242 = arith.muli %scan3A_118, %mul3A_241 : i32
          %add3A_243 = arith.constant 14 : i32
          %add3A_244 = arith.addi %mul3A_242, %add3A_243 : i32
          %get3A_245 = arith.index_cast %add3A_244 : i32 to index
          %get3A_246 = arith.constant 0 : index
          %get3A_247 = tpu.vector_load %arg4[%get3A_245, %get3A_246] {strides = array<i32>} : memref<160x128xf32, #tpu.memory_space<vmem>>, vector<1x16xf32>,
          %get3A_248 = vector.shape_cast %get3A_247 : vector<1x16xf32> to vector<16xf32>
          %add3A_249 = arith.addf %add3A_240, %get3A_248 : vector<16xf32>
          %mul3A_250 = arith.constant 32 : i32
          %mul3A_251 = arith.muli %scan3A_118, %mul3A_250 : i32
          %add3A_252 = arith.constant 15 : i32
          %add3A_253 = arith.addi %mul3A_251, %add3A_252 : i32
          %get3A_254 = arith.index_cast %add3A_253 : i32 to index
          %get3A_255 = arith.constant 0 : index
          %get3A_256 = tpu.vector_load %arg4[%get3A_254, %get3A_255] {strides = array<i32>} : memref<160x128xf32, #tpu.memory_space<vmem>>, vector<1x16xf32>,
          %get3A_257 = vector.shape_cast %get3A_256 : vector<1x16xf32> to vector<16xf32>
          %add3A_258 = arith.addf %add3A_249, %get3A_257 : vector<16xf32>
          %mul3A_259 = arith.constant 32 : i32
          %mul3A_260 = arith.muli %scan3A_118, %mul3A_259 : i32
          %add3A_261 = arith.constant 16 : i32
          %add3A_262 = arith.addi %mul3A_260, %add3A_261 : i32
          %get3A_263 = arith.index_cast %add3A_262 : i32 to index
          %get3A_264 = arith.constant 0 : index
          %get3A_265 = tpu.vector_load %arg4[%get3A_263, %get3A_264] {strides = array<i32>} : memref<160x128xf32, #tpu.memory_space<vmem>>, vector<1x16xf32>,
          %get3A_266 = vector.shape_cast %get3A_265 : vector<1x16xf32> to vector<16xf32>
          %add3A_267 = arith.addf %add3A_258, %get3A_266 : vector<16xf32>
          %mul3A_268 = arith.constant 32 : i32
          %mul3A_269 = arith.muli %scan3A_118, %mul3A_268 : i32
          %add3A_270 = arith.constant 17 : i32
          %add3A_271 = arith.addi %mul3A_269, %add3A_270 : i32
          %get3A_272 = arith.index_cast %add3A_271 : i32 to index
          %get3A_273 = arith.constant 0 : index
          %get3A_274 = tpu.vector_load %arg4[%get3A_272, %get3A_273] {strides = array<i32>} : memref<160x128xf32, #tpu.memory_space<vmem>>, vector<1x16xf32>,
          %get3A_275 = vector.shape_cast %get3A_274 : vector<1x16xf32> to vector<16xf32>
          %add3A_276 = arith.addf %add3A_267, %get3A_275 : vector<16xf32>
          %mul3A_277 = arith.constant 32 : i32
          %mul3A_278 = arith.muli %scan3A_118, %mul3A_277 : i32
          %add3A_279 = arith.constant 18 : i32
          %add3A_280 = arith.addi %mul3A_278, %add3A_279 : i32
          %get3A_281 = arith.index_cast %add3A_280 : i32 to index
          %get3A_282 = arith.constant 0 : index
          %get3A_283 = tpu.vector_load %arg4[%get3A_281, %get3A_282] {strides = array<i32>} : memref<160x128xf32, #tpu.memory_space<vmem>>, vector<1x16xf32>,
          %get3A_284 = vector.shape_cast %get3A_283 : vector<1x16xf32> to vector<16xf32>
          %add3A_285 = arith.addf %add3A_276, %get3A_284 : vector<16xf32>
          %mul3A_286 = arith.constant 32 : i32
          %mul3A_287 = arith.muli %scan3A_118, %mul3A_286 : i32
          %add3A_288 = arith.constant 19 : i32
          %add3A_289 = arith.addi %mul3A_287, %add3A_288 : i32
          %get3A_290 = arith.index_cast %add3A_289 : i32 to index
          %get3A_291 = arith.constant 0 : index
          %get3A_292 = tpu.vector_load %arg4[%get3A_290, %get3A_291] {strides = array<i32>} : memref<160x128xf32, #tpu.memory_space<vmem>>, vector<1x16xf32>,
          %get3A_293 = vector.shape_cast %get3A_292 : vector<1x16xf32> to vector<16xf32>
          %add3A_294 = arith.addf %add3A_285, %get3A_293 : vector<16xf32>
          %mul3A_295 = arith.constant 32 : i32
          %mul3A_296 = arith.muli %scan3A_118, %mul3A_295 : i32
          %add3A_297 = arith.constant 20 : i32
          %add3A_298 = arith.addi %mul3A_296, %add3A_297 : i32
          %get3A_299 = arith.index_cast %add3A_298 : i32 to index
          %get3A_300 = arith.constant 0 : index
          %get3A_301 = tpu.vector_load %arg4[%get3A_299, %get3A_300] {strides = array<i32>} : memref<160x128xf32, #tpu.memory_space<vmem>>, vector<1x16xf32>,
          %get3A_302 = vector.shape_cast %get3A_301 : vector<1x16xf32> to vector<16xf32>
          %add3A_303 = arith.addf %add3A_294, %get3A_302 : vector<16xf32>
          %mul3A_304 = arith.constant 32 : i32
          %mul3A_305 = arith.muli %scan3A_118, %mul3A_304 : i32
          %add3A_306 = arith.constant 21 : i32
          %add3A_307 = arith.addi %mul3A_305, %add3A_306 : i32
          %get3A_308 = arith.index_cast %add3A_307 : i32 to index
          %get3A_309 = arith.constant 0 : index
          %get3A_310 = tpu.vector_load %arg4[%get3A_308, %get3A_309] {strides = array<i32>} : memref<160x128xf32, #tpu.memory_space<vmem>>, vector<1x16xf32>,
          %get3A_311 = vector.shape_cast %get3A_310 : vector<1x16xf32> to vector<16xf32>
          %add3A_312 = arith.addf %add3A_303, %get3A_311 : vector<16xf32>
          %mul3A_313 = arith.constant 32 : i32
          %mul3A_314 = arith.muli %scan3A_118, %mul3A_313 : i32
          %add3A_315 = arith.constant 22 : i32
          %add3A_316 = arith.addi %mul3A_314, %add3A_315 : i32
          %get3A_317 = arith.index_cast %add3A_316 : i32 to index
          %get3A_318 = arith.constant 0 : index
          %get3A_319 = tpu.vector_load %arg4[%get3A_317, %get3A_318] {strides = array<i32>} : memref<160x128xf32, #tpu.memory_space<vmem>>, vector<1x16xf32>,
          %get3A_320 = vector.shape_cast %get3A_319 : vector<1x16xf32> to vector<16xf32>
          %add3A_321 = arith.addf %add3A_312, %get3A_320 : vector<16xf32>
          %mul3A_322 = arith.constant 32 : i32
          %mul3A_323 = arith.muli %scan3A_118, %mul3A_322 : i32
          %add3A_324 = arith.constant 23 : i32
          %add3A_325 = arith.addi %mul3A_323, %add3A_324 : i32
          %get3A_326 = arith.index_cast %add3A_325 : i32 to index
          %get3A_327 = arith.constant 0 : index
          %get3A_328 = tpu.vector_load %arg4[%get3A_326, %get3A_327] {strides = array<i32>} : memref<160x128xf32, #tpu.memory_space<vmem>>, vector<1x16xf32>,
          %get3A_329 = vector.shape_cast %get3A_328 : vector<1x16xf32> to vector<16xf32>
          %add3A_330 = arith.addf %add3A_321, %get3A_329 : vector<16xf32>
          %mul3A_331 = arith.constant 32 : i32
          %mul3A_332 = arith.muli %scan3A_118, %mul3A_331 : i32
          %add3A_333 = arith.constant 24 : i32
          %add3A_334 = arith.addi %mul3A_332, %add3A_333 : i32
          %get3A_335 = arith.index_cast %add3A_334 : i32 to index
          %get3A_336 = arith.constant 0 : index
          %get3A_337 = tpu.vector_load %arg4[%get3A_335, %get3A_336] {strides = array<i32>} : memref<160x128xf32, #tpu.memory_space<vmem>>, vector<1x16xf32>,
          %get3A_338 = vector.shape_cast %get3A_337 : vector<1x16xf32> to vector<16xf32>
          %add3A_339 = arith.addf %add3A_330, %get3A_338 : vector<16xf32>
          %mul3A_340 = arith.constant 32 : i32
          %mul3A_341 = arith.muli %scan3A_118, %mul3A_340 : i32
          %add3A_342 = arith.constant 25 : i32
          %add3A_343 = arith.addi %mul3A_341, %add3A_342 : i32
          %get3A_344 = arith.index_cast %add3A_343 : i32 to index
          %get3A_345 = arith.constant 0 : index
          %get3A_346 = tpu.vector_load %arg4[%get3A_344, %get3A_345] {strides = array<i32>} : memref<160x128xf32, #tpu.memory_space<vmem>>, vector<1x16xf32>,
          %get3A_347 = vector.shape_cast %get3A_346 : vector<1x16xf32> to vector<16xf32>
          %add3A_348 = arith.addf %add3A_339, %get3A_347 : vector<16xf32>
          %mul3A_349 = arith.constant 32 : i32
          %mul3A_350 = arith.muli %scan3A_118, %mul3A_349 : i32
          %add3A_351 = arith.constant 26 : i32
          %add3A_352 = arith.addi %mul3A_350, %add3A_351 : i32
          %get3A_353 = arith.index_cast %add3A_352 : i32 to index
          %get3A_354 = arith.constant 0 : index
          %get3A_355 = tpu.vector_load %arg4[%get3A_353, %get3A_354] {strides = array<i32>} : memref<160x128xf32, #tpu.memory_space<vmem>>, vector<1x16xf32>,
          %get3A_356 = vector.shape_cast %get3A_355 : vector<1x16xf32> to vector<16xf32>
          %add3A_357 = arith.addf %add3A_348, %get3A_356 : vector<16xf32>
          %mul3A_358 = arith.constant 32 : i32
          %mul3A_359 = arith.muli %scan3A_118, %mul3A_358 : i32
          %add3A_360 = arith.constant 27 : i32
          %add3A_361 = arith.addi %mul3A_359, %add3A_360 : i32
          %get3A_362 = arith.index_cast %add3A_361 : i32 to index
          %get3A_363 = arith.constant 0 : index
          %get3A_364 = tpu.vector_load %arg4[%get3A_362, %get3A_363] {strides = array<i32>} : memref<160x128xf32, #tpu.memory_space<vmem>>, vector<1x16xf32>,
          %get3A_365 = vector.shape_cast %get3A_364 : vector<1x16xf32> to vector<16xf32>
          %add3A_366 = arith.addf %add3A_357, %get3A_365 : vector<16xf32>
          %mul3A_367 = arith.constant 32 : i32
          %mul3A_368 = arith.muli %scan3A_118, %mul3A_367 : i32
          %add3A_369 = arith.constant 28 : i32
          %add3A_370 = arith.addi %mul3A_368, %add3A_369 : i32
          %get3A_371 = arith.index_cast %add3A_370 : i32 to index
          %get3A_372 = arith.constant 0 : index
          %get3A_373 = tpu.vector_load %arg4[%get3A_371, %get3A_372] {strides = array<i32>} : memref<160x128xf32, #tpu.memory_space<vmem>>, vector<1x16xf32>,
          %get3A_374 = vector.shape_cast %get3A_373 : vector<1x16xf32> to vector<16xf32>
          %add3A_375 = arith.addf %add3A_366, %get3A_374 : vector<16xf32>
          %mul3A_376 = arith.constant 32 : i32
          %mul3A_377 = arith.muli %scan3A_118, %mul3A_376 : i32
          %add3A_378 = arith.constant 29 : i32
          %add3A_379 = arith.addi %mul3A_377, %add3A_378 : i32
          %get3A_380 = arith.index_cast %add3A_379 : i32 to index
          %get3A_381 = arith.constant 0 : index
          %get3A_382 = tpu.vector_load %arg4[%get3A_380, %get3A_381] {strides = array<i32>} : memref<160x128xf32, #tpu.memory_space<vmem>>, vector<1x16xf32>,
          %get3A_383 = vector.shape_cast %get3A_382 : vector<1x16xf32> to vector<16xf32>
          %add3A_384 = arith.addf %add3A_375, %get3A_383 : vector<16xf32>
          %mul3A_385 = arith.constant 32 : i32
          %mul3A_386 = arith.muli %scan3A_118, %mul3A_385 : i32
          %add3A_387 = arith.constant 30 : i32
          %add3A_388 = arith.addi %mul3A_386, %add3A_387 : i32
          %get3A_389 = arith.index_cast %add3A_388 : i32 to index
          %get3A_390 = arith.constant 0 : index
          %get3A_391 = tpu.vector_load %arg4[%get3A_389, %get3A_390] {strides = array<i32>} : memref<160x128xf32, #tpu.memory_space<vmem>>, vector<1x16xf32>,
          %get3A_392 = vector.shape_cast %get3A_391 : vector<1x16xf32> to vector<16xf32>
          %add3A_393 = arith.addf %add3A_384, %get3A_392 : vector<16xf32>
          %mul3A_394 = arith.constant 32 : i32
          %mul3A_395 = arith.muli %scan3A_118, %mul3A_394 : i32
          %add3A_396 = arith.constant 31 : i32
          %add3A_397 = arith.addi %mul3A_395, %add3A_396 : i32
          %get3A_398 = arith.index_cast %add3A_397 : i32 to index
          %get3A_399 = arith.constant 0 : index
          %get3A_400 = tpu.vector_load %arg4[%get3A_398, %get3A_399] {strides = array<i32>} : memref<160x128xf32, #tpu.memory_space<vmem>>, vector<1x16xf32>,
          %get3A_401 = vector.shape_cast %get3A_400 : vector<1x16xf32> to vector<16xf32>
          %add3A_402 = arith.addf %add3A_393, %get3A_401 : vector<16xf32>
          %mul3A_403 = arith.constant 32 : i32
          %mul3A_404 = arith.muli %scan3A_118, %mul3A_403 : i32
          %get3A_405 = arith.index_cast %mul3A_404 : i32 to index
          %get3A_406 = arith.constant 16 : index
          %get3A_407 = tpu.vector_load %arg4[%get3A_405, %get3A_406] {strides = array<i32>} : memref<160x128xf32, #tpu.memory_space<vmem>>, vector<1x16xf32>,
          %get3A_408 = vector.shape_cast %get3A_407 : vector<1x16xf32> to vector<16xf32>
          %mul3A_409 = arith.constant 32 : i32
          %mul3A_410 = arith.muli %scan3A_118, %mul3A_409 : i32
          %add3A_411 = arith.constant 1 : i32
          %add3A_412 = arith.addi %mul3A_410, %add3A_411 : i32
          %get3A_413 = arith.index_cast %add3A_412 : i32 to index
          %get3A_414 = arith.constant 16 : index
          %get3A_415 = tpu.vector_load %arg4[%get3A_413, %get3A_414] {strides = array<i32>} : memref<160x128xf32, #tpu.memory_space<vmem>>, vector<1x16xf32>,
          %get3A_416 = vector.shape_cast %get3A_415 : vector<1x16xf32> to vector<16xf32>
          %add3A_417 = arith.addf %get3A_408, %get3A_416 : vector<16xf32>
          %mul3A_418 = arith.constant 32 : i32
          %mul3A_419 = arith.muli %scan3A_118, %mul3A_418 : i32
          %add3A_420 = arith.constant 2 : i32
          %add3A_421 = arith.addi %mul3A_419, %add3A_420 : i32
          %get3A_422 = arith.index_cast %add3A_421 : i32 to index
          %get3A_423 = arith.constant 16 : index
          %get3A_424 = tpu.vector_load %arg4[%get3A_422, %get3A_423] {strides = array<i32>} : memref<160x128xf32, #tpu.memory_space<vmem>>, vector<1x16xf32>,
          %get3A_425 = vector.shape_cast %get3A_424 : vector<1x16xf32> to vector<16xf32>
          %add3A_426 = arith.addf %add3A_417, %get3A_425 : vector<16xf32>
          %mul3A_427 = arith.constant 32 : i32
          %mul3A_428 = arith.muli %scan3A_118, %mul3A_427 : i32
          %add3A_429 = arith.constant 3 : i32
          %add3A_430 = arith.addi %mul3A_428, %add3A_429 : i32
          %get3A_431 = arith.index_cast %add3A_430 : i32 to index
          %get3A_432 = arith.constant 16 : index
          %get3A_433 = tpu.vector_load %arg4[%get3A_431, %get3A_432] {strides = array<i32>} : memref<160x128xf32, #tpu.memory_space<vmem>>, vector<1x16xf32>,
          %get3A_434 = vector.shape_cast %get3A_433 : vector<1x16xf32> to vector<16xf32>
          %add3A_435 = arith.addf %add3A_426, %get3A_434 : vector<16xf32>
          %mul3A_436 = arith.constant 32 : i32
          %mul3A_437 = arith.muli %scan3A_118, %mul3A_436 : i32
          %add3A_438 = arith.constant 4 : i32
          %add3A_439 = arith.addi %mul3A_437, %add3A_438 : i32
          %get3A_440 = arith.index_cast %add3A_439 : i32 to index
          %get3A_441 = arith.constant 16 : index
          %get3A_442 = tpu.vector_load %arg4[%get3A_440, %get3A_441] {strides = array<i32>} : memref<160x128xf32, #tpu.memory_space<vmem>>, vector<1x16xf32>,
          %get3A_443 = vector.shape_cast %get3A_442 : vector<1x16xf32> to vector<16xf32>
          %add3A_444 = arith.addf %add3A_435, %get3A_443 : vector<16xf32>
          %mul3A_445 = arith.constant 32 : i32
          %mul3A_446 = arith.muli %scan3A_118, %mul3A_445 : i32
          %add3A_447 = arith.constant 5 : i32
          %add3A_448 = arith.addi %mul3A_446, %add3A_447 : i32
          %get3A_449 = arith.index_cast %add3A_448 : i32 to index
          %get3A_450 = arith.constant 16 : index
          %get3A_451 = tpu.vector_load %arg4[%get3A_449, %get3A_450] {strides = array<i32>} : memref<160x128xf32, #tpu.memory_space<vmem>>, vector<1x16xf32>,
          %get3A_452 = vector.shape_cast %get3A_451 : vector<1x16xf32> to vector<16xf32>
          %add3A_453 = arith.addf %add3A_444, %get3A_452 : vector<16xf32>
          %mul3A_454 = arith.constant 32 : i32
          %mul3A_455 = arith.muli %scan3A_118, %mul3A_454 : i32
          %add3A_456 = arith.constant 6 : i32
          %add3A_457 = arith.addi %mul3A_455, %add3A_456 : i32
          %get3A_458 = arith.index_cast %add3A_457 : i32 to index
          %get3A_459 = arith.constant 16 : index
          %get3A_460 = tpu.vector_load %arg4[%get3A_458, %get3A_459] {strides = array<i32>} : memref<160x128xf32, #tpu.memory_space<vmem>>, vector<1x16xf32>,
          %get3A_461 = vector.shape_cast %get3A_460 : vector<1x16xf32> to vector<16xf32>
          %add3A_462 = arith.addf %add3A_453, %get3A_461 : vector<16xf32>
          %mul3A_463 = arith.constant 32 : i32
          %mul3A_464 = arith.muli %scan3A_118, %mul3A_463 : i32
          %add3A_465 = arith.constant 7 : i32
          %add3A_466 = arith.addi %mul3A_464, %add3A_465 : i32
          %get3A_467 = arith.index_cast %add3A_466 : i32 to index
          %get3A_468 = arith.constant 16 : index
          %get3A_469 = tpu.vector_load %arg4[%get3A_467, %get3A_468] {strides = array<i32>} : memref<160x128xf32, #tpu.memory_space<vmem>>, vector<1x16xf32>,
          %get3A_470 = vector.shape_cast %get3A_469 : vector<1x16xf32> to vector<16xf32>
          %add3A_471 = arith.addf %add3A_462, %get3A_470 : vector<16xf32>
          %mul3A_472 = arith.constant 32 : i32
          %mul3A_473 = arith.muli %scan3A_118, %mul3A_472 : i32
          %add3A_474 = arith.constant 8 : i32
          %add3A_475 = arith.addi %mul3A_473, %add3A_474 : i32
          %get3A_476 = arith.index_cast %add3A_475 : i32 to index
          %get3A_477 = arith.constant 16 : index
          %get3A_478 = tpu.vector_load %arg4[%get3A_476, %get3A_477] {strides = array<i32>} : memref<160x128xf32, #tpu.memory_space<vmem>>, vector<1x16xf32>,
          %get3A_479 = vector.shape_cast %get3A_478 : vector<1x16xf32> to vector<16xf32>
          %add3A_480 = arith.addf %add3A_471, %get3A_479 : vector<16xf32>
          %mul3A_481 = arith.constant 32 : i32
          %mul3A_482 = arith.muli %scan3A_118, %mul3A_481 : i32
          %add3A_483 = arith.constant 9 : i32
          %add3A_484 = arith.addi %mul3A_482, %add3A_483 : i32
          %get3A_485 = arith.index_cast %add3A_484 : i32 to index
          %get3A_486 = arith.constant 16 : index
          %get3A_487 = tpu.vector_load %arg4[%get3A_485, %get3A_486] {strides = array<i32>} : memref<160x128xf32, #tpu.memory_space<vmem>>, vector<1x16xf32>,
          %get3A_488 = vector.shape_cast %get3A_487 : vector<1x16xf32> to vector<16xf32>
          %add3A_489 = arith.addf %add3A_480, %get3A_488 : vector<16xf32>
          %mul3A_490 = arith.constant 32 : i32
          %mul3A_491 = arith.muli %scan3A_118, %mul3A_490 : i32
          %add3A_492 = arith.constant 10 : i32
          %add3A_493 = arith.addi %mul3A_491, %add3A_492 : i32
          %get3A_494 = arith.index_cast %add3A_493 : i32 to index
          %get3A_495 = arith.constant 16 : index
          %get3A_496 = tpu.vector_load %arg4[%get3A_494, %get3A_495] {strides = array<i32>} : memref<160x128xf32, #tpu.memory_space<vmem>>, vector<1x16xf32>,
          %get3A_497 = vector.shape_cast %get3A_496 : vector<1x16xf32> to vector<16xf32>
          %add3A_498 = arith.addf %add3A_489, %get3A_497 : vector<16xf32>
          %mul3A_499 = arith.constant 32 : i32
          %mul3A_500 = arith.muli %scan3A_118, %mul3A_499 : i32
          %add3A_501 = arith.constant 11 : i32
          %add3A_502 = arith.addi %mul3A_500, %add3A_501 : i32
          %get3A_503 = arith.index_cast %add3A_502 : i32 to index
          %get3A_504 = arith.constant 16 : index
          %get3A_505 = tpu.vector_load %arg4[%get3A_503, %get3A_504] {strides = array<i32>} : memref<160x128xf32, #tpu.memory_space<vmem>>, vector<1x16xf32>,
          %get3A_506 = vector.shape_cast %get3A_505 : vector<1x16xf32> to vector<16xf32>
          %add3A_507 = arith.addf %add3A_498, %get3A_506 : vector<16xf32>
          %mul3A_508 = arith.constant 32 : i32
          %mul3A_509 = arith.muli %scan3A_118, %mul3A_508 : i32
          %add3A_510 = arith.constant 12 : i32
          %add3A_511 = arith.addi %mul3A_509, %add3A_510 : i32
          %get3A_512 = arith.index_cast %add3A_511 : i32 to index
          %get3A_513 = arith.constant 16 : index
          %get3A_514 = tpu.vector_load %arg4[%get3A_512, %get3A_513] {strides = array<i32>} : memref<160x128xf32, #tpu.memory_space<vmem>>, vector<1x16xf32>,
          %get3A_515 = vector.shape_cast %get3A_514 : vector<1x16xf32> to vector<16xf32>
          %add3A_516 = arith.addf %add3A_507, %get3A_515 : vector<16xf32>
          %mul3A_517 = arith.constant 32 : i32
          %mul3A_518 = arith.muli %scan3A_118, %mul3A_517 : i32
          %add3A_519 = arith.constant 13 : i32
          %add3A_520 = arith.addi %mul3A_518, %add3A_519 : i32
          %get3A_521 = arith.index_cast %add3A_520 : i32 to index
          %get3A_522 = arith.constant 16 : index
          %get3A_523 = tpu.vector_load %arg4[%get3A_521, %get3A_522] {strides = array<i32>} : memref<160x128xf32, #tpu.memory_space<vmem>>, vector<1x16xf32>,
          %get3A_524 = vector.shape_cast %get3A_523 : vector<1x16xf32> to vector<16xf32>
          %add3A_525 = arith.addf %add3A_516, %get3A_524 : vector<16xf32>
          %mul3A_526 = arith.constant 32 : i32
          %mul3A_527 = arith.muli %scan3A_118, %mul3A_526 : i32
          %add3A_528 = arith.constant 14 : i32
          %add3A_529 = arith.addi %mul3A_527, %add3A_528 : i32
          %get3A_530 = arith.index_cast %add3A_529 : i32 to index
          %get3A_531 = arith.constant 16 : index
          %get3A_532 = tpu.vector_load %arg4[%get3A_530, %get3A_531] {strides = array<i32>} : memref<160x128xf32, #tpu.memory_space<vmem>>, vector<1x16xf32>,
          %get3A_533 = vector.shape_cast %get3A_532 : vector<1x16xf32> to vector<16xf32>
          %add3A_534 = arith.addf %add3A_525, %get3A_533 : vector<16xf32>
          %mul3A_535 = arith.constant 32 : i32
          %mul3A_536 = arith.muli %scan3A_118, %mul3A_535 : i32
          %add3A_537 = arith.constant 15 : i32
          %add3A_538 = arith.addi %mul3A_536, %add3A_537 : i32
          %get3A_539 = arith.index_cast %add3A_538 : i32 to index
          %get3A_540 = arith.constant 16 : index
          %get3A_541 = tpu.vector_load %arg4[%get3A_539, %get3A_540] {strides = array<i32>} : memref<160x128xf32, #tpu.memory_space<vmem>>, vector<1x16xf32>,
          %get3A_542 = vector.shape_cast %get3A_541 : vector<1x16xf32> to vector<16xf32>
          %add3A_543 = arith.addf %add3A_534, %get3A_542 : vector<16xf32>
          %mul3A_544 = arith.constant 32 : i32
          %mul3A_545 = arith.muli %scan3A_118, %mul3A_544 : i32
          %add3A_546 = arith.constant 16 : i32
          %add3A_547 = arith.addi %mul3A_545, %add3A_546 : i32
          %get3A_548 = arith.index_cast %add3A_547 : i32 to index
          %get3A_549 = arith.constant 16 : index
          %get3A_550 = tpu.vector_load %arg4[%get3A_548, %get3A_549] {strides = array<i32>} : memref<160x128xf32, #tpu.memory_space<vmem>>, vector<1x16xf32>,
          %get3A_551 = vector.shape_cast %get3A_550 : vector<1x16xf32> to vector<16xf32>
          %add3A_552 = arith.addf %add3A_543, %get3A_551 : vector<16xf32>
          %mul3A_553 = arith.constant 32 : i32
          %mul3A_554 = arith.muli %scan3A_118, %mul3A_553 : i32
          %add3A_555 = arith.constant 17 : i32
          %add3A_556 = arith.addi %mul3A_554, %add3A_555 : i32
          %get3A_557 = arith.index_cast %add3A_556 : i32 to index
          %get3A_558 = arith.constant 16 : index
          %get3A_559 = tpu.vector_load %arg4[%get3A_557, %get3A_558] {strides = array<i32>} : memref<160x128xf32, #tpu.memory_space<vmem>>, vector<1x16xf32>,
          %get3A_560 = vector.shape_cast %get3A_559 : vector<1x16xf32> to vector<16xf32>
          %add3A_561 = arith.addf %add3A_552, %get3A_560 : vector<16xf32>
          %mul3A_562 = arith.constant 32 : i32
          %mul3A_563 = arith.muli %scan3A_118, %mul3A_562 : i32
          %add3A_564 = arith.constant 18 : i32
          %add3A_565 = arith.addi %mul3A_563, %add3A_564 : i32
          %get3A_566 = arith.index_cast %add3A_565 : i32 to index
          %get3A_567 = arith.constant 16 : index
          %get3A_568 = tpu.vector_load %arg4[%get3A_566, %get3A_567] {strides = array<i32>} : memref<160x128xf32, #tpu.memory_space<vmem>>, vector<1x16xf32>,
          %get3A_569 = vector.shape_cast %get3A_568 : vector<1x16xf32> to vector<16xf32>
          %add3A_570 = arith.addf %add3A_561, %get3A_569 : vector<16xf32>
          %mul3A_571 = arith.constant 32 : i32
          %mul3A_572 = arith.muli %scan3A_118, %mul3A_571 : i32
          %add3A_573 = arith.constant 19 : i32
          %add3A_574 = arith.addi %mul3A_572, %add3A_573 : i32
          %get3A_575 = arith.index_cast %add3A_574 : i32 to index
          %get3A_576 = arith.constant 16 : index
          %get3A_577 = tpu.vector_load %arg4[%get3A_575, %get3A_576] {strides = array<i32>} : memref<160x128xf32, #tpu.memory_space<vmem>>, vector<1x16xf32>,
          %get3A_578 = vector.shape_cast %get3A_577 : vector<1x16xf32> to vector<16xf32>
          %add3A_579 = arith.addf %add3A_570, %get3A_578 : vector<16xf32>
          %mul3A_580 = arith.constant 32 : i32
          %mul3A_581 = arith.muli %scan3A_118, %mul3A_580 : i32
          %add3A_582 = arith.constant 20 : i32
          %add3A_583 = arith.addi %mul3A_581, %add3A_582 : i32
          %get3A_584 = arith.index_cast %add3A_583 : i32 to index
          %get3A_585 = arith.constant 16 : index
          %get3A_586 = tpu.vector_load %arg4[%get3A_584, %get3A_585] {strides = array<i32>} : memref<160x128xf32, #tpu.memory_space<vmem>>, vector<1x16xf32>,
          %get3A_587 = vector.shape_cast %get3A_586 : vector<1x16xf32> to vector<16xf32>
          %add3A_588 = arith.addf %add3A_579, %get3A_587 : vector<16xf32>
          %mul3A_589 = arith.constant 32 : i32
          %mul3A_590 = arith.muli %scan3A_118, %mul3A_589 : i32
          %add3A_591 = arith.constant 21 : i32
          %add3A_592 = arith.addi %mul3A_590, %add3A_591 : i32
          %get3A_593 = arith.index_cast %add3A_592 : i32 to index
          %get3A_594 = arith.constant 16 : index
          %get3A_595 = tpu.vector_load %arg4[%get3A_593, %get3A_594] {strides = array<i32>} : memref<160x128xf32, #tpu.memory_space<vmem>>, vector<1x16xf32>,
          %get3A_596 = vector.shape_cast %get3A_595 : vector<1x16xf32> to vector<16xf32>
          %add3A_597 = arith.addf %add3A_588, %get3A_596 : vector<16xf32>
          %mul3A_598 = arith.constant 32 : i32
          %mul3A_599 = arith.muli %scan3A_118, %mul3A_598 : i32
          %add3A_600 = arith.constant 22 : i32
          %add3A_601 = arith.addi %mul3A_599, %add3A_600 : i32
          %get3A_602 = arith.index_cast %add3A_601 : i32 to index
          %get3A_603 = arith.constant 16 : index
          %get3A_604 = tpu.vector_load %arg4[%get3A_602, %get3A_603] {strides = array<i32>} : memref<160x128xf32, #tpu.memory_space<vmem>>, vector<1x16xf32>,
          %get3A_605 = vector.shape_cast %get3A_604 : vector<1x16xf32> to vector<16xf32>
          %add3A_606 = arith.addf %add3A_597, %get3A_605 : vector<16xf32>
          %mul3A_607 = arith.constant 32 : i32
          %mul3A_608 = arith.muli %scan3A_118, %mul3A_607 : i32
          %add3A_609 = arith.constant 23 : i32
          %add3A_610 = arith.addi %mul3A_608, %add3A_609 : i32
          %get3A_611 = arith.index_cast %add3A_610 : i32 to index
          %get3A_612 = arith.constant 16 : index
          %get3A_613 = tpu.vector_load %arg4[%get3A_611, %get3A_612] {strides = array<i32>} : memref<160x128xf32, #tpu.memory_space<vmem>>, vector<1x16xf32>,
          %get3A_614 = vector.shape_cast %get3A_613 : vector<1x16xf32> to vector<16xf32>
          %add3A_615 = arith.addf %add3A_606, %get3A_614 : vector<16xf32>
          %mul3A_616 = arith.constant 32 : i32
          %mul3A_617 = arith.muli %scan3A_118, %mul3A_616 : i32
          %add3A_618 = arith.constant 24 : i32
          %add3A_619 = arith.addi %mul3A_617, %add3A_618 : i32
          %get3A_620 = arith.index_cast %add3A_619 : i32 to index
          %get3A_621 = arith.constant 16 : index
          %get3A_622 = tpu.vector_load %arg4[%get3A_620, %get3A_621] {strides = array<i32>} : memref<160x128xf32, #tpu.memory_space<vmem>>, vector<1x16xf32>,
          %get3A_623 = vector.shape_cast %get3A_622 : vector<1x16xf32> to vector<16xf32>
          %add3A_624 = arith.addf %add3A_615, %get3A_623 : vector<16xf32>
          %mul3A_625 = arith.constant 32 : i32
          %mul3A_626 = arith.muli %scan3A_118, %mul3A_625 : i32
          %add3A_627 = arith.constant 25 : i32
          %add3A_628 = arith.addi %mul3A_626, %add3A_627 : i32
          %get3A_629 = arith.index_cast %add3A_628 : i32 to index
          %get3A_630 = arith.constant 16 : index
          %get3A_631 = tpu.vector_load %arg4[%get3A_629, %get3A_630] {strides = array<i32>} : memref<160x128xf32, #tpu.memory_space<vmem>>, vector<1x16xf32>,
          %get3A_632 = vector.shape_cast %get3A_631 : vector<1x16xf32> to vector<16xf32>
          %add3A_633 = arith.addf %add3A_624, %get3A_632 : vector<16xf32>
          %mul3A_634 = arith.constant 32 : i32
          %mul3A_635 = arith.muli %scan3A_118, %mul3A_634 : i32
          %add3A_636 = arith.constant 26 : i32
          %add3A_637 = arith.addi %mul3A_635, %add3A_636 : i32
          %get3A_638 = arith.index_cast %add3A_637 : i32 to index
          %get3A_639 = arith.constant 16 : index
          %get3A_640 = tpu.vector_load %arg4[%get3A_638, %get3A_639] {strides = array<i32>} : memref<160x128xf32, #tpu.memory_space<vmem>>, vector<1x16xf32>,
          %get3A_641 = vector.shape_cast %get3A_640 : vector<1x16xf32> to vector<16xf32>
          %add3A_642 = arith.addf %add3A_633, %get3A_641 : vector<16xf32>
          %mul3A_643 = arith.constant 32 : i32
          %mul3A_644 = arith.muli %scan3A_118, %mul3A_643 : i32
          %add3A_645 = arith.constant 27 : i32
          %add3A_646 = arith.addi %mul3A_644, %add3A_645 : i32
          %get3A_647 = arith.index_cast %add3A_646 : i32 to index
          %get3A_648 = arith.constant 16 : index
          %get3A_649 = tpu.vector_load %arg4[%get3A_647, %get3A_648] {strides = array<i32>} : memref<160x128xf32, #tpu.memory_space<vmem>>, vector<1x16xf32>,
          %get3A_650 = vector.shape_cast %get3A_649 : vector<1x16xf32> to vector<16xf32>
          %add3A_651 = arith.addf %add3A_642, %get3A_650 : vector<16xf32>
          %mul3A_652 = arith.constant 32 : i32
          %mul3A_653 = arith.muli %scan3A_118, %mul3A_652 : i32
          %add3A_654 = arith.constant 28 : i32
          %add3A_655 = arith.addi %mul3A_653, %add3A_654 : i32
          %get3A_656 = arith.index_cast %add3A_655 : i32 to index
          %get3A_657 = arith.constant 16 : index
          %get3A_658 = tpu.vector_load %arg4[%get3A_656, %get3A_657] {strides = array<i32>} : memref<160x128xf32, #tpu.memory_space<vmem>>, vector<1x16xf32>,
          %get3A_659 = vector.shape_cast %get3A_658 : vector<1x16xf32> to vector<16xf32>
          %add3A_660 = arith.addf %add3A_651, %get3A_659 : vector<16xf32>
          %mul3A_661 = arith.constant 32 : i32
          %mul3A_662 = arith.muli %scan3A_118, %mul3A_661 : i32
          %add3A_663 = arith.constant 29 : i32
          %add3A_664 = arith.addi %mul3A_662, %add3A_663 : i32
          %get3A_665 = arith.index_cast %add3A_664 : i32 to index
          %get3A_666 = arith.constant 16 : index
          %get3A_667 = tpu.vector_load %arg4[%get3A_665, %get3A_666] {strides = array<i32>} : memref<160x128xf32, #tpu.memory_space<vmem>>, vector<1x16xf32>,
          %get3A_668 = vector.shape_cast %get3A_667 : vector<1x16xf32> to vector<16xf32>
          %add3A_669 = arith.addf %add3A_660, %get3A_668 : vector<16xf32>
          %mul3A_670 = arith.constant 32 : i32
          %mul3A_671 = arith.muli %scan3A_118, %mul3A_670 : i32
          %add3A_672 = arith.constant 30 : i32
          %add3A_673 = arith.addi %mul3A_671, %add3A_672 : i32
          %get3A_674 = arith.index_cast %add3A_673 : i32 to index
          %get3A_675 = arith.constant 16 : index
          %get3A_676 = tpu.vector_load %arg4[%get3A_674, %get3A_675] {strides = array<i32>} : memref<160x128xf32, #tpu.memory_space<vmem>>, vector<1x16xf32>,
          %get3A_677 = vector.shape_cast %get3A_676 : vector<1x16xf32> to vector<16xf32>
          %add3A_678 = arith.addf %add3A_669, %get3A_677 : vector<16xf32>
          %mul3A_679 = arith.constant 32 : i32
          %mul3A_680 = arith.muli %scan3A_118, %mul3A_679 : i32
          %add3A_681 = arith.constant 31 : i32
          %add3A_682 = arith.addi %mul3A_680, %add3A_681 : i32
          %get3A_683 = arith.index_cast %add3A_682 : i32 to index
          %get3A_684 = arith.constant 16 : index
          %get3A_685 = tpu.vector_load %arg4[%get3A_683, %get3A_684] {strides = array<i32>} : memref<160x128xf32, #tpu.memory_space<vmem>>, vector<1x16xf32>,
          %get3A_686 = vector.shape_cast %get3A_685 : vector<1x16xf32> to vector<16xf32>
          %add3A_687 = arith.addf %add3A_678, %get3A_686 : vector<16xf32>
          %mul3A_688 = arith.constant 32 : i32
          %mul3A_689 = arith.muli %scan3A_118, %mul3A_688 : i32
          %get3A_690 = arith.index_cast %mul3A_689 : i32 to index
          %get3A_691 = arith.constant 32 : index
          %get3A_692 = tpu.vector_load %arg4[%get3A_690, %get3A_691] {strides = array<i32>} : memref<160x128xf32, #tpu.memory_space<vmem>>, vector<1x16xf32>,
          %get3A_693 = vector.shape_cast %get3A_692 : vector<1x16xf32> to vector<16xf32>
          %mul3A_694 = arith.constant 32 : i32
          %mul3A_695 = arith.muli %scan3A_118, %mul3A_694 : i32
          %add3A_696 = arith.constant 1 : i32
          %add3A_697 = arith.addi %mul3A_695, %add3A_696 : i32
          %get3A_698 = arith.index_cast %add3A_697 : i32 to index
          %get3A_699 = arith.constant 32 : index
          %get3A_700 = tpu.vector_load %arg4[%get3A_698, %get3A_699] {strides = array<i32>} : memref<160x128xf32, #tpu.memory_space<vmem>>, vector<1x16xf32>,
          %get3A_701 = vector.shape_cast %get3A_700 : vector<1x16xf32> to vector<16xf32>
          %add3A_702 = arith.addf %get3A_693, %get3A_701 : vector<16xf32>
          %mul3A_703 = arith.constant 32 : i32
          %mul3A_704 = arith.muli %scan3A_118, %mul3A_703 : i32
          %add3A_705 = arith.constant 2 : i32
          %add3A_706 = arith.addi %mul3A_704, %add3A_705 : i32
          %get3A_707 = arith.index_cast %add3A_706 : i32 to index
          %get3A_708 = arith.constant 32 : index
          %get3A_709 = tpu.vector_load %arg4[%get3A_707, %get3A_708] {strides = array<i32>} : memref<160x128xf32, #tpu.memory_space<vmem>>, vector<1x16xf32>,
          %get3A_710 = vector.shape_cast %get3A_709 : vector<1x16xf32> to vector<16xf32>
          %add3A_711 = arith.addf %add3A_702, %get3A_710 : vector<16xf32>
          %mul3A_712 = arith.constant 32 : i32
          %mul3A_713 = arith.muli %scan3A_118, %mul3A_712 : i32
          %add3A_714 = arith.constant 3 : i32
          %add3A_715 = arith.addi %mul3A_713, %add3A_714 : i32
          %get3A_716 = arith.index_cast %add3A_715 : i32 to index
          %get3A_717 = arith.constant 32 : index
          %get3A_718 = tpu.vector_load %arg4[%get3A_716, %get3A_717] {strides = array<i32>} : memref<160x128xf32, #tpu.memory_space<vmem>>, vector<1x16xf32>,
          %get3A_719 = vector.shape_cast %get3A_718 : vector<1x16xf32> to vector<16xf32>
          %add3A_720 = arith.addf %add3A_711, %get3A_719 : vector<16xf32>
          %mul3A_721 = arith.constant 32 : i32
          %mul3A_722 = arith.muli %scan3A_118, %mul3A_721 : i32
          %add3A_723 = arith.constant 4 : i32
          %add3A_724 = arith.addi %mul3A_722, %add3A_723 : i32
          %get3A_725 = arith.index_cast %add3A_724 : i32 to index
          %get3A_726 = arith.constant 32 : index
          %get3A_727 = tpu.vector_load %arg4[%get3A_725, %get3A_726] {strides = array<i32>} : memref<160x128xf32, #tpu.memory_space<vmem>>, vector<1x16xf32>,
          %get3A_728 = vector.shape_cast %get3A_727 : vector<1x16xf32> to vector<16xf32>
          %add3A_729 = arith.addf %add3A_720, %get3A_728 : vector<16xf32>
          %mul3A_730 = arith.constant 32 : i32
          %mul3A_731 = arith.muli %scan3A_118, %mul3A_730 : i32
          %add3A_732 = arith.constant 5 : i32
          %add3A_733 = arith.addi %mul3A_731, %add3A_732 : i32
          %get3A_734 = arith.index_cast %add3A_733 : i32 to index
          %get3A_735 = arith.constant 32 : index
          %get3A_736 = tpu.vector_load %arg4[%get3A_734, %get3A_735] {strides = array<i32>} : memref<160x128xf32, #tpu.memory_space<vmem>>, vector<1x16xf32>,
          %get3A_737 = vector.shape_cast %get3A_736 : vector<1x16xf32> to vector<16xf32>
          %add3A_738 = arith.addf %add3A_729, %get3A_737 : vector<16xf32>
          %mul3A_739 = arith.constant 32 : i32
          %mul3A_740 = arith.muli %scan3A_118, %mul3A_739 : i32
          %add3A_741 = arith.constant 6 : i32
          %add3A_742 = arith.addi %mul3A_740, %add3A_741 : i32
          %get3A_743 = arith.index_cast %add3A_742 : i32 to index
          %get3A_744 = arith.constant 32 : index
          %get3A_745 = tpu.vector_load %arg4[%get3A_743, %get3A_744] {strides = array<i32>} : memref<160x128xf32, #tpu.memory_space<vmem>>, vector<1x16xf32>,
          %get3A_746 = vector.shape_cast %get3A_745 : vector<1x16xf32> to vector<16xf32>
          %add3A_747 = arith.addf %add3A_738, %get3A_746 : vector<16xf32>
          %mul3A_748 = arith.constant 32 : i32
          %mul3A_749 = arith.muli %scan3A_118, %mul3A_748 : i32
          %add3A_750 = arith.constant 7 : i32
          %add3A_751 = arith.addi %mul3A_749, %add3A_750 : i32
          %get3A_752 = arith.index_cast %add3A_751 : i32 to index
          %get3A_753 = arith.constant 32 : index
          %get3A_754 = tpu.vector_load %arg4[%get3A_752, %get3A_753] {strides = array<i32>} : memref<160x128xf32, #tpu.memory_space<vmem>>, vector<1x16xf32>,
          %get3A_755 = vector.shape_cast %get3A_754 : vector<1x16xf32> to vector<16xf32>
          %add3A_756 = arith.addf %add3A_747, %get3A_755 : vector<16xf32>
          %mul3A_757 = arith.constant 32 : i32
          %mul3A_758 = arith.muli %scan3A_118, %mul3A_757 : i32
          %add3A_759 = arith.constant 8 : i32
          %add3A_760 = arith.addi %mul3A_758, %add3A_759 : i32
          %get3A_761 = arith.index_cast %add3A_760 : i32 to index
          %get3A_762 = arith.constant 32 : index
          %get3A_763 = tpu.vector_load %arg4[%get3A_761, %get3A_762] {strides = array<i32>} : memref<160x128xf32, #tpu.memory_space<vmem>>, vector<1x16xf32>,
          %get3A_764 = vector.shape_cast %get3A_763 : vector<1x16xf32> to vector<16xf32>
          %add3A_765 = arith.addf %add3A_756, %get3A_764 : vector<16xf32>
          %mul3A_766 = arith.constant 32 : i32
          %mul3A_767 = arith.muli %scan3A_118, %mul3A_766 : i32
          %add3A_768 = arith.constant 9 : i32
          %add3A_769 = arith.addi %mul3A_767, %add3A_768 : i32
          %get3A_770 = arith.index_cast %add3A_769 : i32 to index
          %get3A_771 = arith.constant 32 : index
          %get3A_772 = tpu.vector_load %arg4[%get3A_770, %get3A_771] {strides = array<i32>} : memref<160x128xf32, #tpu.memory_space<vmem>>, vector<1x16xf32>,
          %get3A_773 = vector.shape_cast %get3A_772 : vector<1x16xf32> to vector<16xf32>
          %add3A_774 = arith.addf %add3A_765, %get3A_773 : vector<16xf32>
          %mul3A_775 = arith.constant 32 : i32
          %mul3A_776 = arith.muli %scan3A_118, %mul3A_775 : i32
          %add3A_777 = arith.constant 10 : i32
          %add3A_778 = arith.addi %mul3A_776, %add3A_777 : i32
          %get3A_779 = arith.index_cast %add3A_778 : i32 to index
          %get3A_780 = arith.constant 32 : index
          %get3A_781 = tpu.vector_load %arg4[%get3A_779, %get3A_780] {strides = array<i32>} : memref<160x128xf32, #tpu.memory_space<vmem>>, vector<1x16xf32>,
          %get3A_782 = vector.shape_cast %get3A_781 : vector<1x16xf32> to vector<16xf32>
          %add3A_783 = arith.addf %add3A_774, %get3A_782 : vector<16xf32>
          %mul3A_784 = arith.constant 32 : i32
          %mul3A_785 = arith.muli %scan3A_118, %mul3A_784 : i32
          %add3A_786 = arith.constant 11 : i32
          %add3A_787 = arith.addi %mul3A_785, %add3A_786 : i32
          %get3A_788 = arith.index_cast %add3A_787 : i32 to index
          %get3A_789 = arith.constant 32 : index
          %get3A_790 = tpu.vector_load %arg4[%get3A_788, %get3A_789] {strides = array<i32>} : memref<160x128xf32, #tpu.memory_space<vmem>>, vector<1x16xf32>,
          %get3A_791 = vector.shape_cast %get3A_790 : vector<1x16xf32> to vector<16xf32>
          %add3A_792 = arith.addf %add3A_783, %get3A_791 : vector<16xf32>
          %mul3A_793 = arith.constant 32 : i32
          %mul3A_794 = arith.muli %scan3A_118, %mul3A_793 : i32
          %add3A_795 = arith.constant 12 : i32
          %add3A_796 = arith.addi %mul3A_794, %add3A_795 : i32
          %get3A_797 = arith.index_cast %add3A_796 : i32 to index
          %get3A_798 = arith.constant 32 : index
          %get3A_799 = tpu.vector_load %arg4[%get3A_797, %get3A_798] {strides = array<i32>} : memref<160x128xf32, #tpu.memory_space<vmem>>, vector<1x16xf32>,
          %get3A_800 = vector.shape_cast %get3A_799 : vector<1x16xf32> to vector<16xf32>
          %add3A_801 = arith.addf %add3A_792, %get3A_800 : vector<16xf32>
          %mul3A_802 = arith.constant 32 : i32
          %mul3A_803 = arith.muli %scan3A_118, %mul3A_802 : i32
          %add3A_804 = arith.constant 13 : i32
          %add3A_805 = arith.addi %mul3A_803, %add3A_804 : i32
          %get3A_806 = arith.index_cast %add3A_805 : i32 to index
          %get3A_807 = arith.constant 32 : index
          %get3A_808 = tpu.vector_load %arg4[%get3A_806, %get3A_807] {strides = array<i32>} : memref<160x128xf32, #tpu.memory_space<vmem>>, vector<1x16xf32>,
          %get3A_809 = vector.shape_cast %get3A_808 : vector<1x16xf32> to vector<16xf32>
          %add3A_810 = arith.addf %add3A_801, %get3A_809 : vector<16xf32>
          %mul3A_811 = arith.constant 32 : i32
          %mul3A_812 = arith.muli %scan3A_118, %mul3A_811 : i32
          %add3A_813 = arith.constant 14 : i32
          %add3A_814 = arith.addi %mul3A_812, %add3A_813 : i32
          %get3A_815 = arith.index_cast %add3A_814 : i32 to index
          %get3A_816 = arith.constant 32 : index
          %get3A_817 = tpu.vector_load %arg4[%get3A_815, %get3A_816] {strides = array<i32>} : memref<160x128xf32, #tpu.memory_space<vmem>>, vector<1x16xf32>,
          %get3A_818 = vector.shape_cast %get3A_817 : vector<1x16xf32> to vector<16xf32>
          %add3A_819 = arith.addf %add3A_810, %get3A_818 : vector<16xf32>
          %mul3A_820 = arith.constant 32 : i32
          %mul3A_821 = arith.muli %scan3A_118, %mul3A_820 : i32
          %add3A_822 = arith.constant 15 : i32
          %add3A_823 = arith.addi %mul3A_821, %add3A_822 : i32
          %get3A_824 = arith.index_cast %add3A_823 : i32 to index
          %get3A_825 = arith.constant 32 : index
          %get3A_826 = tpu.vector_load %arg4[%get3A_824, %get3A_825] {strides = array<i32>} : memref<160x128xf32, #tpu.memory_space<vmem>>, vector<1x16xf32>,
          %get3A_827 = vector.shape_cast %get3A_826 : vector<1x16xf32> to vector<16xf32>
          %add3A_828 = arith.addf %add3A_819, %get3A_827 : vector<16xf32>
          %mul3A_829 = arith.constant 32 : i32
          %mul3A_830 = arith.muli %scan3A_118, %mul3A_829 : i32
          %add3A_831 = arith.constant 16 : i32
          %add3A_832 = arith.addi %mul3A_830, %add3A_831 : i32
          %get3A_833 = arith.index_cast %add3A_832 : i32 to index
          %get3A_834 = arith.constant 32 : index
          %get3A_835 = tpu.vector_load %arg4[%get3A_833, %get3A_834] {strides = array<i32>} : memref<160x128xf32, #tpu.memory_space<vmem>>, vector<1x16xf32>,
          %get3A_836 = vector.shape_cast %get3A_835 : vector<1x16xf32> to vector<16xf32>
          %add3A_837 = arith.addf %add3A_828, %get3A_836 : vector<16xf32>
          %mul3A_838 = arith.constant 32 : i32
          %mul3A_839 = arith.muli %scan3A_118, %mul3A_838 : i32
          %add3A_840 = arith.constant 17 : i32
          %add3A_841 = arith.addi %mul3A_839, %add3A_840 : i32
          %get3A_842 = arith.index_cast %add3A_841 : i32 to index
          %get3A_843 = arith.constant 32 : index
          %get3A_844 = tpu.vector_load %arg4[%get3A_842, %get3A_843] {strides = array<i32>} : memref<160x128xf32, #tpu.memory_space<vmem>>, vector<1x16xf32>,
          %get3A_845 = vector.shape_cast %get3A_844 : vector<1x16xf32> to vector<16xf32>
          %add3A_846 = arith.addf %add3A_837, %get3A_845 : vector<16xf32>
          %mul3A_847 = arith.constant 32 : i32
          %mul3A_848 = arith.muli %scan3A_118, %mul3A_847 : i32
          %add3A_849 = arith.constant 18 : i32
          %add3A_850 = arith.addi %mul3A_848, %add3A_849 : i32
          %get3A_851 = arith.index_cast %add3A_850 : i32 to index
          %get3A_852 = arith.constant 32 : index
          %get3A_853 = tpu.vector_load %arg4[%get3A_851, %get3A_852] {strides = array<i32>} : memref<160x128xf32, #tpu.memory_space<vmem>>, vector<1x16xf32>,
          %get3A_854 = vector.shape_cast %get3A_853 : vector<1x16xf32> to vector<16xf32>
          %add3A_855 = arith.addf %add3A_846, %get3A_854 : vector<16xf32>
          %mul3A_856 = arith.constant 32 : i32
          %mul3A_857 = arith.muli %scan3A_118, %mul3A_856 : i32
          %add3A_858 = arith.constant 19 : i32
          %add3A_859 = arith.addi %mul3A_857, %add3A_858 : i32
          %get3A_860 = arith.index_cast %add3A_859 : i32 to index
          %get3A_861 = arith.constant 32 : index
          %get3A_862 = tpu.vector_load %arg4[%get3A_860, %get3A_861] {strides = array<i32>} : memref<160x128xf32, #tpu.memory_space<vmem>>, vector<1x16xf32>,
          %get3A_863 = vector.shape_cast %get3A_862 : vector<1x16xf32> to vector<16xf32>
          %add3A_864 = arith.addf %add3A_855, %get3A_863 : vector<16xf32>
          %mul3A_865 = arith.constant 32 : i32
          %mul3A_866 = arith.muli %scan3A_118, %mul3A_865 : i32
          %add3A_867 = arith.constant 20 : i32
          %add3A_868 = arith.addi %mul3A_866, %add3A_867 : i32
          %get3A_869 = arith.index_cast %add3A_868 : i32 to index
          %get3A_870 = arith.constant 32 : index
          %get3A_871 = tpu.vector_load %arg4[%get3A_869, %get3A_870] {strides = array<i32>} : memref<160x128xf32, #tpu.memory_space<vmem>>, vector<1x16xf32>,
          %get3A_872 = vector.shape_cast %get3A_871 : vector<1x16xf32> to vector<16xf32>
          %add3A_873 = arith.addf %add3A_864, %get3A_872 : vector<16xf32>
          %mul3A_874 = arith.constant 32 : i32
          %mul3A_875 = arith.muli %scan3A_118, %mul3A_874 : i32
          %add3A_876 = arith.constant 21 : i32
          %add3A_877 = arith.addi %mul3A_875, %add3A_876 : i32
          %get3A_878 = arith.index_cast %add3A_877 : i32 to index
          %get3A_879 = arith.constant 32 : index
          %get3A_880 = tpu.vector_load %arg4[%get3A_878, %get3A_879] {strides = array<i32>} : memref<160x128xf32, #tpu.memory_space<vmem>>, vector<1x16xf32>,
          %get3A_881 = vector.shape_cast %get3A_880 : vector<1x16xf32> to vector<16xf32>
          %add3A_882 = arith.addf %add3A_873, %get3A_881 : vector<16xf32>
          %mul3A_883 = arith.constant 32 : i32
          %mul3A_884 = arith.muli %scan3A_118, %mul3A_883 : i32
          %add3A_885 = arith.constant 22 : i32
          %add3A_886 = arith.addi %mul3A_884, %add3A_885 : i32
          %get3A_887 = arith.index_cast %add3A_886 : i32 to index
          %get3A_888 = arith.constant 32 : index
          %get3A_889 = tpu.vector_load %arg4[%get3A_887, %get3A_888] {strides = array<i32>} : memref<160x128xf32, #tpu.memory_space<vmem>>, vector<1x16xf32>,
          %get3A_890 = vector.shape_cast %get3A_889 : vector<1x16xf32> to vector<16xf32>
          %add3A_891 = arith.addf %add3A_882, %get3A_890 : vector<16xf32>
          %mul3A_892 = arith.constant 32 : i32
          %mul3A_893 = arith.muli %scan3A_118, %mul3A_892 : i32
          %add3A_894 = arith.constant 23 : i32
          %add3A_895 = arith.addi %mul3A_893, %add3A_894 : i32
          %get3A_896 = arith.index_cast %add3A_895 : i32 to index
          %get3A_897 = arith.constant 32 : index
          %get3A_898 = tpu.vector_load %arg4[%get3A_896, %get3A_897] {strides = array<i32>} : memref<160x128xf32, #tpu.memory_space<vmem>>, vector<1x16xf32>,
          %get3A_899 = vector.shape_cast %get3A_898 : vector<1x16xf32> to vector<16xf32>
          %add3A_900 = arith.addf %add3A_891, %get3A_899 : vector<16xf32>
          %mul3A_901 = arith.constant 32 : i32
          %mul3A_902 = arith.muli %scan3A_118, %mul3A_901 : i32
          %add3A_903 = arith.constant 24 : i32
          %add3A_904 = arith.addi %mul3A_902, %add3A_903 : i32
          %get3A_905 = arith.index_cast %add3A_904 : i32 to index
          %get3A_906 = arith.constant 32 : index
          %get3A_907 = tpu.vector_load %arg4[%get3A_905, %get3A_906] {strides = array<i32>} : memref<160x128xf32, #tpu.memory_space<vmem>>, vector<1x16xf32>,
          %get3A_908 = vector.shape_cast %get3A_907 : vector<1x16xf32> to vector<16xf32>
          %add3A_909 = arith.addf %add3A_900, %get3A_908 : vector<16xf32>
          %mul3A_910 = arith.constant 32 : i32
          %mul3A_911 = arith.muli %scan3A_118, %mul3A_910 : i32
          %add3A_912 = arith.constant 25 : i32
          %add3A_913 = arith.addi %mul3A_911, %add3A_912 : i32
          %get3A_914 = arith.index_cast %add3A_913 : i32 to index
          %get3A_915 = arith.constant 32 : index
          %get3A_916 = tpu.vector_load %arg4[%get3A_914, %get3A_915] {strides = array<i32>} : memref<160x128xf32, #tpu.memory_space<vmem>>, vector<1x16xf32>,
          %get3A_917 = vector.shape_cast %get3A_916 : vector<1x16xf32> to vector<16xf32>
          %add3A_918 = arith.addf %add3A_909, %get3A_917 : vector<16xf32>
          %mul3A_919 = arith.constant 32 : i32
          %mul3A_920 = arith.muli %scan3A_118, %mul3A_919 : i32
          %add3A_921 = arith.constant 26 : i32
          %add3A_922 = arith.addi %mul3A_920, %add3A_921 : i32
          %get3A_923 = arith.index_cast %add3A_922 : i32 to index
          %get3A_924 = arith.constant 32 : index
          %get3A_925 = tpu.vector_load %arg4[%get3A_923, %get3A_924] {strides = array<i32>} : memref<160x128xf32, #tpu.memory_space<vmem>>, vector<1x16xf32>,
          %get3A_926 = vector.shape_cast %get3A_925 : vector<1x16xf32> to vector<16xf32>
          %add3A_927 = arith.addf %add3A_918, %get3A_926 : vector<16xf32>
          %mul3A_928 = arith.constant 32 : i32
          %mul3A_929 = arith.muli %scan3A_118, %mul3A_928 : i32
          %add3A_930 = arith.constant 27 : i32
          %add3A_931 = arith.addi %mul3A_929, %add3A_930 : i32
          %get3A_932 = arith.index_cast %add3A_931 : i32 to index
          %get3A_933 = arith.constant 32 : index
          %get3A_934 = tpu.vector_load %arg4[%get3A_932, %get3A_933] {strides = array<i32>} : memref<160x128xf32, #tpu.memory_space<vmem>>, vector<1x16xf32>,
          %get3A_935 = vector.shape_cast %get3A_934 : vector<1x16xf32> to vector<16xf32>
          %add3A_936 = arith.addf %add3A_927, %get3A_935 : vector<16xf32>
          %mul3A_937 = arith.constant 32 : i32
          %mul3A_938 = arith.muli %scan3A_118, %mul3A_937 : i32
          %add3A_939 = arith.constant 28 : i32
          %add3A_940 = arith.addi %mul3A_938, %add3A_939 : i32
          %get3A_941 = arith.index_cast %add3A_940 : i32 to index
          %get3A_942 = arith.constant 32 : index
          %get3A_943 = tpu.vector_load %arg4[%get3A_941, %get3A_942] {strides = array<i32>} : memref<160x128xf32, #tpu.memory_space<vmem>>, vector<1x16xf32>,
          %get3A_944 = vector.shape_cast %get3A_943 : vector<1x16xf32> to vector<16xf32>
          %add3A_945 = arith.addf %add3A_936, %get3A_944 : vector<16xf32>
          %mul3A_946 = arith.constant 32 : i32
          %mul3A_947 = arith.muli %scan3A_118, %mul3A_946 : i32
          %add3A_948 = arith.constant 29 : i32
          %add3A_949 = arith.addi %mul3A_947, %add3A_948 : i32
          %get3A_950 = arith.index_cast %add3A_949 : i32 to index
          %get3A_951 = arith.constant 32 : index
          %get3A_952 = tpu.vector_load %arg4[%get3A_950, %get3A_951] {strides = array<i32>} : memref<160x128xf32, #tpu.memory_space<vmem>>, vector<1x16xf32>,
          %get3A_953 = vector.shape_cast %get3A_952 : vector<1x16xf32> to vector<16xf32>
          %add3A_954 = arith.addf %add3A_945, %get3A_953 : vector<16xf32>
          %mul3A_955 = arith.constant 32 : i32
          %mul3A_956 = arith.muli %scan3A_118, %mul3A_955 : i32
          %add3A_957 = arith.constant 30 : i32
          %add3A_958 = arith.addi %mul3A_956, %add3A_957 : i32
          %get3A_959 = arith.index_cast %add3A_958 : i32 to index
          %get3A_960 = arith.constant 32 : index
          %get3A_961 = tpu.vector_load %arg4[%get3A_959, %get3A_960] {strides = array<i32>} : memref<160x128xf32, #tpu.memory_space<vmem>>, vector<1x16xf32>,
          %get3A_962 = vector.shape_cast %get3A_961 : vector<1x16xf32> to vector<16xf32>
          %add3A_963 = arith.addf %add3A_954, %get3A_962 : vector<16xf32>
          %mul3A_964 = arith.constant 32 : i32
          %mul3A_965 = arith.muli %scan3A_118, %mul3A_964 : i32
          %add3A_966 = arith.constant 31 : i32
          %add3A_967 = arith.addi %mul3A_965, %add3A_966 : i32
          %get3A_968 = arith.index_cast %add3A_967 : i32 to index
          %get3A_969 = arith.constant 32 : index
          %get3A_970 = tpu.vector_load %arg4[%get3A_968, %get3A_969] {strides = array<i32>} : memref<160x128xf32, #tpu.memory_space<vmem>>, vector<1x16xf32>,
          %get3A_971 = vector.shape_cast %get3A_970 : vector<1x16xf32> to vector<16xf32>
          %add3A_972 = arith.addf %add3A_963, %get3A_971 : vector<16xf32>
          %mul3A_973 = arith.constant 32 : i32
          %mul3A_974 = arith.muli %scan3A_118, %mul3A_973 : i32
          %get3A_975 = arith.index_cast %mul3A_974 : i32 to index
          %get3A_976 = arith.constant 48 : index
          %get3A_977 = tpu.vector_load %arg4[%get3A_975, %get3A_976] {strides = array<i32>} : memref<160x128xf32, #tpu.memory_space<vmem>>, vector<1x16xf32>,
          %get3A_978 = vector.shape_cast %get3A_977 : vector<1x16xf32> to vector<16xf32>
          %mul3A_979 = arith.constant 32 : i32
          %mul3A_980 = arith.muli %scan3A_118, %mul3A_979 : i32
          %add3A_981 = arith.constant 1 : i32
          %add3A_982 = arith.addi %mul3A_980, %add3A_981 : i32
          %get3A_983 = arith.index_cast %add3A_982 : i32 to index
          %get3A_984 = arith.constant 48 : index
          %get3A_985 = tpu.vector_load %arg4[%get3A_983, %get3A_984] {strides = array<i32>} : memref<160x128xf32, #tpu.memory_space<vmem>>, vector<1x16xf32>,
          %get3A_986 = vector.shape_cast %get3A_985 : vector<1x16xf32> to vector<16xf32>
          %add3A_987 = arith.addf %get3A_978, %get3A_986 : vector<16xf32>
          %mul3A_988 = arith.constant 32 : i32
          %mul3A_989 = arith.muli %scan3A_118, %mul3A_988 : i32
          %add3A_990 = arith.constant 2 : i32
          %add3A_991 = arith.addi %mul3A_989, %add3A_990 : i32
          %get3A_992 = arith.index_cast %add3A_991 : i32 to index
          %get3A_993 = arith.constant 48 : index
          %get3A_994 = tpu.vector_load %arg4[%get3A_992, %get3A_993] {strides = array<i32>} : memref<160x128xf32, #tpu.memory_space<vmem>>, vector<1x16xf32>,
          %get3A_995 = vector.shape_cast %get3A_994 : vector<1x16xf32> to vector<16xf32>
          %add3A_996 = arith.addf %add3A_987, %get3A_995 : vector<16xf32>
          %mul3A_997 = arith.constant 32 : i32
          %mul3A_998 = arith.muli %scan3A_118, %mul3A_997 : i32
          %add3A_999 = arith.constant 3 : i32
          %add3A_1000 = arith.addi %mul3A_998, %add3A_999 : i32
          %get3A_1001 = arith.index_cast %add3A_1000 : i32 to index
          %get3A_1002 = arith.constant 48 : index
          %get3A_1003 = tpu.vector_load %arg4[%get3A_1001, %get3A_1002] {strides = array<i32>} : memref<160x128xf32, #tpu.memory_space<vmem>>, vector<1x16xf32>,
          %get3A_1004 = vector.shape_cast %get3A_1003 : vector<1x16xf32> to vector<16xf32>
          %add3A_1005 = arith.addf %add3A_996, %get3A_1004 : vector<16xf32>
          %mul3A_1006 = arith.constant 32 : i32
          %mul3A_1007 = arith.muli %scan3A_118, %mul3A_1006 : i32
          %add3A_1008 = arith.constant 4 : i32
          %add3A_1009 = arith.addi %mul3A_1007, %add3A_1008 : i32
          %get3A_1010 = arith.index_cast %add3A_1009 : i32 to index
          %get3A_1011 = arith.constant 48 : index
          %get3A_1012 = tpu.vector_load %arg4[%get3A_1010, %get3A_1011] {strides = array<i32>} : memref<160x128xf32, #tpu.memory_space<vmem>>, vector<1x16xf32>,
          %get3A_1013 = vector.shape_cast %get3A_1012 : vector<1x16xf32> to vector<16xf32>
          %add3A_1014 = arith.addf %add3A_1005, %get3A_1013 : vector<16xf32>
          %mul3A_1015 = arith.constant 32 : i32
          %mul3A_1016 = arith.muli %scan3A_118, %mul3A_1015 : i32
          %add3A_1017 = arith.constant 5 : i32
          %add3A_1018 = arith.addi %mul3A_1016, %add3A_1017 : i32
          %get3A_1019 = arith.index_cast %add3A_1018 : i32 to index
          %get3A_1020 = arith.constant 48 : index
          %get3A_1021 = tpu.vector_load %arg4[%get3A_1019, %get3A_1020] {strides = array<i32>} : memref<160x128xf32, #tpu.memory_space<vmem>>, vector<1x16xf32>,
          %get3A_1022 = vector.shape_cast %get3A_1021 : vector<1x16xf32> to vector<16xf32>
          %add3A_1023 = arith.addf %add3A_1014, %get3A_1022 : vector<16xf32>
          %mul3A_1024 = arith.constant 32 : i32
          %mul3A_1025 = arith.muli %scan3A_118, %mul3A_1024 : i32
          %add3A_1026 = arith.constant 6 : i32
          %add3A_1027 = arith.addi %mul3A_1025, %add3A_1026 : i32
          %get3A_1028 = arith.index_cast %add3A_1027 : i32 to index
          %get3A_1029 = arith.constant 48 : index
          %get3A_1030 = tpu.vector_load %arg4[%get3A_1028, %get3A_1029] {strides = array<i32>} : memref<160x128xf32, #tpu.memory_space<vmem>>, vector<1x16xf32>,
          %get3A_1031 = vector.shape_cast %get3A_1030 : vector<1x16xf32> to vector<16xf32>
          %add3A_1032 = arith.addf %add3A_1023, %get3A_1031 : vector<16xf32>
          %mul3A_1033 = arith.constant 32 : i32
          %mul3A_1034 = arith.muli %scan3A_118, %mul3A_1033 : i32
          %add3A_1035 = arith.constant 7 : i32
          %add3A_1036 = arith.addi %mul3A_1034, %add3A_1035 : i32
          %get3A_1037 = arith.index_cast %add3A_1036 : i32 to index
          %get3A_1038 = arith.constant 48 : index
          %get3A_1039 = tpu.vector_load %arg4[%get3A_1037, %get3A_1038] {strides = array<i32>} : memref<160x128xf32, #tpu.memory_space<vmem>>, vector<1x16xf32>,
          %get3A_1040 = vector.shape_cast %get3A_1039 : vector<1x16xf32> to vector<16xf32>
          %add3A_1041 = arith.addf %add3A_1032, %get3A_1040 : vector<16xf32>
          %mul3A_1042 = arith.constant 32 : i32
          %mul3A_1043 = arith.muli %scan3A_118, %mul3A_1042 : i32
          %add3A_1044 = arith.constant 8 : i32
          %add3A_1045 = arith.addi %mul3A_1043, %add3A_1044 : i32
          %get3A_1046 = arith.index_cast %add3A_1045 : i32 to index
          %get3A_1047 = arith.constant 48 : index
          %get3A_1048 = tpu.vector_load %arg4[%get3A_1046, %get3A_1047] {strides = array<i32>} : memref<160x128xf32, #tpu.memory_space<vmem>>, vector<1x16xf32>,
          %get3A_1049 = vector.shape_cast %get3A_1048 : vector<1x16xf32> to vector<16xf32>
          %add3A_1050 = arith.addf %add3A_1041, %get3A_1049 : vector<16xf32>
          %mul3A_1051 = arith.constant 32 : i32
          %mul3A_1052 = arith.muli %scan3A_118, %mul3A_1051 : i32
          %add3A_1053 = arith.constant 9 : i32
          %add3A_1054 = arith.addi %mul3A_1052, %add3A_1053 : i32
          %get3A_1055 = arith.index_cast %add3A_1054 : i32 to index
          %get3A_1056 = arith.constant 48 : index
          %get3A_1057 = tpu.vector_load %arg4[%get3A_1055, %get3A_1056] {strides = array<i32>} : memref<160x128xf32, #tpu.memory_space<vmem>>, vector<1x16xf32>,
          %get3A_1058 = vector.shape_cast %get3A_1057 : vector<1x16xf32> to vector<16xf32>
          %add3A_1059 = arith.addf %add3A_1050, %get3A_1058 : vector<16xf32>
          %mul3A_1060 = arith.constant 32 : i32
          %mul3A_1061 = arith.muli %scan3A_118, %mul3A_1060 : i32
          %add3A_1062 = arith.constant 10 : i32
          %add3A_1063 = arith.addi %mul3A_1061, %add3A_1062 : i32
          %get3A_1064 = arith.index_cast %add3A_1063 : i32 to index
          %get3A_1065 = arith.constant 48 : index
          %get3A_1066 = tpu.vector_load %arg4[%get3A_1064, %get3A_1065] {strides = array<i32>} : memref<160x128xf32, #tpu.memory_space<vmem>>, vector<1x16xf32>,
          %get3A_1067 = vector.shape_cast %get3A_1066 : vector<1x16xf32> to vector<16xf32>
          %add3A_1068 = arith.addf %add3A_1059, %get3A_1067 : vector<16xf32>
          %mul3A_1069 = arith.constant 32 : i32
          %mul3A_1070 = arith.muli %scan3A_118, %mul3A_1069 : i32
          %add3A_1071 = arith.constant 11 : i32
          %add3A_1072 = arith.addi %mul3A_1070, %add3A_1071 : i32
          %get3A_1073 = arith.index_cast %add3A_1072 : i32 to index
          %get3A_1074 = arith.constant 48 : index
          %get3A_1075 = tpu.vector_load %arg4[%get3A_1073, %get3A_1074] {strides = array<i32>} : memref<160x128xf32, #tpu.memory_space<vmem>>, vector<1x16xf32>,
          %get3A_1076 = vector.shape_cast %get3A_1075 : vector<1x16xf32> to vector<16xf32>
          %add3A_1077 = arith.addf %add3A_1068, %get3A_1076 : vector<16xf32>
          %mul3A_1078 = arith.constant 32 : i32
          %mul3A_1079 = arith.muli %scan3A_118, %mul3A_1078 : i32
          %add3A_1080 = arith.constant 12 : i32
          %add3A_1081 = arith.addi %mul3A_1079, %add3A_1080 : i32
          %get3A_1082 = arith.index_cast %add3A_1081 : i32 to index
          %get3A_1083 = arith.constant 48 : index
          %get3A_1084 = tpu.vector_load %arg4[%get3A_1082, %get3A_1083] {strides = array<i32>} : memref<160x128xf32, #tpu.memory_space<vmem>>, vector<1x16xf32>,
          %get3A_1085 = vector.shape_cast %get3A_1084 : vector<1x16xf32> to vector<16xf32>
          %add3A_1086 = arith.addf %add3A_1077, %get3A_1085 : vector<16xf32>
          %mul3A_1087 = arith.constant 32 : i32
          %mul3A_1088 = arith.muli %scan3A_118, %mul3A_1087 : i32
          %add3A_1089 = arith.constant 13 : i32
          %add3A_1090 = arith.addi %mul3A_1088, %add3A_1089 : i32
          %get3A_1091 = arith.index_cast %add3A_1090 : i32 to index
          %get3A_1092 = arith.constant 48 : index
          %get3A_1093 = tpu.vector_load %arg4[%get3A_1091, %get3A_1092] {strides = array<i32>} : memref<160x128xf32, #tpu.memory_space<vmem>>, vector<1x16xf32>,
          %get3A_1094 = vector.shape_cast %get3A_1093 : vector<1x16xf32> to vector<16xf32>
          %add3A_1095 = arith.addf %add3A_1086, %get3A_1094 : vector<16xf32>
          %mul3A_1096 = arith.constant 32 : i32
          %mul3A_1097 = arith.muli %scan3A_118, %mul3A_1096 : i32
          %add3A_1098 = arith.constant 14 : i32
          %add3A_1099 = arith.addi %mul3A_1097, %add3A_1098 : i32
          %get3A_1100 = arith.index_cast %add3A_1099 : i32 to index
          %get3A_1101 = arith.constant 48 : index
          %get3A_1102 = tpu.vector_load %arg4[%get3A_1100, %get3A_1101] {strides = array<i32>} : memref<160x128xf32, #tpu.memory_space<vmem>>, vector<1x16xf32>,
          %get3A_1103 = vector.shape_cast %get3A_1102 : vector<1x16xf32> to vector<16xf32>
          %add3A_1104 = arith.addf %add3A_1095, %get3A_1103 : vector<16xf32>
          %mul3A_1105 = arith.constant 32 : i32
          %mul3A_1106 = arith.muli %scan3A_118, %mul3A_1105 : i32
          %add3A_1107 = arith.constant 15 : i32
          %add3A_1108 = arith.addi %mul3A_1106, %add3A_1107 : i32
          %get3A_1109 = arith.index_cast %add3A_1108 : i32 to index
          %get3A_1110 = arith.constant 48 : index
          %get3A_1111 = tpu.vector_load %arg4[%get3A_1109, %get3A_1110] {strides = array<i32>} : memref<160x128xf32, #tpu.memory_space<vmem>>, vector<1x16xf32>,
          %get3A_1112 = vector.shape_cast %get3A_1111 : vector<1x16xf32> to vector<16xf32>
          %add3A_1113 = arith.addf %add3A_1104, %get3A_1112 : vector<16xf32>
          %mul3A_1114 = arith.constant 32 : i32
          %mul3A_1115 = arith.muli %scan3A_118, %mul3A_1114 : i32
          %add3A_1116 = arith.constant 16 : i32
          %add3A_1117 = arith.addi %mul3A_1115, %add3A_1116 : i32
          %get3A_1118 = arith.index_cast %add3A_1117 : i32 to index
          %get3A_1119 = arith.constant 48 : index
          %get3A_1120 = tpu.vector_load %arg4[%get3A_1118, %get3A_1119] {strides = array<i32>} : memref<160x128xf32, #tpu.memory_space<vmem>>, vector<1x16xf32>,
          %get3A_1121 = vector.shape_cast %get3A_1120 : vector<1x16xf32> to vector<16xf32>
          %add3A_1122 = arith.addf %add3A_1113, %get3A_1121 : vector<16xf32>
          %mul3A_1123 = arith.constant 32 : i32
          %mul3A_1124 = arith.muli %scan3A_118, %mul3A_1123 : i32
          %add3A_1125 = arith.constant 17 : i32
          %add3A_1126 = arith.addi %mul3A_1124, %add3A_1125 : i32
          %get3A_1127 = arith.index_cast %add3A_1126 : i32 to index
          %get3A_1128 = arith.constant 48 : index
          %get3A_1129 = tpu.vector_load %arg4[%get3A_1127, %get3A_1128] {strides = array<i32>} : memref<160x128xf32, #tpu.memory_space<vmem>>, vector<1x16xf32>,
          %get3A_1130 = vector.shape_cast %get3A_1129 : vector<1x16xf32> to vector<16xf32>
          %add3A_1131 = arith.addf %add3A_1122, %get3A_1130 : vector<16xf32>
          %mul3A_1132 = arith.constant 32 : i32
          %mul3A_1133 = arith.muli %scan3A_118, %mul3A_1132 : i32
          %add3A_1134 = arith.constant 18 : i32
          %add3A_1135 = arith.addi %mul3A_1133, %add3A_1134 : i32
          %get3A_1136 = arith.index_cast %add3A_1135 : i32 to index
          %get3A_1137 = arith.constant 48 : index
          %get3A_1138 = tpu.vector_load %arg4[%get3A_1136, %get3A_1137] {strides = array<i32>} : memref<160x128xf32, #tpu.memory_space<vmem>>, vector<1x16xf32>,
          %get3A_1139 = vector.shape_cast %get3A_1138 : vector<1x16xf32> to vector<16xf32>
          %add3A_1140 = arith.addf %add3A_1131, %get3A_1139 : vector<16xf32>
          %mul3A_1141 = arith.constant 32 : i32
          %mul3A_1142 = arith.muli %scan3A_118, %mul3A_1141 : i32
          %add3A_1143 = arith.constant 19 : i32
          %add3A_1144 = arith.addi %mul3A_1142, %add3A_1143 : i32
          %get3A_1145 = arith.index_cast %add3A_1144 : i32 to index
          %get3A_1146 = arith.constant 48 : index
          %get3A_1147 = tpu.vector_load %arg4[%get3A_1145, %get3A_1146] {strides = array<i32>} : memref<160x128xf32, #tpu.memory_space<vmem>>, vector<1x16xf32>,
          %get3A_1148 = vector.shape_cast %get3A_1147 : vector<1x16xf32> to vector<16xf32>
          %add3A_1149 = arith.addf %add3A_1140, %get3A_1148 : vector<16xf32>
          %mul3A_1150 = arith.constant 32 : i32
          %mul3A_1151 = arith.muli %scan3A_118, %mul3A_1150 : i32
          %add3A_1152 = arith.constant 20 : i32
          %add3A_1153 = arith.addi %mul3A_1151, %add3A_1152 : i32
          %get3A_1154 = arith.index_cast %add3A_1153 : i32 to index
          %get3A_1155 = arith.constant 48 : index
          %get3A_1156 = tpu.vector_load %arg4[%get3A_1154, %get3A_1155] {strides = array<i32>} : memref<160x128xf32, #tpu.memory_space<vmem>>, vector<1x16xf32>,
          %get3A_1157 = vector.shape_cast %get3A_1156 : vector<1x16xf32> to vector<16xf32>
          %add3A_1158 = arith.addf %add3A_1149, %get3A_1157 : vector<16xf32>
          %mul3A_1159 = arith.constant 32 : i32
          %mul3A_1160 = arith.muli %scan3A_118, %mul3A_1159 : i32
          %add3A_1161 = arith.constant 21 : i32
          %add3A_1162 = arith.addi %mul3A_1160, %add3A_1161 : i32
          %get3A_1163 = arith.index_cast %add3A_1162 : i32 to index
          %get3A_1164 = arith.constant 48 : index
          %get3A_1165 = tpu.vector_load %arg4[%get3A_1163, %get3A_1164] {strides = array<i32>} : memref<160x128xf32, #tpu.memory_space<vmem>>, vector<1x16xf32>,
          %get3A_1166 = vector.shape_cast %get3A_1165 : vector<1x16xf32> to vector<16xf32>
          %add3A_1167 = arith.addf %add3A_1158, %get3A_1166 : vector<16xf32>
          %mul3A_1168 = arith.constant 32 : i32
          %mul3A_1169 = arith.muli %scan3A_118, %mul3A_1168 : i32
          %add3A_1170 = arith.constant 22 : i32
          %add3A_1171 = arith.addi %mul3A_1169, %add3A_1170 : i32
          %get3A_1172 = arith.index_cast %add3A_1171 : i32 to index
          %get3A_1173 = arith.constant 48 : index
          %get3A_1174 = tpu.vector_load %arg4[%get3A_1172, %get3A_1173] {strides = array<i32>} : memref<160x128xf32, #tpu.memory_space<vmem>>, vector<1x16xf32>,
          %get3A_1175 = vector.shape_cast %get3A_1174 : vector<1x16xf32> to vector<16xf32>
          %add3A_1176 = arith.addf %add3A_1167, %get3A_1175 : vector<16xf32>
          %mul3A_1177 = arith.constant 32 : i32
          %mul3A_1178 = arith.muli %scan3A_118, %mul3A_1177 : i32
          %add3A_1179 = arith.constant 23 : i32
          %add3A_1180 = arith.addi %mul3A_1178, %add3A_1179 : i32
          %get3A_1181 = arith.index_cast %add3A_1180 : i32 to index
          %get3A_1182 = arith.constant 48 : index
          %get3A_1183 = tpu.vector_load %arg4[%get3A_1181, %get3A_1182] {strides = array<i32>} : memref<160x128xf32, #tpu.memory_space<vmem>>, vector<1x16xf32>,
          %get3A_1184 = vector.shape_cast %get3A_1183 : vector<1x16xf32> to vector<16xf32>
          %add3A_1185 = arith.addf %add3A_1176, %get3A_1184 : vector<16xf32>
          %mul3A_1186 = arith.constant 32 : i32
          %mul3A_1187 = arith.muli %scan3A_118, %mul3A_1186 : i32
          %add3A_1188 = arith.constant 24 : i32
          %add3A_1189 = arith.addi %mul3A_1187, %add3A_1188 : i32
          %get3A_1190 = arith.index_cast %add3A_1189 : i32 to index
          %get3A_1191 = arith.constant 48 : index
          %get3A_1192 = tpu.vector_load %arg4[%get3A_1190, %get3A_1191] {strides = array<i32>} : memref<160x128xf32, #tpu.memory_space<vmem>>, vector<1x16xf32>,
          %get3A_1193 = vector.shape_cast %get3A_1192 : vector<1x16xf32> to vector<16xf32>
          %add3A_1194 = arith.addf %add3A_1185, %get3A_1193 : vector<16xf32>
          %mul3A_1195 = arith.constant 32 : i32
          %mul3A_1196 = arith.muli %scan3A_118, %mul3A_1195 : i32
          %add3A_1197 = arith.constant 25 : i32
          %add3A_1198 = arith.addi %mul3A_1196, %add3A_1197 : i32
          %get3A_1199 = arith.index_cast %add3A_1198 : i32 to index
          %get3A_1200 = arith.constant 48 : index
          %get3A_1201 = tpu.vector_load %arg4[%get3A_1199, %get3A_1200] {strides = array<i32>} : memref<160x128xf32, #tpu.memory_space<vmem>>, vector<1x16xf32>,
          %get3A_1202 = vector.shape_cast %get3A_1201 : vector<1x16xf32> to vector<16xf32>
          %add3A_1203 = arith.addf %add3A_1194, %get3A_1202 : vector<16xf32>
          %mul3A_1204 = arith.constant 32 : i32
          %mul3A_1205 = arith.muli %scan3A_118, %mul3A_1204 : i32
          %add3A_1206 = arith.constant 26 : i32
          %add3A_1207 = arith.addi %mul3A_1205, %add3A_1206 : i32
          %get3A_1208 = arith.index_cast %add3A_1207 : i32 to index
          %get3A_1209 = arith.constant 48 : index
          %get3A_1210 = tpu.vector_load %arg4[%get3A_1208, %get3A_1209] {strides = array<i32>} : memref<160x128xf32, #tpu.memory_space<vmem>>, vector<1x16xf32>,
          %get3A_1211 = vector.shape_cast %get3A_1210 : vector<1x16xf32> to vector<16xf32>
          %add3A_1212 = arith.addf %add3A_1203, %get3A_1211 : vector<16xf32>
          %mul3A_1213 = arith.constant 32 : i32
          %mul3A_1214 = arith.muli %scan3A_118, %mul3A_1213 : i32
          %add3A_1215 = arith.constant 27 : i32
          %add3A_1216 = arith.addi %mul3A_1214, %add3A_1215 : i32
          %get3A_1217 = arith.index_cast %add3A_1216 : i32 to index
          %get3A_1218 = arith.constant 48 : index
          %get3A_1219 = tpu.vector_load %arg4[%get3A_1217, %get3A_1218] {strides = array<i32>} : memref<160x128xf32, #tpu.memory_space<vmem>>, vector<1x16xf32>,
          %get3A_1220 = vector.shape_cast %get3A_1219 : vector<1x16xf32> to vector<16xf32>
          %add3A_1221 = arith.addf %add3A_1212, %get3A_1220 : vector<16xf32>
          %mul3A_1222 = arith.constant 32 : i32
          %mul3A_1223 = arith.muli %scan3A_118, %mul3A_1222 : i32
          %add3A_1224 = arith.constant 28 : i32
          %add3A_1225 = arith.addi %mul3A_1223, %add3A_1224 : i32
          %get3A_1226 = arith.index_cast %add3A_1225 : i32 to index
          %get3A_1227 = arith.constant 48 : index
          %get3A_1228 = tpu.vector_load %arg4[%get3A_1226, %get3A_1227] {strides = array<i32>} : memref<160x128xf32, #tpu.memory_space<vmem>>, vector<1x16xf32>,
          %get3A_1229 = vector.shape_cast %get3A_1228 : vector<1x16xf32> to vector<16xf32>
          %add3A_1230 = arith.addf %add3A_1221, %get3A_1229 : vector<16xf32>
          %mul3A_1231 = arith.constant 32 : i32
          %mul3A_1232 = arith.muli %scan3A_118, %mul3A_1231 : i32
          %add3A_1233 = arith.constant 29 : i32
          %add3A_1234 = arith.addi %mul3A_1232, %add3A_1233 : i32
          %get3A_1235 = arith.index_cast %add3A_1234 : i32 to index
          %get3A_1236 = arith.constant 48 : index
          %get3A_1237 = tpu.vector_load %arg4[%get3A_1235, %get3A_1236] {strides = array<i32>} : memref<160x128xf32, #tpu.memory_space<vmem>>, vector<1x16xf32>,
          %get3A_1238 = vector.shape_cast %get3A_1237 : vector<1x16xf32> to vector<16xf32>
          %add3A_1239 = arith.addf %add3A_1230, %get3A_1238 : vector<16xf32>
          %mul3A_1240 = arith.constant 32 : i32
          %mul3A_1241 = arith.muli %scan3A_118, %mul3A_1240 : i32
          %add3A_1242 = arith.constant 30 : i32
          %add3A_1243 = arith.addi %mul3A_1241, %add3A_1242 : i32
          %get3A_1244 = arith.index_cast %add3A_1243 : i32 to index
          %get3A_1245 = arith.constant 48 : index
          %get3A_1246 = tpu.vector_load %arg4[%get3A_1244, %get3A_1245] {strides = array<i32>} : memref<160x128xf32, #tpu.memory_space<vmem>>, vector<1x16xf32>,
          %get3A_1247 = vector.shape_cast %get3A_1246 : vector<1x16xf32> to vector<16xf32>
          %add3A_1248 = arith.addf %add3A_1239, %get3A_1247 : vector<16xf32>
          %mul3A_1249 = arith.constant 32 : i32
          %mul3A_1250 = arith.muli %scan3A_118, %mul3A_1249 : i32
          %add3A_1251 = arith.constant 31 : i32
          %add3A_1252 = arith.addi %mul3A_1250, %add3A_1251 : i32
          %get3A_1253 = arith.index_cast %add3A_1252 : i32 to index
          %get3A_1254 = arith.constant 48 : index
          %get3A_1255 = tpu.vector_load %arg4[%get3A_1253, %get3A_1254] {strides = array<i32>} : memref<160x128xf32, #tpu.memory_space<vmem>>, vector<1x16xf32>,
          %get3A_1256 = vector.shape_cast %get3A_1255 : vector<1x16xf32> to vector<16xf32>
          %add3A_1257 = arith.addf %add3A_1248, %get3A_1256 : vector<16xf32>
          %mul3A_1258 = arith.constant 32 : i32
          %mul3A_1259 = arith.muli %scan3A_118, %mul3A_1258 : i32
          %get3A_1260 = arith.index_cast %mul3A_1259 : i32 to index
          %get3A_1261 = arith.constant 64 : index
          %get3A_1262 = tpu.vector_load %arg4[%get3A_1260, %get3A_1261] {strides = array<i32>} : memref<160x128xf32, #tpu.memory_space<vmem>>, vector<1x16xf32>,
          %get3A_1263 = vector.shape_cast %get3A_1262 : vector<1x16xf32> to vector<16xf32>
          %mul3A_1264 = arith.constant 32 : i32
          %mul3A_1265 = arith.muli %scan3A_118, %mul3A_1264 : i32
          %add3A_1266 = arith.constant 1 : i32
          %add3A_1267 = arith.addi %mul3A_1265, %add3A_1266 : i32
          %get3A_1268 = arith.index_cast %add3A_1267 : i32 to index
          %get3A_1269 = arith.constant 64 : index
          %get3A_1270 = tpu.vector_load %arg4[%get3A_1268, %get3A_1269] {strides = array<i32>} : memref<160x128xf32, #tpu.memory_space<vmem>>, vector<1x16xf32>,
          %get3A_1271 = vector.shape_cast %get3A_1270 : vector<1x16xf32> to vector<16xf32>
          %add3A_1272 = arith.addf %get3A_1263, %get3A_1271 : vector<16xf32>
          %mul3A_1273 = arith.constant 32 : i32
          %mul3A_1274 = arith.muli %scan3A_118, %mul3A_1273 : i32
          %add3A_1275 = arith.constant 2 : i32
          %add3A_1276 = arith.addi %mul3A_1274, %add3A_1275 : i32
          %get3A_1277 = arith.index_cast %add3A_1276 : i32 to index
          %get3A_1278 = arith.constant 64 : index
          %get3A_1279 = tpu.vector_load %arg4[%get3A_1277, %get3A_1278] {strides = array<i32>} : memref<160x128xf32, #tpu.memory_space<vmem>>, vector<1x16xf32>,
          %get3A_1280 = vector.shape_cast %get3A_1279 : vector<1x16xf32> to vector<16xf32>
          %add3A_1281 = arith.addf %add3A_1272, %get3A_1280 : vector<16xf32>
          %mul3A_1282 = arith.constant 32 : i32
          %mul3A_1283 = arith.muli %scan3A_118, %mul3A_1282 : i32
          %add3A_1284 = arith.constant 3 : i32
          %add3A_1285 = arith.addi %mul3A_1283, %add3A_1284 : i32
          %get3A_1286 = arith.index_cast %add3A_1285 : i32 to index
          %get3A_1287 = arith.constant 64 : index
          %get3A_1288 = tpu.vector_load %arg4[%get3A_1286, %get3A_1287] {strides = array<i32>} : memref<160x128xf32, #tpu.memory_space<vmem>>, vector<1x16xf32>,
          %get3A_1289 = vector.shape_cast %get3A_1288 : vector<1x16xf32> to vector<16xf32>
          %add3A_1290 = arith.addf %add3A_1281, %get3A_1289 : vector<16xf32>
          %mul3A_1291 = arith.constant 32 : i32
          %mul3A_1292 = arith.muli %scan3A_118, %mul3A_1291 : i32
          %add3A_1293 = arith.constant 4 : i32
          %add3A_1294 = arith.addi %mul3A_1292, %add3A_1293 : i32
          %get3A_1295 = arith.index_cast %add3A_1294 : i32 to index
          %get3A_1296 = arith.constant 64 : index
          %get3A_1297 = tpu.vector_load %arg4[%get3A_1295, %get3A_1296] {strides = array<i32>} : memref<160x128xf32, #tpu.memory_space<vmem>>, vector<1x16xf32>,
          %get3A_1298 = vector.shape_cast %get3A_1297 : vector<1x16xf32> to vector<16xf32>
          %add3A_1299 = arith.addf %add3A_1290, %get3A_1298 : vector<16xf32>
          %mul3A_1300 = arith.constant 32 : i32
          %mul3A_1301 = arith.muli %scan3A_118, %mul3A_1300 : i32
          %add3A_1302 = arith.constant 5 : i32
          %add3A_1303 = arith.addi %mul3A_1301, %add3A_1302 : i32
          %get3A_1304 = arith.index_cast %add3A_1303 : i32 to index
          %get3A_1305 = arith.constant 64 : index
          %get3A_1306 = tpu.vector_load %arg4[%get3A_1304, %get3A_1305] {strides = array<i32>} : memref<160x128xf32, #tpu.memory_space<vmem>>, vector<1x16xf32>,
          %get3A_1307 = vector.shape_cast %get3A_1306 : vector<1x16xf32> to vector<16xf32>
          %add3A_1308 = arith.addf %add3A_1299, %get3A_1307 : vector<16xf32>
          %mul3A_1309 = arith.constant 32 : i32
          %mul3A_1310 = arith.muli %scan3A_118, %mul3A_1309 : i32
          %add3A_1311 = arith.constant 6 : i32
          %add3A_1312 = arith.addi %mul3A_1310, %add3A_1311 : i32
          %get3A_1313 = arith.index_cast %add3A_1312 : i32 to index
          %get3A_1314 = arith.constant 64 : index
          %get3A_1315 = tpu.vector_load %arg4[%get3A_1313, %get3A_1314] {strides = array<i32>} : memref<160x128xf32, #tpu.memory_space<vmem>>, vector<1x16xf32>,
          %get3A_1316 = vector.shape_cast %get3A_1315 : vector<1x16xf32> to vector<16xf32>
          %add3A_1317 = arith.addf %add3A_1308, %get3A_1316 : vector<16xf32>
          %mul3A_1318 = arith.constant 32 : i32
          %mul3A_1319 = arith.muli %scan3A_118, %mul3A_1318 : i32
          %add3A_1320 = arith.constant 7 : i32
          %add3A_1321 = arith.addi %mul3A_1319, %add3A_1320 : i32
          %get3A_1322 = arith.index_cast %add3A_1321 : i32 to index
          %get3A_1323 = arith.constant 64 : index
          %get3A_1324 = tpu.vector_load %arg4[%get3A_1322, %get3A_1323] {strides = array<i32>} : memref<160x128xf32, #tpu.memory_space<vmem>>, vector<1x16xf32>,
          %get3A_1325 = vector.shape_cast %get3A_1324 : vector<1x16xf32> to vector<16xf32>
          %add3A_1326 = arith.addf %add3A_1317, %get3A_1325 : vector<16xf32>
          %mul3A_1327 = arith.constant 32 : i32
          %mul3A_1328 = arith.muli %scan3A_118, %mul3A_1327 : i32
          %add3A_1329 = arith.constant 8 : i32
          %add3A_1330 = arith.addi %mul3A_1328, %add3A_1329 : i32
          %get3A_1331 = arith.index_cast %add3A_1330 : i32 to index
          %get3A_1332 = arith.constant 64 : index
          %get3A_1333 = tpu.vector_load %arg4[%get3A_1331, %get3A_1332] {strides = array<i32>} : memref<160x128xf32, #tpu.memory_space<vmem>>, vector<1x16xf32>,
          %get3A_1334 = vector.shape_cast %get3A_1333 : vector<1x16xf32> to vector<16xf32>
          %add3A_1335 = arith.addf %add3A_1326, %get3A_1334 : vector<16xf32>
          %mul3A_1336 = arith.constant 32 : i32
          %mul3A_1337 = arith.muli %scan3A_118, %mul3A_1336 : i32
          %add3A_1338 = arith.constant 9 : i32
          %add3A_1339 = arith.addi %mul3A_1337, %add3A_1338 : i32
          %get3A_1340 = arith.index_cast %add3A_1339 : i32 to index
          %get3A_1341 = arith.constant 64 : index
          %get3A_1342 = tpu.vector_load %arg4[%get3A_1340, %get3A_1341] {strides = array<i32>} : memref<160x128xf32, #tpu.memory_space<vmem>>, vector<1x16xf32>,
          %get3A_1343 = vector.shape_cast %get3A_1342 : vector<1x16xf32> to vector<16xf32>
          %add3A_1344 = arith.addf %add3A_1335, %get3A_1343 : vector<16xf32>
          %mul3A_1345 = arith.constant 32 : i32
          %mul3A_1346 = arith.muli %scan3A_118, %mul3A_1345 : i32
          %add3A_1347 = arith.constant 10 : i32
          %add3A_1348 = arith.addi %mul3A_1346, %add3A_1347 : i32
          %get3A_1349 = arith.index_cast %add3A_1348 : i32 to index
          %get3A_1350 = arith.constant 64 : index
          %get3A_1351 = tpu.vector_load %arg4[%get3A_1349, %get3A_1350] {strides = array<i32>} : memref<160x128xf32, #tpu.memory_space<vmem>>, vector<1x16xf32>,
          %get3A_1352 = vector.shape_cast %get3A_1351 : vector<1x16xf32> to vector<16xf32>
          %add3A_1353 = arith.addf %add3A_1344, %get3A_1352 : vector<16xf32>
          %mul3A_1354 = arith.constant 32 : i32
          %mul3A_1355 = arith.muli %scan3A_118, %mul3A_1354 : i32
          %add3A_1356 = arith.constant 11 : i32
          %add3A_1357 = arith.addi %mul3A_1355, %add3A_1356 : i32
          %get3A_1358 = arith.index_cast %add3A_1357 : i32 to index
          %get3A_1359 = arith.constant 64 : index
          %get3A_1360 = tpu.vector_load %arg4[%get3A_1358, %get3A_1359] {strides = array<i32>} : memref<160x128xf32, #tpu.memory_space<vmem>>, vector<1x16xf32>,
          %get3A_1361 = vector.shape_cast %get3A_1360 : vector<1x16xf32> to vector<16xf32>
          %add3A_1362 = arith.addf %add3A_1353, %get3A_1361 : vector<16xf32>
          %mul3A_1363 = arith.constant 32 : i32
          %mul3A_1364 = arith.muli %scan3A_118, %mul3A_1363 : i32
          %add3A_1365 = arith.constant 12 : i32
          %add3A_1366 = arith.addi %mul3A_1364, %add3A_1365 : i32
          %get3A_1367 = arith.index_cast %add3A_1366 : i32 to index
          %get3A_1368 = arith.constant 64 : index
          %get3A_1369 = tpu.vector_load %arg4[%get3A_1367, %get3A_1368] {strides = array<i32>} : memref<160x128xf32, #tpu.memory_space<vmem>>, vector<1x16xf32>,
          %get3A_1370 = vector.shape_cast %get3A_1369 : vector<1x16xf32> to vector<16xf32>
          %add3A_1371 = arith.addf %add3A_1362, %get3A_1370 : vector<16xf32>
          %mul3A_1372 = arith.constant 32 : i32
          %mul3A_1373 = arith.muli %scan3A_118, %mul3A_1372 : i32
          %add3A_1374 = arith.constant 13 : i32
          %add3A_1375 = arith.addi %mul3A_1373, %add3A_1374 : i32
          %get3A_1376 = arith.index_cast %add3A_1375 : i32 to index
          %get3A_1377 = arith.constant 64 : index
          %get3A_1378 = tpu.vector_load %arg4[%get3A_1376, %get3A_1377] {strides = array<i32>} : memref<160x128xf32, #tpu.memory_space<vmem>>, vector<1x16xf32>,
          %get3A_1379 = vector.shape_cast %get3A_1378 : vector<1x16xf32> to vector<16xf32>
          %add3A_1380 = arith.addf %add3A_1371, %get3A_1379 : vector<16xf32>
          %mul3A_1381 = arith.constant 32 : i32
          %mul3A_1382 = arith.muli %scan3A_118, %mul3A_1381 : i32
          %add3A_1383 = arith.constant 14 : i32
          %add3A_1384 = arith.addi %mul3A_1382, %add3A_1383 : i32
          %get3A_1385 = arith.index_cast %add3A_1384 : i32 to index
          %get3A_1386 = arith.constant 64 : index
          %get3A_1387 = tpu.vector_load %arg4[%get3A_1385, %get3A_1386] {strides = array<i32>} : memref<160x128xf32, #tpu.memory_space<vmem>>, vector<1x16xf32>,
          %get3A_1388 = vector.shape_cast %get3A_1387 : vector<1x16xf32> to vector<16xf32>
          %add3A_1389 = arith.addf %add3A_1380, %get3A_1388 : vector<16xf32>
          %mul3A_1390 = arith.constant 32 : i32
          %mul3A_1391 = arith.muli %scan3A_118, %mul3A_1390 : i32
          %add3A_1392 = arith.constant 15 : i32
          %add3A_1393 = arith.addi %mul3A_1391, %add3A_1392 : i32
          %get3A_1394 = arith.index_cast %add3A_1393 : i32 to index
          %get3A_1395 = arith.constant 64 : index
          %get3A_1396 = tpu.vector_load %arg4[%get3A_1394, %get3A_1395] {strides = array<i32>} : memref<160x128xf32, #tpu.memory_space<vmem>>, vector<1x16xf32>,
          %get3A_1397 = vector.shape_cast %get3A_1396 : vector<1x16xf32> to vector<16xf32>
          %add3A_1398 = arith.addf %add3A_1389, %get3A_1397 : vector<16xf32>
          %mul3A_1399 = arith.constant 32 : i32
          %mul3A_1400 = arith.muli %scan3A_118, %mul3A_1399 : i32
          %add3A_1401 = arith.constant 16 : i32
          %add3A_1402 = arith.addi %mul3A_1400, %add3A_1401 : i32
          %get3A_1403 = arith.index_cast %add3A_1402 : i32 to index
          %get3A_1404 = arith.constant 64 : index
          %get3A_1405 = tpu.vector_load %arg4[%get3A_1403, %get3A_1404] {strides = array<i32>} : memref<160x128xf32, #tpu.memory_space<vmem>>, vector<1x16xf32>,
          %get3A_1406 = vector.shape_cast %get3A_1405 : vector<1x16xf32> to vector<16xf32>
          %add3A_1407 = arith.addf %add3A_1398, %get3A_1406 : vector<16xf32>
          %mul3A_1408 = arith.constant 32 : i32
          %mul3A_1409 = arith.muli %scan3A_118, %mul3A_1408 : i32
          %add3A_1410 = arith.constant 17 : i32
          %add3A_1411 = arith.addi %mul3A_1409, %add3A_1410 : i32
          %get3A_1412 = arith.index_cast %add3A_1411 : i32 to index
          %get3A_1413 = arith.constant 64 : index
          %get3A_1414 = tpu.vector_load %arg4[%get3A_1412, %get3A_1413] {strides = array<i32>} : memref<160x128xf32, #tpu.memory_space<vmem>>, vector<1x16xf32>,
          %get3A_1415 = vector.shape_cast %get3A_1414 : vector<1x16xf32> to vector<16xf32>
          %add3A_1416 = arith.addf %add3A_1407, %get3A_1415 : vector<16xf32>
          %mul3A_1417 = arith.constant 32 : i32
          %mul3A_1418 = arith.muli %scan3A_118, %mul3A_1417 : i32
          %add3A_1419 = arith.constant 18 : i32
          %add3A_1420 = arith.addi %mul3A_1418, %add3A_1419 : i32
          %get3A_1421 = arith.index_cast %add3A_1420 : i32 to index
          %get3A_1422 = arith.constant 64 : index
          %get3A_1423 = tpu.vector_load %arg4[%get3A_1421, %get3A_1422] {strides = array<i32>} : memref<160x128xf32, #tpu.memory_space<vmem>>, vector<1x16xf32>,
          %get3A_1424 = vector.shape_cast %get3A_1423 : vector<1x16xf32> to vector<16xf32>
          %add3A_1425 = arith.addf %add3A_1416, %get3A_1424 : vector<16xf32>
          %mul3A_1426 = arith.constant 32 : i32
          %mul3A_1427 = arith.muli %scan3A_118, %mul3A_1426 : i32
          %add3A_1428 = arith.constant 19 : i32
          %add3A_1429 = arith.addi %mul3A_1427, %add3A_1428 : i32
          %get3A_1430 = arith.index_cast %add3A_1429 : i32 to index
          %get3A_1431 = arith.constant 64 : index
          %get3A_1432 = tpu.vector_load %arg4[%get3A_1430, %get3A_1431] {strides = array<i32>} : memref<160x128xf32, #tpu.memory_space<vmem>>, vector<1x16xf32>,
          %get3A_1433 = vector.shape_cast %get3A_1432 : vector<1x16xf32> to vector<16xf32>
          %add3A_1434 = arith.addf %add3A_1425, %get3A_1433 : vector<16xf32>
          %mul3A_1435 = arith.constant 32 : i32
          %mul3A_1436 = arith.muli %scan3A_118, %mul3A_1435 : i32
          %add3A_1437 = arith.constant 20 : i32
          %add3A_1438 = arith.addi %mul3A_1436, %add3A_1437 : i32
          %get3A_1439 = arith.index_cast %add3A_1438 : i32 to index
          %get3A_1440 = arith.constant 64 : index
          %get3A_1441 = tpu.vector_load %arg4[%get3A_1439, %get3A_1440] {strides = array<i32>} : memref<160x128xf32, #tpu.memory_space<vmem>>, vector<1x16xf32>,
          %get3A_1442 = vector.shape_cast %get3A_1441 : vector<1x16xf32> to vector<16xf32>
          %add3A_1443 = arith.addf %add3A_1434, %get3A_1442 : vector<16xf32>
          %mul3A_1444 = arith.constant 32 : i32
          %mul3A_1445 = arith.muli %scan3A_118, %mul3A_1444 : i32
          %add3A_1446 = arith.constant 21 : i32
          %add3A_1447 = arith.addi %mul3A_1445, %add3A_1446 : i32
          %get3A_1448 = arith.index_cast %add3A_1447 : i32 to index
          %get3A_1449 = arith.constant 64 : index
          %get3A_1450 = tpu.vector_load %arg4[%get3A_1448, %get3A_1449] {strides = array<i32>} : memref<160x128xf32, #tpu.memory_space<vmem>>, vector<1x16xf32>,
          %get3A_1451 = vector.shape_cast %get3A_1450 : vector<1x16xf32> to vector<16xf32>
          %add3A_1452 = arith.addf %add3A_1443, %get3A_1451 : vector<16xf32>
          %mul3A_1453 = arith.constant 32 : i32
          %mul3A_1454 = arith.muli %scan3A_118, %mul3A_1453 : i32
          %add3A_1455 = arith.constant 22 : i32
          %add3A_1456 = arith.addi %mul3A_1454, %add3A_1455 : i32
          %get3A_1457 = arith.index_cast %add3A_1456 : i32 to index
          %get3A_1458 = arith.constant 64 : index
          %get3A_1459 = tpu.vector_load %arg4[%get3A_1457, %get3A_1458] {strides = array<i32>} : memref<160x128xf32, #tpu.memory_space<vmem>>, vector<1x16xf32>,
          %get3A_1460 = vector.shape_cast %get3A_1459 : vector<1x16xf32> to vector<16xf32>
          %add3A_1461 = arith.addf %add3A_1452, %get3A_1460 : vector<16xf32>
          %mul3A_1462 = arith.constant 32 : i32
          %mul3A_1463 = arith.muli %scan3A_118, %mul3A_1462 : i32
          %add3A_1464 = arith.constant 23 : i32
          %add3A_1465 = arith.addi %mul3A_1463, %add3A_1464 : i32
          %get3A_1466 = arith.index_cast %add3A_1465 : i32 to index
          %get3A_1467 = arith.constant 64 : index
          %get3A_1468 = tpu.vector_load %arg4[%get3A_1466, %get3A_1467] {strides = array<i32>} : memref<160x128xf32, #tpu.memory_space<vmem>>, vector<1x16xf32>,
          %get3A_1469 = vector.shape_cast %get3A_1468 : vector<1x16xf32> to vector<16xf32>
          %add3A_1470 = arith.addf %add3A_1461, %get3A_1469 : vector<16xf32>
          %mul3A_1471 = arith.constant 32 : i32
          %mul3A_1472 = arith.muli %scan3A_118, %mul3A_1471 : i32
          %add3A_1473 = arith.constant 24 : i32
          %add3A_1474 = arith.addi %mul3A_1472, %add3A_1473 : i32
          %get3A_1475 = arith.index_cast %add3A_1474 : i32 to index
          %get3A_1476 = arith.constant 64 : index
          %get3A_1477 = tpu.vector_load %arg4[%get3A_1475, %get3A_1476] {strides = array<i32>} : memref<160x128xf32, #tpu.memory_space<vmem>>, vector<1x16xf32>,
          %get3A_1478 = vector.shape_cast %get3A_1477 : vector<1x16xf32> to vector<16xf32>
          %add3A_1479 = arith.addf %add3A_1470, %get3A_1478 : vector<16xf32>
          %mul3A_1480 = arith.constant 32 : i32
          %mul3A_1481 = arith.muli %scan3A_118, %mul3A_1480 : i32
          %add3A_1482 = arith.constant 25 : i32
          %add3A_1483 = arith.addi %mul3A_1481, %add3A_1482 : i32
          %get3A_1484 = arith.index_cast %add3A_1483 : i32 to index
          %get3A_1485 = arith.constant 64 : index
          %get3A_1486 = tpu.vector_load %arg4[%get3A_1484, %get3A_1485] {strides = array<i32>} : memref<160x128xf32, #tpu.memory_space<vmem>>, vector<1x16xf32>,
          %get3A_1487 = vector.shape_cast %get3A_1486 : vector<1x16xf32> to vector<16xf32>
          %add3A_1488 = arith.addf %add3A_1479, %get3A_1487 : vector<16xf32>
          %mul3A_1489 = arith.constant 32 : i32
          %mul3A_1490 = arith.muli %scan3A_118, %mul3A_1489 : i32
          %add3A_1491 = arith.constant 26 : i32
          %add3A_1492 = arith.addi %mul3A_1490, %add3A_1491 : i32
          %get3A_1493 = arith.index_cast %add3A_1492 : i32 to index
          %get3A_1494 = arith.constant 64 : index
          %get3A_1495 = tpu.vector_load %arg4[%get3A_1493, %get3A_1494] {strides = array<i32>} : memref<160x128xf32, #tpu.memory_space<vmem>>, vector<1x16xf32>,
          %get3A_1496 = vector.shape_cast %get3A_1495 : vector<1x16xf32> to vector<16xf32>
          %add3A_1497 = arith.addf %add3A_1488, %get3A_1496 : vector<16xf32>
          %mul3A_1498 = arith.constant 32 : i32
          %mul3A_1499 = arith.muli %scan3A_118, %mul3A_1498 : i32
          %add3A_1500 = arith.constant 27 : i32
          %add3A_1501 = arith.addi %mul3A_1499, %add3A_1500 : i32
          %get3A_1502 = arith.index_cast %add3A_1501 : i32 to index
          %get3A_1503 = arith.constant 64 : index
          %get3A_1504 = tpu.vector_load %arg4[%get3A_1502, %get3A_1503] {strides = array<i32>} : memref<160x128xf32, #tpu.memory_space<vmem>>, vector<1x16xf32>,
          %get3A_1505 = vector.shape_cast %get3A_1504 : vector<1x16xf32> to vector<16xf32>
          %add3A_1506 = arith.addf %add3A_1497, %get3A_1505 : vector<16xf32>
          %mul3A_1507 = arith.constant 32 : i32
          %mul3A_1508 = arith.muli %scan3A_118, %mul3A_1507 : i32
          %add3A_1509 = arith.constant 28 : i32
          %add3A_1510 = arith.addi %mul3A_1508, %add3A_1509 : i32
          %get3A_1511 = arith.index_cast %add3A_1510 : i32 to index
          %get3A_1512 = arith.constant 64 : index
          %get3A_1513 = tpu.vector_load %arg4[%get3A_1511, %get3A_1512] {strides = array<i32>} : memref<160x128xf32, #tpu.memory_space<vmem>>, vector<1x16xf32>,
          %get3A_1514 = vector.shape_cast %get3A_1513 : vector<1x16xf32> to vector<16xf32>
          %add3A_1515 = arith.addf %add3A_1506, %get3A_1514 : vector<16xf32>
          %mul3A_1516 = arith.constant 32 : i32
          %mul3A_1517 = arith.muli %scan3A_118, %mul3A_1516 : i32
          %add3A_1518 = arith.constant 29 : i32
          %add3A_1519 = arith.addi %mul3A_1517, %add3A_1518 : i32
          %get3A_1520 = arith.index_cast %add3A_1519 : i32 to index
          %get3A_1521 = arith.constant 64 : index
          %get3A_1522 = tpu.vector_load %arg4[%get3A_1520, %get3A_1521] {strides = array<i32>} : memref<160x128xf32, #tpu.memory_space<vmem>>, vector<1x16xf32>,
          %get3A_1523 = vector.shape_cast %get3A_1522 : vector<1x16xf32> to vector<16xf32>
          %add3A_1524 = arith.addf %add3A_1515, %get3A_1523 : vector<16xf32>
          %mul3A_1525 = arith.constant 32 : i32
          %mul3A_1526 = arith.muli %scan3A_118, %mul3A_1525 : i32
          %add3A_1527 = arith.constant 30 : i32
          %add3A_1528 = arith.addi %mul3A_1526, %add3A_1527 : i32
          %get3A_1529 = arith.index_cast %add3A_1528 : i32 to index
          %get3A_1530 = arith.constant 64 : index
          %get3A_1531 = tpu.vector_load %arg4[%get3A_1529, %get3A_1530] {strides = array<i32>} : memref<160x128xf32, #tpu.memory_space<vmem>>, vector<1x16xf32>,
          %get3A_1532 = vector.shape_cast %get3A_1531 : vector<1x16xf32> to vector<16xf32>
          %add3A_1533 = arith.addf %add3A_1524, %get3A_1532 : vector<16xf32>
          %mul3A_1534 = arith.constant 32 : i32
          %mul3A_1535 = arith.muli %scan3A_118, %mul3A_1534 : i32
          %add3A_1536 = arith.constant 31 : i32
          %add3A_1537 = arith.addi %mul3A_1535, %add3A_1536 : i32
          %get3A_1538 = arith.index_cast %add3A_1537 : i32 to index
          %get3A_1539 = arith.constant 64 : index
          %get3A_1540 = tpu.vector_load %arg4[%get3A_1538, %get3A_1539] {strides = array<i32>} : memref<160x128xf32, #tpu.memory_space<vmem>>, vector<1x16xf32>,
          %get3A_1541 = vector.shape_cast %get3A_1540 : vector<1x16xf32> to vector<16xf32>
          %add3A_1542 = arith.addf %add3A_1533, %get3A_1541 : vector<16xf32>
          %mul3A_1543 = arith.constant 32 : i32
          %mul3A_1544 = arith.muli %scan3A_118, %mul3A_1543 : i32
          %get3A_1545 = arith.index_cast %mul3A_1544 : i32 to index
          %get3A_1546 = arith.constant 80 : index
          %get3A_1547 = tpu.vector_load %arg4[%get3A_1545, %get3A_1546] {strides = array<i32>} : memref<160x128xf32, #tpu.memory_space<vmem>>, vector<1x16xf32>,
          %get3A_1548 = vector.shape_cast %get3A_1547 : vector<1x16xf32> to vector<16xf32>
          %mul3A_1549 = arith.constant 32 : i32
          %mul3A_1550 = arith.muli %scan3A_118, %mul3A_1549 : i32
          %add3A_1551 = arith.constant 1 : i32
          %add3A_1552 = arith.addi %mul3A_1550, %add3A_1551 : i32
          %get3A_1553 = arith.index_cast %add3A_1552 : i32 to index
          %get3A_1554 = arith.constant 80 : index
          %get3A_1555 = tpu.vector_load %arg4[%get3A_1553, %get3A_1554] {strides = array<i32>} : memref<160x128xf32, #tpu.memory_space<vmem>>, vector<1x16xf32>,
          %get3A_1556 = vector.shape_cast %get3A_1555 : vector<1x16xf32> to vector<16xf32>
          %add3A_1557 = arith.addf %get3A_1548, %get3A_1556 : vector<16xf32>
          %mul3A_1558 = arith.constant 32 : i32
          %mul3A_1559 = arith.muli %scan3A_118, %mul3A_1558 : i32
          %add3A_1560 = arith.constant 2 : i32
          %add3A_1561 = arith.addi %mul3A_1559, %add3A_1560 : i32
          %get3A_1562 = arith.index_cast %add3A_1561 : i32 to index
          %get3A_1563 = arith.constant 80 : index
          %get3A_1564 = tpu.vector_load %arg4[%get3A_1562, %get3A_1563] {strides = array<i32>} : memref<160x128xf32, #tpu.memory_space<vmem>>, vector<1x16xf32>,
          %get3A_1565 = vector.shape_cast %get3A_1564 : vector<1x16xf32> to vector<16xf32>
          %add3A_1566 = arith.addf %add3A_1557, %get3A_1565 : vector<16xf32>
          %mul3A_1567 = arith.constant 32 : i32
          %mul3A_1568 = arith.muli %scan3A_118, %mul3A_1567 : i32
          %add3A_1569 = arith.constant 3 : i32
          %add3A_1570 = arith.addi %mul3A_1568, %add3A_1569 : i32
          %get3A_1571 = arith.index_cast %add3A_1570 : i32 to index
          %get3A_1572 = arith.constant 80 : index
          %get3A_1573 = tpu.vector_load %arg4[%get3A_1571, %get3A_1572] {strides = array<i32>} : memref<160x128xf32, #tpu.memory_space<vmem>>, vector<1x16xf32>,
          %get3A_1574 = vector.shape_cast %get3A_1573 : vector<1x16xf32> to vector<16xf32>
          %add3A_1575 = arith.addf %add3A_1566, %get3A_1574 : vector<16xf32>
          %mul3A_1576 = arith.constant 32 : i32
          %mul3A_1577 = arith.muli %scan3A_118, %mul3A_1576 : i32
          %add3A_1578 = arith.constant 4 : i32
          %add3A_1579 = arith.addi %mul3A_1577, %add3A_1578 : i32
          %get3A_1580 = arith.index_cast %add3A_1579 : i32 to index
          %get3A_1581 = arith.constant 80 : index
          %get3A_1582 = tpu.vector_load %arg4[%get3A_1580, %get3A_1581] {strides = array<i32>} : memref<160x128xf32, #tpu.memory_space<vmem>>, vector<1x16xf32>,
          %get3A_1583 = vector.shape_cast %get3A_1582 : vector<1x16xf32> to vector<16xf32>
          %add3A_1584 = arith.addf %add3A_1575, %get3A_1583 : vector<16xf32>
          %mul3A_1585 = arith.constant 32 : i32
          %mul3A_1586 = arith.muli %scan3A_118, %mul3A_1585 : i32
          %add3A_1587 = arith.constant 5 : i32
          %add3A_1588 = arith.addi %mul3A_1586, %add3A_1587 : i32
          %get3A_1589 = arith.index_cast %add3A_1588 : i32 to index
          %get3A_1590 = arith.constant 80 : index
          %get3A_1591 = tpu.vector_load %arg4[%get3A_1589, %get3A_1590] {strides = array<i32>} : memref<160x128xf32, #tpu.memory_space<vmem>>, vector<1x16xf32>,
          %get3A_1592 = vector.shape_cast %get3A_1591 : vector<1x16xf32> to vector<16xf32>
          %add3A_1593 = arith.addf %add3A_1584, %get3A_1592 : vector<16xf32>
          %mul3A_1594 = arith.constant 32 : i32
          %mul3A_1595 = arith.muli %scan3A_118, %mul3A_1594 : i32
          %add3A_1596 = arith.constant 6 : i32
          %add3A_1597 = arith.addi %mul3A_1595, %add3A_1596 : i32
          %get3A_1598 = arith.index_cast %add3A_1597 : i32 to index
          %get3A_1599 = arith.constant 80 : index
          %get3A_1600 = tpu.vector_load %arg4[%get3A_1598, %get3A_1599] {strides = array<i32>} : memref<160x128xf32, #tpu.memory_space<vmem>>, vector<1x16xf32>,
          %get3A_1601 = vector.shape_cast %get3A_1600 : vector<1x16xf32> to vector<16xf32>
          %add3A_1602 = arith.addf %add3A_1593, %get3A_1601 : vector<16xf32>
          %mul3A_1603 = arith.constant 32 : i32
          %mul3A_1604 = arith.muli %scan3A_118, %mul3A_1603 : i32
          %add3A_1605 = arith.constant 7 : i32
          %add3A_1606 = arith.addi %mul3A_1604, %add3A_1605 : i32
          %get3A_1607 = arith.index_cast %add3A_1606 : i32 to index
          %get3A_1608 = arith.constant 80 : index
          %get3A_1609 = tpu.vector_load %arg4[%get3A_1607, %get3A_1608] {strides = array<i32>} : memref<160x128xf32, #tpu.memory_space<vmem>>, vector<1x16xf32>,
          %get3A_1610 = vector.shape_cast %get3A_1609 : vector<1x16xf32> to vector<16xf32>
          %add3A_1611 = arith.addf %add3A_1602, %get3A_1610 : vector<16xf32>
          %mul3A_1612 = arith.constant 32 : i32
          %mul3A_1613 = arith.muli %scan3A_118, %mul3A_1612 : i32
          %add3A_1614 = arith.constant 8 : i32
          %add3A_1615 = arith.addi %mul3A_1613, %add3A_1614 : i32
          %get3A_1616 = arith.index_cast %add3A_1615 : i32 to index
          %get3A_1617 = arith.constant 80 : index
          %get3A_1618 = tpu.vector_load %arg4[%get3A_1616, %get3A_1617] {strides = array<i32>} : memref<160x128xf32, #tpu.memory_space<vmem>>, vector<1x16xf32>,
          %get3A_1619 = vector.shape_cast %get3A_1618 : vector<1x16xf32> to vector<16xf32>
          %add3A_1620 = arith.addf %add3A_1611, %get3A_1619 : vector<16xf32>
          %mul3A_1621 = arith.constant 32 : i32
          %mul3A_1622 = arith.muli %scan3A_118, %mul3A_1621 : i32
          %add3A_1623 = arith.constant 9 : i32
          %add3A_1624 = arith.addi %mul3A_1622, %add3A_1623 : i32
          %get3A_1625 = arith.index_cast %add3A_1624 : i32 to index
          %get3A_1626 = arith.constant 80 : index
          %get3A_1627 = tpu.vector_load %arg4[%get3A_1625, %get3A_1626] {strides = array<i32>} : memref<160x128xf32, #tpu.memory_space<vmem>>, vector<1x16xf32>,
          %get3A_1628 = vector.shape_cast %get3A_1627 : vector<1x16xf32> to vector<16xf32>
          %add3A_1629 = arith.addf %add3A_1620, %get3A_1628 : vector<16xf32>
          %mul3A_1630 = arith.constant 32 : i32
          %mul3A_1631 = arith.muli %scan3A_118, %mul3A_1630 : i32
          %add3A_1632 = arith.constant 10 : i32
          %add3A_1633 = arith.addi %mul3A_1631, %add3A_1632 : i32
          %get3A_1634 = arith.index_cast %add3A_1633 : i32 to index
          %get3A_1635 = arith.constant 80 : index
          %get3A_1636 = tpu.vector_load %arg4[%get3A_1634, %get3A_1635] {strides = array<i32>} : memref<160x128xf32, #tpu.memory_space<vmem>>, vector<1x16xf32>,
          %get3A_1637 = vector.shape_cast %get3A_1636 : vector<1x16xf32> to vector<16xf32>
          %add3A_1638 = arith.addf %add3A_1629, %get3A_1637 : vector<16xf32>
          %mul3A_1639 = arith.constant 32 : i32
          %mul3A_1640 = arith.muli %scan3A_118, %mul3A_1639 : i32
          %add3A_1641 = arith.constant 11 : i32
          %add3A_1642 = arith.addi %mul3A_1640, %add3A_1641 : i32
          %get3A_1643 = arith.index_cast %add3A_1642 : i32 to index
          %get3A_1644 = arith.constant 80 : index
          %get3A_1645 = tpu.vector_load %arg4[%get3A_1643, %get3A_1644] {strides = array<i32>} : memref<160x128xf32, #tpu.memory_space<vmem>>, vector<1x16xf32>,
          %get3A_1646 = vector.shape_cast %get3A_1645 : vector<1x16xf32> to vector<16xf32>
          %add3A_1647 = arith.addf %add3A_1638, %get3A_1646 : vector<16xf32>
          %mul3A_1648 = arith.constant 32 : i32
          %mul3A_1649 = arith.muli %scan3A_118, %mul3A_1648 : i32
          %add3A_1650 = arith.constant 12 : i32
          %add3A_1651 = arith.addi %mul3A_1649, %add3A_1650 : i32
          %get3A_1652 = arith.index_cast %add3A_1651 : i32 to index
          %get3A_1653 = arith.constant 80 : index
          %get3A_1654 = tpu.vector_load %arg4[%get3A_1652, %get3A_1653] {strides = array<i32>} : memref<160x128xf32, #tpu.memory_space<vmem>>, vector<1x16xf32>,
          %get3A_1655 = vector.shape_cast %get3A_1654 : vector<1x16xf32> to vector<16xf32>
          %add3A_1656 = arith.addf %add3A_1647, %get3A_1655 : vector<16xf32>
          %mul3A_1657 = arith.constant 32 : i32
          %mul3A_1658 = arith.muli %scan3A_118, %mul3A_1657 : i32
          %add3A_1659 = arith.constant 13 : i32
          %add3A_1660 = arith.addi %mul3A_1658, %add3A_1659 : i32
          %get3A_1661 = arith.index_cast %add3A_1660 : i32 to index
          %get3A_1662 = arith.constant 80 : index
          %get3A_1663 = tpu.vector_load %arg4[%get3A_1661, %get3A_1662] {strides = array<i32>} : memref<160x128xf32, #tpu.memory_space<vmem>>, vector<1x16xf32>,
          %get3A_1664 = vector.shape_cast %get3A_1663 : vector<1x16xf32> to vector<16xf32>
          %add3A_1665 = arith.addf %add3A_1656, %get3A_1664 : vector<16xf32>
          %mul3A_1666 = arith.constant 32 : i32
          %mul3A_1667 = arith.muli %scan3A_118, %mul3A_1666 : i32
          %add3A_1668 = arith.constant 14 : i32
          %add3A_1669 = arith.addi %mul3A_1667, %add3A_1668 : i32
          %get3A_1670 = arith.index_cast %add3A_1669 : i32 to index
          %get3A_1671 = arith.constant 80 : index
          %get3A_1672 = tpu.vector_load %arg4[%get3A_1670, %get3A_1671] {strides = array<i32>} : memref<160x128xf32, #tpu.memory_space<vmem>>, vector<1x16xf32>,
          %get3A_1673 = vector.shape_cast %get3A_1672 : vector<1x16xf32> to vector<16xf32>
          %add3A_1674 = arith.addf %add3A_1665, %get3A_1673 : vector<16xf32>
          %mul3A_1675 = arith.constant 32 : i32
          %mul3A_1676 = arith.muli %scan3A_118, %mul3A_1675 : i32
          %add3A_1677 = arith.constant 15 : i32
          %add3A_1678 = arith.addi %mul3A_1676, %add3A_1677 : i32
          %get3A_1679 = arith.index_cast %add3A_1678 : i32 to index
          %get3A_1680 = arith.constant 80 : index
          %get3A_1681 = tpu.vector_load %arg4[%get3A_1679, %get3A_1680] {strides = array<i32>} : memref<160x128xf32, #tpu.memory_space<vmem>>, vector<1x16xf32>,
          %get3A_1682 = vector.shape_cast %get3A_1681 : vector<1x16xf32> to vector<16xf32>
          %add3A_1683 = arith.addf %add3A_1674, %get3A_1682 : vector<16xf32>
          %mul3A_1684 = arith.constant 32 : i32
          %mul3A_1685 = arith.muli %scan3A_118, %mul3A_1684 : i32
          %add3A_1686 = arith.constant 16 : i32
          %add3A_1687 = arith.addi %mul3A_1685, %add3A_1686 : i32
          %get3A_1688 = arith.index_cast %add3A_1687 : i32 to index
          %get3A_1689 = arith.constant 80 : index
          %get3A_1690 = tpu.vector_load %arg4[%get3A_1688, %get3A_1689] {strides = array<i32>} : memref<160x128xf32, #tpu.memory_space<vmem>>, vector<1x16xf32>,
          %get3A_1691 = vector.shape_cast %get3A_1690 : vector<1x16xf32> to vector<16xf32>
          %add3A_1692 = arith.addf %add3A_1683, %get3A_1691 : vector<16xf32>
          %mul3A_1693 = arith.constant 32 : i32
          %mul3A_1694 = arith.muli %scan3A_118, %mul3A_1693 : i32
          %add3A_1695 = arith.constant 17 : i32
          %add3A_1696 = arith.addi %mul3A_1694, %add3A_1695 : i32
          %get3A_1697 = arith.index_cast %add3A_1696 : i32 to index
          %get3A_1698 = arith.constant 80 : index
          %get3A_1699 = tpu.vector_load %arg4[%get3A_1697, %get3A_1698] {strides = array<i32>} : memref<160x128xf32, #tpu.memory_space<vmem>>, vector<1x16xf32>,
          %get3A_1700 = vector.shape_cast %get3A_1699 : vector<1x16xf32> to vector<16xf32>
          %add3A_1701 = arith.addf %add3A_1692, %get3A_1700 : vector<16xf32>
          %mul3A_1702 = arith.constant 32 : i32
          %mul3A_1703 = arith.muli %scan3A_118, %mul3A_1702 : i32
          %add3A_1704 = arith.constant 18 : i32
          %add3A_1705 = arith.addi %mul3A_1703, %add3A_1704 : i32
          %get3A_1706 = arith.index_cast %add3A_1705 : i32 to index
          %get3A_1707 = arith.constant 80 : index
          %get3A_1708 = tpu.vector_load %arg4[%get3A_1706, %get3A_1707] {strides = array<i32>} : memref<160x128xf32, #tpu.memory_space<vmem>>, vector<1x16xf32>,
          %get3A_1709 = vector.shape_cast %get3A_1708 : vector<1x16xf32> to vector<16xf32>
          %add3A_1710 = arith.addf %add3A_1701, %get3A_1709 : vector<16xf32>
          %mul3A_1711 = arith.constant 32 : i32
          %mul3A_1712 = arith.muli %scan3A_118, %mul3A_1711 : i32
          %add3A_1713 = arith.constant 19 : i32
          %add3A_1714 = arith.addi %mul3A_1712, %add3A_1713 : i32
          %get3A_1715 = arith.index_cast %add3A_1714 : i32 to index
          %get3A_1716 = arith.constant 80 : index
          %get3A_1717 = tpu.vector_load %arg4[%get3A_1715, %get3A_1716] {strides = array<i32>} : memref<160x128xf32, #tpu.memory_space<vmem>>, vector<1x16xf32>,
          %get3A_1718 = vector.shape_cast %get3A_1717 : vector<1x16xf32> to vector<16xf32>
          %add3A_1719 = arith.addf %add3A_1710, %get3A_1718 : vector<16xf32>
          %mul3A_1720 = arith.constant 32 : i32
          %mul3A_1721 = arith.muli %scan3A_118, %mul3A_1720 : i32
          %add3A_1722 = arith.constant 20 : i32
          %add3A_1723 = arith.addi %mul3A_1721, %add3A_1722 : i32
          %get3A_1724 = arith.index_cast %add3A_1723 : i32 to index
          %get3A_1725 = arith.constant 80 : index
          %get3A_1726 = tpu.vector_load %arg4[%get3A_1724, %get3A_1725] {strides = array<i32>} : memref<160x128xf32, #tpu.memory_space<vmem>>, vector<1x16xf32>,
          %get3A_1727 = vector.shape_cast %get3A_1726 : vector<1x16xf32> to vector<16xf32>
          %add3A_1728 = arith.addf %add3A_1719, %get3A_1727 : vector<16xf32>
          %mul3A_1729 = arith.constant 32 : i32
          %mul3A_1730 = arith.muli %scan3A_118, %mul3A_1729 : i32
          %add3A_1731 = arith.constant 21 : i32
          %add3A_1732 = arith.addi %mul3A_1730, %add3A_1731 : i32
          %get3A_1733 = arith.index_cast %add3A_1732 : i32 to index
          %get3A_1734 = arith.constant 80 : index
          %get3A_1735 = tpu.vector_load %arg4[%get3A_1733, %get3A_1734] {strides = array<i32>} : memref<160x128xf32, #tpu.memory_space<vmem>>, vector<1x16xf32>,
          %get3A_1736 = vector.shape_cast %get3A_1735 : vector<1x16xf32> to vector<16xf32>
          %add3A_1737 = arith.addf %add3A_1728, %get3A_1736 : vector<16xf32>
          %mul3A_1738 = arith.constant 32 : i32
          %mul3A_1739 = arith.muli %scan3A_118, %mul3A_1738 : i32
          %add3A_1740 = arith.constant 22 : i32
          %add3A_1741 = arith.addi %mul3A_1739, %add3A_1740 : i32
          %get3A_1742 = arith.index_cast %add3A_1741 : i32 to index
          %get3A_1743 = arith.constant 80 : index
          %get3A_1744 = tpu.vector_load %arg4[%get3A_1742, %get3A_1743] {strides = array<i32>} : memref<160x128xf32, #tpu.memory_space<vmem>>, vector<1x16xf32>,
          %get3A_1745 = vector.shape_cast %get3A_1744 : vector<1x16xf32> to vector<16xf32>
          %add3A_1746 = arith.addf %add3A_1737, %get3A_1745 : vector<16xf32>
          %mul3A_1747 = arith.constant 32 : i32
          %mul3A_1748 = arith.muli %scan3A_118, %mul3A_1747 : i32
          %add3A_1749 = arith.constant 23 : i32
          %add3A_1750 = arith.addi %mul3A_1748, %add3A_1749 : i32
          %get3A_1751 = arith.index_cast %add3A_1750 : i32 to index
          %get3A_1752 = arith.constant 80 : index
          %get3A_1753 = tpu.vector_load %arg4[%get3A_1751, %get3A_1752] {strides = array<i32>} : memref<160x128xf32, #tpu.memory_space<vmem>>, vector<1x16xf32>,
          %get3A_1754 = vector.shape_cast %get3A_1753 : vector<1x16xf32> to vector<16xf32>
          %add3A_1755 = arith.addf %add3A_1746, %get3A_1754 : vector<16xf32>
          %mul3A_1756 = arith.constant 32 : i32
          %mul3A_1757 = arith.muli %scan3A_118, %mul3A_1756 : i32
          %add3A_1758 = arith.constant 24 : i32
          %add3A_1759 = arith.addi %mul3A_1757, %add3A_1758 : i32
          %get3A_1760 = arith.index_cast %add3A_1759 : i32 to index
          %get3A_1761 = arith.constant 80 : index
          %get3A_1762 = tpu.vector_load %arg4[%get3A_1760, %get3A_1761] {strides = array<i32>} : memref<160x128xf32, #tpu.memory_space<vmem>>, vector<1x16xf32>,
          %get3A_1763 = vector.shape_cast %get3A_1762 : vector<1x16xf32> to vector<16xf32>
          %add3A_1764 = arith.addf %add3A_1755, %get3A_1763 : vector<16xf32>
          %mul3A_1765 = arith.constant 32 : i32
          %mul3A_1766 = arith.muli %scan3A_118, %mul3A_1765 : i32
          %add3A_1767 = arith.constant 25 : i32
          %add3A_1768 = arith.addi %mul3A_1766, %add3A_1767 : i32
          %get3A_1769 = arith.index_cast %add3A_1768 : i32 to index
          %get3A_1770 = arith.constant 80 : index
          %get3A_1771 = tpu.vector_load %arg4[%get3A_1769, %get3A_1770] {strides = array<i32>} : memref<160x128xf32, #tpu.memory_space<vmem>>, vector<1x16xf32>,
          %get3A_1772 = vector.shape_cast %get3A_1771 : vector<1x16xf32> to vector<16xf32>
          %add3A_1773 = arith.addf %add3A_1764, %get3A_1772 : vector<16xf32>
          %mul3A_1774 = arith.constant 32 : i32
          %mul3A_1775 = arith.muli %scan3A_118, %mul3A_1774 : i32
          %add3A_1776 = arith.constant 26 : i32
          %add3A_1777 = arith.addi %mul3A_1775, %add3A_1776 : i32
          %get3A_1778 = arith.index_cast %add3A_1777 : i32 to index
          %get3A_1779 = arith.constant 80 : index
          %get3A_1780 = tpu.vector_load %arg4[%get3A_1778, %get3A_1779] {strides = array<i32>} : memref<160x128xf32, #tpu.memory_space<vmem>>, vector<1x16xf32>,
          %get3A_1781 = vector.shape_cast %get3A_1780 : vector<1x16xf32> to vector<16xf32>
          %add3A_1782 = arith.addf %add3A_1773, %get3A_1781 : vector<16xf32>
          %mul3A_1783 = arith.constant 32 : i32
          %mul3A_1784 = arith.muli %scan3A_118, %mul3A_1783 : i32
          %add3A_1785 = arith.constant 27 : i32
          %add3A_1786 = arith.addi %mul3A_1784, %add3A_1785 : i32
          %get3A_1787 = arith.index_cast %add3A_1786 : i32 to index
          %get3A_1788 = arith.constant 80 : index
          %get3A_1789 = tpu.vector_load %arg4[%get3A_1787, %get3A_1788] {strides = array<i32>} : memref<160x128xf32, #tpu.memory_space<vmem>>, vector<1x16xf32>,
          %get3A_1790 = vector.shape_cast %get3A_1789 : vector<1x16xf32> to vector<16xf32>
          %add3A_1791 = arith.addf %add3A_1782, %get3A_1790 : vector<16xf32>
          %mul3A_1792 = arith.constant 32 : i32
          %mul3A_1793 = arith.muli %scan3A_118, %mul3A_1792 : i32
          %add3A_1794 = arith.constant 28 : i32
          %add3A_1795 = arith.addi %mul3A_1793, %add3A_1794 : i32
          %get3A_1796 = arith.index_cast %add3A_1795 : i32 to index
          %get3A_1797 = arith.constant 80 : index
          %get3A_1798 = tpu.vector_load %arg4[%get3A_1796, %get3A_1797] {strides = array<i32>} : memref<160x128xf32, #tpu.memory_space<vmem>>, vector<1x16xf32>,
          %get3A_1799 = vector.shape_cast %get3A_1798 : vector<1x16xf32> to vector<16xf32>
          %add3A_1800 = arith.addf %add3A_1791, %get3A_1799 : vector<16xf32>
          %mul3A_1801 = arith.constant 32 : i32
          %mul3A_1802 = arith.muli %scan3A_118, %mul3A_1801 : i32
          %add3A_1803 = arith.constant 29 : i32
          %add3A_1804 = arith.addi %mul3A_1802, %add3A_1803 : i32
          %get3A_1805 = arith.index_cast %add3A_1804 : i32 to index
          %get3A_1806 = arith.constant 80 : index
          %get3A_1807 = tpu.vector_load %arg4[%get3A_1805, %get3A_1806] {strides = array<i32>} : memref<160x128xf32, #tpu.memory_space<vmem>>, vector<1x16xf32>,
          %get3A_1808 = vector.shape_cast %get3A_1807 : vector<1x16xf32> to vector<16xf32>
          %add3A_1809 = arith.addf %add3A_1800, %get3A_1808 : vector<16xf32>
          %mul3A_1810 = arith.constant 32 : i32
          %mul3A_1811 = arith.muli %scan3A_118, %mul3A_1810 : i32
          %add3A_1812 = arith.constant 30 : i32
          %add3A_1813 = arith.addi %mul3A_1811, %add3A_1812 : i32
          %get3A_1814 = arith.index_cast %add3A_1813 : i32 to index
          %get3A_1815 = arith.constant 80 : index
          %get3A_1816 = tpu.vector_load %arg4[%get3A_1814, %get3A_1815] {strides = array<i32>} : memref<160x128xf32, #tpu.memory_space<vmem>>, vector<1x16xf32>,
          %get3A_1817 = vector.shape_cast %get3A_1816 : vector<1x16xf32> to vector<16xf32>
          %add3A_1818 = arith.addf %add3A_1809, %get3A_1817 : vector<16xf32>
          %mul3A_1819 = arith.constant 32 : i32
          %mul3A_1820 = arith.muli %scan3A_118, %mul3A_1819 : i32
          %add3A_1821 = arith.constant 31 : i32
          %add3A_1822 = arith.addi %mul3A_1820, %add3A_1821 : i32
          %get3A_1823 = arith.index_cast %add3A_1822 : i32 to index
          %get3A_1824 = arith.constant 80 : index
          %get3A_1825 = tpu.vector_load %arg4[%get3A_1823, %get3A_1824] {strides = array<i32>} : memref<160x128xf32, #tpu.memory_space<vmem>>, vector<1x16xf32>,
          %get3A_1826 = vector.shape_cast %get3A_1825 : vector<1x16xf32> to vector<16xf32>
          %add3A_1827 = arith.addf %add3A_1818, %get3A_1826 : vector<16xf32>
          %mul3A_1828 = arith.constant 32 : i32
          %mul3A_1829 = arith.muli %scan3A_118, %mul3A_1828 : i32
          %get3A_1830 = arith.index_cast %mul3A_1829 : i32 to index
          %get3A_1831 = arith.constant 96 : index
          %get3A_1832 = tpu.vector_load %arg4[%get3A_1830, %get3A_1831] {strides = array<i32>} : memref<160x128xf32, #tpu.memory_space<vmem>>, vector<1x16xf32>,
          %get3A_1833 = vector.shape_cast %get3A_1832 : vector<1x16xf32> to vector<16xf32>
          %mul3A_1834 = arith.constant 32 : i32
          %mul3A_1835 = arith.muli %scan3A_118, %mul3A_1834 : i32
          %add3A_1836 = arith.constant 1 : i32
          %add3A_1837 = arith.addi %mul3A_1835, %add3A_1836 : i32
          %get3A_1838 = arith.index_cast %add3A_1837 : i32 to index
          %get3A_1839 = arith.constant 96 : index
          %get3A_1840 = tpu.vector_load %arg4[%get3A_1838, %get3A_1839] {strides = array<i32>} : memref<160x128xf32, #tpu.memory_space<vmem>>, vector<1x16xf32>,
          %get3A_1841 = vector.shape_cast %get3A_1840 : vector<1x16xf32> to vector<16xf32>
          %add3A_1842 = arith.addf %get3A_1833, %get3A_1841 : vector<16xf32>
          %mul3A_1843 = arith.constant 32 : i32
          %mul3A_1844 = arith.muli %scan3A_118, %mul3A_1843 : i32
          %add3A_1845 = arith.constant 2 : i32
          %add3A_1846 = arith.addi %mul3A_1844, %add3A_1845 : i32
          %get3A_1847 = arith.index_cast %add3A_1846 : i32 to index
          %get3A_1848 = arith.constant 96 : index
          %get3A_1849 = tpu.vector_load %arg4[%get3A_1847, %get3A_1848] {strides = array<i32>} : memref<160x128xf32, #tpu.memory_space<vmem>>, vector<1x16xf32>,
          %get3A_1850 = vector.shape_cast %get3A_1849 : vector<1x16xf32> to vector<16xf32>
          %add3A_1851 = arith.addf %add3A_1842, %get3A_1850 : vector<16xf32>
          %mul3A_1852 = arith.constant 32 : i32
          %mul3A_1853 = arith.muli %scan3A_118, %mul3A_1852 : i32
          %add3A_1854 = arith.constant 3 : i32
          %add3A_1855 = arith.addi %mul3A_1853, %add3A_1854 : i32
          %get3A_1856 = arith.index_cast %add3A_1855 : i32 to index
          %get3A_1857 = arith.constant 96 : index
          %get3A_1858 = tpu.vector_load %arg4[%get3A_1856, %get3A_1857] {strides = array<i32>} : memref<160x128xf32, #tpu.memory_space<vmem>>, vector<1x16xf32>,
          %get3A_1859 = vector.shape_cast %get3A_1858 : vector<1x16xf32> to vector<16xf32>
          %add3A_1860 = arith.addf %add3A_1851, %get3A_1859 : vector<16xf32>
          %mul3A_1861 = arith.constant 32 : i32
          %mul3A_1862 = arith.muli %scan3A_118, %mul3A_1861 : i32
          %add3A_1863 = arith.constant 4 : i32
          %add3A_1864 = arith.addi %mul3A_1862, %add3A_1863 : i32
          %get3A_1865 = arith.index_cast %add3A_1864 : i32 to index
          %get3A_1866 = arith.constant 96 : index
          %get3A_1867 = tpu.vector_load %arg4[%get3A_1865, %get3A_1866] {strides = array<i32>} : memref<160x128xf32, #tpu.memory_space<vmem>>, vector<1x16xf32>,
          %get3A_1868 = vector.shape_cast %get3A_1867 : vector<1x16xf32> to vector<16xf32>
          %add3A_1869 = arith.addf %add3A_1860, %get3A_1868 : vector<16xf32>
          %mul3A_1870 = arith.constant 32 : i32
          %mul3A_1871 = arith.muli %scan3A_118, %mul3A_1870 : i32
          %add3A_1872 = arith.constant 5 : i32
          %add3A_1873 = arith.addi %mul3A_1871, %add3A_1872 : i32
          %get3A_1874 = arith.index_cast %add3A_1873 : i32 to index
          %get3A_1875 = arith.constant 96 : index
          %get3A_1876 = tpu.vector_load %arg4[%get3A_1874, %get3A_1875] {strides = array<i32>} : memref<160x128xf32, #tpu.memory_space<vmem>>, vector<1x16xf32>,
          %get3A_1877 = vector.shape_cast %get3A_1876 : vector<1x16xf32> to vector<16xf32>
          %add3A_1878 = arith.addf %add3A_1869, %get3A_1877 : vector<16xf32>
          %mul3A_1879 = arith.constant 32 : i32
          %mul3A_1880 = arith.muli %scan3A_118, %mul3A_1879 : i32
          %add3A_1881 = arith.constant 6 : i32
          %add3A_1882 = arith.addi %mul3A_1880, %add3A_1881 : i32
          %get3A_1883 = arith.index_cast %add3A_1882 : i32 to index
          %get3A_1884 = arith.constant 96 : index
          %get3A_1885 = tpu.vector_load %arg4[%get3A_1883, %get3A_1884] {strides = array<i32>} : memref<160x128xf32, #tpu.memory_space<vmem>>, vector<1x16xf32>,
          %get3A_1886 = vector.shape_cast %get3A_1885 : vector<1x16xf32> to vector<16xf32>
          %add3A_1887 = arith.addf %add3A_1878, %get3A_1886 : vector<16xf32>
          %mul3A_1888 = arith.constant 32 : i32
          %mul3A_1889 = arith.muli %scan3A_118, %mul3A_1888 : i32
          %add3A_1890 = arith.constant 7 : i32
          %add3A_1891 = arith.addi %mul3A_1889, %add3A_1890 : i32
          %get3A_1892 = arith.index_cast %add3A_1891 : i32 to index
          %get3A_1893 = arith.constant 96 : index
          %get3A_1894 = tpu.vector_load %arg4[%get3A_1892, %get3A_1893] {strides = array<i32>} : memref<160x128xf32, #tpu.memory_space<vmem>>, vector<1x16xf32>,
          %get3A_1895 = vector.shape_cast %get3A_1894 : vector<1x16xf32> to vector<16xf32>
          %add3A_1896 = arith.addf %add3A_1887, %get3A_1895 : vector<16xf32>
          %mul3A_1897 = arith.constant 32 : i32
          %mul3A_1898 = arith.muli %scan3A_118, %mul3A_1897 : i32
          %add3A_1899 = arith.constant 8 : i32
          %add3A_1900 = arith.addi %mul3A_1898, %add3A_1899 : i32
          %get3A_1901 = arith.index_cast %add3A_1900 : i32 to index
          %get3A_1902 = arith.constant 96 : index
          %get3A_1903 = tpu.vector_load %arg4[%get3A_1901, %get3A_1902] {strides = array<i32>} : memref<160x128xf32, #tpu.memory_space<vmem>>, vector<1x16xf32>,
          %get3A_1904 = vector.shape_cast %get3A_1903 : vector<1x16xf32> to vector<16xf32>
          %add3A_1905 = arith.addf %add3A_1896, %get3A_1904 : vector<16xf32>
          %mul3A_1906 = arith.constant 32 : i32
          %mul3A_1907 = arith.muli %scan3A_118, %mul3A_1906 : i32
          %add3A_1908 = arith.constant 9 : i32
          %add3A_1909 = arith.addi %mul3A_1907, %add3A_1908 : i32
          %get3A_1910 = arith.index_cast %add3A_1909 : i32 to index
          %get3A_1911 = arith.constant 96 : index
          %get3A_1912 = tpu.vector_load %arg4[%get3A_1910, %get3A_1911] {strides = array<i32>} : memref<160x128xf32, #tpu.memory_space<vmem>>, vector<1x16xf32>,
          %get3A_1913 = vector.shape_cast %get3A_1912 : vector<1x16xf32> to vector<16xf32>
          %add3A_1914 = arith.addf %add3A_1905, %get3A_1913 : vector<16xf32>
          %mul3A_1915 = arith.constant 32 : i32
          %mul3A_1916 = arith.muli %scan3A_118, %mul3A_1915 : i32
          %add3A_1917 = arith.constant 10 : i32
          %add3A_1918 = arith.addi %mul3A_1916, %add3A_1917 : i32
          %get3A_1919 = arith.index_cast %add3A_1918 : i32 to index
          %get3A_1920 = arith.constant 96 : index
          %get3A_1921 = tpu.vector_load %arg4[%get3A_1919, %get3A_1920] {strides = array<i32>} : memref<160x128xf32, #tpu.memory_space<vmem>>, vector<1x16xf32>,
          %get3A_1922 = vector.shape_cast %get3A_1921 : vector<1x16xf32> to vector<16xf32>
          %add3A_1923 = arith.addf %add3A_1914, %get3A_1922 : vector<16xf32>
          %mul3A_1924 = arith.constant 32 : i32
          %mul3A_1925 = arith.muli %scan3A_118, %mul3A_1924 : i32
          %add3A_1926 = arith.constant 11 : i32
          %add3A_1927 = arith.addi %mul3A_1925, %add3A_1926 : i32
          %get3A_1928 = arith.index_cast %add3A_1927 : i32 to index
          %get3A_1929 = arith.constant 96 : index
          %get3A_1930 = tpu.vector_load %arg4[%get3A_1928, %get3A_1929] {strides = array<i32>} : memref<160x128xf32, #tpu.memory_space<vmem>>, vector<1x16xf32>,
          %get3A_1931 = vector.shape_cast %get3A_1930 : vector<1x16xf32> to vector<16xf32>
          %add3A_1932 = arith.addf %add3A_1923, %get3A_1931 : vector<16xf32>
          %mul3A_1933 = arith.constant 32 : i32
          %mul3A_1934 = arith.muli %scan3A_118, %mul3A_1933 : i32
          %add3A_1935 = arith.constant 12 : i32
          %add3A_1936 = arith.addi %mul3A_1934, %add3A_1935 : i32
          %get3A_1937 = arith.index_cast %add3A_1936 : i32 to index
          %get3A_1938 = arith.constant 96 : index
          %get3A_1939 = tpu.vector_load %arg4[%get3A_1937, %get3A_1938] {strides = array<i32>} : memref<160x128xf32, #tpu.memory_space<vmem>>, vector<1x16xf32>,
          %get3A_1940 = vector.shape_cast %get3A_1939 : vector<1x16xf32> to vector<16xf32>
          %add3A_1941 = arith.addf %add3A_1932, %get3A_1940 : vector<16xf32>
          %mul3A_1942 = arith.constant 32 : i32
          %mul3A_1943 = arith.muli %scan3A_118, %mul3A_1942 : i32
          %add3A_1944 = arith.constant 13 : i32
          %add3A_1945 = arith.addi %mul3A_1943, %add3A_1944 : i32
          %get3A_1946 = arith.index_cast %add3A_1945 : i32 to index
          %get3A_1947 = arith.constant 96 : index
          %get3A_1948 = tpu.vector_load %arg4[%get3A_1946, %get3A_1947] {strides = array<i32>} : memref<160x128xf32, #tpu.memory_space<vmem>>, vector<1x16xf32>,
          %get3A_1949 = vector.shape_cast %get3A_1948 : vector<1x16xf32> to vector<16xf32>
          %add3A_1950 = arith.addf %add3A_1941, %get3A_1949 : vector<16xf32>
          %mul3A_1951 = arith.constant 32 : i32
          %mul3A_1952 = arith.muli %scan3A_118, %mul3A_1951 : i32
          %add3A_1953 = arith.constant 14 : i32
          %add3A_1954 = arith.addi %mul3A_1952, %add3A_1953 : i32
          %get3A_1955 = arith.index_cast %add3A_1954 : i32 to index
          %get3A_1956 = arith.constant 96 : index
          %get3A_1957 = tpu.vector_load %arg4[%get3A_1955, %get3A_1956] {strides = array<i32>} : memref<160x128xf32, #tpu.memory_space<vmem>>, vector<1x16xf32>,
          %get3A_1958 = vector.shape_cast %get3A_1957 : vector<1x16xf32> to vector<16xf32>
          %add3A_1959 = arith.addf %add3A_1950, %get3A_1958 : vector<16xf32>
          %mul3A_1960 = arith.constant 32 : i32
          %mul3A_1961 = arith.muli %scan3A_118, %mul3A_1960 : i32
          %add3A_1962 = arith.constant 15 : i32
          %add3A_1963 = arith.addi %mul3A_1961, %add3A_1962 : i32
          %get3A_1964 = arith.index_cast %add3A_1963 : i32 to index
          %get3A_1965 = arith.constant 96 : index
          %get3A_1966 = tpu.vector_load %arg4[%get3A_1964, %get3A_1965] {strides = array<i32>} : memref<160x128xf32, #tpu.memory_space<vmem>>, vector<1x16xf32>,
          %get3A_1967 = vector.shape_cast %get3A_1966 : vector<1x16xf32> to vector<16xf32>
          %add3A_1968 = arith.addf %add3A_1959, %get3A_1967 : vector<16xf32>
          %mul3A_1969 = arith.constant 32 : i32
          %mul3A_1970 = arith.muli %scan3A_118, %mul3A_1969 : i32
          %add3A_1971 = arith.constant 16 : i32
          %add3A_1972 = arith.addi %mul3A_1970, %add3A_1971 : i32
          %get3A_1973 = arith.index_cast %add3A_1972 : i32 to index
          %get3A_1974 = arith.constant 96 : index
          %get3A_1975 = tpu.vector_load %arg4[%get3A_1973, %get3A_1974] {strides = array<i32>} : memref<160x128xf32, #tpu.memory_space<vmem>>, vector<1x16xf32>,
          %get3A_1976 = vector.shape_cast %get3A_1975 : vector<1x16xf32> to vector<16xf32>
          %add3A_1977 = arith.addf %add3A_1968, %get3A_1976 : vector<16xf32>
          %mul3A_1978 = arith.constant 32 : i32
          %mul3A_1979 = arith.muli %scan3A_118, %mul3A_1978 : i32
          %add3A_1980 = arith.constant 17 : i32
          %add3A_1981 = arith.addi %mul3A_1979, %add3A_1980 : i32
          %get3A_1982 = arith.index_cast %add3A_1981 : i32 to index
          %get3A_1983 = arith.constant 96 : index
          %get3A_1984 = tpu.vector_load %arg4[%get3A_1982, %get3A_1983] {strides = array<i32>} : memref<160x128xf32, #tpu.memory_space<vmem>>, vector<1x16xf32>,
          %get3A_1985 = vector.shape_cast %get3A_1984 : vector<1x16xf32> to vector<16xf32>
          %add3A_1986 = arith.addf %add3A_1977, %get3A_1985 : vector<16xf32>
          %mul3A_1987 = arith.constant 32 : i32
          %mul3A_1988 = arith.muli %scan3A_118, %mul3A_1987 : i32
          %add3A_1989 = arith.constant 18 : i32
          %add3A_1990 = arith.addi %mul3A_1988, %add3A_1989 : i32
          %get3A_1991 = arith.index_cast %add3A_1990 : i32 to index
          %get3A_1992 = arith.constant 96 : index
          %get3A_1993 = tpu.vector_load %arg4[%get3A_1991, %get3A_1992] {strides = array<i32>} : memref<160x128xf32, #tpu.memory_space<vmem>>, vector<1x16xf32>,
          %get3A_1994 = vector.shape_cast %get3A_1993 : vector<1x16xf32> to vector<16xf32>
          %add3A_1995 = arith.addf %add3A_1986, %get3A_1994 : vector<16xf32>
          %mul3A_1996 = arith.constant 32 : i32
          %mul3A_1997 = arith.muli %scan3A_118, %mul3A_1996 : i32
          %add3A_1998 = arith.constant 19 : i32
          %add3A_1999 = arith.addi %mul3A_1997, %add3A_1998 : i32
          %get3A_2000 = arith.index_cast %add3A_1999 : i32 to index
          %get3A_2001 = arith.constant 96 : index
          %get3A_2002 = tpu.vector_load %arg4[%get3A_2000, %get3A_2001] {strides = array<i32>} : memref<160x128xf32, #tpu.memory_space<vmem>>, vector<1x16xf32>,
          %get3A_2003 = vector.shape_cast %get3A_2002 : vector<1x16xf32> to vector<16xf32>
          %add3A_2004 = arith.addf %add3A_1995, %get3A_2003 : vector<16xf32>
          %mul3A_2005 = arith.constant 32 : i32
          %mul3A_2006 = arith.muli %scan3A_118, %mul3A_2005 : i32
          %add3A_2007 = arith.constant 20 : i32
          %add3A_2008 = arith.addi %mul3A_2006, %add3A_2007 : i32
          %get3A_2009 = arith.index_cast %add3A_2008 : i32 to index
          %get3A_2010 = arith.constant 96 : index
          %get3A_2011 = tpu.vector_load %arg4[%get3A_2009, %get3A_2010] {strides = array<i32>} : memref<160x128xf32, #tpu.memory_space<vmem>>, vector<1x16xf32>,
          %get3A_2012 = vector.shape_cast %get3A_2011 : vector<1x16xf32> to vector<16xf32>
          %add3A_2013 = arith.addf %add3A_2004, %get3A_2012 : vector<16xf32>
          %mul3A_2014 = arith.constant 32 : i32
          %mul3A_2015 = arith.muli %scan3A_118, %mul3A_2014 : i32
          %add3A_2016 = arith.constant 21 : i32
          %add3A_2017 = arith.addi %mul3A_2015, %add3A_2016 : i32
          %get3A_2018 = arith.index_cast %add3A_2017 : i32 to index
          %get3A_2019 = arith.constant 96 : index
          %get3A_2020 = tpu.vector_load %arg4[%get3A_2018, %get3A_2019] {strides = array<i32>} : memref<160x128xf32, #tpu.memory_space<vmem>>, vector<1x16xf32>,
          %get3A_2021 = vector.shape_cast %get3A_2020 : vector<1x16xf32> to vector<16xf32>
          %add3A_2022 = arith.addf %add3A_2013, %get3A_2021 : vector<16xf32>
          %mul3A_2023 = arith.constant 32 : i32
          %mul3A_2024 = arith.muli %scan3A_118, %mul3A_2023 : i32
          %add3A_2025 = arith.constant 22 : i32
          %add3A_2026 = arith.addi %mul3A_2024, %add3A_2025 : i32
          %get3A_2027 = arith.index_cast %add3A_2026 : i32 to index
          %get3A_2028 = arith.constant 96 : index
          %get3A_2029 = tpu.vector_load %arg4[%get3A_2027, %get3A_2028] {strides = array<i32>} : memref<160x128xf32, #tpu.memory_space<vmem>>, vector<1x16xf32>,
          %get3A_2030 = vector.shape_cast %get3A_2029 : vector<1x16xf32> to vector<16xf32>
          %add3A_2031 = arith.addf %add3A_2022, %get3A_2030 : vector<16xf32>
          %mul3A_2032 = arith.constant 32 : i32
          %mul3A_2033 = arith.muli %scan3A_118, %mul3A_2032 : i32
          %add3A_2034 = arith.constant 23 : i32
          %add3A_2035 = arith.addi %mul3A_2033, %add3A_2034 : i32
          %get3A_2036 = arith.index_cast %add3A_2035 : i32 to index
          %get3A_2037 = arith.constant 96 : index
          %get3A_2038 = tpu.vector_load %arg4[%get3A_2036, %get3A_2037] {strides = array<i32>} : memref<160x128xf32, #tpu.memory_space<vmem>>, vector<1x16xf32>,
          %get3A_2039 = vector.shape_cast %get3A_2038 : vector<1x16xf32> to vector<16xf32>
          %add3A_2040 = arith.addf %add3A_2031, %get3A_2039 : vector<16xf32>
          %mul3A_2041 = arith.constant 32 : i32
          %mul3A_2042 = arith.muli %scan3A_118, %mul3A_2041 : i32
          %add3A_2043 = arith.constant 24 : i32
          %add3A_2044 = arith.addi %mul3A_2042, %add3A_2043 : i32
          %get3A_2045 = arith.index_cast %add3A_2044 : i32 to index
          %get3A_2046 = arith.constant 96 : index
          %get3A_2047 = tpu.vector_load %arg4[%get3A_2045, %get3A_2046] {strides = array<i32>} : memref<160x128xf32, #tpu.memory_space<vmem>>, vector<1x16xf32>,
          %get3A_2048 = vector.shape_cast %get3A_2047 : vector<1x16xf32> to vector<16xf32>
          %add3A_2049 = arith.addf %add3A_2040, %get3A_2048 : vector<16xf32>
          %mul3A_2050 = arith.constant 32 : i32
          %mul3A_2051 = arith.muli %scan3A_118, %mul3A_2050 : i32
          %add3A_2052 = arith.constant 25 : i32
          %add3A_2053 = arith.addi %mul3A_2051, %add3A_2052 : i32
          %get3A_2054 = arith.index_cast %add3A_2053 : i32 to index
          %get3A_2055 = arith.constant 96 : index
          %get3A_2056 = tpu.vector_load %arg4[%get3A_2054, %get3A_2055] {strides = array<i32>} : memref<160x128xf32, #tpu.memory_space<vmem>>, vector<1x16xf32>,
          %get3A_2057 = vector.shape_cast %get3A_2056 : vector<1x16xf32> to vector<16xf32>
          %add3A_2058 = arith.addf %add3A_2049, %get3A_2057 : vector<16xf32>
          %mul3A_2059 = arith.constant 32 : i32
          %mul3A_2060 = arith.muli %scan3A_118, %mul3A_2059 : i32
          %add3A_2061 = arith.constant 26 : i32
          %add3A_2062 = arith.addi %mul3A_2060, %add3A_2061 : i32
          %get3A_2063 = arith.index_cast %add3A_2062 : i32 to index
          %get3A_2064 = arith.constant 96 : index
          %get3A_2065 = tpu.vector_load %arg4[%get3A_2063, %get3A_2064] {strides = array<i32>} : memref<160x128xf32, #tpu.memory_space<vmem>>, vector<1x16xf32>,
          %get3A_2066 = vector.shape_cast %get3A_2065 : vector<1x16xf32> to vector<16xf32>
          %add3A_2067 = arith.addf %add3A_2058, %get3A_2066 : vector<16xf32>
          %mul3A_2068 = arith.constant 32 : i32
          %mul3A_2069 = arith.muli %scan3A_118, %mul3A_2068 : i32
          %add3A_2070 = arith.constant 27 : i32
          %add3A_2071 = arith.addi %mul3A_2069, %add3A_2070 : i32
          %get3A_2072 = arith.index_cast %add3A_2071 : i32 to index
          %get3A_2073 = arith.constant 96 : index
          %get3A_2074 = tpu.vector_load %arg4[%get3A_2072, %get3A_2073] {strides = array<i32>} : memref<160x128xf32, #tpu.memory_space<vmem>>, vector<1x16xf32>,
          %get3A_2075 = vector.shape_cast %get3A_2074 : vector<1x16xf32> to vector<16xf32>
          %add3A_2076 = arith.addf %add3A_2067, %get3A_2075 : vector<16xf32>
          %mul3A_2077 = arith.constant 32 : i32
          %mul3A_2078 = arith.muli %scan3A_118, %mul3A_2077 : i32
          %add3A_2079 = arith.constant 28 : i32
          %add3A_2080 = arith.addi %mul3A_2078, %add3A_2079 : i32
          %get3A_2081 = arith.index_cast %add3A_2080 : i32 to index
          %get3A_2082 = arith.constant 96 : index
          %get3A_2083 = tpu.vector_load %arg4[%get3A_2081, %get3A_2082] {strides = array<i32>} : memref<160x128xf32, #tpu.memory_space<vmem>>, vector<1x16xf32>,
          %get3A_2084 = vector.shape_cast %get3A_2083 : vector<1x16xf32> to vector<16xf32>
          %add3A_2085 = arith.addf %add3A_2076, %get3A_2084 : vector<16xf32>
          %mul3A_2086 = arith.constant 32 : i32
          %mul3A_2087 = arith.muli %scan3A_118, %mul3A_2086 : i32
          %add3A_2088 = arith.constant 29 : i32
          %add3A_2089 = arith.addi %mul3A_2087, %add3A_2088 : i32
          %get3A_2090 = arith.index_cast %add3A_2089 : i32 to index
          %get3A_2091 = arith.constant 96 : index
          %get3A_2092 = tpu.vector_load %arg4[%get3A_2090, %get3A_2091] {strides = array<i32>} : memref<160x128xf32, #tpu.memory_space<vmem>>, vector<1x16xf32>,
          %get3A_2093 = vector.shape_cast %get3A_2092 : vector<1x16xf32> to vector<16xf32>
          %add3A_2094 = arith.addf %add3A_2085, %get3A_2093 : vector<16xf32>
          %mul3A_2095 = arith.constant 32 : i32
          %mul3A_2096 = arith.muli %scan3A_118, %mul3A_2095 : i32
          %add3A_2097 = arith.constant 30 : i32
          %add3A_2098 = arith.addi %mul3A_2096, %add3A_2097 : i32
          %get3A_2099 = arith.index_cast %add3A_2098 : i32 to index
          %get3A_2100 = arith.constant 96 : index
          %get3A_2101 = tpu.vector_load %arg4[%get3A_2099, %get3A_2100] {strides = array<i32>} : memref<160x128xf32, #tpu.memory_space<vmem>>, vector<1x16xf32>,
          %get3A_2102 = vector.shape_cast %get3A_2101 : vector<1x16xf32> to vector<16xf32>
          %add3A_2103 = arith.addf %add3A_2094, %get3A_2102 : vector<16xf32>
          %mul3A_2104 = arith.constant 32 : i32
          %mul3A_2105 = arith.muli %scan3A_118, %mul3A_2104 : i32
          %add3A_2106 = arith.constant 31 : i32
          %add3A_2107 = arith.addi %mul3A_2105, %add3A_2106 : i32
          %get3A_2108 = arith.index_cast %add3A_2107 : i32 to index
          %get3A_2109 = arith.constant 96 : index
          %get3A_2110 = tpu.vector_load %arg4[%get3A_2108, %get3A_2109] {strides = array<i32>} : memref<160x128xf32, #tpu.memory_space<vmem>>, vector<1x16xf32>,
          %get3A_2111 = vector.shape_cast %get3A_2110 : vector<1x16xf32> to vector<16xf32>
          %add3A_2112 = arith.addf %add3A_2103, %get3A_2111 : vector<16xf32>
          %mul3A_2113 = arith.constant 32 : i32
          %mul3A_2114 = arith.muli %scan3A_118, %mul3A_2113 : i32
          %get3A_2115 = arith.index_cast %mul3A_2114 : i32 to index
          %get3A_2116 = arith.constant 112 : index
          %get3A_2117 = tpu.vector_load %arg4[%get3A_2115, %get3A_2116] {strides = array<i32>} : memref<160x128xf32, #tpu.memory_space<vmem>>, vector<1x16xf32>,
          %get3A_2118 = vector.shape_cast %get3A_2117 : vector<1x16xf32> to vector<16xf32>
          %mul3A_2119 = arith.constant 32 : i32
          %mul3A_2120 = arith.muli %scan3A_118, %mul3A_2119 : i32
          %add3A_2121 = arith.constant 1 : i32
          %add3A_2122 = arith.addi %mul3A_2120, %add3A_2121 : i32
          %get3A_2123 = arith.index_cast %add3A_2122 : i32 to index
          %get3A_2124 = arith.constant 112 : index
          %get3A_2125 = tpu.vector_load %arg4[%get3A_2123, %get3A_2124] {strides = array<i32>} : memref<160x128xf32, #tpu.memory_space<vmem>>, vector<1x16xf32>,
          %get3A_2126 = vector.shape_cast %get3A_2125 : vector<1x16xf32> to vector<16xf32>
          %add3A_2127 = arith.addf %get3A_2118, %get3A_2126 : vector<16xf32>
          %mul3A_2128 = arith.constant 32 : i32
          %mul3A_2129 = arith.muli %scan3A_118, %mul3A_2128 : i32
          %add3A_2130 = arith.constant 2 : i32
          %add3A_2131 = arith.addi %mul3A_2129, %add3A_2130 : i32
          %get3A_2132 = arith.index_cast %add3A_2131 : i32 to index
          %get3A_2133 = arith.constant 112 : index
          %get3A_2134 = tpu.vector_load %arg4[%get3A_2132, %get3A_2133] {strides = array<i32>} : memref<160x128xf32, #tpu.memory_space<vmem>>, vector<1x16xf32>,
          %get3A_2135 = vector.shape_cast %get3A_2134 : vector<1x16xf32> to vector<16xf32>
          %add3A_2136 = arith.addf %add3A_2127, %get3A_2135 : vector<16xf32>
          %mul3A_2137 = arith.constant 32 : i32
          %mul3A_2138 = arith.muli %scan3A_118, %mul3A_2137 : i32
          %add3A_2139 = arith.constant 3 : i32
          %add3A_2140 = arith.addi %mul3A_2138, %add3A_2139 : i32
          %get3A_2141 = arith.index_cast %add3A_2140 : i32 to index
          %get3A_2142 = arith.constant 112 : index
          %get3A_2143 = tpu.vector_load %arg4[%get3A_2141, %get3A_2142] {strides = array<i32>} : memref<160x128xf32, #tpu.memory_space<vmem>>, vector<1x16xf32>,
          %get3A_2144 = vector.shape_cast %get3A_2143 : vector<1x16xf32> to vector<16xf32>
          %add3A_2145 = arith.addf %add3A_2136, %get3A_2144 : vector<16xf32>
          %mul3A_2146 = arith.constant 32 : i32
          %mul3A_2147 = arith.muli %scan3A_118, %mul3A_2146 : i32
          %add3A_2148 = arith.constant 4 : i32
          %add3A_2149 = arith.addi %mul3A_2147, %add3A_2148 : i32
          %get3A_2150 = arith.index_cast %add3A_2149 : i32 to index
          %get3A_2151 = arith.constant 112 : index
          %get3A_2152 = tpu.vector_load %arg4[%get3A_2150, %get3A_2151] {strides = array<i32>} : memref<160x128xf32, #tpu.memory_space<vmem>>, vector<1x16xf32>,
          %get3A_2153 = vector.shape_cast %get3A_2152 : vector<1x16xf32> to vector<16xf32>
          %add3A_2154 = arith.addf %add3A_2145, %get3A_2153 : vector<16xf32>
          %mul3A_2155 = arith.constant 32 : i32
          %mul3A_2156 = arith.muli %scan3A_118, %mul3A_2155 : i32
          %add3A_2157 = arith.constant 5 : i32
          %add3A_2158 = arith.addi %mul3A_2156, %add3A_2157 : i32
          %get3A_2159 = arith.index_cast %add3A_2158 : i32 to index
          %get3A_2160 = arith.constant 112 : index
          %get3A_2161 = tpu.vector_load %arg4[%get3A_2159, %get3A_2160] {strides = array<i32>} : memref<160x128xf32, #tpu.memory_space<vmem>>, vector<1x16xf32>,
          %get3A_2162 = vector.shape_cast %get3A_2161 : vector<1x16xf32> to vector<16xf32>
          %add3A_2163 = arith.addf %add3A_2154, %get3A_2162 : vector<16xf32>
          %mul3A_2164 = arith.constant 32 : i32
          %mul3A_2165 = arith.muli %scan3A_118, %mul3A_2164 : i32
          %add3A_2166 = arith.constant 6 : i32
          %add3A_2167 = arith.addi %mul3A_2165, %add3A_2166 : i32
          %get3A_2168 = arith.index_cast %add3A_2167 : i32 to index
          %get3A_2169 = arith.constant 112 : index
          %get3A_2170 = tpu.vector_load %arg4[%get3A_2168, %get3A_2169] {strides = array<i32>} : memref<160x128xf32, #tpu.memory_space<vmem>>, vector<1x16xf32>,
          %get3A_2171 = vector.shape_cast %get3A_2170 : vector<1x16xf32> to vector<16xf32>
          %add3A_2172 = arith.addf %add3A_2163, %get3A_2171 : vector<16xf32>
          %mul3A_2173 = arith.constant 32 : i32
          %mul3A_2174 = arith.muli %scan3A_118, %mul3A_2173 : i32
          %add3A_2175 = arith.constant 7 : i32
          %add3A_2176 = arith.addi %mul3A_2174, %add3A_2175 : i32
          %get3A_2177 = arith.index_cast %add3A_2176 : i32 to index
          %get3A_2178 = arith.constant 112 : index
          %get3A_2179 = tpu.vector_load %arg4[%get3A_2177, %get3A_2178] {strides = array<i32>} : memref<160x128xf32, #tpu.memory_space<vmem>>, vector<1x16xf32>,
          %get3A_2180 = vector.shape_cast %get3A_2179 : vector<1x16xf32> to vector<16xf32>
          %add3A_2181 = arith.addf %add3A_2172, %get3A_2180 : vector<16xf32>
          %mul3A_2182 = arith.constant 32 : i32
          %mul3A_2183 = arith.muli %scan3A_118, %mul3A_2182 : i32
          %add3A_2184 = arith.constant 8 : i32
          %add3A_2185 = arith.addi %mul3A_2183, %add3A_2184 : i32
          %get3A_2186 = arith.index_cast %add3A_2185 : i32 to index
          %get3A_2187 = arith.constant 112 : index
          %get3A_2188 = tpu.vector_load %arg4[%get3A_2186, %get3A_2187] {strides = array<i32>} : memref<160x128xf32, #tpu.memory_space<vmem>>, vector<1x16xf32>,
          %get3A_2189 = vector.shape_cast %get3A_2188 : vector<1x16xf32> to vector<16xf32>
          %add3A_2190 = arith.addf %add3A_2181, %get3A_2189 : vector<16xf32>
          %mul3A_2191 = arith.constant 32 : i32
          %mul3A_2192 = arith.muli %scan3A_118, %mul3A_2191 : i32
          %add3A_2193 = arith.constant 9 : i32
          %add3A_2194 = arith.addi %mul3A_2192, %add3A_2193 : i32
          %get3A_2195 = arith.index_cast %add3A_2194 : i32 to index
          %get3A_2196 = arith.constant 112 : index
          %get3A_2197 = tpu.vector_load %arg4[%get3A_2195, %get3A_2196] {strides = array<i32>} : memref<160x128xf32, #tpu.memory_space<vmem>>, vector<1x16xf32>,
          %get3A_2198 = vector.shape_cast %get3A_2197 : vector<1x16xf32> to vector<16xf32>
          %add3A_2199 = arith.addf %add3A_2190, %get3A_2198 : vector<16xf32>
          %mul3A_2200 = arith.constant 32 : i32
          %mul3A_2201 = arith.muli %scan3A_118, %mul3A_2200 : i32
          %add3A_2202 = arith.constant 10 : i32
          %add3A_2203 = arith.addi %mul3A_2201, %add3A_2202 : i32
          %get3A_2204 = arith.index_cast %add3A_2203 : i32 to index
          %get3A_2205 = arith.constant 112 : index
          %get3A_2206 = tpu.vector_load %arg4[%get3A_2204, %get3A_2205] {strides = array<i32>} : memref<160x128xf32, #tpu.memory_space<vmem>>, vector<1x16xf32>,
          %get3A_2207 = vector.shape_cast %get3A_2206 : vector<1x16xf32> to vector<16xf32>
          %add3A_2208 = arith.addf %add3A_2199, %get3A_2207 : vector<16xf32>
          %mul3A_2209 = arith.constant 32 : i32
          %mul3A_2210 = arith.muli %scan3A_118, %mul3A_2209 : i32
          %add3A_2211 = arith.constant 11 : i32
          %add3A_2212 = arith.addi %mul3A_2210, %add3A_2211 : i32
          %get3A_2213 = arith.index_cast %add3A_2212 : i32 to index
          %get3A_2214 = arith.constant 112 : index
          %get3A_2215 = tpu.vector_load %arg4[%get3A_2213, %get3A_2214] {strides = array<i32>} : memref<160x128xf32, #tpu.memory_space<vmem>>, vector<1x16xf32>,
          %get3A_2216 = vector.shape_cast %get3A_2215 : vector<1x16xf32> to vector<16xf32>
          %add3A_2217 = arith.addf %add3A_2208, %get3A_2216 : vector<16xf32>
          %mul3A_2218 = arith.constant 32 : i32
          %mul3A_2219 = arith.muli %scan3A_118, %mul3A_2218 : i32
          %add3A_2220 = arith.constant 12 : i32
          %add3A_2221 = arith.addi %mul3A_2219, %add3A_2220 : i32
          %get3A_2222 = arith.index_cast %add3A_2221 : i32 to index
          %get3A_2223 = arith.constant 112 : index
          %get3A_2224 = tpu.vector_load %arg4[%get3A_2222, %get3A_2223] {strides = array<i32>} : memref<160x128xf32, #tpu.memory_space<vmem>>, vector<1x16xf32>,
          %get3A_2225 = vector.shape_cast %get3A_2224 : vector<1x16xf32> to vector<16xf32>
          %add3A_2226 = arith.addf %add3A_2217, %get3A_2225 : vector<16xf32>
          %mul3A_2227 = arith.constant 32 : i32
          %mul3A_2228 = arith.muli %scan3A_118, %mul3A_2227 : i32
          %add3A_2229 = arith.constant 13 : i32
          %add3A_2230 = arith.addi %mul3A_2228, %add3A_2229 : i32
          %get3A_2231 = arith.index_cast %add3A_2230 : i32 to index
          %get3A_2232 = arith.constant 112 : index
          %get3A_2233 = tpu.vector_load %arg4[%get3A_2231, %get3A_2232] {strides = array<i32>} : memref<160x128xf32, #tpu.memory_space<vmem>>, vector<1x16xf32>,
          %get3A_2234 = vector.shape_cast %get3A_2233 : vector<1x16xf32> to vector<16xf32>
          %add3A_2235 = arith.addf %add3A_2226, %get3A_2234 : vector<16xf32>
          %mul3A_2236 = arith.constant 32 : i32
          %mul3A_2237 = arith.muli %scan3A_118, %mul3A_2236 : i32
          %add3A_2238 = arith.constant 14 : i32
          %add3A_2239 = arith.addi %mul3A_2237, %add3A_2238 : i32
          %get3A_2240 = arith.index_cast %add3A_2239 : i32 to index
          %get3A_2241 = arith.constant 112 : index
          %get3A_2242 = tpu.vector_load %arg4[%get3A_2240, %get3A_2241] {strides = array<i32>} : memref<160x128xf32, #tpu.memory_space<vmem>>, vector<1x16xf32>,
          %get3A_2243 = vector.shape_cast %get3A_2242 : vector<1x16xf32> to vector<16xf32>
          %add3A_2244 = arith.addf %add3A_2235, %get3A_2243 : vector<16xf32>
          %mul3A_2245 = arith.constant 32 : i32
          %mul3A_2246 = arith.muli %scan3A_118, %mul3A_2245 : i32
          %add3A_2247 = arith.constant 15 : i32
          %add3A_2248 = arith.addi %mul3A_2246, %add3A_2247 : i32
          %get3A_2249 = arith.index_cast %add3A_2248 : i32 to index
          %get3A_2250 = arith.constant 112 : index
          %get3A_2251 = tpu.vector_load %arg4[%get3A_2249, %get3A_2250] {strides = array<i32>} : memref<160x128xf32, #tpu.memory_space<vmem>>, vector<1x16xf32>,
          %get3A_2252 = vector.shape_cast %get3A_2251 : vector<1x16xf32> to vector<16xf32>
          %add3A_2253 = arith.addf %add3A_2244, %get3A_2252 : vector<16xf32>
          %mul3A_2254 = arith.constant 32 : i32
          %mul3A_2255 = arith.muli %scan3A_118, %mul3A_2254 : i32
          %add3A_2256 = arith.constant 16 : i32
          %add3A_2257 = arith.addi %mul3A_2255, %add3A_2256 : i32
          %get3A_2258 = arith.index_cast %add3A_2257 : i32 to index
          %get3A_2259 = arith.constant 112 : index
          %get3A_2260 = tpu.vector_load %arg4[%get3A_2258, %get3A_2259] {strides = array<i32>} : memref<160x128xf32, #tpu.memory_space<vmem>>, vector<1x16xf32>,
          %get3A_2261 = vector.shape_cast %get3A_2260 : vector<1x16xf32> to vector<16xf32>
          %add3A_2262 = arith.addf %add3A_2253, %get3A_2261 : vector<16xf32>
          %mul3A_2263 = arith.constant 32 : i32
          %mul3A_2264 = arith.muli %scan3A_118, %mul3A_2263 : i32
          %add3A_2265 = arith.constant 17 : i32
          %add3A_2266 = arith.addi %mul3A_2264, %add3A_2265 : i32
          %get3A_2267 = arith.index_cast %add3A_2266 : i32 to index
          %get3A_2268 = arith.constant 112 : index
          %get3A_2269 = tpu.vector_load %arg4[%get3A_2267, %get3A_2268] {strides = array<i32>} : memref<160x128xf32, #tpu.memory_space<vmem>>, vector<1x16xf32>,
          %get3A_2270 = vector.shape_cast %get3A_2269 : vector<1x16xf32> to vector<16xf32>
          %add3A_2271 = arith.addf %add3A_2262, %get3A_2270 : vector<16xf32>
          %mul3A_2272 = arith.constant 32 : i32
          %mul3A_2273 = arith.muli %scan3A_118, %mul3A_2272 : i32
          %add3A_2274 = arith.constant 18 : i32
          %add3A_2275 = arith.addi %mul3A_2273, %add3A_2274 : i32
          %get3A_2276 = arith.index_cast %add3A_2275 : i32 to index
          %get3A_2277 = arith.constant 112 : index
          %get3A_2278 = tpu.vector_load %arg4[%get3A_2276, %get3A_2277] {strides = array<i32>} : memref<160x128xf32, #tpu.memory_space<vmem>>, vector<1x16xf32>,
          %get3A_2279 = vector.shape_cast %get3A_2278 : vector<1x16xf32> to vector<16xf32>
          %add3A_2280 = arith.addf %add3A_2271, %get3A_2279 : vector<16xf32>
          %mul3A_2281 = arith.constant 32 : i32
          %mul3A_2282 = arith.muli %scan3A_118, %mul3A_2281 : i32
          %add3A_2283 = arith.constant 19 : i32
          %add3A_2284 = arith.addi %mul3A_2282, %add3A_2283 : i32
          %get3A_2285 = arith.index_cast %add3A_2284 : i32 to index
          %get3A_2286 = arith.constant 112 : index
          %get3A_2287 = tpu.vector_load %arg4[%get3A_2285, %get3A_2286] {strides = array<i32>} : memref<160x128xf32, #tpu.memory_space<vmem>>, vector<1x16xf32>,
          %get3A_2288 = vector.shape_cast %get3A_2287 : vector<1x16xf32> to vector<16xf32>
          %add3A_2289 = arith.addf %add3A_2280, %get3A_2288 : vector<16xf32>
          %mul3A_2290 = arith.constant 32 : i32
          %mul3A_2291 = arith.muli %scan3A_118, %mul3A_2290 : i32
          %add3A_2292 = arith.constant 20 : i32
          %add3A_2293 = arith.addi %mul3A_2291, %add3A_2292 : i32
          %get3A_2294 = arith.index_cast %add3A_2293 : i32 to index
          %get3A_2295 = arith.constant 112 : index
          %get3A_2296 = tpu.vector_load %arg4[%get3A_2294, %get3A_2295] {strides = array<i32>} : memref<160x128xf32, #tpu.memory_space<vmem>>, vector<1x16xf32>,
          %get3A_2297 = vector.shape_cast %get3A_2296 : vector<1x16xf32> to vector<16xf32>
          %add3A_2298 = arith.addf %add3A_2289, %get3A_2297 : vector<16xf32>
          %mul3A_2299 = arith.constant 32 : i32
          %mul3A_2300 = arith.muli %scan3A_118, %mul3A_2299 : i32
          %add3A_2301 = arith.constant 21 : i32
          %add3A_2302 = arith.addi %mul3A_2300, %add3A_2301 : i32
          %get3A_2303 = arith.index_cast %add3A_2302 : i32 to index
          %get3A_2304 = arith.constant 112 : index
          %get3A_2305 = tpu.vector_load %arg4[%get3A_2303, %get3A_2304] {strides = array<i32>} : memref<160x128xf32, #tpu.memory_space<vmem>>, vector<1x16xf32>,
          %get3A_2306 = vector.shape_cast %get3A_2305 : vector<1x16xf32> to vector<16xf32>
          %add3A_2307 = arith.addf %add3A_2298, %get3A_2306 : vector<16xf32>
          %mul3A_2308 = arith.constant 32 : i32
          %mul3A_2309 = arith.muli %scan3A_118, %mul3A_2308 : i32
          %add3A_2310 = arith.constant 22 : i32
          %add3A_2311 = arith.addi %mul3A_2309, %add3A_2310 : i32
          %get3A_2312 = arith.index_cast %add3A_2311 : i32 to index
          %get3A_2313 = arith.constant 112 : index
          %get3A_2314 = tpu.vector_load %arg4[%get3A_2312, %get3A_2313] {strides = array<i32>} : memref<160x128xf32, #tpu.memory_space<vmem>>, vector<1x16xf32>,
          %get3A_2315 = vector.shape_cast %get3A_2314 : vector<1x16xf32> to vector<16xf32>
          %add3A_2316 = arith.addf %add3A_2307, %get3A_2315 : vector<16xf32>
          %mul3A_2317 = arith.constant 32 : i32
          %mul3A_2318 = arith.muli %scan3A_118, %mul3A_2317 : i32
          %add3A_2319 = arith.constant 23 : i32
          %add3A_2320 = arith.addi %mul3A_2318, %add3A_2319 : i32
          %get3A_2321 = arith.index_cast %add3A_2320 : i32 to index
          %get3A_2322 = arith.constant 112 : index
          %get3A_2323 = tpu.vector_load %arg4[%get3A_2321, %get3A_2322] {strides = array<i32>} : memref<160x128xf32, #tpu.memory_space<vmem>>, vector<1x16xf32>,
          %get3A_2324 = vector.shape_cast %get3A_2323 : vector<1x16xf32> to vector<16xf32>
          %add3A_2325 = arith.addf %add3A_2316, %get3A_2324 : vector<16xf32>
          %mul3A_2326 = arith.constant 32 : i32
          %mul3A_2327 = arith.muli %scan3A_118, %mul3A_2326 : i32
          %add3A_2328 = arith.constant 24 : i32
          %add3A_2329 = arith.addi %mul3A_2327, %add3A_2328 : i32
          %get3A_2330 = arith.index_cast %add3A_2329 : i32 to index
          %get3A_2331 = arith.constant 112 : index
          %get3A_2332 = tpu.vector_load %arg4[%get3A_2330, %get3A_2331] {strides = array<i32>} : memref<160x128xf32, #tpu.memory_space<vmem>>, vector<1x16xf32>,
          %get3A_2333 = vector.shape_cast %get3A_2332 : vector<1x16xf32> to vector<16xf32>
          %add3A_2334 = arith.addf %add3A_2325, %get3A_2333 : vector<16xf32>
          %mul3A_2335 = arith.constant 32 : i32
          %mul3A_2336 = arith.muli %scan3A_118, %mul3A_2335 : i32
          %add3A_2337 = arith.constant 25 : i32
          %add3A_2338 = arith.addi %mul3A_2336, %add3A_2337 : i32
          %get3A_2339 = arith.index_cast %add3A_2338 : i32 to index
          %get3A_2340 = arith.constant 112 : index
          %get3A_2341 = tpu.vector_load %arg4[%get3A_2339, %get3A_2340] {strides = array<i32>} : memref<160x128xf32, #tpu.memory_space<vmem>>, vector<1x16xf32>,
          %get3A_2342 = vector.shape_cast %get3A_2341 : vector<1x16xf32> to vector<16xf32>
          %add3A_2343 = arith.addf %add3A_2334, %get3A_2342 : vector<16xf32>
          %mul3A_2344 = arith.constant 32 : i32
          %mul3A_2345 = arith.muli %scan3A_118, %mul3A_2344 : i32
          %add3A_2346 = arith.constant 26 : i32
          %add3A_2347 = arith.addi %mul3A_2345, %add3A_2346 : i32
          %get3A_2348 = arith.index_cast %add3A_2347 : i32 to index
          %get3A_2349 = arith.constant 112 : index
          %get3A_2350 = tpu.vector_load %arg4[%get3A_2348, %get3A_2349] {strides = array<i32>} : memref<160x128xf32, #tpu.memory_space<vmem>>, vector<1x16xf32>,
          %get3A_2351 = vector.shape_cast %get3A_2350 : vector<1x16xf32> to vector<16xf32>
          %add3A_2352 = arith.addf %add3A_2343, %get3A_2351 : vector<16xf32>
          %mul3A_2353 = arith.constant 32 : i32
          %mul3A_2354 = arith.muli %scan3A_118, %mul3A_2353 : i32
          %add3A_2355 = arith.constant 27 : i32
          %add3A_2356 = arith.addi %mul3A_2354, %add3A_2355 : i32
          %get3A_2357 = arith.index_cast %add3A_2356 : i32 to index
          %get3A_2358 = arith.constant 112 : index
          %get3A_2359 = tpu.vector_load %arg4[%get3A_2357, %get3A_2358] {strides = array<i32>} : memref<160x128xf32, #tpu.memory_space<vmem>>, vector<1x16xf32>,
          %get3A_2360 = vector.shape_cast %get3A_2359 : vector<1x16xf32> to vector<16xf32>
          %add3A_2361 = arith.addf %add3A_2352, %get3A_2360 : vector<16xf32>
          %mul3A_2362 = arith.constant 32 : i32
          %mul3A_2363 = arith.muli %scan3A_118, %mul3A_2362 : i32
          %add3A_2364 = arith.constant 28 : i32
          %add3A_2365 = arith.addi %mul3A_2363, %add3A_2364 : i32
          %get3A_2366 = arith.index_cast %add3A_2365 : i32 to index
          %get3A_2367 = arith.constant 112 : index
          %get3A_2368 = tpu.vector_load %arg4[%get3A_2366, %get3A_2367] {strides = array<i32>} : memref<160x128xf32, #tpu.memory_space<vmem>>, vector<1x16xf32>,
          %get3A_2369 = vector.shape_cast %get3A_2368 : vector<1x16xf32> to vector<16xf32>
          %add3A_2370 = arith.addf %add3A_2361, %get3A_2369 : vector<16xf32>
          %mul3A_2371 = arith.constant 32 : i32
          %mul3A_2372 = arith.muli %scan3A_118, %mul3A_2371 : i32
          %add3A_2373 = arith.constant 29 : i32
          %add3A_2374 = arith.addi %mul3A_2372, %add3A_2373 : i32
          %get3A_2375 = arith.index_cast %add3A_2374 : i32 to index
          %get3A_2376 = arith.constant 112 : index
          %get3A_2377 = tpu.vector_load %arg4[%get3A_2375, %get3A_2376] {strides = array<i32>} : memref<160x128xf32, #tpu.memory_space<vmem>>, vector<1x16xf32>,
          %get3A_2378 = vector.shape_cast %get3A_2377 : vector<1x16xf32> to vector<16xf32>
          %add3A_2379 = arith.addf %add3A_2370, %get3A_2378 : vector<16xf32>
          %mul3A_2380 = arith.constant 32 : i32
          %mul3A_2381 = arith.muli %scan3A_118, %mul3A_2380 : i32
          %add3A_2382 = arith.constant 30 : i32
          %add3A_2383 = arith.addi %mul3A_2381, %add3A_2382 : i32
          %get3A_2384 = arith.index_cast %add3A_2383 : i32 to index
          %get3A_2385 = arith.constant 112 : index
          %get3A_2386 = tpu.vector_load %arg4[%get3A_2384, %get3A_2385] {strides = array<i32>} : memref<160x128xf32, #tpu.memory_space<vmem>>, vector<1x16xf32>,
          %get3A_2387 = vector.shape_cast %get3A_2386 : vector<1x16xf32> to vector<16xf32>
          %add3A_2388 = arith.addf %add3A_2379, %get3A_2387 : vector<16xf32>
          %mul3A_2389 = arith.constant 32 : i32
          %mul3A_2390 = arith.muli %scan3A_118, %mul3A_2389 : i32
          %add3A_2391 = arith.constant 31 : i32
          %add3A_2392 = arith.addi %mul3A_2390, %add3A_2391 : i32
          %get3A_2393 = arith.index_cast %add3A_2392 : i32 to index
          %get3A_2394 = arith.constant 112 : index
          %get3A_2395 = tpu.vector_load %arg4[%get3A_2393, %get3A_2394] {strides = array<i32>} : memref<160x128xf32, #tpu.memory_space<vmem>>, vector<1x16xf32>,
          %get3A_2396 = vector.shape_cast %get3A_2395 : vector<1x16xf32> to vector<16xf32>
          %add3A_2397 = arith.addf %add3A_2388, %get3A_2396 : vector<16xf32>
          %swap3A = arith.index_cast %scan3A_118 : i32 to index
          %swap3A_2398 = arith.constant 0 : index
          %swap3A_2399 = tpu.vector_load %arg6[%swap3A, %swap3A_2398] {strides = array<i32>} : memref<5x128xf32, #tpu.memory_space<vmem>>, vector<1x16xf32>,
          %swap3A_2400 = vector.shape_cast %swap3A_2399 : vector<1x16xf32> to vector<16xf32>
          %swap3A_2401 = vector.shape_cast %add3A_402 : vector<16xf32> to vector<1x16xf32>
          tpu.vector_store %arg6[%swap3A, %swap3A_2398], %swap3A_2401 {strides = array<i32>} : memref<5x128xf32, #tpu.memory_space<vmem>>, vector<1x16xf32>,
          %swap3A_2402 = arith.index_cast %scan3A_118 : i32 to index
          %swap3A_2403 = arith.constant 16 : index
          %swap3A_2404 = tpu.vector_load %arg6[%swap3A_2402, %swap3A_2403] {strides = array<i32>} : memref<5x128xf32, #tpu.memory_space<vmem>>, vector<1x16xf32>,
          %swap3A_2405 = vector.shape_cast %swap3A_2404 : vector<1x16xf32> to vector<16xf32>
          %swap3A_2406 = vector.shape_cast %add3A_687 : vector<16xf32> to vector<1x16xf32>
          tpu.vector_store %arg6[%swap3A_2402, %swap3A_2403], %swap3A_2406 {strides = array<i32>} : memref<5x128xf32, #tpu.memory_space<vmem>>, vector<1x16xf32>,
          %swap3A_2407 = arith.index_cast %scan3A_118 : i32 to index
          %swap3A_2408 = arith.constant 32 : index
          %swap3A_2409 = tpu.vector_load %arg6[%swap3A_2407, %swap3A_2408] {strides = array<i32>} : memref<5x128xf32, #tpu.memory_space<vmem>>, vector<1x16xf32>,
          %swap3A_2410 = vector.shape_cast %swap3A_2409 : vector<1x16xf32> to vector<16xf32>
          %swap3A_2411 = vector.shape_cast %add3A_972 : vector<16xf32> to vector<1x16xf32>
          tpu.vector_store %arg6[%swap3A_2407, %swap3A_2408], %swap3A_2411 {strides = array<i32>} : memref<5x128xf32, #tpu.memory_space<vmem>>, vector<1x16xf32>,
          %swap3A_2412 = arith.index_cast %scan3A_118 : i32 to index
          %swap3A_2413 = arith.constant 48 : index
          %swap3A_2414 = tpu.vector_load %arg6[%swap3A_2412, %swap3A_2413] {strides = array<i32>} : memref<5x128xf32, #tpu.memory_space<vmem>>, vector<1x16xf32>,
          %swap3A_2415 = vector.shape_cast %swap3A_2414 : vector<1x16xf32> to vector<16xf32>
          %swap3A_2416 = vector.shape_cast %add3A_1257 : vector<16xf32> to vector<1x16xf32>
          tpu.vector_store %arg6[%swap3A_2412, %swap3A_2413], %swap3A_2416 {strides = array<i32>} : memref<5x128xf32, #tpu.memory_space<vmem>>, vector<1x16xf32>,
          %swap3A_2417 = arith.index_cast %scan3A_118 : i32 to index
          %swap3A_2418 = arith.constant 64 : index
          %swap3A_2419 = tpu.vector_load %arg6[%swap3A_2417, %swap3A_2418] {strides = array<i32>} : memref<5x128xf32, #tpu.memory_space<vmem>>, vector<1x16xf32>,
          %swap3A_2420 = vector.shape_cast %swap3A_2419 : vector<1x16xf32> to vector<16xf32>
          %swap3A_2421 = vector.shape_cast %add3A_1542 : vector<16xf32> to vector<1x16xf32>
          tpu.vector_store %arg6[%swap3A_2417, %swap3A_2418], %swap3A_2421 {strides = array<i32>} : memref<5x128xf32, #tpu.memory_space<vmem>>, vector<1x16xf32>,
          %swap3A_2422 = arith.index_cast %scan3A_118 : i32 to index
          %swap3A_2423 = arith.constant 80 : index
          %swap3A_2424 = tpu.vector_load %arg6[%swap3A_2422, %swap3A_2423] {strides = array<i32>} : memref<5x128xf32, #tpu.memory_space<vmem>>, vector<1x16xf32>,
          %swap3A_2425 = vector.shape_cast %swap3A_2424 : vector<1x16xf32> to vector<16xf32>
          %swap3A_2426 = vector.shape_cast %add3A_1827 : vector<16xf32> to vector<1x16xf32>
          tpu.vector_store %arg6[%swap3A_2422, %swap3A_2423], %swap3A_2426 {strides = array<i32>} : memref<5x128xf32, #tpu.memory_space<vmem>>, vector<1x16xf32>,
          %swap3A_2427 = arith.index_cast %scan3A_118 : i32 to index
          %swap3A_2428 = arith.constant 96 : index
          %swap3A_2429 = tpu.vector_load %arg6[%swap3A_2427, %swap3A_2428] {strides = array<i32>} : memref<5x128xf32, #tpu.memory_space<vmem>>, vector<1x16xf32>,
          %swap3A_2430 = vector.shape_cast %swap3A_2429 : vector<1x16xf32> to vector<16xf32>
          %swap3A_2431 = vector.shape_cast %add3A_2112 : vector<16xf32> to vector<1x16xf32>
          tpu.vector_store %arg6[%swap3A_2427, %swap3A_2428], %swap3A_2431 {strides = array<i32>} : memref<5x128xf32, #tpu.memory_space<vmem>>, vector<1x16xf32>,
          %swap3A_2432 = arith.index_cast %scan3A_118 : i32 to index
          %swap3A_2433 = arith.constant 112 : index
          %swap3A_2434 = tpu.vector_load %arg6[%swap3A_2432, %swap3A_2433] {strides = array<i32>} : memref<5x128xf32, #tpu.memory_space<vmem>>, vector<1x16xf32>,
          %swap3A_2435 = vector.shape_cast %swap3A_2434 : vector<1x16xf32> to vector<16xf32>
          %swap3A_2436 = vector.shape_cast %add3A_2397 : vector<16xf32> to vector<1x16xf32>
          tpu.vector_store %arg6[%swap3A_2432, %swap3A_2433], %swap3A_2436 {strides = array<i32>} : memref<5x128xf32, #tpu.memory_space<vmem>>, vector<1x16xf32>,
        }
        %scan3A_101 = arith.constant 5 : i32
        %add3A_102 = arith.constant 2 : i32
        %add3A_103 = arith.addi %scan3A_44, %add3A_102 : i32
        %lt3A_104 = arith.constant 25 : i32
        %lt3A_105 = arith.cmpi slt, %add3A_103, %lt3A_104 : i32
        %convert_element_type3A_106 = arith.extui %lt3A_105 : i1 to i32
        %cond3A_107 = arith.constant 0 : i32
        %cond3A_108 = arith.cmpi ne, %convert_element_type3A_106, %cond3A_107 : i32
        scf.if %cond3A_108 {
          %add3A_118 = arith.constant 64 : i32
          %add3A_119 = arith.addi %add3A_82, %add3A_118 : i32
          %dma_start3A_120 = arith.constant 0 : i32
          %dma_start3A_121 = arith.constant 0 : i32
          %dma_start3A_122 = tpu.memref_slice %arg2[%add3A_119, %dma_start3A_120, %dma_start3A_121] : memref<2000x160x128xf32, #tpu.memory_space<hbm>> -> memref<1x160x128xf32, #tpu.memory_space<hbm>>
          %dma_start3A_123 = tpu.memref_squeeze %dma_start3A_122 : memref<1x160x128xf32, #tpu.memory_space<hbm>> -> memref<160x128xf32, #tpu.memory_space<hbm>>
          %dma_start3A_124 = arith.constant 0 : i32
          %dma_start3A_125 = arith.constant 0 : i32
          %dma_start3A_126 = tpu.memref_slice %arg2[%add3A_119, %dma_start3A_124, %dma_start3A_125] : memref<2000x160x128xf32, #tpu.memory_space<hbm>> -> memref<1x160x128xf32, #tpu.memory_space<hbm>>
          %dma_start3A_127 = tpu.memref_squeeze %dma_start3A_126 : memref<1x160x128xf32, #tpu.memory_space<hbm>> -> memref<160x128xf32, #tpu.memory_space<hbm>>
          tpu.enqueue_dma source(%dma_start3A_127 : memref<160x128xf32, #tpu.memory_space<hbm>>) target(%arg4 : memref<160x128xf32, #tpu.memory_space<vmem>>) target_semaphore(%arg8 : memref<!tpu.dma_semaphore, #tpu.memory_space<semaphore_mem>>)
        } else {
        }
        %sub3A = arith.constant 1200 : i32
        %sub3A_109 = arith.subi %add3A_82, %sub3A : i32
        %dma_start3A_110 = arith.constant 0 : i32
        %dma_start3A_111 = arith.constant 0 : i32
        %dma_start3A_112 = tpu.memref_slice %arg3[%sub3A_109, %dma_start3A_110, %dma_start3A_111] : memref<800x5x128xf32, #tpu.memory_space<hbm>> -> memref<1x5x128xf32, #tpu.memory_space<hbm>>
        %dma_start3A_113 = tpu.memref_squeeze %dma_start3A_112 : memref<1x5x128xf32, #tpu.memory_space<hbm>> -> memref<5x128xf32, #tpu.memory_space<hbm>>
        %dma_start3A_114 = arith.constant 0 : i32
        %dma_start3A_115 = arith.constant 0 : i32
        %dma_start3A_116 = tpu.memref_slice %arg3[%sub3A_109, %dma_start3A_114, %dma_start3A_115] : memref<800x5x128xf32, #tpu.memory_space<hbm>> -> memref<1x5x128xf32, #tpu.memory_space<hbm>>
        %dma_start3A_117 = tpu.memref_squeeze %dma_start3A_116 : memref<1x5x128xf32, #tpu.memory_space<hbm>> -> memref<5x128xf32, #tpu.memory_space<hbm>>
        tpu.enqueue_dma source(%arg6 : memref<5x128xf32, #tpu.memory_space<vmem>>) target(%dma_start3A_117 : memref<5x128xf32, #tpu.memory_space<hbm>>) target_semaphore(%arg10 : memref<!tpu.dma_semaphore, #tpu.memory_space<semaphore_mem>>)
      } else {
      }
      %jit3A_57 = arith.constant 2 : i32
      %eq3A_58 = arith.constant 0 : i32
      %eq3A_59 = arith.cmpi eq, %jit3A_57, %eq3A_58 : i32
      %jit3A_60 = arith.constant 1 : i32
      %select_n3A_61 = arith.select %eq3A_59, %jit3A_60, %jit3A_57 : i32
      %rem3A_62 = arith.remsi %scan3A_44, %select_n3A_61 : i32
      %ne3A_63 = arith.constant 0 : i32
      %ne3A_64 = arith.cmpi ne, %rem3A_62, %ne3A_63 : i32
      %lt3A_65 = arith.constant 0 : i32
      %lt3A_66 = arith.cmpi slt, %rem3A_62, %lt3A_65 : i32
      %lt3A_67 = arith.constant 0 : i32
      %lt3A_68 = arith.cmpi slt, %select_n3A_61, %lt3A_67 : i32
      %ne3A_69 = arith.xori %lt3A_66, %lt3A_68 : i1
      %and3A_70 = arith.andi %ne3A_69, %ne3A_64 : i1
      %add3A_71 = arith.addi %rem3A_62, %select_n3A_61 : i32
      %select_n3A_72 = arith.select %and3A_70, %add3A_71, %rem3A_62 : i32
      %eq3A_73 = arith.constant 1 : i32
      %eq3A_74 = arith.cmpi eq, %select_n3A_72, %eq3A_73 : i32
      %convert_element_type3A_75 = arith.extui %eq3A_74 : i1 to i32
      %cond3A_76 = arith.constant 0 : i32
      %cond3A_77 = arith.cmpi ne, %convert_element_type3A_75, %cond3A_76 : i32
      scf.if %cond3A_77 {
        %add3A_78 = arith.constant 1200 : i32
        %add3A_79 = arith.addi %add3A_78, %add3A : i32
        %mul3A_80 = arith.constant 32 : i32
        %mul3A_81 = arith.muli %mul3A_80, %scan3A_44 : i32
        %add3A_82 = arith.addi %add3A_79, %mul3A_81 : i32
        %ge3A = arith.constant 2 : i32
        %ge3A_83 = arith.cmpi sge, %scan3A_44, %ge3A : i32
        %convert_element_type3A_84 = arith.extui %ge3A_83 : i1 to i32
        %cond3A_85 = arith.constant 0 : i32
        %cond3A_86 = arith.cmpi ne, %convert_element_type3A_84, %cond3A_85 : i32
        scf.if %cond3A_86 {
          %dma_wait3A_118 = arith.constant 0 : i32
          %dma_wait3A_119 = arith.constant 0 : i32
          %dma_wait3A_120 = arith.constant 0 : i32
          %dma_wait3A_121 = tpu.memref_slice %arg3[%dma_wait3A_118, %dma_wait3A_119, %dma_wait3A_120] : memref<800x5x128xf32, #tpu.memory_space<hbm>> -> memref<1x5x128xf32, #tpu.memory_space<hbm>>
          %dma_wait3A_122 = tpu.memref_squeeze %dma_wait3A_121 : memref<1x5x128xf32, #tpu.memory_space<hbm>> -> memref<5x128xf32, #tpu.memory_space<hbm>>
          %dma_wait3A_123 = arith.constant 0 : i32
          %dma_wait3A_124 = arith.constant 0 : i32
          %dma_wait3A_125 = tpu.memref_slice %arg3[%dma_wait3A_118, %dma_wait3A_123, %dma_wait3A_124] : memref<800x5x128xf32, #tpu.memory_space<hbm>> -> memref<1x5x128xf32, #tpu.memory_space<hbm>>
          %dma_wait3A_126 = tpu.memref_squeeze %dma_wait3A_125 : memref<1x5x128xf32, #tpu.memory_space<hbm>> -> memref<5x128xf32, #tpu.memory_space<hbm>>
          tpu.wait_dma2 semaphore(%arg11 : memref<!tpu.dma_semaphore, #tpu.memory_space<semaphore_mem>>) src(%arg7 : memref<5x128xf32, #tpu.memory_space<vmem>>) dst(%dma_wait3A_126 : memref<5x128xf32, #tpu.memory_space<hbm>>)
        } else {
        }
        %dma_wait3A_87 = arith.constant 0 : i32
        %dma_wait3A_88 = arith.constant 0 : i32
        %dma_wait3A_89 = arith.constant 0 : i32
        %dma_wait3A_90 = tpu.memref_slice %arg2[%dma_wait3A_87, %dma_wait3A_88, %dma_wait3A_89] : memref<2000x160x128xf32, #tpu.memory_space<hbm>> -> memref<1x160x128xf32, #tpu.memory_space<hbm>>
        %dma_wait3A_91 = tpu.memref_squeeze %dma_wait3A_90 : memref<1x160x128xf32, #tpu.memory_space<hbm>> -> memref<160x128xf32, #tpu.memory_space<hbm>>
        %dma_wait3A_92 = arith.constant 0 : i32
        %dma_wait3A_93 = arith.constant 0 : i32
        %dma_wait3A_94 = tpu.memref_slice %arg2[%dma_wait3A_87, %dma_wait3A_92, %dma_wait3A_93] : memref<2000x160x128xf32, #tpu.memory_space<hbm>> -> memref<1x160x128xf32, #tpu.memory_space<hbm>>
        %dma_wait3A_95 = tpu.memref_squeeze %dma_wait3A_94 : memref<1x160x128xf32, #tpu.memory_space<hbm>> -> memref<160x128xf32, #tpu.memory_space<hbm>>
        tpu.wait_dma2 semaphore(%arg9 : memref<!tpu.dma_semaphore, #tpu.memory_space<semaphore_mem>>) src(%dma_wait3A_95 : memref<160x128xf32, #tpu.memory_space<hbm>>) dst(%arg5 : memref<160x128xf32, #tpu.memory_space<vmem>>)
        %scan3A_96 = arith.constant 0 : i32
        %scan3A_97 = arith.constant 0 : i32
        %scan3A_98 = arith.constant 5 : i32
        %scan3A_99 = arith.addi %scan3A_97, %scan3A_98 : i32
        %scan3A_100 = arith.constant 1 : i32
        scf.for %scan3A_118 = %scan3A_97 to %scan3A_99 step %scan3A_100  : i32 {
          %mul3A_119 = arith.constant 32 : i32
          %mul3A_120 = arith.muli %scan3A_118, %mul3A_119 : i32
          %get3A = arith.index_cast %mul3A_120 : i32 to index
          %get3A_121 = arith.constant 0 : index
          %get3A_122 = tpu.vector_load %arg5[%get3A, %get3A_121] {strides = array<i32>} : memref<160x128xf32, #tpu.memory_space<vmem>>, vector<1x16xf32>,
          %get3A_123 = vector.shape_cast %get3A_122 : vector<1x16xf32> to vector<16xf32>
          %mul3A_124 = arith.constant 32 : i32
          %mul3A_125 = arith.muli %scan3A_118, %mul3A_124 : i32
          %add3A_126 = arith.constant 1 : i32
          %add3A_127 = arith.addi %mul3A_125, %add3A_126 : i32
          %get3A_128 = arith.index_cast %add3A_127 : i32 to index
          %get3A_129 = arith.constant 0 : index
          %get3A_130 = tpu.vector_load %arg5[%get3A_128, %get3A_129] {strides = array<i32>} : memref<160x128xf32, #tpu.memory_space<vmem>>, vector<1x16xf32>,
          %get3A_131 = vector.shape_cast %get3A_130 : vector<1x16xf32> to vector<16xf32>
          %add3A_132 = arith.addf %get3A_123, %get3A_131 : vector<16xf32>
          %mul3A_133 = arith.constant 32 : i32
          %mul3A_134 = arith.muli %scan3A_118, %mul3A_133 : i32
          %add3A_135 = arith.constant 2 : i32
          %add3A_136 = arith.addi %mul3A_134, %add3A_135 : i32
          %get3A_137 = arith.index_cast %add3A_136 : i32 to index
          %get3A_138 = arith.constant 0 : index
          %get3A_139 = tpu.vector_load %arg5[%get3A_137, %get3A_138] {strides = array<i32>} : memref<160x128xf32, #tpu.memory_space<vmem>>, vector<1x16xf32>,
          %get3A_140 = vector.shape_cast %get3A_139 : vector<1x16xf32> to vector<16xf32>
          %add3A_141 = arith.addf %add3A_132, %get3A_140 : vector<16xf32>
          %mul3A_142 = arith.constant 32 : i32
          %mul3A_143 = arith.muli %scan3A_118, %mul3A_142 : i32
          %add3A_144 = arith.constant 3 : i32
          %add3A_145 = arith.addi %mul3A_143, %add3A_144 : i32
          %get3A_146 = arith.index_cast %add3A_145 : i32 to index
          %get3A_147 = arith.constant 0 : index
          %get3A_148 = tpu.vector_load %arg5[%get3A_146, %get3A_147] {strides = array<i32>} : memref<160x128xf32, #tpu.memory_space<vmem>>, vector<1x16xf32>,
          %get3A_149 = vector.shape_cast %get3A_148 : vector<1x16xf32> to vector<16xf32>
          %add3A_150 = arith.addf %add3A_141, %get3A_149 : vector<16xf32>
          %mul3A_151 = arith.constant 32 : i32
          %mul3A_152 = arith.muli %scan3A_118, %mul3A_151 : i32
          %add3A_153 = arith.constant 4 : i32
          %add3A_154 = arith.addi %mul3A_152, %add3A_153 : i32
          %get3A_155 = arith.index_cast %add3A_154 : i32 to index
          %get3A_156 = arith.constant 0 : index
          %get3A_157 = tpu.vector_load %arg5[%get3A_155, %get3A_156] {strides = array<i32>} : memref<160x128xf32, #tpu.memory_space<vmem>>, vector<1x16xf32>,
          %get3A_158 = vector.shape_cast %get3A_157 : vector<1x16xf32> to vector<16xf32>
          %add3A_159 = arith.addf %add3A_150, %get3A_158 : vector<16xf32>
          %mul3A_160 = arith.constant 32 : i32
          %mul3A_161 = arith.muli %scan3A_118, %mul3A_160 : i32
          %add3A_162 = arith.constant 5 : i32
          %add3A_163 = arith.addi %mul3A_161, %add3A_162 : i32
          %get3A_164 = arith.index_cast %add3A_163 : i32 to index
          %get3A_165 = arith.constant 0 : index
          %get3A_166 = tpu.vector_load %arg5[%get3A_164, %get3A_165] {strides = array<i32>} : memref<160x128xf32, #tpu.memory_space<vmem>>, vector<1x16xf32>,
          %get3A_167 = vector.shape_cast %get3A_166 : vector<1x16xf32> to vector<16xf32>
          %add3A_168 = arith.addf %add3A_159, %get3A_167 : vector<16xf32>
          %mul3A_169 = arith.constant 32 : i32
          %mul3A_170 = arith.muli %scan3A_118, %mul3A_169 : i32
          %add3A_171 = arith.constant 6 : i32
          %add3A_172 = arith.addi %mul3A_170, %add3A_171 : i32
          %get3A_173 = arith.index_cast %add3A_172 : i32 to index
          %get3A_174 = arith.constant 0 : index
          %get3A_175 = tpu.vector_load %arg5[%get3A_173, %get3A_174] {strides = array<i32>} : memref<160x128xf32, #tpu.memory_space<vmem>>, vector<1x16xf32>,
          %get3A_176 = vector.shape_cast %get3A_175 : vector<1x16xf32> to vector<16xf32>
          %add3A_177 = arith.addf %add3A_168, %get3A_176 : vector<16xf32>
          %mul3A_178 = arith.constant 32 : i32
          %mul3A_179 = arith.muli %scan3A_118, %mul3A_178 : i32
          %add3A_180 = arith.constant 7 : i32
          %add3A_181 = arith.addi %mul3A_179, %add3A_180 : i32
          %get3A_182 = arith.index_cast %add3A_181 : i32 to index
          %get3A_183 = arith.constant 0 : index
          %get3A_184 = tpu.vector_load %arg5[%get3A_182, %get3A_183] {strides = array<i32>} : memref<160x128xf32, #tpu.memory_space<vmem>>, vector<1x16xf32>,
          %get3A_185 = vector.shape_cast %get3A_184 : vector<1x16xf32> to vector<16xf32>
          %add3A_186 = arith.addf %add3A_177, %get3A_185 : vector<16xf32>
          %mul3A_187 = arith.constant 32 : i32
          %mul3A_188 = arith.muli %scan3A_118, %mul3A_187 : i32
          %add3A_189 = arith.constant 8 : i32
          %add3A_190 = arith.addi %mul3A_188, %add3A_189 : i32
          %get3A_191 = arith.index_cast %add3A_190 : i32 to index
          %get3A_192 = arith.constant 0 : index
          %get3A_193 = tpu.vector_load %arg5[%get3A_191, %get3A_192] {strides = array<i32>} : memref<160x128xf32, #tpu.memory_space<vmem>>, vector<1x16xf32>,
          %get3A_194 = vector.shape_cast %get3A_193 : vector<1x16xf32> to vector<16xf32>
          %add3A_195 = arith.addf %add3A_186, %get3A_194 : vector<16xf32>
          %mul3A_196 = arith.constant 32 : i32
          %mul3A_197 = arith.muli %scan3A_118, %mul3A_196 : i32
          %add3A_198 = arith.constant 9 : i32
          %add3A_199 = arith.addi %mul3A_197, %add3A_198 : i32
          %get3A_200 = arith.index_cast %add3A_199 : i32 to index
          %get3A_201 = arith.constant 0 : index
          %get3A_202 = tpu.vector_load %arg5[%get3A_200, %get3A_201] {strides = array<i32>} : memref<160x128xf32, #tpu.memory_space<vmem>>, vector<1x16xf32>,
          %get3A_203 = vector.shape_cast %get3A_202 : vector<1x16xf32> to vector<16xf32>
          %add3A_204 = arith.addf %add3A_195, %get3A_203 : vector<16xf32>
          %mul3A_205 = arith.constant 32 : i32
          %mul3A_206 = arith.muli %scan3A_118, %mul3A_205 : i32
          %add3A_207 = arith.constant 10 : i32
          %add3A_208 = arith.addi %mul3A_206, %add3A_207 : i32
          %get3A_209 = arith.index_cast %add3A_208 : i32 to index
          %get3A_210 = arith.constant 0 : index
          %get3A_211 = tpu.vector_load %arg5[%get3A_209, %get3A_210] {strides = array<i32>} : memref<160x128xf32, #tpu.memory_space<vmem>>, vector<1x16xf32>,
          %get3A_212 = vector.shape_cast %get3A_211 : vector<1x16xf32> to vector<16xf32>
          %add3A_213 = arith.addf %add3A_204, %get3A_212 : vector<16xf32>
          %mul3A_214 = arith.constant 32 : i32
          %mul3A_215 = arith.muli %scan3A_118, %mul3A_214 : i32
          %add3A_216 = arith.constant 11 : i32
          %add3A_217 = arith.addi %mul3A_215, %add3A_216 : i32
          %get3A_218 = arith.index_cast %add3A_217 : i32 to index
          %get3A_219 = arith.constant 0 : index
          %get3A_220 = tpu.vector_load %arg5[%get3A_218, %get3A_219] {strides = array<i32>} : memref<160x128xf32, #tpu.memory_space<vmem>>, vector<1x16xf32>,
          %get3A_221 = vector.shape_cast %get3A_220 : vector<1x16xf32> to vector<16xf32>
          %add3A_222 = arith.addf %add3A_213, %get3A_221 : vector<16xf32>
          %mul3A_223 = arith.constant 32 : i32
          %mul3A_224 = arith.muli %scan3A_118, %mul3A_223 : i32
          %add3A_225 = arith.constant 12 : i32
          %add3A_226 = arith.addi %mul3A_224, %add3A_225 : i32
          %get3A_227 = arith.index_cast %add3A_226 : i32 to index
          %get3A_228 = arith.constant 0 : index
          %get3A_229 = tpu.vector_load %arg5[%get3A_227, %get3A_228] {strides = array<i32>} : memref<160x128xf32, #tpu.memory_space<vmem>>, vector<1x16xf32>,
          %get3A_230 = vector.shape_cast %get3A_229 : vector<1x16xf32> to vector<16xf32>
          %add3A_231 = arith.addf %add3A_222, %get3A_230 : vector<16xf32>
          %mul3A_232 = arith.constant 32 : i32
          %mul3A_233 = arith.muli %scan3A_118, %mul3A_232 : i32
          %add3A_234 = arith.constant 13 : i32
          %add3A_235 = arith.addi %mul3A_233, %add3A_234 : i32
          %get3A_236 = arith.index_cast %add3A_235 : i32 to index
          %get3A_237 = arith.constant 0 : index
          %get3A_238 = tpu.vector_load %arg5[%get3A_236, %get3A_237] {strides = array<i32>} : memref<160x128xf32, #tpu.memory_space<vmem>>, vector<1x16xf32>,
          %get3A_239 = vector.shape_cast %get3A_238 : vector<1x16xf32> to vector<16xf32>
          %add3A_240 = arith.addf %add3A_231, %get3A_239 : vector<16xf32>
          %mul3A_241 = arith.constant 32 : i32
          %mul3A_242 = arith.muli %scan3A_118, %mul3A_241 : i32
          %add3A_243 = arith.constant 14 : i32
          %add3A_244 = arith.addi %mul3A_242, %add3A_243 : i32
          %get3A_245 = arith.index_cast %add3A_244 : i32 to index
          %get3A_246 = arith.constant 0 : index
          %get3A_247 = tpu.vector_load %arg5[%get3A_245, %get3A_246] {strides = array<i32>} : memref<160x128xf32, #tpu.memory_space<vmem>>, vector<1x16xf32>,
          %get3A_248 = vector.shape_cast %get3A_247 : vector<1x16xf32> to vector<16xf32>
          %add3A_249 = arith.addf %add3A_240, %get3A_248 : vector<16xf32>
          %mul3A_250 = arith.constant 32 : i32
          %mul3A_251 = arith.muli %scan3A_118, %mul3A_250 : i32
          %add3A_252 = arith.constant 15 : i32
          %add3A_253 = arith.addi %mul3A_251, %add3A_252 : i32
          %get3A_254 = arith.index_cast %add3A_253 : i32 to index
          %get3A_255 = arith.constant 0 : index
          %get3A_256 = tpu.vector_load %arg5[%get3A_254, %get3A_255] {strides = array<i32>} : memref<160x128xf32, #tpu.memory_space<vmem>>, vector<1x16xf32>,
          %get3A_257 = vector.shape_cast %get3A_256 : vector<1x16xf32> to vector<16xf32>
          %add3A_258 = arith.addf %add3A_249, %get3A_257 : vector<16xf32>
          %mul3A_259 = arith.constant 32 : i32
          %mul3A_260 = arith.muli %scan3A_118, %mul3A_259 : i32
          %add3A_261 = arith.constant 16 : i32
          %add3A_262 = arith.addi %mul3A_260, %add3A_261 : i32
          %get3A_263 = arith.index_cast %add3A_262 : i32 to index
          %get3A_264 = arith.constant 0 : index
          %get3A_265 = tpu.vector_load %arg5[%get3A_263, %get3A_264] {strides = array<i32>} : memref<160x128xf32, #tpu.memory_space<vmem>>, vector<1x16xf32>,
          %get3A_266 = vector.shape_cast %get3A_265 : vector<1x16xf32> to vector<16xf32>
          %add3A_267 = arith.addf %add3A_258, %get3A_266 : vector<16xf32>
          %mul3A_268 = arith.constant 32 : i32
          %mul3A_269 = arith.muli %scan3A_118, %mul3A_268 : i32
          %add3A_270 = arith.constant 17 : i32
          %add3A_271 = arith.addi %mul3A_269, %add3A_270 : i32
          %get3A_272 = arith.index_cast %add3A_271 : i32 to index
          %get3A_273 = arith.constant 0 : index
          %get3A_274 = tpu.vector_load %arg5[%get3A_272, %get3A_273] {strides = array<i32>} : memref<160x128xf32, #tpu.memory_space<vmem>>, vector<1x16xf32>,
          %get3A_275 = vector.shape_cast %get3A_274 : vector<1x16xf32> to vector<16xf32>
          %add3A_276 = arith.addf %add3A_267, %get3A_275 : vector<16xf32>
          %mul3A_277 = arith.constant 32 : i32
          %mul3A_278 = arith.muli %scan3A_118, %mul3A_277 : i32
          %add3A_279 = arith.constant 18 : i32
          %add3A_280 = arith.addi %mul3A_278, %add3A_279 : i32
          %get3A_281 = arith.index_cast %add3A_280 : i32 to index
          %get3A_282 = arith.constant 0 : index
          %get3A_283 = tpu.vector_load %arg5[%get3A_281, %get3A_282] {strides = array<i32>} : memref<160x128xf32, #tpu.memory_space<vmem>>, vector<1x16xf32>,
          %get3A_284 = vector.shape_cast %get3A_283 : vector<1x16xf32> to vector<16xf32>
          %add3A_285 = arith.addf %add3A_276, %get3A_284 : vector<16xf32>
          %mul3A_286 = arith.constant 32 : i32
          %mul3A_287 = arith.muli %scan3A_118, %mul3A_286 : i32
          %add3A_288 = arith.constant 19 : i32
          %add3A_289 = arith.addi %mul3A_287, %add3A_288 : i32
          %get3A_290 = arith.index_cast %add3A_289 : i32 to index
          %get3A_291 = arith.constant 0 : index
          %get3A_292 = tpu.vector_load %arg5[%get3A_290, %get3A_291] {strides = array<i32>} : memref<160x128xf32, #tpu.memory_space<vmem>>, vector<1x16xf32>,
          %get3A_293 = vector.shape_cast %get3A_292 : vector<1x16xf32> to vector<16xf32>
          %add3A_294 = arith.addf %add3A_285, %get3A_293 : vector<16xf32>
          %mul3A_295 = arith.constant 32 : i32
          %mul3A_296 = arith.muli %scan3A_118, %mul3A_295 : i32
          %add3A_297 = arith.constant 20 : i32
          %add3A_298 = arith.addi %mul3A_296, %add3A_297 : i32
          %get3A_299 = arith.index_cast %add3A_298 : i32 to index
          %get3A_300 = arith.constant 0 : index
          %get3A_301 = tpu.vector_load %arg5[%get3A_299, %get3A_300] {strides = array<i32>} : memref<160x128xf32, #tpu.memory_space<vmem>>, vector<1x16xf32>,
          %get3A_302 = vector.shape_cast %get3A_301 : vector<1x16xf32> to vector<16xf32>
          %add3A_303 = arith.addf %add3A_294, %get3A_302 : vector<16xf32>
          %mul3A_304 = arith.constant 32 : i32
          %mul3A_305 = arith.muli %scan3A_118, %mul3A_304 : i32
          %add3A_306 = arith.constant 21 : i32
          %add3A_307 = arith.addi %mul3A_305, %add3A_306 : i32
          %get3A_308 = arith.index_cast %add3A_307 : i32 to index
          %get3A_309 = arith.constant 0 : index
          %get3A_310 = tpu.vector_load %arg5[%get3A_308, %get3A_309] {strides = array<i32>} : memref<160x128xf32, #tpu.memory_space<vmem>>, vector<1x16xf32>,
          %get3A_311 = vector.shape_cast %get3A_310 : vector<1x16xf32> to vector<16xf32>
          %add3A_312 = arith.addf %add3A_303, %get3A_311 : vector<16xf32>
          %mul3A_313 = arith.constant 32 : i32
          %mul3A_314 = arith.muli %scan3A_118, %mul3A_313 : i32
          %add3A_315 = arith.constant 22 : i32
          %add3A_316 = arith.addi %mul3A_314, %add3A_315 : i32
          %get3A_317 = arith.index_cast %add3A_316 : i32 to index
          %get3A_318 = arith.constant 0 : index
          %get3A_319 = tpu.vector_load %arg5[%get3A_317, %get3A_318] {strides = array<i32>} : memref<160x128xf32, #tpu.memory_space<vmem>>, vector<1x16xf32>,
          %get3A_320 = vector.shape_cast %get3A_319 : vector<1x16xf32> to vector<16xf32>
          %add3A_321 = arith.addf %add3A_312, %get3A_320 : vector<16xf32>
          %mul3A_322 = arith.constant 32 : i32
          %mul3A_323 = arith.muli %scan3A_118, %mul3A_322 : i32
          %add3A_324 = arith.constant 23 : i32
          %add3A_325 = arith.addi %mul3A_323, %add3A_324 : i32
          %get3A_326 = arith.index_cast %add3A_325 : i32 to index
          %get3A_327 = arith.constant 0 : index
          %get3A_328 = tpu.vector_load %arg5[%get3A_326, %get3A_327] {strides = array<i32>} : memref<160x128xf32, #tpu.memory_space<vmem>>, vector<1x16xf32>,
          %get3A_329 = vector.shape_cast %get3A_328 : vector<1x16xf32> to vector<16xf32>
          %add3A_330 = arith.addf %add3A_321, %get3A_329 : vector<16xf32>
          %mul3A_331 = arith.constant 32 : i32
          %mul3A_332 = arith.muli %scan3A_118, %mul3A_331 : i32
          %add3A_333 = arith.constant 24 : i32
          %add3A_334 = arith.addi %mul3A_332, %add3A_333 : i32
          %get3A_335 = arith.index_cast %add3A_334 : i32 to index
          %get3A_336 = arith.constant 0 : index
          %get3A_337 = tpu.vector_load %arg5[%get3A_335, %get3A_336] {strides = array<i32>} : memref<160x128xf32, #tpu.memory_space<vmem>>, vector<1x16xf32>,
          %get3A_338 = vector.shape_cast %get3A_337 : vector<1x16xf32> to vector<16xf32>
          %add3A_339 = arith.addf %add3A_330, %get3A_338 : vector<16xf32>
          %mul3A_340 = arith.constant 32 : i32
          %mul3A_341 = arith.muli %scan3A_118, %mul3A_340 : i32
          %add3A_342 = arith.constant 25 : i32
          %add3A_343 = arith.addi %mul3A_341, %add3A_342 : i32
          %get3A_344 = arith.index_cast %add3A_343 : i32 to index
          %get3A_345 = arith.constant 0 : index
          %get3A_346 = tpu.vector_load %arg5[%get3A_344, %get3A_345] {strides = array<i32>} : memref<160x128xf32, #tpu.memory_space<vmem>>, vector<1x16xf32>,
          %get3A_347 = vector.shape_cast %get3A_346 : vector<1x16xf32> to vector<16xf32>
          %add3A_348 = arith.addf %add3A_339, %get3A_347 : vector<16xf32>
          %mul3A_349 = arith.constant 32 : i32
          %mul3A_350 = arith.muli %scan3A_118, %mul3A_349 : i32
          %add3A_351 = arith.constant 26 : i32
          %add3A_352 = arith.addi %mul3A_350, %add3A_351 : i32
          %get3A_353 = arith.index_cast %add3A_352 : i32 to index
          %get3A_354 = arith.constant 0 : index
          %get3A_355 = tpu.vector_load %arg5[%get3A_353, %get3A_354] {strides = array<i32>} : memref<160x128xf32, #tpu.memory_space<vmem>>, vector<1x16xf32>,
          %get3A_356 = vector.shape_cast %get3A_355 : vector<1x16xf32> to vector<16xf32>
          %add3A_357 = arith.addf %add3A_348, %get3A_356 : vector<16xf32>
          %mul3A_358 = arith.constant 32 : i32
          %mul3A_359 = arith.muli %scan3A_118, %mul3A_358 : i32
          %add3A_360 = arith.constant 27 : i32
          %add3A_361 = arith.addi %mul3A_359, %add3A_360 : i32
          %get3A_362 = arith.index_cast %add3A_361 : i32 to index
          %get3A_363 = arith.constant 0 : index
          %get3A_364 = tpu.vector_load %arg5[%get3A_362, %get3A_363] {strides = array<i32>} : memref<160x128xf32, #tpu.memory_space<vmem>>, vector<1x16xf32>,
          %get3A_365 = vector.shape_cast %get3A_364 : vector<1x16xf32> to vector<16xf32>
          %add3A_366 = arith.addf %add3A_357, %get3A_365 : vector<16xf32>
          %mul3A_367 = arith.constant 32 : i32
          %mul3A_368 = arith.muli %scan3A_118, %mul3A_367 : i32
          %add3A_369 = arith.constant 28 : i32
          %add3A_370 = arith.addi %mul3A_368, %add3A_369 : i32
          %get3A_371 = arith.index_cast %add3A_370 : i32 to index
          %get3A_372 = arith.constant 0 : index
          %get3A_373 = tpu.vector_load %arg5[%get3A_371, %get3A_372] {strides = array<i32>} : memref<160x128xf32, #tpu.memory_space<vmem>>, vector<1x16xf32>,
          %get3A_374 = vector.shape_cast %get3A_373 : vector<1x16xf32> to vector<16xf32>
          %add3A_375 = arith.addf %add3A_366, %get3A_374 : vector<16xf32>
          %mul3A_376 = arith.constant 32 : i32
          %mul3A_377 = arith.muli %scan3A_118, %mul3A_376 : i32
          %add3A_378 = arith.constant 29 : i32
          %add3A_379 = arith.addi %mul3A_377, %add3A_378 : i32
          %get3A_380 = arith.index_cast %add3A_379 : i32 to index
          %get3A_381 = arith.constant 0 : index
          %get3A_382 = tpu.vector_load %arg5[%get3A_380, %get3A_381] {strides = array<i32>} : memref<160x128xf32, #tpu.memory_space<vmem>>, vector<1x16xf32>,
          %get3A_383 = vector.shape_cast %get3A_382 : vector<1x16xf32> to vector<16xf32>
          %add3A_384 = arith.addf %add3A_375, %get3A_383 : vector<16xf32>
          %mul3A_385 = arith.constant 32 : i32
          %mul3A_386 = arith.muli %scan3A_118, %mul3A_385 : i32
          %add3A_387 = arith.constant 30 : i32
          %add3A_388 = arith.addi %mul3A_386, %add3A_387 : i32
          %get3A_389 = arith.index_cast %add3A_388 : i32 to index
          %get3A_390 = arith.constant 0 : index
          %get3A_391 = tpu.vector_load %arg5[%get3A_389, %get3A_390] {strides = array<i32>} : memref<160x128xf32, #tpu.memory_space<vmem>>, vector<1x16xf32>,
          %get3A_392 = vector.shape_cast %get3A_391 : vector<1x16xf32> to vector<16xf32>
          %add3A_393 = arith.addf %add3A_384, %get3A_392 : vector<16xf32>
          %mul3A_394 = arith.constant 32 : i32
          %mul3A_395 = arith.muli %scan3A_118, %mul3A_394 : i32
          %add3A_396 = arith.constant 31 : i32
          %add3A_397 = arith.addi %mul3A_395, %add3A_396 : i32
          %get3A_398 = arith.index_cast %add3A_397 : i32 to index
          %get3A_399 = arith.constant 0 : index
          %get3A_400 = tpu.vector_load %arg5[%get3A_398, %get3A_399] {strides = array<i32>} : memref<160x128xf32, #tpu.memory_space<vmem>>, vector<1x16xf32>,
          %get3A_401 = vector.shape_cast %get3A_400 : vector<1x16xf32> to vector<16xf32>
          %add3A_402 = arith.addf %add3A_393, %get3A_401 : vector<16xf32>
          %mul3A_403 = arith.constant 32 : i32
          %mul3A_404 = arith.muli %scan3A_118, %mul3A_403 : i32
          %get3A_405 = arith.index_cast %mul3A_404 : i32 to index
          %get3A_406 = arith.constant 16 : index
          %get3A_407 = tpu.vector_load %arg5[%get3A_405, %get3A_406] {strides = array<i32>} : memref<160x128xf32, #tpu.memory_space<vmem>>, vector<1x16xf32>,
          %get3A_408 = vector.shape_cast %get3A_407 : vector<1x16xf32> to vector<16xf32>
          %mul3A_409 = arith.constant 32 : i32
          %mul3A_410 = arith.muli %scan3A_118, %mul3A_409 : i32
          %add3A_411 = arith.constant 1 : i32
          %add3A_412 = arith.addi %mul3A_410, %add3A_411 : i32
          %get3A_413 = arith.index_cast %add3A_412 : i32 to index
          %get3A_414 = arith.constant 16 : index
          %get3A_415 = tpu.vector_load %arg5[%get3A_413, %get3A_414] {strides = array<i32>} : memref<160x128xf32, #tpu.memory_space<vmem>>, vector<1x16xf32>,
          %get3A_416 = vector.shape_cast %get3A_415 : vector<1x16xf32> to vector<16xf32>
          %add3A_417 = arith.addf %get3A_408, %get3A_416 : vector<16xf32>
          %mul3A_418 = arith.constant 32 : i32
          %mul3A_419 = arith.muli %scan3A_118, %mul3A_418 : i32
          %add3A_420 = arith.constant 2 : i32
          %add3A_421 = arith.addi %mul3A_419, %add3A_420 : i32
          %get3A_422 = arith.index_cast %add3A_421 : i32 to index
          %get3A_423 = arith.constant 16 : index
          %get3A_424 = tpu.vector_load %arg5[%get3A_422, %get3A_423] {strides = array<i32>} : memref<160x128xf32, #tpu.memory_space<vmem>>, vector<1x16xf32>,
          %get3A_425 = vector.shape_cast %get3A_424 : vector<1x16xf32> to vector<16xf32>
          %add3A_426 = arith.addf %add3A_417, %get3A_425 : vector<16xf32>
          %mul3A_427 = arith.constant 32 : i32
          %mul3A_428 = arith.muli %scan3A_118, %mul3A_427 : i32
          %add3A_429 = arith.constant 3 : i32
          %add3A_430 = arith.addi %mul3A_428, %add3A_429 : i32
          %get3A_431 = arith.index_cast %add3A_430 : i32 to index
          %get3A_432 = arith.constant 16 : index
          %get3A_433 = tpu.vector_load %arg5[%get3A_431, %get3A_432] {strides = array<i32>} : memref<160x128xf32, #tpu.memory_space<vmem>>, vector<1x16xf32>,
          %get3A_434 = vector.shape_cast %get3A_433 : vector<1x16xf32> to vector<16xf32>
          %add3A_435 = arith.addf %add3A_426, %get3A_434 : vector<16xf32>
          %mul3A_436 = arith.constant 32 : i32
          %mul3A_437 = arith.muli %scan3A_118, %mul3A_436 : i32
          %add3A_438 = arith.constant 4 : i32
          %add3A_439 = arith.addi %mul3A_437, %add3A_438 : i32
          %get3A_440 = arith.index_cast %add3A_439 : i32 to index
          %get3A_441 = arith.constant 16 : index
          %get3A_442 = tpu.vector_load %arg5[%get3A_440, %get3A_441] {strides = array<i32>} : memref<160x128xf32, #tpu.memory_space<vmem>>, vector<1x16xf32>,
          %get3A_443 = vector.shape_cast %get3A_442 : vector<1x16xf32> to vector<16xf32>
          %add3A_444 = arith.addf %add3A_435, %get3A_443 : vector<16xf32>
          %mul3A_445 = arith.constant 32 : i32
          %mul3A_446 = arith.muli %scan3A_118, %mul3A_445 : i32
          %add3A_447 = arith.constant 5 : i32
          %add3A_448 = arith.addi %mul3A_446, %add3A_447 : i32
          %get3A_449 = arith.index_cast %add3A_448 : i32 to index
          %get3A_450 = arith.constant 16 : index
          %get3A_451 = tpu.vector_load %arg5[%get3A_449, %get3A_450] {strides = array<i32>} : memref<160x128xf32, #tpu.memory_space<vmem>>, vector<1x16xf32>,
          %get3A_452 = vector.shape_cast %get3A_451 : vector<1x16xf32> to vector<16xf32>
          %add3A_453 = arith.addf %add3A_444, %get3A_452 : vector<16xf32>
          %mul3A_454 = arith.constant 32 : i32
          %mul3A_455 = arith.muli %scan3A_118, %mul3A_454 : i32
          %add3A_456 = arith.constant 6 : i32
          %add3A_457 = arith.addi %mul3A_455, %add3A_456 : i32
          %get3A_458 = arith.index_cast %add3A_457 : i32 to index
          %get3A_459 = arith.constant 16 : index
          %get3A_460 = tpu.vector_load %arg5[%get3A_458, %get3A_459] {strides = array<i32>} : memref<160x128xf32, #tpu.memory_space<vmem>>, vector<1x16xf32>,
          %get3A_461 = vector.shape_cast %get3A_460 : vector<1x16xf32> to vector<16xf32>
          %add3A_462 = arith.addf %add3A_453, %get3A_461 : vector<16xf32>
          %mul3A_463 = arith.constant 32 : i32
          %mul3A_464 = arith.muli %scan3A_118, %mul3A_463 : i32
          %add3A_465 = arith.constant 7 : i32
          %add3A_466 = arith.addi %mul3A_464, %add3A_465 : i32
          %get3A_467 = arith.index_cast %add3A_466 : i32 to index
          %get3A_468 = arith.constant 16 : index
          %get3A_469 = tpu.vector_load %arg5[%get3A_467, %get3A_468] {strides = array<i32>} : memref<160x128xf32, #tpu.memory_space<vmem>>, vector<1x16xf32>,
          %get3A_470 = vector.shape_cast %get3A_469 : vector<1x16xf32> to vector<16xf32>
          %add3A_471 = arith.addf %add3A_462, %get3A_470 : vector<16xf32>
          %mul3A_472 = arith.constant 32 : i32
          %mul3A_473 = arith.muli %scan3A_118, %mul3A_472 : i32
          %add3A_474 = arith.constant 8 : i32
          %add3A_475 = arith.addi %mul3A_473, %add3A_474 : i32
          %get3A_476 = arith.index_cast %add3A_475 : i32 to index
          %get3A_477 = arith.constant 16 : index
          %get3A_478 = tpu.vector_load %arg5[%get3A_476, %get3A_477] {strides = array<i32>} : memref<160x128xf32, #tpu.memory_space<vmem>>, vector<1x16xf32>,
          %get3A_479 = vector.shape_cast %get3A_478 : vector<1x16xf32> to vector<16xf32>
          %add3A_480 = arith.addf %add3A_471, %get3A_479 : vector<16xf32>
          %mul3A_481 = arith.constant 32 : i32
          %mul3A_482 = arith.muli %scan3A_118, %mul3A_481 : i32
          %add3A_483 = arith.constant 9 : i32
          %add3A_484 = arith.addi %mul3A_482, %add3A_483 : i32
          %get3A_485 = arith.index_cast %add3A_484 : i32 to index
          %get3A_486 = arith.constant 16 : index
          %get3A_487 = tpu.vector_load %arg5[%get3A_485, %get3A_486] {strides = array<i32>} : memref<160x128xf32, #tpu.memory_space<vmem>>, vector<1x16xf32>,
          %get3A_488 = vector.shape_cast %get3A_487 : vector<1x16xf32> to vector<16xf32>
          %add3A_489 = arith.addf %add3A_480, %get3A_488 : vector<16xf32>
          %mul3A_490 = arith.constant 32 : i32
          %mul3A_491 = arith.muli %scan3A_118, %mul3A_490 : i32
          %add3A_492 = arith.constant 10 : i32
          %add3A_493 = arith.addi %mul3A_491, %add3A_492 : i32
          %get3A_494 = arith.index_cast %add3A_493 : i32 to index
          %get3A_495 = arith.constant 16 : index
          %get3A_496 = tpu.vector_load %arg5[%get3A_494, %get3A_495] {strides = array<i32>} : memref<160x128xf32, #tpu.memory_space<vmem>>, vector<1x16xf32>,
          %get3A_497 = vector.shape_cast %get3A_496 : vector<1x16xf32> to vector<16xf32>
          %add3A_498 = arith.addf %add3A_489, %get3A_497 : vector<16xf32>
          %mul3A_499 = arith.constant 32 : i32
          %mul3A_500 = arith.muli %scan3A_118, %mul3A_499 : i32
          %add3A_501 = arith.constant 11 : i32
          %add3A_502 = arith.addi %mul3A_500, %add3A_501 : i32
          %get3A_503 = arith.index_cast %add3A_502 : i32 to index
          %get3A_504 = arith.constant 16 : index
          %get3A_505 = tpu.vector_load %arg5[%get3A_503, %get3A_504] {strides = array<i32>} : memref<160x128xf32, #tpu.memory_space<vmem>>, vector<1x16xf32>,
          %get3A_506 = vector.shape_cast %get3A_505 : vector<1x16xf32> to vector<16xf32>
          %add3A_507 = arith.addf %add3A_498, %get3A_506 : vector<16xf32>
          %mul3A_508 = arith.constant 32 : i32
          %mul3A_509 = arith.muli %scan3A_118, %mul3A_508 : i32
          %add3A_510 = arith.constant 12 : i32
          %add3A_511 = arith.addi %mul3A_509, %add3A_510 : i32
          %get3A_512 = arith.index_cast %add3A_511 : i32 to index
          %get3A_513 = arith.constant 16 : index
          %get3A_514 = tpu.vector_load %arg5[%get3A_512, %get3A_513] {strides = array<i32>} : memref<160x128xf32, #tpu.memory_space<vmem>>, vector<1x16xf32>,
          %get3A_515 = vector.shape_cast %get3A_514 : vector<1x16xf32> to vector<16xf32>
          %add3A_516 = arith.addf %add3A_507, %get3A_515 : vector<16xf32>
          %mul3A_517 = arith.constant 32 : i32
          %mul3A_518 = arith.muli %scan3A_118, %mul3A_517 : i32
          %add3A_519 = arith.constant 13 : i32
          %add3A_520 = arith.addi %mul3A_518, %add3A_519 : i32
          %get3A_521 = arith.index_cast %add3A_520 : i32 to index
          %get3A_522 = arith.constant 16 : index
          %get3A_523 = tpu.vector_load %arg5[%get3A_521, %get3A_522] {strides = array<i32>} : memref<160x128xf32, #tpu.memory_space<vmem>>, vector<1x16xf32>,
          %get3A_524 = vector.shape_cast %get3A_523 : vector<1x16xf32> to vector<16xf32>
          %add3A_525 = arith.addf %add3A_516, %get3A_524 : vector<16xf32>
          %mul3A_526 = arith.constant 32 : i32
          %mul3A_527 = arith.muli %scan3A_118, %mul3A_526 : i32
          %add3A_528 = arith.constant 14 : i32
          %add3A_529 = arith.addi %mul3A_527, %add3A_528 : i32
          %get3A_530 = arith.index_cast %add3A_529 : i32 to index
          %get3A_531 = arith.constant 16 : index
          %get3A_532 = tpu.vector_load %arg5[%get3A_530, %get3A_531] {strides = array<i32>} : memref<160x128xf32, #tpu.memory_space<vmem>>, vector<1x16xf32>,
          %get3A_533 = vector.shape_cast %get3A_532 : vector<1x16xf32> to vector<16xf32>
          %add3A_534 = arith.addf %add3A_525, %get3A_533 : vector<16xf32>
          %mul3A_535 = arith.constant 32 : i32
          %mul3A_536 = arith.muli %scan3A_118, %mul3A_535 : i32
          %add3A_537 = arith.constant 15 : i32
          %add3A_538 = arith.addi %mul3A_536, %add3A_537 : i32
          %get3A_539 = arith.index_cast %add3A_538 : i32 to index
          %get3A_540 = arith.constant 16 : index
          %get3A_541 = tpu.vector_load %arg5[%get3A_539, %get3A_540] {strides = array<i32>} : memref<160x128xf32, #tpu.memory_space<vmem>>, vector<1x16xf32>,
          %get3A_542 = vector.shape_cast %get3A_541 : vector<1x16xf32> to vector<16xf32>
          %add3A_543 = arith.addf %add3A_534, %get3A_542 : vector<16xf32>
          %mul3A_544 = arith.constant 32 : i32
          %mul3A_545 = arith.muli %scan3A_118, %mul3A_544 : i32
          %add3A_546 = arith.constant 16 : i32
          %add3A_547 = arith.addi %mul3A_545, %add3A_546 : i32
          %get3A_548 = arith.index_cast %add3A_547 : i32 to index
          %get3A_549 = arith.constant 16 : index
          %get3A_550 = tpu.vector_load %arg5[%get3A_548, %get3A_549] {strides = array<i32>} : memref<160x128xf32, #tpu.memory_space<vmem>>, vector<1x16xf32>,
          %get3A_551 = vector.shape_cast %get3A_550 : vector<1x16xf32> to vector<16xf32>
          %add3A_552 = arith.addf %add3A_543, %get3A_551 : vector<16xf32>
          %mul3A_553 = arith.constant 32 : i32
          %mul3A_554 = arith.muli %scan3A_118, %mul3A_553 : i32
          %add3A_555 = arith.constant 17 : i32
          %add3A_556 = arith.addi %mul3A_554, %add3A_555 : i32
          %get3A_557 = arith.index_cast %add3A_556 : i32 to index
          %get3A_558 = arith.constant 16 : index
          %get3A_559 = tpu.vector_load %arg5[%get3A_557, %get3A_558] {strides = array<i32>} : memref<160x128xf32, #tpu.memory_space<vmem>>, vector<1x16xf32>,
          %get3A_560 = vector.shape_cast %get3A_559 : vector<1x16xf32> to vector<16xf32>
          %add3A_561 = arith.addf %add3A_552, %get3A_560 : vector<16xf32>
          %mul3A_562 = arith.constant 32 : i32
          %mul3A_563 = arith.muli %scan3A_118, %mul3A_562 : i32
          %add3A_564 = arith.constant 18 : i32
          %add3A_565 = arith.addi %mul3A_563, %add3A_564 : i32
          %get3A_566 = arith.index_cast %add3A_565 : i32 to index
          %get3A_567 = arith.constant 16 : index
          %get3A_568 = tpu.vector_load %arg5[%get3A_566, %get3A_567] {strides = array<i32>} : memref<160x128xf32, #tpu.memory_space<vmem>>, vector<1x16xf32>,
          %get3A_569 = vector.shape_cast %get3A_568 : vector<1x16xf32> to vector<16xf32>
          %add3A_570 = arith.addf %add3A_561, %get3A_569 : vector<16xf32>
          %mul3A_571 = arith.constant 32 : i32
          %mul3A_572 = arith.muli %scan3A_118, %mul3A_571 : i32
          %add3A_573 = arith.constant 19 : i32
          %add3A_574 = arith.addi %mul3A_572, %add3A_573 : i32
          %get3A_575 = arith.index_cast %add3A_574 : i32 to index
          %get3A_576 = arith.constant 16 : index
          %get3A_577 = tpu.vector_load %arg5[%get3A_575, %get3A_576] {strides = array<i32>} : memref<160x128xf32, #tpu.memory_space<vmem>>, vector<1x16xf32>,
          %get3A_578 = vector.shape_cast %get3A_577 : vector<1x16xf32> to vector<16xf32>
          %add3A_579 = arith.addf %add3A_570, %get3A_578 : vector<16xf32>
          %mul3A_580 = arith.constant 32 : i32
          %mul3A_581 = arith.muli %scan3A_118, %mul3A_580 : i32
          %add3A_582 = arith.constant 20 : i32
          %add3A_583 = arith.addi %mul3A_581, %add3A_582 : i32
          %get3A_584 = arith.index_cast %add3A_583 : i32 to index
          %get3A_585 = arith.constant 16 : index
          %get3A_586 = tpu.vector_load %arg5[%get3A_584, %get3A_585] {strides = array<i32>} : memref<160x128xf32, #tpu.memory_space<vmem>>, vector<1x16xf32>,
          %get3A_587 = vector.shape_cast %get3A_586 : vector<1x16xf32> to vector<16xf32>
          %add3A_588 = arith.addf %add3A_579, %get3A_587 : vector<16xf32>
          %mul3A_589 = arith.constant 32 : i32
          %mul3A_590 = arith.muli %scan3A_118, %mul3A_589 : i32
          %add3A_591 = arith.constant 21 : i32
          %add3A_592 = arith.addi %mul3A_590, %add3A_591 : i32
          %get3A_593 = arith.index_cast %add3A_592 : i32 to index
          %get3A_594 = arith.constant 16 : index
          %get3A_595 = tpu.vector_load %arg5[%get3A_593, %get3A_594] {strides = array<i32>} : memref<160x128xf32, #tpu.memory_space<vmem>>, vector<1x16xf32>,
          %get3A_596 = vector.shape_cast %get3A_595 : vector<1x16xf32> to vector<16xf32>
          %add3A_597 = arith.addf %add3A_588, %get3A_596 : vector<16xf32>
          %mul3A_598 = arith.constant 32 : i32
          %mul3A_599 = arith.muli %scan3A_118, %mul3A_598 : i32
          %add3A_600 = arith.constant 22 : i32
          %add3A_601 = arith.addi %mul3A_599, %add3A_600 : i32
          %get3A_602 = arith.index_cast %add3A_601 : i32 to index
          %get3A_603 = arith.constant 16 : index
          %get3A_604 = tpu.vector_load %arg5[%get3A_602, %get3A_603] {strides = array<i32>} : memref<160x128xf32, #tpu.memory_space<vmem>>, vector<1x16xf32>,
          %get3A_605 = vector.shape_cast %get3A_604 : vector<1x16xf32> to vector<16xf32>
          %add3A_606 = arith.addf %add3A_597, %get3A_605 : vector<16xf32>
          %mul3A_607 = arith.constant 32 : i32
          %mul3A_608 = arith.muli %scan3A_118, %mul3A_607 : i32
          %add3A_609 = arith.constant 23 : i32
          %add3A_610 = arith.addi %mul3A_608, %add3A_609 : i32
          %get3A_611 = arith.index_cast %add3A_610 : i32 to index
          %get3A_612 = arith.constant 16 : index
          %get3A_613 = tpu.vector_load %arg5[%get3A_611, %get3A_612] {strides = array<i32>} : memref<160x128xf32, #tpu.memory_space<vmem>>, vector<1x16xf32>,
          %get3A_614 = vector.shape_cast %get3A_613 : vector<1x16xf32> to vector<16xf32>
          %add3A_615 = arith.addf %add3A_606, %get3A_614 : vector<16xf32>
          %mul3A_616 = arith.constant 32 : i32
          %mul3A_617 = arith.muli %scan3A_118, %mul3A_616 : i32
          %add3A_618 = arith.constant 24 : i32
          %add3A_619 = arith.addi %mul3A_617, %add3A_618 : i32
          %get3A_620 = arith.index_cast %add3A_619 : i32 to index
          %get3A_621 = arith.constant 16 : index
          %get3A_622 = tpu.vector_load %arg5[%get3A_620, %get3A_621] {strides = array<i32>} : memref<160x128xf32, #tpu.memory_space<vmem>>, vector<1x16xf32>,
          %get3A_623 = vector.shape_cast %get3A_622 : vector<1x16xf32> to vector<16xf32>
          %add3A_624 = arith.addf %add3A_615, %get3A_623 : vector<16xf32>
          %mul3A_625 = arith.constant 32 : i32
          %mul3A_626 = arith.muli %scan3A_118, %mul3A_625 : i32
          %add3A_627 = arith.constant 25 : i32
          %add3A_628 = arith.addi %mul3A_626, %add3A_627 : i32
          %get3A_629 = arith.index_cast %add3A_628 : i32 to index
          %get3A_630 = arith.constant 16 : index
          %get3A_631 = tpu.vector_load %arg5[%get3A_629, %get3A_630] {strides = array<i32>} : memref<160x128xf32, #tpu.memory_space<vmem>>, vector<1x16xf32>,
          %get3A_632 = vector.shape_cast %get3A_631 : vector<1x16xf32> to vector<16xf32>
          %add3A_633 = arith.addf %add3A_624, %get3A_632 : vector<16xf32>
          %mul3A_634 = arith.constant 32 : i32
          %mul3A_635 = arith.muli %scan3A_118, %mul3A_634 : i32
          %add3A_636 = arith.constant 26 : i32
          %add3A_637 = arith.addi %mul3A_635, %add3A_636 : i32
          %get3A_638 = arith.index_cast %add3A_637 : i32 to index
          %get3A_639 = arith.constant 16 : index
          %get3A_640 = tpu.vector_load %arg5[%get3A_638, %get3A_639] {strides = array<i32>} : memref<160x128xf32, #tpu.memory_space<vmem>>, vector<1x16xf32>,
          %get3A_641 = vector.shape_cast %get3A_640 : vector<1x16xf32> to vector<16xf32>
          %add3A_642 = arith.addf %add3A_633, %get3A_641 : vector<16xf32>
          %mul3A_643 = arith.constant 32 : i32
          %mul3A_644 = arith.muli %scan3A_118, %mul3A_643 : i32
          %add3A_645 = arith.constant 27 : i32
          %add3A_646 = arith.addi %mul3A_644, %add3A_645 : i32
          %get3A_647 = arith.index_cast %add3A_646 : i32 to index
          %get3A_648 = arith.constant 16 : index
          %get3A_649 = tpu.vector_load %arg5[%get3A_647, %get3A_648] {strides = array<i32>} : memref<160x128xf32, #tpu.memory_space<vmem>>, vector<1x16xf32>,
          %get3A_650 = vector.shape_cast %get3A_649 : vector<1x16xf32> to vector<16xf32>
          %add3A_651 = arith.addf %add3A_642, %get3A_650 : vector<16xf32>
          %mul3A_652 = arith.constant 32 : i32
          %mul3A_653 = arith.muli %scan3A_118, %mul3A_652 : i32
          %add3A_654 = arith.constant 28 : i32
          %add3A_655 = arith.addi %mul3A_653, %add3A_654 : i32
          %get3A_656 = arith.index_cast %add3A_655 : i32 to index
          %get3A_657 = arith.constant 16 : index
          %get3A_658 = tpu.vector_load %arg5[%get3A_656, %get3A_657] {strides = array<i32>} : memref<160x128xf32, #tpu.memory_space<vmem>>, vector<1x16xf32>,
          %get3A_659 = vector.shape_cast %get3A_658 : vector<1x16xf32> to vector<16xf32>
          %add3A_660 = arith.addf %add3A_651, %get3A_659 : vector<16xf32>
          %mul3A_661 = arith.constant 32 : i32
          %mul3A_662 = arith.muli %scan3A_118, %mul3A_661 : i32
          %add3A_663 = arith.constant 29 : i32
          %add3A_664 = arith.addi %mul3A_662, %add3A_663 : i32
          %get3A_665 = arith.index_cast %add3A_664 : i32 to index
          %get3A_666 = arith.constant 16 : index
          %get3A_667 = tpu.vector_load %arg5[%get3A_665, %get3A_666] {strides = array<i32>} : memref<160x128xf32, #tpu.memory_space<vmem>>, vector<1x16xf32>,
          %get3A_668 = vector.shape_cast %get3A_667 : vector<1x16xf32> to vector<16xf32>
          %add3A_669 = arith.addf %add3A_660, %get3A_668 : vector<16xf32>
          %mul3A_670 = arith.constant 32 : i32
          %mul3A_671 = arith.muli %scan3A_118, %mul3A_670 : i32
          %add3A_672 = arith.constant 30 : i32
          %add3A_673 = arith.addi %mul3A_671, %add3A_672 : i32
          %get3A_674 = arith.index_cast %add3A_673 : i32 to index
          %get3A_675 = arith.constant 16 : index
          %get3A_676 = tpu.vector_load %arg5[%get3A_674, %get3A_675] {strides = array<i32>} : memref<160x128xf32, #tpu.memory_space<vmem>>, vector<1x16xf32>,
          %get3A_677 = vector.shape_cast %get3A_676 : vector<1x16xf32> to vector<16xf32>
          %add3A_678 = arith.addf %add3A_669, %get3A_677 : vector<16xf32>
          %mul3A_679 = arith.constant 32 : i32
          %mul3A_680 = arith.muli %scan3A_118, %mul3A_679 : i32
          %add3A_681 = arith.constant 31 : i32
          %add3A_682 = arith.addi %mul3A_680, %add3A_681 : i32
          %get3A_683 = arith.index_cast %add3A_682 : i32 to index
          %get3A_684 = arith.constant 16 : index
          %get3A_685 = tpu.vector_load %arg5[%get3A_683, %get3A_684] {strides = array<i32>} : memref<160x128xf32, #tpu.memory_space<vmem>>, vector<1x16xf32>,
          %get3A_686 = vector.shape_cast %get3A_685 : vector<1x16xf32> to vector<16xf32>
          %add3A_687 = arith.addf %add3A_678, %get3A_686 : vector<16xf32>
          %mul3A_688 = arith.constant 32 : i32
          %mul3A_689 = arith.muli %scan3A_118, %mul3A_688 : i32
          %get3A_690 = arith.index_cast %mul3A_689 : i32 to index
          %get3A_691 = arith.constant 32 : index
          %get3A_692 = tpu.vector_load %arg5[%get3A_690, %get3A_691] {strides = array<i32>} : memref<160x128xf32, #tpu.memory_space<vmem>>, vector<1x16xf32>,
          %get3A_693 = vector.shape_cast %get3A_692 : vector<1x16xf32> to vector<16xf32>
          %mul3A_694 = arith.constant 32 : i32
          %mul3A_695 = arith.muli %scan3A_118, %mul3A_694 : i32
          %add3A_696 = arith.constant 1 : i32
          %add3A_697 = arith.addi %mul3A_695, %add3A_696 : i32
          %get3A_698 = arith.index_cast %add3A_697 : i32 to index
          %get3A_699 = arith.constant 32 : index
          %get3A_700 = tpu.vector_load %arg5[%get3A_698, %get3A_699] {strides = array<i32>} : memref<160x128xf32, #tpu.memory_space<vmem>>, vector<1x16xf32>,
          %get3A_701 = vector.shape_cast %get3A_700 : vector<1x16xf32> to vector<16xf32>
          %add3A_702 = arith.addf %get3A_693, %get3A_701 : vector<16xf32>
          %mul3A_703 = arith.constant 32 : i32
          %mul3A_704 = arith.muli %scan3A_118, %mul3A_703 : i32
          %add3A_705 = arith.constant 2 : i32
          %add3A_706 = arith.addi %mul3A_704, %add3A_705 : i32
          %get3A_707 = arith.index_cast %add3A_706 : i32 to index
          %get3A_708 = arith.constant 32 : index
          %get3A_709 = tpu.vector_load %arg5[%get3A_707, %get3A_708] {strides = array<i32>} : memref<160x128xf32, #tpu.memory_space<vmem>>, vector<1x16xf32>,
          %get3A_710 = vector.shape_cast %get3A_709 : vector<1x16xf32> to vector<16xf32>
          %add3A_711 = arith.addf %add3A_702, %get3A_710 : vector<16xf32>
          %mul3A_712 = arith.constant 32 : i32
          %mul3A_713 = arith.muli %scan3A_118, %mul3A_712 : i32
          %add3A_714 = arith.constant 3 : i32
          %add3A_715 = arith.addi %mul3A_713, %add3A_714 : i32
          %get3A_716 = arith.index_cast %add3A_715 : i32 to index
          %get3A_717 = arith.constant 32 : index
          %get3A_718 = tpu.vector_load %arg5[%get3A_716, %get3A_717] {strides = array<i32>} : memref<160x128xf32, #tpu.memory_space<vmem>>, vector<1x16xf32>,
          %get3A_719 = vector.shape_cast %get3A_718 : vector<1x16xf32> to vector<16xf32>
          %add3A_720 = arith.addf %add3A_711, %get3A_719 : vector<16xf32>
          %mul3A_721 = arith.constant 32 : i32
          %mul3A_722 = arith.muli %scan3A_118, %mul3A_721 : i32
          %add3A_723 = arith.constant 4 : i32
          %add3A_724 = arith.addi %mul3A_722, %add3A_723 : i32
          %get3A_725 = arith.index_cast %add3A_724 : i32 to index
          %get3A_726 = arith.constant 32 : index
          %get3A_727 = tpu.vector_load %arg5[%get3A_725, %get3A_726] {strides = array<i32>} : memref<160x128xf32, #tpu.memory_space<vmem>>, vector<1x16xf32>,
          %get3A_728 = vector.shape_cast %get3A_727 : vector<1x16xf32> to vector<16xf32>
          %add3A_729 = arith.addf %add3A_720, %get3A_728 : vector<16xf32>
          %mul3A_730 = arith.constant 32 : i32
          %mul3A_731 = arith.muli %scan3A_118, %mul3A_730 : i32
          %add3A_732 = arith.constant 5 : i32
          %add3A_733 = arith.addi %mul3A_731, %add3A_732 : i32
          %get3A_734 = arith.index_cast %add3A_733 : i32 to index
          %get3A_735 = arith.constant 32 : index
          %get3A_736 = tpu.vector_load %arg5[%get3A_734, %get3A_735] {strides = array<i32>} : memref<160x128xf32, #tpu.memory_space<vmem>>, vector<1x16xf32>,
          %get3A_737 = vector.shape_cast %get3A_736 : vector<1x16xf32> to vector<16xf32>
          %add3A_738 = arith.addf %add3A_729, %get3A_737 : vector<16xf32>
          %mul3A_739 = arith.constant 32 : i32
          %mul3A_740 = arith.muli %scan3A_118, %mul3A_739 : i32
          %add3A_741 = arith.constant 6 : i32
          %add3A_742 = arith.addi %mul3A_740, %add3A_741 : i32
          %get3A_743 = arith.index_cast %add3A_742 : i32 to index
          %get3A_744 = arith.constant 32 : index
          %get3A_745 = tpu.vector_load %arg5[%get3A_743, %get3A_744] {strides = array<i32>} : memref<160x128xf32, #tpu.memory_space<vmem>>, vector<1x16xf32>,
          %get3A_746 = vector.shape_cast %get3A_745 : vector<1x16xf32> to vector<16xf32>
          %add3A_747 = arith.addf %add3A_738, %get3A_746 : vector<16xf32>
          %mul3A_748 = arith.constant 32 : i32
          %mul3A_749 = arith.muli %scan3A_118, %mul3A_748 : i32
          %add3A_750 = arith.constant 7 : i32
          %add3A_751 = arith.addi %mul3A_749, %add3A_750 : i32
          %get3A_752 = arith.index_cast %add3A_751 : i32 to index
          %get3A_753 = arith.constant 32 : index
          %get3A_754 = tpu.vector_load %arg5[%get3A_752, %get3A_753] {strides = array<i32>} : memref<160x128xf32, #tpu.memory_space<vmem>>, vector<1x16xf32>,
          %get3A_755 = vector.shape_cast %get3A_754 : vector<1x16xf32> to vector<16xf32>
          %add3A_756 = arith.addf %add3A_747, %get3A_755 : vector<16xf32>
          %mul3A_757 = arith.constant 32 : i32
          %mul3A_758 = arith.muli %scan3A_118, %mul3A_757 : i32
          %add3A_759 = arith.constant 8 : i32
          %add3A_760 = arith.addi %mul3A_758, %add3A_759 : i32
          %get3A_761 = arith.index_cast %add3A_760 : i32 to index
          %get3A_762 = arith.constant 32 : index
          %get3A_763 = tpu.vector_load %arg5[%get3A_761, %get3A_762] {strides = array<i32>} : memref<160x128xf32, #tpu.memory_space<vmem>>, vector<1x16xf32>,
          %get3A_764 = vector.shape_cast %get3A_763 : vector<1x16xf32> to vector<16xf32>
          %add3A_765 = arith.addf %add3A_756, %get3A_764 : vector<16xf32>
          %mul3A_766 = arith.constant 32 : i32
          %mul3A_767 = arith.muli %scan3A_118, %mul3A_766 : i32
          %add3A_768 = arith.constant 9 : i32
          %add3A_769 = arith.addi %mul3A_767, %add3A_768 : i32
          %get3A_770 = arith.index_cast %add3A_769 : i32 to index
          %get3A_771 = arith.constant 32 : index
          %get3A_772 = tpu.vector_load %arg5[%get3A_770, %get3A_771] {strides = array<i32>} : memref<160x128xf32, #tpu.memory_space<vmem>>, vector<1x16xf32>,
          %get3A_773 = vector.shape_cast %get3A_772 : vector<1x16xf32> to vector<16xf32>
          %add3A_774 = arith.addf %add3A_765, %get3A_773 : vector<16xf32>
          %mul3A_775 = arith.constant 32 : i32
          %mul3A_776 = arith.muli %scan3A_118, %mul3A_775 : i32
          %add3A_777 = arith.constant 10 : i32
          %add3A_778 = arith.addi %mul3A_776, %add3A_777 : i32
          %get3A_779 = arith.index_cast %add3A_778 : i32 to index
          %get3A_780 = arith.constant 32 : index
          %get3A_781 = tpu.vector_load %arg5[%get3A_779, %get3A_780] {strides = array<i32>} : memref<160x128xf32, #tpu.memory_space<vmem>>, vector<1x16xf32>,
          %get3A_782 = vector.shape_cast %get3A_781 : vector<1x16xf32> to vector<16xf32>
          %add3A_783 = arith.addf %add3A_774, %get3A_782 : vector<16xf32>
          %mul3A_784 = arith.constant 32 : i32
          %mul3A_785 = arith.muli %scan3A_118, %mul3A_784 : i32
          %add3A_786 = arith.constant 11 : i32
          %add3A_787 = arith.addi %mul3A_785, %add3A_786 : i32
          %get3A_788 = arith.index_cast %add3A_787 : i32 to index
          %get3A_789 = arith.constant 32 : index
          %get3A_790 = tpu.vector_load %arg5[%get3A_788, %get3A_789] {strides = array<i32>} : memref<160x128xf32, #tpu.memory_space<vmem>>, vector<1x16xf32>,
          %get3A_791 = vector.shape_cast %get3A_790 : vector<1x16xf32> to vector<16xf32>
          %add3A_792 = arith.addf %add3A_783, %get3A_791 : vector<16xf32>
          %mul3A_793 = arith.constant 32 : i32
          %mul3A_794 = arith.muli %scan3A_118, %mul3A_793 : i32
          %add3A_795 = arith.constant 12 : i32
          %add3A_796 = arith.addi %mul3A_794, %add3A_795 : i32
          %get3A_797 = arith.index_cast %add3A_796 : i32 to index
          %get3A_798 = arith.constant 32 : index
          %get3A_799 = tpu.vector_load %arg5[%get3A_797, %get3A_798] {strides = array<i32>} : memref<160x128xf32, #tpu.memory_space<vmem>>, vector<1x16xf32>,
          %get3A_800 = vector.shape_cast %get3A_799 : vector<1x16xf32> to vector<16xf32>
          %add3A_801 = arith.addf %add3A_792, %get3A_800 : vector<16xf32>
          %mul3A_802 = arith.constant 32 : i32
          %mul3A_803 = arith.muli %scan3A_118, %mul3A_802 : i32
          %add3A_804 = arith.constant 13 : i32
          %add3A_805 = arith.addi %mul3A_803, %add3A_804 : i32
          %get3A_806 = arith.index_cast %add3A_805 : i32 to index
          %get3A_807 = arith.constant 32 : index
          %get3A_808 = tpu.vector_load %arg5[%get3A_806, %get3A_807] {strides = array<i32>} : memref<160x128xf32, #tpu.memory_space<vmem>>, vector<1x16xf32>,
          %get3A_809 = vector.shape_cast %get3A_808 : vector<1x16xf32> to vector<16xf32>
          %add3A_810 = arith.addf %add3A_801, %get3A_809 : vector<16xf32>
          %mul3A_811 = arith.constant 32 : i32
          %mul3A_812 = arith.muli %scan3A_118, %mul3A_811 : i32
          %add3A_813 = arith.constant 14 : i32
          %add3A_814 = arith.addi %mul3A_812, %add3A_813 : i32
          %get3A_815 = arith.index_cast %add3A_814 : i32 to index
          %get3A_816 = arith.constant 32 : index
          %get3A_817 = tpu.vector_load %arg5[%get3A_815, %get3A_816] {strides = array<i32>} : memref<160x128xf32, #tpu.memory_space<vmem>>, vector<1x16xf32>,
          %get3A_818 = vector.shape_cast %get3A_817 : vector<1x16xf32> to vector<16xf32>
          %add3A_819 = arith.addf %add3A_810, %get3A_818 : vector<16xf32>
          %mul3A_820 = arith.constant 32 : i32
          %mul3A_821 = arith.muli %scan3A_118, %mul3A_820 : i32
          %add3A_822 = arith.constant 15 : i32
          %add3A_823 = arith.addi %mul3A_821, %add3A_822 : i32
          %get3A_824 = arith.index_cast %add3A_823 : i32 to index
          %get3A_825 = arith.constant 32 : index
          %get3A_826 = tpu.vector_load %arg5[%get3A_824, %get3A_825] {strides = array<i32>} : memref<160x128xf32, #tpu.memory_space<vmem>>, vector<1x16xf32>,
          %get3A_827 = vector.shape_cast %get3A_826 : vector<1x16xf32> to vector<16xf32>
          %add3A_828 = arith.addf %add3A_819, %get3A_827 : vector<16xf32>
          %mul3A_829 = arith.constant 32 : i32
          %mul3A_830 = arith.muli %scan3A_118, %mul3A_829 : i32
          %add3A_831 = arith.constant 16 : i32
          %add3A_832 = arith.addi %mul3A_830, %add3A_831 : i32
          %get3A_833 = arith.index_cast %add3A_832 : i32 to index
          %get3A_834 = arith.constant 32 : index
          %get3A_835 = tpu.vector_load %arg5[%get3A_833, %get3A_834] {strides = array<i32>} : memref<160x128xf32, #tpu.memory_space<vmem>>, vector<1x16xf32>,
          %get3A_836 = vector.shape_cast %get3A_835 : vector<1x16xf32> to vector<16xf32>
          %add3A_837 = arith.addf %add3A_828, %get3A_836 : vector<16xf32>
          %mul3A_838 = arith.constant 32 : i32
          %mul3A_839 = arith.muli %scan3A_118, %mul3A_838 : i32
          %add3A_840 = arith.constant 17 : i32
          %add3A_841 = arith.addi %mul3A_839, %add3A_840 : i32
          %get3A_842 = arith.index_cast %add3A_841 : i32 to index
          %get3A_843 = arith.constant 32 : index
          %get3A_844 = tpu.vector_load %arg5[%get3A_842, %get3A_843] {strides = array<i32>} : memref<160x128xf32, #tpu.memory_space<vmem>>, vector<1x16xf32>,
          %get3A_845 = vector.shape_cast %get3A_844 : vector<1x16xf32> to vector<16xf32>
          %add3A_846 = arith.addf %add3A_837, %get3A_845 : vector<16xf32>
          %mul3A_847 = arith.constant 32 : i32
          %mul3A_848 = arith.muli %scan3A_118, %mul3A_847 : i32
          %add3A_849 = arith.constant 18 : i32
          %add3A_850 = arith.addi %mul3A_848, %add3A_849 : i32
          %get3A_851 = arith.index_cast %add3A_850 : i32 to index
          %get3A_852 = arith.constant 32 : index
          %get3A_853 = tpu.vector_load %arg5[%get3A_851, %get3A_852] {strides = array<i32>} : memref<160x128xf32, #tpu.memory_space<vmem>>, vector<1x16xf32>,
          %get3A_854 = vector.shape_cast %get3A_853 : vector<1x16xf32> to vector<16xf32>
          %add3A_855 = arith.addf %add3A_846, %get3A_854 : vector<16xf32>
          %mul3A_856 = arith.constant 32 : i32
          %mul3A_857 = arith.muli %scan3A_118, %mul3A_856 : i32
          %add3A_858 = arith.constant 19 : i32
          %add3A_859 = arith.addi %mul3A_857, %add3A_858 : i32
          %get3A_860 = arith.index_cast %add3A_859 : i32 to index
          %get3A_861 = arith.constant 32 : index
          %get3A_862 = tpu.vector_load %arg5[%get3A_860, %get3A_861] {strides = array<i32>} : memref<160x128xf32, #tpu.memory_space<vmem>>, vector<1x16xf32>,
          %get3A_863 = vector.shape_cast %get3A_862 : vector<1x16xf32> to vector<16xf32>
          %add3A_864 = arith.addf %add3A_855, %get3A_863 : vector<16xf32>
          %mul3A_865 = arith.constant 32 : i32
          %mul3A_866 = arith.muli %scan3A_118, %mul3A_865 : i32
          %add3A_867 = arith.constant 20 : i32
          %add3A_868 = arith.addi %mul3A_866, %add3A_867 : i32
          %get3A_869 = arith.index_cast %add3A_868 : i32 to index
          %get3A_870 = arith.constant 32 : index
          %get3A_871 = tpu.vector_load %arg5[%get3A_869, %get3A_870] {strides = array<i32>} : memref<160x128xf32, #tpu.memory_space<vmem>>, vector<1x16xf32>,
          %get3A_872 = vector.shape_cast %get3A_871 : vector<1x16xf32> to vector<16xf32>
          %add3A_873 = arith.addf %add3A_864, %get3A_872 : vector<16xf32>
          %mul3A_874 = arith.constant 32 : i32
          %mul3A_875 = arith.muli %scan3A_118, %mul3A_874 : i32
          %add3A_876 = arith.constant 21 : i32
          %add3A_877 = arith.addi %mul3A_875, %add3A_876 : i32
          %get3A_878 = arith.index_cast %add3A_877 : i32 to index
          %get3A_879 = arith.constant 32 : index
          %get3A_880 = tpu.vector_load %arg5[%get3A_878, %get3A_879] {strides = array<i32>} : memref<160x128xf32, #tpu.memory_space<vmem>>, vector<1x16xf32>,
          %get3A_881 = vector.shape_cast %get3A_880 : vector<1x16xf32> to vector<16xf32>
          %add3A_882 = arith.addf %add3A_873, %get3A_881 : vector<16xf32>
          %mul3A_883 = arith.constant 32 : i32
          %mul3A_884 = arith.muli %scan3A_118, %mul3A_883 : i32
          %add3A_885 = arith.constant 22 : i32
          %add3A_886 = arith.addi %mul3A_884, %add3A_885 : i32
          %get3A_887 = arith.index_cast %add3A_886 : i32 to index
          %get3A_888 = arith.constant 32 : index
          %get3A_889 = tpu.vector_load %arg5[%get3A_887, %get3A_888] {strides = array<i32>} : memref<160x128xf32, #tpu.memory_space<vmem>>, vector<1x16xf32>,
          %get3A_890 = vector.shape_cast %get3A_889 : vector<1x16xf32> to vector<16xf32>
          %add3A_891 = arith.addf %add3A_882, %get3A_890 : vector<16xf32>
          %mul3A_892 = arith.constant 32 : i32
          %mul3A_893 = arith.muli %scan3A_118, %mul3A_892 : i32
          %add3A_894 = arith.constant 23 : i32
          %add3A_895 = arith.addi %mul3A_893, %add3A_894 : i32
          %get3A_896 = arith.index_cast %add3A_895 : i32 to index
          %get3A_897 = arith.constant 32 : index
          %get3A_898 = tpu.vector_load %arg5[%get3A_896, %get3A_897] {strides = array<i32>} : memref<160x128xf32, #tpu.memory_space<vmem>>, vector<1x16xf32>,
          %get3A_899 = vector.shape_cast %get3A_898 : vector<1x16xf32> to vector<16xf32>
          %add3A_900 = arith.addf %add3A_891, %get3A_899 : vector<16xf32>
          %mul3A_901 = arith.constant 32 : i32
          %mul3A_902 = arith.muli %scan3A_118, %mul3A_901 : i32
          %add3A_903 = arith.constant 24 : i32
          %add3A_904 = arith.addi %mul3A_902, %add3A_903 : i32
          %get3A_905 = arith.index_cast %add3A_904 : i32 to index
          %get3A_906 = arith.constant 32 : index
          %get3A_907 = tpu.vector_load %arg5[%get3A_905, %get3A_906] {strides = array<i32>} : memref<160x128xf32, #tpu.memory_space<vmem>>, vector<1x16xf32>,
          %get3A_908 = vector.shape_cast %get3A_907 : vector<1x16xf32> to vector<16xf32>
          %add3A_909 = arith.addf %add3A_900, %get3A_908 : vector<16xf32>
          %mul3A_910 = arith.constant 32 : i32
          %mul3A_911 = arith.muli %scan3A_118, %mul3A_910 : i32
          %add3A_912 = arith.constant 25 : i32
          %add3A_913 = arith.addi %mul3A_911, %add3A_912 : i32
          %get3A_914 = arith.index_cast %add3A_913 : i32 to index
          %get3A_915 = arith.constant 32 : index
          %get3A_916 = tpu.vector_load %arg5[%get3A_914, %get3A_915] {strides = array<i32>} : memref<160x128xf32, #tpu.memory_space<vmem>>, vector<1x16xf32>,
          %get3A_917 = vector.shape_cast %get3A_916 : vector<1x16xf32> to vector<16xf32>
          %add3A_918 = arith.addf %add3A_909, %get3A_917 : vector<16xf32>
          %mul3A_919 = arith.constant 32 : i32
          %mul3A_920 = arith.muli %scan3A_118, %mul3A_919 : i32
          %add3A_921 = arith.constant 26 : i32
          %add3A_922 = arith.addi %mul3A_920, %add3A_921 : i32
          %get3A_923 = arith.index_cast %add3A_922 : i32 to index
          %get3A_924 = arith.constant 32 : index
          %get3A_925 = tpu.vector_load %arg5[%get3A_923, %get3A_924] {strides = array<i32>} : memref<160x128xf32, #tpu.memory_space<vmem>>, vector<1x16xf32>,
          %get3A_926 = vector.shape_cast %get3A_925 : vector<1x16xf32> to vector<16xf32>
          %add3A_927 = arith.addf %add3A_918, %get3A_926 : vector<16xf32>
          %mul3A_928 = arith.constant 32 : i32
          %mul3A_929 = arith.muli %scan3A_118, %mul3A_928 : i32
          %add3A_930 = arith.constant 27 : i32
          %add3A_931 = arith.addi %mul3A_929, %add3A_930 : i32
          %get3A_932 = arith.index_cast %add3A_931 : i32 to index
          %get3A_933 = arith.constant 32 : index
          %get3A_934 = tpu.vector_load %arg5[%get3A_932, %get3A_933] {strides = array<i32>} : memref<160x128xf32, #tpu.memory_space<vmem>>, vector<1x16xf32>,
          %get3A_935 = vector.shape_cast %get3A_934 : vector<1x16xf32> to vector<16xf32>
          %add3A_936 = arith.addf %add3A_927, %get3A_935 : vector<16xf32>
          %mul3A_937 = arith.constant 32 : i32
          %mul3A_938 = arith.muli %scan3A_118, %mul3A_937 : i32
          %add3A_939 = arith.constant 28 : i32
          %add3A_940 = arith.addi %mul3A_938, %add3A_939 : i32
          %get3A_941 = arith.index_cast %add3A_940 : i32 to index
          %get3A_942 = arith.constant 32 : index
          %get3A_943 = tpu.vector_load %arg5[%get3A_941, %get3A_942] {strides = array<i32>} : memref<160x128xf32, #tpu.memory_space<vmem>>, vector<1x16xf32>,
          %get3A_944 = vector.shape_cast %get3A_943 : vector<1x16xf32> to vector<16xf32>
          %add3A_945 = arith.addf %add3A_936, %get3A_944 : vector<16xf32>
          %mul3A_946 = arith.constant 32 : i32
          %mul3A_947 = arith.muli %scan3A_118, %mul3A_946 : i32
          %add3A_948 = arith.constant 29 : i32
          %add3A_949 = arith.addi %mul3A_947, %add3A_948 : i32
          %get3A_950 = arith.index_cast %add3A_949 : i32 to index
          %get3A_951 = arith.constant 32 : index
          %get3A_952 = tpu.vector_load %arg5[%get3A_950, %get3A_951] {strides = array<i32>} : memref<160x128xf32, #tpu.memory_space<vmem>>, vector<1x16xf32>,
          %get3A_953 = vector.shape_cast %get3A_952 : vector<1x16xf32> to vector<16xf32>
          %add3A_954 = arith.addf %add3A_945, %get3A_953 : vector<16xf32>
          %mul3A_955 = arith.constant 32 : i32
          %mul3A_956 = arith.muli %scan3A_118, %mul3A_955 : i32
          %add3A_957 = arith.constant 30 : i32
          %add3A_958 = arith.addi %mul3A_956, %add3A_957 : i32
          %get3A_959 = arith.index_cast %add3A_958 : i32 to index
          %get3A_960 = arith.constant 32 : index
          %get3A_961 = tpu.vector_load %arg5[%get3A_959, %get3A_960] {strides = array<i32>} : memref<160x128xf32, #tpu.memory_space<vmem>>, vector<1x16xf32>,
          %get3A_962 = vector.shape_cast %get3A_961 : vector<1x16xf32> to vector<16xf32>
          %add3A_963 = arith.addf %add3A_954, %get3A_962 : vector<16xf32>
          %mul3A_964 = arith.constant 32 : i32
          %mul3A_965 = arith.muli %scan3A_118, %mul3A_964 : i32
          %add3A_966 = arith.constant 31 : i32
          %add3A_967 = arith.addi %mul3A_965, %add3A_966 : i32
          %get3A_968 = arith.index_cast %add3A_967 : i32 to index
          %get3A_969 = arith.constant 32 : index
          %get3A_970 = tpu.vector_load %arg5[%get3A_968, %get3A_969] {strides = array<i32>} : memref<160x128xf32, #tpu.memory_space<vmem>>, vector<1x16xf32>,
          %get3A_971 = vector.shape_cast %get3A_970 : vector<1x16xf32> to vector<16xf32>
          %add3A_972 = arith.addf %add3A_963, %get3A_971 : vector<16xf32>
          %mul3A_973 = arith.constant 32 : i32
          %mul3A_974 = arith.muli %scan3A_118, %mul3A_973 : i32
          %get3A_975 = arith.index_cast %mul3A_974 : i32 to index
          %get3A_976 = arith.constant 48 : index
          %get3A_977 = tpu.vector_load %arg5[%get3A_975, %get3A_976] {strides = array<i32>} : memref<160x128xf32, #tpu.memory_space<vmem>>, vector<1x16xf32>,
          %get3A_978 = vector.shape_cast %get3A_977 : vector<1x16xf32> to vector<16xf32>
          %mul3A_979 = arith.constant 32 : i32
          %mul3A_980 = arith.muli %scan3A_118, %mul3A_979 : i32
          %add3A_981 = arith.constant 1 : i32
          %add3A_982 = arith.addi %mul3A_980, %add3A_981 : i32
          %get3A_983 = arith.index_cast %add3A_982 : i32 to index
          %get3A_984 = arith.constant 48 : index
          %get3A_985 = tpu.vector_load %arg5[%get3A_983, %get3A_984] {strides = array<i32>} : memref<160x128xf32, #tpu.memory_space<vmem>>, vector<1x16xf32>,
          %get3A_986 = vector.shape_cast %get3A_985 : vector<1x16xf32> to vector<16xf32>
          %add3A_987 = arith.addf %get3A_978, %get3A_986 : vector<16xf32>
          %mul3A_988 = arith.constant 32 : i32
          %mul3A_989 = arith.muli %scan3A_118, %mul3A_988 : i32
          %add3A_990 = arith.constant 2 : i32
          %add3A_991 = arith.addi %mul3A_989, %add3A_990 : i32
          %get3A_992 = arith.index_cast %add3A_991 : i32 to index
          %get3A_993 = arith.constant 48 : index
          %get3A_994 = tpu.vector_load %arg5[%get3A_992, %get3A_993] {strides = array<i32>} : memref<160x128xf32, #tpu.memory_space<vmem>>, vector<1x16xf32>,
          %get3A_995 = vector.shape_cast %get3A_994 : vector<1x16xf32> to vector<16xf32>
          %add3A_996 = arith.addf %add3A_987, %get3A_995 : vector<16xf32>
          %mul3A_997 = arith.constant 32 : i32
          %mul3A_998 = arith.muli %scan3A_118, %mul3A_997 : i32
          %add3A_999 = arith.constant 3 : i32
          %add3A_1000 = arith.addi %mul3A_998, %add3A_999 : i32
          %get3A_1001 = arith.index_cast %add3A_1000 : i32 to index
          %get3A_1002 = arith.constant 48 : index
          %get3A_1003 = tpu.vector_load %arg5[%get3A_1001, %get3A_1002] {strides = array<i32>} : memref<160x128xf32, #tpu.memory_space<vmem>>, vector<1x16xf32>,
          %get3A_1004 = vector.shape_cast %get3A_1003 : vector<1x16xf32> to vector<16xf32>
          %add3A_1005 = arith.addf %add3A_996, %get3A_1004 : vector<16xf32>
          %mul3A_1006 = arith.constant 32 : i32
          %mul3A_1007 = arith.muli %scan3A_118, %mul3A_1006 : i32
          %add3A_1008 = arith.constant 4 : i32
          %add3A_1009 = arith.addi %mul3A_1007, %add3A_1008 : i32
          %get3A_1010 = arith.index_cast %add3A_1009 : i32 to index
          %get3A_1011 = arith.constant 48 : index
          %get3A_1012 = tpu.vector_load %arg5[%get3A_1010, %get3A_1011] {strides = array<i32>} : memref<160x128xf32, #tpu.memory_space<vmem>>, vector<1x16xf32>,
          %get3A_1013 = vector.shape_cast %get3A_1012 : vector<1x16xf32> to vector<16xf32>
          %add3A_1014 = arith.addf %add3A_1005, %get3A_1013 : vector<16xf32>
          %mul3A_1015 = arith.constant 32 : i32
          %mul3A_1016 = arith.muli %scan3A_118, %mul3A_1015 : i32
          %add3A_1017 = arith.constant 5 : i32
          %add3A_1018 = arith.addi %mul3A_1016, %add3A_1017 : i32
          %get3A_1019 = arith.index_cast %add3A_1018 : i32 to index
          %get3A_1020 = arith.constant 48 : index
          %get3A_1021 = tpu.vector_load %arg5[%get3A_1019, %get3A_1020] {strides = array<i32>} : memref<160x128xf32, #tpu.memory_space<vmem>>, vector<1x16xf32>,
          %get3A_1022 = vector.shape_cast %get3A_1021 : vector<1x16xf32> to vector<16xf32>
          %add3A_1023 = arith.addf %add3A_1014, %get3A_1022 : vector<16xf32>
          %mul3A_1024 = arith.constant 32 : i32
          %mul3A_1025 = arith.muli %scan3A_118, %mul3A_1024 : i32
          %add3A_1026 = arith.constant 6 : i32
          %add3A_1027 = arith.addi %mul3A_1025, %add3A_1026 : i32
          %get3A_1028 = arith.index_cast %add3A_1027 : i32 to index
          %get3A_1029 = arith.constant 48 : index
          %get3A_1030 = tpu.vector_load %arg5[%get3A_1028, %get3A_1029] {strides = array<i32>} : memref<160x128xf32, #tpu.memory_space<vmem>>, vector<1x16xf32>,
          %get3A_1031 = vector.shape_cast %get3A_1030 : vector<1x16xf32> to vector<16xf32>
          %add3A_1032 = arith.addf %add3A_1023, %get3A_1031 : vector<16xf32>
          %mul3A_1033 = arith.constant 32 : i32
          %mul3A_1034 = arith.muli %scan3A_118, %mul3A_1033 : i32
          %add3A_1035 = arith.constant 7 : i32
          %add3A_1036 = arith.addi %mul3A_1034, %add3A_1035 : i32
          %get3A_1037 = arith.index_cast %add3A_1036 : i32 to index
          %get3A_1038 = arith.constant 48 : index
          %get3A_1039 = tpu.vector_load %arg5[%get3A_1037, %get3A_1038] {strides = array<i32>} : memref<160x128xf32, #tpu.memory_space<vmem>>, vector<1x16xf32>,
          %get3A_1040 = vector.shape_cast %get3A_1039 : vector<1x16xf32> to vector<16xf32>
          %add3A_1041 = arith.addf %add3A_1032, %get3A_1040 : vector<16xf32>
          %mul3A_1042 = arith.constant 32 : i32
          %mul3A_1043 = arith.muli %scan3A_118, %mul3A_1042 : i32
          %add3A_1044 = arith.constant 8 : i32
          %add3A_1045 = arith.addi %mul3A_1043, %add3A_1044 : i32
          %get3A_1046 = arith.index_cast %add3A_1045 : i32 to index
          %get3A_1047 = arith.constant 48 : index
          %get3A_1048 = tpu.vector_load %arg5[%get3A_1046, %get3A_1047] {strides = array<i32>} : memref<160x128xf32, #tpu.memory_space<vmem>>, vector<1x16xf32>,
          %get3A_1049 = vector.shape_cast %get3A_1048 : vector<1x16xf32> to vector<16xf32>
          %add3A_1050 = arith.addf %add3A_1041, %get3A_1049 : vector<16xf32>
          %mul3A_1051 = arith.constant 32 : i32
          %mul3A_1052 = arith.muli %scan3A_118, %mul3A_1051 : i32
          %add3A_1053 = arith.constant 9 : i32
          %add3A_1054 = arith.addi %mul3A_1052, %add3A_1053 : i32
          %get3A_1055 = arith.index_cast %add3A_1054 : i32 to index
          %get3A_1056 = arith.constant 48 : index
          %get3A_1057 = tpu.vector_load %arg5[%get3A_1055, %get3A_1056] {strides = array<i32>} : memref<160x128xf32, #tpu.memory_space<vmem>>, vector<1x16xf32>,
          %get3A_1058 = vector.shape_cast %get3A_1057 : vector<1x16xf32> to vector<16xf32>
          %add3A_1059 = arith.addf %add3A_1050, %get3A_1058 : vector<16xf32>
          %mul3A_1060 = arith.constant 32 : i32
          %mul3A_1061 = arith.muli %scan3A_118, %mul3A_1060 : i32
          %add3A_1062 = arith.constant 10 : i32
          %add3A_1063 = arith.addi %mul3A_1061, %add3A_1062 : i32
          %get3A_1064 = arith.index_cast %add3A_1063 : i32 to index
          %get3A_1065 = arith.constant 48 : index
          %get3A_1066 = tpu.vector_load %arg5[%get3A_1064, %get3A_1065] {strides = array<i32>} : memref<160x128xf32, #tpu.memory_space<vmem>>, vector<1x16xf32>,
          %get3A_1067 = vector.shape_cast %get3A_1066 : vector<1x16xf32> to vector<16xf32>
          %add3A_1068 = arith.addf %add3A_1059, %get3A_1067 : vector<16xf32>
          %mul3A_1069 = arith.constant 32 : i32
          %mul3A_1070 = arith.muli %scan3A_118, %mul3A_1069 : i32
          %add3A_1071 = arith.constant 11 : i32
          %add3A_1072 = arith.addi %mul3A_1070, %add3A_1071 : i32
          %get3A_1073 = arith.index_cast %add3A_1072 : i32 to index
          %get3A_1074 = arith.constant 48 : index
          %get3A_1075 = tpu.vector_load %arg5[%get3A_1073, %get3A_1074] {strides = array<i32>} : memref<160x128xf32, #tpu.memory_space<vmem>>, vector<1x16xf32>,
          %get3A_1076 = vector.shape_cast %get3A_1075 : vector<1x16xf32> to vector<16xf32>
          %add3A_1077 = arith.addf %add3A_1068, %get3A_1076 : vector<16xf32>
          %mul3A_1078 = arith.constant 32 : i32
          %mul3A_1079 = arith.muli %scan3A_118, %mul3A_1078 : i32
          %add3A_1080 = arith.constant 12 : i32
          %add3A_1081 = arith.addi %mul3A_1079, %add3A_1080 : i32
          %get3A_1082 = arith.index_cast %add3A_1081 : i32 to index
          %get3A_1083 = arith.constant 48 : index
          %get3A_1084 = tpu.vector_load %arg5[%get3A_1082, %get3A_1083] {strides = array<i32>} : memref<160x128xf32, #tpu.memory_space<vmem>>, vector<1x16xf32>,
          %get3A_1085 = vector.shape_cast %get3A_1084 : vector<1x16xf32> to vector<16xf32>
          %add3A_1086 = arith.addf %add3A_1077, %get3A_1085 : vector<16xf32>
          %mul3A_1087 = arith.constant 32 : i32
          %mul3A_1088 = arith.muli %scan3A_118, %mul3A_1087 : i32
          %add3A_1089 = arith.constant 13 : i32
          %add3A_1090 = arith.addi %mul3A_1088, %add3A_1089 : i32
          %get3A_1091 = arith.index_cast %add3A_1090 : i32 to index
          %get3A_1092 = arith.constant 48 : index
          %get3A_1093 = tpu.vector_load %arg5[%get3A_1091, %get3A_1092] {strides = array<i32>} : memref<160x128xf32, #tpu.memory_space<vmem>>, vector<1x16xf32>,
          %get3A_1094 = vector.shape_cast %get3A_1093 : vector<1x16xf32> to vector<16xf32>
          %add3A_1095 = arith.addf %add3A_1086, %get3A_1094 : vector<16xf32>
          %mul3A_1096 = arith.constant 32 : i32
          %mul3A_1097 = arith.muli %scan3A_118, %mul3A_1096 : i32
          %add3A_1098 = arith.constant 14 : i32
          %add3A_1099 = arith.addi %mul3A_1097, %add3A_1098 : i32
          %get3A_1100 = arith.index_cast %add3A_1099 : i32 to index
          %get3A_1101 = arith.constant 48 : index
          %get3A_1102 = tpu.vector_load %arg5[%get3A_1100, %get3A_1101] {strides = array<i32>} : memref<160x128xf32, #tpu.memory_space<vmem>>, vector<1x16xf32>,
          %get3A_1103 = vector.shape_cast %get3A_1102 : vector<1x16xf32> to vector<16xf32>
          %add3A_1104 = arith.addf %add3A_1095, %get3A_1103 : vector<16xf32>
          %mul3A_1105 = arith.constant 32 : i32
          %mul3A_1106 = arith.muli %scan3A_118, %mul3A_1105 : i32
          %add3A_1107 = arith.constant 15 : i32
          %add3A_1108 = arith.addi %mul3A_1106, %add3A_1107 : i32
          %get3A_1109 = arith.index_cast %add3A_1108 : i32 to index
          %get3A_1110 = arith.constant 48 : index
          %get3A_1111 = tpu.vector_load %arg5[%get3A_1109, %get3A_1110] {strides = array<i32>} : memref<160x128xf32, #tpu.memory_space<vmem>>, vector<1x16xf32>,
          %get3A_1112 = vector.shape_cast %get3A_1111 : vector<1x16xf32> to vector<16xf32>
          %add3A_1113 = arith.addf %add3A_1104, %get3A_1112 : vector<16xf32>
          %mul3A_1114 = arith.constant 32 : i32
          %mul3A_1115 = arith.muli %scan3A_118, %mul3A_1114 : i32
          %add3A_1116 = arith.constant 16 : i32
          %add3A_1117 = arith.addi %mul3A_1115, %add3A_1116 : i32
          %get3A_1118 = arith.index_cast %add3A_1117 : i32 to index
          %get3A_1119 = arith.constant 48 : index
          %get3A_1120 = tpu.vector_load %arg5[%get3A_1118, %get3A_1119] {strides = array<i32>} : memref<160x128xf32, #tpu.memory_space<vmem>>, vector<1x16xf32>,
          %get3A_1121 = vector.shape_cast %get3A_1120 : vector<1x16xf32> to vector<16xf32>
          %add3A_1122 = arith.addf %add3A_1113, %get3A_1121 : vector<16xf32>
          %mul3A_1123 = arith.constant 32 : i32
          %mul3A_1124 = arith.muli %scan3A_118, %mul3A_1123 : i32
          %add3A_1125 = arith.constant 17 : i32
          %add3A_1126 = arith.addi %mul3A_1124, %add3A_1125 : i32
          %get3A_1127 = arith.index_cast %add3A_1126 : i32 to index
          %get3A_1128 = arith.constant 48 : index
          %get3A_1129 = tpu.vector_load %arg5[%get3A_1127, %get3A_1128] {strides = array<i32>} : memref<160x128xf32, #tpu.memory_space<vmem>>, vector<1x16xf32>,
          %get3A_1130 = vector.shape_cast %get3A_1129 : vector<1x16xf32> to vector<16xf32>
          %add3A_1131 = arith.addf %add3A_1122, %get3A_1130 : vector<16xf32>
          %mul3A_1132 = arith.constant 32 : i32
          %mul3A_1133 = arith.muli %scan3A_118, %mul3A_1132 : i32
          %add3A_1134 = arith.constant 18 : i32
          %add3A_1135 = arith.addi %mul3A_1133, %add3A_1134 : i32
          %get3A_1136 = arith.index_cast %add3A_1135 : i32 to index
          %get3A_1137 = arith.constant 48 : index
          %get3A_1138 = tpu.vector_load %arg5[%get3A_1136, %get3A_1137] {strides = array<i32>} : memref<160x128xf32, #tpu.memory_space<vmem>>, vector<1x16xf32>,
          %get3A_1139 = vector.shape_cast %get3A_1138 : vector<1x16xf32> to vector<16xf32>
          %add3A_1140 = arith.addf %add3A_1131, %get3A_1139 : vector<16xf32>
          %mul3A_1141 = arith.constant 32 : i32
          %mul3A_1142 = arith.muli %scan3A_118, %mul3A_1141 : i32
          %add3A_1143 = arith.constant 19 : i32
          %add3A_1144 = arith.addi %mul3A_1142, %add3A_1143 : i32
          %get3A_1145 = arith.index_cast %add3A_1144 : i32 to index
          %get3A_1146 = arith.constant 48 : index
          %get3A_1147 = tpu.vector_load %arg5[%get3A_1145, %get3A_1146] {strides = array<i32>} : memref<160x128xf32, #tpu.memory_space<vmem>>, vector<1x16xf32>,
          %get3A_1148 = vector.shape_cast %get3A_1147 : vector<1x16xf32> to vector<16xf32>
          %add3A_1149 = arith.addf %add3A_1140, %get3A_1148 : vector<16xf32>
          %mul3A_1150 = arith.constant 32 : i32
          %mul3A_1151 = arith.muli %scan3A_118, %mul3A_1150 : i32
          %add3A_1152 = arith.constant 20 : i32
          %add3A_1153 = arith.addi %mul3A_1151, %add3A_1152 : i32
          %get3A_1154 = arith.index_cast %add3A_1153 : i32 to index
          %get3A_1155 = arith.constant 48 : index
          %get3A_1156 = tpu.vector_load %arg5[%get3A_1154, %get3A_1155] {strides = array<i32>} : memref<160x128xf32, #tpu.memory_space<vmem>>, vector<1x16xf32>,
          %get3A_1157 = vector.shape_cast %get3A_1156 : vector<1x16xf32> to vector<16xf32>
          %add3A_1158 = arith.addf %add3A_1149, %get3A_1157 : vector<16xf32>
          %mul3A_1159 = arith.constant 32 : i32
          %mul3A_1160 = arith.muli %scan3A_118, %mul3A_1159 : i32
          %add3A_1161 = arith.constant 21 : i32
          %add3A_1162 = arith.addi %mul3A_1160, %add3A_1161 : i32
          %get3A_1163 = arith.index_cast %add3A_1162 : i32 to index
          %get3A_1164 = arith.constant 48 : index
          %get3A_1165 = tpu.vector_load %arg5[%get3A_1163, %get3A_1164] {strides = array<i32>} : memref<160x128xf32, #tpu.memory_space<vmem>>, vector<1x16xf32>,
          %get3A_1166 = vector.shape_cast %get3A_1165 : vector<1x16xf32> to vector<16xf32>
          %add3A_1167 = arith.addf %add3A_1158, %get3A_1166 : vector<16xf32>
          %mul3A_1168 = arith.constant 32 : i32
          %mul3A_1169 = arith.muli %scan3A_118, %mul3A_1168 : i32
          %add3A_1170 = arith.constant 22 : i32
          %add3A_1171 = arith.addi %mul3A_1169, %add3A_1170 : i32
          %get3A_1172 = arith.index_cast %add3A_1171 : i32 to index
          %get3A_1173 = arith.constant 48 : index
          %get3A_1174 = tpu.vector_load %arg5[%get3A_1172, %get3A_1173] {strides = array<i32>} : memref<160x128xf32, #tpu.memory_space<vmem>>, vector<1x16xf32>,
          %get3A_1175 = vector.shape_cast %get3A_1174 : vector<1x16xf32> to vector<16xf32>
          %add3A_1176 = arith.addf %add3A_1167, %get3A_1175 : vector<16xf32>
          %mul3A_1177 = arith.constant 32 : i32
          %mul3A_1178 = arith.muli %scan3A_118, %mul3A_1177 : i32
          %add3A_1179 = arith.constant 23 : i32
          %add3A_1180 = arith.addi %mul3A_1178, %add3A_1179 : i32
          %get3A_1181 = arith.index_cast %add3A_1180 : i32 to index
          %get3A_1182 = arith.constant 48 : index
          %get3A_1183 = tpu.vector_load %arg5[%get3A_1181, %get3A_1182] {strides = array<i32>} : memref<160x128xf32, #tpu.memory_space<vmem>>, vector<1x16xf32>,
          %get3A_1184 = vector.shape_cast %get3A_1183 : vector<1x16xf32> to vector<16xf32>
          %add3A_1185 = arith.addf %add3A_1176, %get3A_1184 : vector<16xf32>
          %mul3A_1186 = arith.constant 32 : i32
          %mul3A_1187 = arith.muli %scan3A_118, %mul3A_1186 : i32
          %add3A_1188 = arith.constant 24 : i32
          %add3A_1189 = arith.addi %mul3A_1187, %add3A_1188 : i32
          %get3A_1190 = arith.index_cast %add3A_1189 : i32 to index
          %get3A_1191 = arith.constant 48 : index
          %get3A_1192 = tpu.vector_load %arg5[%get3A_1190, %get3A_1191] {strides = array<i32>} : memref<160x128xf32, #tpu.memory_space<vmem>>, vector<1x16xf32>,
          %get3A_1193 = vector.shape_cast %get3A_1192 : vector<1x16xf32> to vector<16xf32>
          %add3A_1194 = arith.addf %add3A_1185, %get3A_1193 : vector<16xf32>
          %mul3A_1195 = arith.constant 32 : i32
          %mul3A_1196 = arith.muli %scan3A_118, %mul3A_1195 : i32
          %add3A_1197 = arith.constant 25 : i32
          %add3A_1198 = arith.addi %mul3A_1196, %add3A_1197 : i32
          %get3A_1199 = arith.index_cast %add3A_1198 : i32 to index
          %get3A_1200 = arith.constant 48 : index
          %get3A_1201 = tpu.vector_load %arg5[%get3A_1199, %get3A_1200] {strides = array<i32>} : memref<160x128xf32, #tpu.memory_space<vmem>>, vector<1x16xf32>,
          %get3A_1202 = vector.shape_cast %get3A_1201 : vector<1x16xf32> to vector<16xf32>
          %add3A_1203 = arith.addf %add3A_1194, %get3A_1202 : vector<16xf32>
          %mul3A_1204 = arith.constant 32 : i32
          %mul3A_1205 = arith.muli %scan3A_118, %mul3A_1204 : i32
          %add3A_1206 = arith.constant 26 : i32
          %add3A_1207 = arith.addi %mul3A_1205, %add3A_1206 : i32
          %get3A_1208 = arith.index_cast %add3A_1207 : i32 to index
          %get3A_1209 = arith.constant 48 : index
          %get3A_1210 = tpu.vector_load %arg5[%get3A_1208, %get3A_1209] {strides = array<i32>} : memref<160x128xf32, #tpu.memory_space<vmem>>, vector<1x16xf32>,
          %get3A_1211 = vector.shape_cast %get3A_1210 : vector<1x16xf32> to vector<16xf32>
          %add3A_1212 = arith.addf %add3A_1203, %get3A_1211 : vector<16xf32>
          %mul3A_1213 = arith.constant 32 : i32
          %mul3A_1214 = arith.muli %scan3A_118, %mul3A_1213 : i32
          %add3A_1215 = arith.constant 27 : i32
          %add3A_1216 = arith.addi %mul3A_1214, %add3A_1215 : i32
          %get3A_1217 = arith.index_cast %add3A_1216 : i32 to index
          %get3A_1218 = arith.constant 48 : index
          %get3A_1219 = tpu.vector_load %arg5[%get3A_1217, %get3A_1218] {strides = array<i32>} : memref<160x128xf32, #tpu.memory_space<vmem>>, vector<1x16xf32>,
          %get3A_1220 = vector.shape_cast %get3A_1219 : vector<1x16xf32> to vector<16xf32>
          %add3A_1221 = arith.addf %add3A_1212, %get3A_1220 : vector<16xf32>
          %mul3A_1222 = arith.constant 32 : i32
          %mul3A_1223 = arith.muli %scan3A_118, %mul3A_1222 : i32
          %add3A_1224 = arith.constant 28 : i32
          %add3A_1225 = arith.addi %mul3A_1223, %add3A_1224 : i32
          %get3A_1226 = arith.index_cast %add3A_1225 : i32 to index
          %get3A_1227 = arith.constant 48 : index
          %get3A_1228 = tpu.vector_load %arg5[%get3A_1226, %get3A_1227] {strides = array<i32>} : memref<160x128xf32, #tpu.memory_space<vmem>>, vector<1x16xf32>,
          %get3A_1229 = vector.shape_cast %get3A_1228 : vector<1x16xf32> to vector<16xf32>
          %add3A_1230 = arith.addf %add3A_1221, %get3A_1229 : vector<16xf32>
          %mul3A_1231 = arith.constant 32 : i32
          %mul3A_1232 = arith.muli %scan3A_118, %mul3A_1231 : i32
          %add3A_1233 = arith.constant 29 : i32
          %add3A_1234 = arith.addi %mul3A_1232, %add3A_1233 : i32
          %get3A_1235 = arith.index_cast %add3A_1234 : i32 to index
          %get3A_1236 = arith.constant 48 : index
          %get3A_1237 = tpu.vector_load %arg5[%get3A_1235, %get3A_1236] {strides = array<i32>} : memref<160x128xf32, #tpu.memory_space<vmem>>, vector<1x16xf32>,
          %get3A_1238 = vector.shape_cast %get3A_1237 : vector<1x16xf32> to vector<16xf32>
          %add3A_1239 = arith.addf %add3A_1230, %get3A_1238 : vector<16xf32>
          %mul3A_1240 = arith.constant 32 : i32
          %mul3A_1241 = arith.muli %scan3A_118, %mul3A_1240 : i32
          %add3A_1242 = arith.constant 30 : i32
          %add3A_1243 = arith.addi %mul3A_1241, %add3A_1242 : i32
          %get3A_1244 = arith.index_cast %add3A_1243 : i32 to index
          %get3A_1245 = arith.constant 48 : index
          %get3A_1246 = tpu.vector_load %arg5[%get3A_1244, %get3A_1245] {strides = array<i32>} : memref<160x128xf32, #tpu.memory_space<vmem>>, vector<1x16xf32>,
          %get3A_1247 = vector.shape_cast %get3A_1246 : vector<1x16xf32> to vector<16xf32>
          %add3A_1248 = arith.addf %add3A_1239, %get3A_1247 : vector<16xf32>
          %mul3A_1249 = arith.constant 32 : i32
          %mul3A_1250 = arith.muli %scan3A_118, %mul3A_1249 : i32
          %add3A_1251 = arith.constant 31 : i32
          %add3A_1252 = arith.addi %mul3A_1250, %add3A_1251 : i32
          %get3A_1253 = arith.index_cast %add3A_1252 : i32 to index
          %get3A_1254 = arith.constant 48 : index
          %get3A_1255 = tpu.vector_load %arg5[%get3A_1253, %get3A_1254] {strides = array<i32>} : memref<160x128xf32, #tpu.memory_space<vmem>>, vector<1x16xf32>,
          %get3A_1256 = vector.shape_cast %get3A_1255 : vector<1x16xf32> to vector<16xf32>
          %add3A_1257 = arith.addf %add3A_1248, %get3A_1256 : vector<16xf32>
          %mul3A_1258 = arith.constant 32 : i32
          %mul3A_1259 = arith.muli %scan3A_118, %mul3A_1258 : i32
          %get3A_1260 = arith.index_cast %mul3A_1259 : i32 to index
          %get3A_1261 = arith.constant 64 : index
          %get3A_1262 = tpu.vector_load %arg5[%get3A_1260, %get3A_1261] {strides = array<i32>} : memref<160x128xf32, #tpu.memory_space<vmem>>, vector<1x16xf32>,
          %get3A_1263 = vector.shape_cast %get3A_1262 : vector<1x16xf32> to vector<16xf32>
          %mul3A_1264 = arith.constant 32 : i32
          %mul3A_1265 = arith.muli %scan3A_118, %mul3A_1264 : i32
          %add3A_1266 = arith.constant 1 : i32
          %add3A_1267 = arith.addi %mul3A_1265, %add3A_1266 : i32
          %get3A_1268 = arith.index_cast %add3A_1267 : i32 to index
          %get3A_1269 = arith.constant 64 : index
          %get3A_1270 = tpu.vector_load %arg5[%get3A_1268, %get3A_1269] {strides = array<i32>} : memref<160x128xf32, #tpu.memory_space<vmem>>, vector<1x16xf32>,
          %get3A_1271 = vector.shape_cast %get3A_1270 : vector<1x16xf32> to vector<16xf32>
          %add3A_1272 = arith.addf %get3A_1263, %get3A_1271 : vector<16xf32>
          %mul3A_1273 = arith.constant 32 : i32
          %mul3A_1274 = arith.muli %scan3A_118, %mul3A_1273 : i32
          %add3A_1275 = arith.constant 2 : i32
          %add3A_1276 = arith.addi %mul3A_1274, %add3A_1275 : i32
          %get3A_1277 = arith.index_cast %add3A_1276 : i32 to index
          %get3A_1278 = arith.constant 64 : index
          %get3A_1279 = tpu.vector_load %arg5[%get3A_1277, %get3A_1278] {strides = array<i32>} : memref<160x128xf32, #tpu.memory_space<vmem>>, vector<1x16xf32>,
          %get3A_1280 = vector.shape_cast %get3A_1279 : vector<1x16xf32> to vector<16xf32>
          %add3A_1281 = arith.addf %add3A_1272, %get3A_1280 : vector<16xf32>
          %mul3A_1282 = arith.constant 32 : i32
          %mul3A_1283 = arith.muli %scan3A_118, %mul3A_1282 : i32
          %add3A_1284 = arith.constant 3 : i32
          %add3A_1285 = arith.addi %mul3A_1283, %add3A_1284 : i32
          %get3A_1286 = arith.index_cast %add3A_1285 : i32 to index
          %get3A_1287 = arith.constant 64 : index
          %get3A_1288 = tpu.vector_load %arg5[%get3A_1286, %get3A_1287] {strides = array<i32>} : memref<160x128xf32, #tpu.memory_space<vmem>>, vector<1x16xf32>,
          %get3A_1289 = vector.shape_cast %get3A_1288 : vector<1x16xf32> to vector<16xf32>
          %add3A_1290 = arith.addf %add3A_1281, %get3A_1289 : vector<16xf32>
          %mul3A_1291 = arith.constant 32 : i32
          %mul3A_1292 = arith.muli %scan3A_118, %mul3A_1291 : i32
          %add3A_1293 = arith.constant 4 : i32
          %add3A_1294 = arith.addi %mul3A_1292, %add3A_1293 : i32
          %get3A_1295 = arith.index_cast %add3A_1294 : i32 to index
          %get3A_1296 = arith.constant 64 : index
          %get3A_1297 = tpu.vector_load %arg5[%get3A_1295, %get3A_1296] {strides = array<i32>} : memref<160x128xf32, #tpu.memory_space<vmem>>, vector<1x16xf32>,
          %get3A_1298 = vector.shape_cast %get3A_1297 : vector<1x16xf32> to vector<16xf32>
          %add3A_1299 = arith.addf %add3A_1290, %get3A_1298 : vector<16xf32>
          %mul3A_1300 = arith.constant 32 : i32
          %mul3A_1301 = arith.muli %scan3A_118, %mul3A_1300 : i32
          %add3A_1302 = arith.constant 5 : i32
          %add3A_1303 = arith.addi %mul3A_1301, %add3A_1302 : i32
          %get3A_1304 = arith.index_cast %add3A_1303 : i32 to index
          %get3A_1305 = arith.constant 64 : index
          %get3A_1306 = tpu.vector_load %arg5[%get3A_1304, %get3A_1305] {strides = array<i32>} : memref<160x128xf32, #tpu.memory_space<vmem>>, vector<1x16xf32>,
          %get3A_1307 = vector.shape_cast %get3A_1306 : vector<1x16xf32> to vector<16xf32>
          %add3A_1308 = arith.addf %add3A_1299, %get3A_1307 : vector<16xf32>
          %mul3A_1309 = arith.constant 32 : i32
          %mul3A_1310 = arith.muli %scan3A_118, %mul3A_1309 : i32
          %add3A_1311 = arith.constant 6 : i32
          %add3A_1312 = arith.addi %mul3A_1310, %add3A_1311 : i32
          %get3A_1313 = arith.index_cast %add3A_1312 : i32 to index
          %get3A_1314 = arith.constant 64 : index
          %get3A_1315 = tpu.vector_load %arg5[%get3A_1313, %get3A_1314] {strides = array<i32>} : memref<160x128xf32, #tpu.memory_space<vmem>>, vector<1x16xf32>,
          %get3A_1316 = vector.shape_cast %get3A_1315 : vector<1x16xf32> to vector<16xf32>
          %add3A_1317 = arith.addf %add3A_1308, %get3A_1316 : vector<16xf32>
          %mul3A_1318 = arith.constant 32 : i32
          %mul3A_1319 = arith.muli %scan3A_118, %mul3A_1318 : i32
          %add3A_1320 = arith.constant 7 : i32
          %add3A_1321 = arith.addi %mul3A_1319, %add3A_1320 : i32
          %get3A_1322 = arith.index_cast %add3A_1321 : i32 to index
          %get3A_1323 = arith.constant 64 : index
          %get3A_1324 = tpu.vector_load %arg5[%get3A_1322, %get3A_1323] {strides = array<i32>} : memref<160x128xf32, #tpu.memory_space<vmem>>, vector<1x16xf32>,
          %get3A_1325 = vector.shape_cast %get3A_1324 : vector<1x16xf32> to vector<16xf32>
          %add3A_1326 = arith.addf %add3A_1317, %get3A_1325 : vector<16xf32>
          %mul3A_1327 = arith.constant 32 : i32
          %mul3A_1328 = arith.muli %scan3A_118, %mul3A_1327 : i32
          %add3A_1329 = arith.constant 8 : i32
          %add3A_1330 = arith.addi %mul3A_1328, %add3A_1329 : i32
          %get3A_1331 = arith.index_cast %add3A_1330 : i32 to index
          %get3A_1332 = arith.constant 64 : index
          %get3A_1333 = tpu.vector_load %arg5[%get3A_1331, %get3A_1332] {strides = array<i32>} : memref<160x128xf32, #tpu.memory_space<vmem>>, vector<1x16xf32>,
          %get3A_1334 = vector.shape_cast %get3A_1333 : vector<1x16xf32> to vector<16xf32>
          %add3A_1335 = arith.addf %add3A_1326, %get3A_1334 : vector<16xf32>
          %mul3A_1336 = arith.constant 32 : i32
          %mul3A_1337 = arith.muli %scan3A_118, %mul3A_1336 : i32
          %add3A_1338 = arith.constant 9 : i32
          %add3A_1339 = arith.addi %mul3A_1337, %add3A_1338 : i32
          %get3A_1340 = arith.index_cast %add3A_1339 : i32 to index
          %get3A_1341 = arith.constant 64 : index
          %get3A_1342 = tpu.vector_load %arg5[%get3A_1340, %get3A_1341] {strides = array<i32>} : memref<160x128xf32, #tpu.memory_space<vmem>>, vector<1x16xf32>,
          %get3A_1343 = vector.shape_cast %get3A_1342 : vector<1x16xf32> to vector<16xf32>
          %add3A_1344 = arith.addf %add3A_1335, %get3A_1343 : vector<16xf32>
          %mul3A_1345 = arith.constant 32 : i32
          %mul3A_1346 = arith.muli %scan3A_118, %mul3A_1345 : i32
          %add3A_1347 = arith.constant 10 : i32
          %add3A_1348 = arith.addi %mul3A_1346, %add3A_1347 : i32
          %get3A_1349 = arith.index_cast %add3A_1348 : i32 to index
          %get3A_1350 = arith.constant 64 : index
          %get3A_1351 = tpu.vector_load %arg5[%get3A_1349, %get3A_1350] {strides = array<i32>} : memref<160x128xf32, #tpu.memory_space<vmem>>, vector<1x16xf32>,
          %get3A_1352 = vector.shape_cast %get3A_1351 : vector<1x16xf32> to vector<16xf32>
          %add3A_1353 = arith.addf %add3A_1344, %get3A_1352 : vector<16xf32>
          %mul3A_1354 = arith.constant 32 : i32
          %mul3A_1355 = arith.muli %scan3A_118, %mul3A_1354 : i32
          %add3A_1356 = arith.constant 11 : i32
          %add3A_1357 = arith.addi %mul3A_1355, %add3A_1356 : i32
          %get3A_1358 = arith.index_cast %add3A_1357 : i32 to index
          %get3A_1359 = arith.constant 64 : index
          %get3A_1360 = tpu.vector_load %arg5[%get3A_1358, %get3A_1359] {strides = array<i32>} : memref<160x128xf32, #tpu.memory_space<vmem>>, vector<1x16xf32>,
          %get3A_1361 = vector.shape_cast %get3A_1360 : vector<1x16xf32> to vector<16xf32>
          %add3A_1362 = arith.addf %add3A_1353, %get3A_1361 : vector<16xf32>
          %mul3A_1363 = arith.constant 32 : i32
          %mul3A_1364 = arith.muli %scan3A_118, %mul3A_1363 : i32
          %add3A_1365 = arith.constant 12 : i32
          %add3A_1366 = arith.addi %mul3A_1364, %add3A_1365 : i32
          %get3A_1367 = arith.index_cast %add3A_1366 : i32 to index
          %get3A_1368 = arith.constant 64 : index
          %get3A_1369 = tpu.vector_load %arg5[%get3A_1367, %get3A_1368] {strides = array<i32>} : memref<160x128xf32, #tpu.memory_space<vmem>>, vector<1x16xf32>,
          %get3A_1370 = vector.shape_cast %get3A_1369 : vector<1x16xf32> to vector<16xf32>
          %add3A_1371 = arith.addf %add3A_1362, %get3A_1370 : vector<16xf32>
          %mul3A_1372 = arith.constant 32 : i32
          %mul3A_1373 = arith.muli %scan3A_118, %mul3A_1372 : i32
          %add3A_1374 = arith.constant 13 : i32
          %add3A_1375 = arith.addi %mul3A_1373, %add3A_1374 : i32
          %get3A_1376 = arith.index_cast %add3A_1375 : i32 to index
          %get3A_1377 = arith.constant 64 : index
          %get3A_1378 = tpu.vector_load %arg5[%get3A_1376, %get3A_1377] {strides = array<i32>} : memref<160x128xf32, #tpu.memory_space<vmem>>, vector<1x16xf32>,
          %get3A_1379 = vector.shape_cast %get3A_1378 : vector<1x16xf32> to vector<16xf32>
          %add3A_1380 = arith.addf %add3A_1371, %get3A_1379 : vector<16xf32>
          %mul3A_1381 = arith.constant 32 : i32
          %mul3A_1382 = arith.muli %scan3A_118, %mul3A_1381 : i32
          %add3A_1383 = arith.constant 14 : i32
          %add3A_1384 = arith.addi %mul3A_1382, %add3A_1383 : i32
          %get3A_1385 = arith.index_cast %add3A_1384 : i32 to index
          %get3A_1386 = arith.constant 64 : index
          %get3A_1387 = tpu.vector_load %arg5[%get3A_1385, %get3A_1386] {strides = array<i32>} : memref<160x128xf32, #tpu.memory_space<vmem>>, vector<1x16xf32>,
          %get3A_1388 = vector.shape_cast %get3A_1387 : vector<1x16xf32> to vector<16xf32>
          %add3A_1389 = arith.addf %add3A_1380, %get3A_1388 : vector<16xf32>
          %mul3A_1390 = arith.constant 32 : i32
          %mul3A_1391 = arith.muli %scan3A_118, %mul3A_1390 : i32
          %add3A_1392 = arith.constant 15 : i32
          %add3A_1393 = arith.addi %mul3A_1391, %add3A_1392 : i32
          %get3A_1394 = arith.index_cast %add3A_1393 : i32 to index
          %get3A_1395 = arith.constant 64 : index
          %get3A_1396 = tpu.vector_load %arg5[%get3A_1394, %get3A_1395] {strides = array<i32>} : memref<160x128xf32, #tpu.memory_space<vmem>>, vector<1x16xf32>,
          %get3A_1397 = vector.shape_cast %get3A_1396 : vector<1x16xf32> to vector<16xf32>
          %add3A_1398 = arith.addf %add3A_1389, %get3A_1397 : vector<16xf32>
          %mul3A_1399 = arith.constant 32 : i32
          %mul3A_1400 = arith.muli %scan3A_118, %mul3A_1399 : i32
          %add3A_1401 = arith.constant 16 : i32
          %add3A_1402 = arith.addi %mul3A_1400, %add3A_1401 : i32
          %get3A_1403 = arith.index_cast %add3A_1402 : i32 to index
          %get3A_1404 = arith.constant 64 : index
          %get3A_1405 = tpu.vector_load %arg5[%get3A_1403, %get3A_1404] {strides = array<i32>} : memref<160x128xf32, #tpu.memory_space<vmem>>, vector<1x16xf32>,
          %get3A_1406 = vector.shape_cast %get3A_1405 : vector<1x16xf32> to vector<16xf32>
          %add3A_1407 = arith.addf %add3A_1398, %get3A_1406 : vector<16xf32>
          %mul3A_1408 = arith.constant 32 : i32
          %mul3A_1409 = arith.muli %scan3A_118, %mul3A_1408 : i32
          %add3A_1410 = arith.constant 17 : i32
          %add3A_1411 = arith.addi %mul3A_1409, %add3A_1410 : i32
          %get3A_1412 = arith.index_cast %add3A_1411 : i32 to index
          %get3A_1413 = arith.constant 64 : index
          %get3A_1414 = tpu.vector_load %arg5[%get3A_1412, %get3A_1413] {strides = array<i32>} : memref<160x128xf32, #tpu.memory_space<vmem>>, vector<1x16xf32>,
          %get3A_1415 = vector.shape_cast %get3A_1414 : vector<1x16xf32> to vector<16xf32>
          %add3A_1416 = arith.addf %add3A_1407, %get3A_1415 : vector<16xf32>
          %mul3A_1417 = arith.constant 32 : i32
          %mul3A_1418 = arith.muli %scan3A_118, %mul3A_1417 : i32
          %add3A_1419 = arith.constant 18 : i32
          %add3A_1420 = arith.addi %mul3A_1418, %add3A_1419 : i32
          %get3A_1421 = arith.index_cast %add3A_1420 : i32 to index
          %get3A_1422 = arith.constant 64 : index
          %get3A_1423 = tpu.vector_load %arg5[%get3A_1421, %get3A_1422] {strides = array<i32>} : memref<160x128xf32, #tpu.memory_space<vmem>>, vector<1x16xf32>,
          %get3A_1424 = vector.shape_cast %get3A_1423 : vector<1x16xf32> to vector<16xf32>
          %add3A_1425 = arith.addf %add3A_1416, %get3A_1424 : vector<16xf32>
          %mul3A_1426 = arith.constant 32 : i32
          %mul3A_1427 = arith.muli %scan3A_118, %mul3A_1426 : i32
          %add3A_1428 = arith.constant 19 : i32
          %add3A_1429 = arith.addi %mul3A_1427, %add3A_1428 : i32
          %get3A_1430 = arith.index_cast %add3A_1429 : i32 to index
          %get3A_1431 = arith.constant 64 : index
          %get3A_1432 = tpu.vector_load %arg5[%get3A_1430, %get3A_1431] {strides = array<i32>} : memref<160x128xf32, #tpu.memory_space<vmem>>, vector<1x16xf32>,
          %get3A_1433 = vector.shape_cast %get3A_1432 : vector<1x16xf32> to vector<16xf32>
          %add3A_1434 = arith.addf %add3A_1425, %get3A_1433 : vector<16xf32>
          %mul3A_1435 = arith.constant 32 : i32
          %mul3A_1436 = arith.muli %scan3A_118, %mul3A_1435 : i32
          %add3A_1437 = arith.constant 20 : i32
          %add3A_1438 = arith.addi %mul3A_1436, %add3A_1437 : i32
          %get3A_1439 = arith.index_cast %add3A_1438 : i32 to index
          %get3A_1440 = arith.constant 64 : index
          %get3A_1441 = tpu.vector_load %arg5[%get3A_1439, %get3A_1440] {strides = array<i32>} : memref<160x128xf32, #tpu.memory_space<vmem>>, vector<1x16xf32>,
          %get3A_1442 = vector.shape_cast %get3A_1441 : vector<1x16xf32> to vector<16xf32>
          %add3A_1443 = arith.addf %add3A_1434, %get3A_1442 : vector<16xf32>
          %mul3A_1444 = arith.constant 32 : i32
          %mul3A_1445 = arith.muli %scan3A_118, %mul3A_1444 : i32
          %add3A_1446 = arith.constant 21 : i32
          %add3A_1447 = arith.addi %mul3A_1445, %add3A_1446 : i32
          %get3A_1448 = arith.index_cast %add3A_1447 : i32 to index
          %get3A_1449 = arith.constant 64 : index
          %get3A_1450 = tpu.vector_load %arg5[%get3A_1448, %get3A_1449] {strides = array<i32>} : memref<160x128xf32, #tpu.memory_space<vmem>>, vector<1x16xf32>,
          %get3A_1451 = vector.shape_cast %get3A_1450 : vector<1x16xf32> to vector<16xf32>
          %add3A_1452 = arith.addf %add3A_1443, %get3A_1451 : vector<16xf32>
          %mul3A_1453 = arith.constant 32 : i32
          %mul3A_1454 = arith.muli %scan3A_118, %mul3A_1453 : i32
          %add3A_1455 = arith.constant 22 : i32
          %add3A_1456 = arith.addi %mul3A_1454, %add3A_1455 : i32
          %get3A_1457 = arith.index_cast %add3A_1456 : i32 to index
          %get3A_1458 = arith.constant 64 : index
          %get3A_1459 = tpu.vector_load %arg5[%get3A_1457, %get3A_1458] {strides = array<i32>} : memref<160x128xf32, #tpu.memory_space<vmem>>, vector<1x16xf32>,
          %get3A_1460 = vector.shape_cast %get3A_1459 : vector<1x16xf32> to vector<16xf32>
          %add3A_1461 = arith.addf %add3A_1452, %get3A_1460 : vector<16xf32>
          %mul3A_1462 = arith.constant 32 : i32
          %mul3A_1463 = arith.muli %scan3A_118, %mul3A_1462 : i32
          %add3A_1464 = arith.constant 23 : i32
          %add3A_1465 = arith.addi %mul3A_1463, %add3A_1464 : i32
          %get3A_1466 = arith.index_cast %add3A_1465 : i32 to index
          %get3A_1467 = arith.constant 64 : index
          %get3A_1468 = tpu.vector_load %arg5[%get3A_1466, %get3A_1467] {strides = array<i32>} : memref<160x128xf32, #tpu.memory_space<vmem>>, vector<1x16xf32>,
          %get3A_1469 = vector.shape_cast %get3A_1468 : vector<1x16xf32> to vector<16xf32>
          %add3A_1470 = arith.addf %add3A_1461, %get3A_1469 : vector<16xf32>
          %mul3A_1471 = arith.constant 32 : i32
          %mul3A_1472 = arith.muli %scan3A_118, %mul3A_1471 : i32
          %add3A_1473 = arith.constant 24 : i32
          %add3A_1474 = arith.addi %mul3A_1472, %add3A_1473 : i32
          %get3A_1475 = arith.index_cast %add3A_1474 : i32 to index
          %get3A_1476 = arith.constant 64 : index
          %get3A_1477 = tpu.vector_load %arg5[%get3A_1475, %get3A_1476] {strides = array<i32>} : memref<160x128xf32, #tpu.memory_space<vmem>>, vector<1x16xf32>,
          %get3A_1478 = vector.shape_cast %get3A_1477 : vector<1x16xf32> to vector<16xf32>
          %add3A_1479 = arith.addf %add3A_1470, %get3A_1478 : vector<16xf32>
          %mul3A_1480 = arith.constant 32 : i32
          %mul3A_1481 = arith.muli %scan3A_118, %mul3A_1480 : i32
          %add3A_1482 = arith.constant 25 : i32
          %add3A_1483 = arith.addi %mul3A_1481, %add3A_1482 : i32
          %get3A_1484 = arith.index_cast %add3A_1483 : i32 to index
          %get3A_1485 = arith.constant 64 : index
          %get3A_1486 = tpu.vector_load %arg5[%get3A_1484, %get3A_1485] {strides = array<i32>} : memref<160x128xf32, #tpu.memory_space<vmem>>, vector<1x16xf32>,
          %get3A_1487 = vector.shape_cast %get3A_1486 : vector<1x16xf32> to vector<16xf32>
          %add3A_1488 = arith.addf %add3A_1479, %get3A_1487 : vector<16xf32>
          %mul3A_1489 = arith.constant 32 : i32
          %mul3A_1490 = arith.muli %scan3A_118, %mul3A_1489 : i32
          %add3A_1491 = arith.constant 26 : i32
          %add3A_1492 = arith.addi %mul3A_1490, %add3A_1491 : i32
          %get3A_1493 = arith.index_cast %add3A_1492 : i32 to index
          %get3A_1494 = arith.constant 64 : index
          %get3A_1495 = tpu.vector_load %arg5[%get3A_1493, %get3A_1494] {strides = array<i32>} : memref<160x128xf32, #tpu.memory_space<vmem>>, vector<1x16xf32>,
          %get3A_1496 = vector.shape_cast %get3A_1495 : vector<1x16xf32> to vector<16xf32>
          %add3A_1497 = arith.addf %add3A_1488, %get3A_1496 : vector<16xf32>
          %mul3A_1498 = arith.constant 32 : i32
          %mul3A_1499 = arith.muli %scan3A_118, %mul3A_1498 : i32
          %add3A_1500 = arith.constant 27 : i32
          %add3A_1501 = arith.addi %mul3A_1499, %add3A_1500 : i32
          %get3A_1502 = arith.index_cast %add3A_1501 : i32 to index
          %get3A_1503 = arith.constant 64 : index
          %get3A_1504 = tpu.vector_load %arg5[%get3A_1502, %get3A_1503] {strides = array<i32>} : memref<160x128xf32, #tpu.memory_space<vmem>>, vector<1x16xf32>,
          %get3A_1505 = vector.shape_cast %get3A_1504 : vector<1x16xf32> to vector<16xf32>
          %add3A_1506 = arith.addf %add3A_1497, %get3A_1505 : vector<16xf32>
          %mul3A_1507 = arith.constant 32 : i32
          %mul3A_1508 = arith.muli %scan3A_118, %mul3A_1507 : i32
          %add3A_1509 = arith.constant 28 : i32
          %add3A_1510 = arith.addi %mul3A_1508, %add3A_1509 : i32
          %get3A_1511 = arith.index_cast %add3A_1510 : i32 to index
          %get3A_1512 = arith.constant 64 : index
          %get3A_1513 = tpu.vector_load %arg5[%get3A_1511, %get3A_1512] {strides = array<i32>} : memref<160x128xf32, #tpu.memory_space<vmem>>, vector<1x16xf32>,
          %get3A_1514 = vector.shape_cast %get3A_1513 : vector<1x16xf32> to vector<16xf32>
          %add3A_1515 = arith.addf %add3A_1506, %get3A_1514 : vector<16xf32>
          %mul3A_1516 = arith.constant 32 : i32
          %mul3A_1517 = arith.muli %scan3A_118, %mul3A_1516 : i32
          %add3A_1518 = arith.constant 29 : i32
          %add3A_1519 = arith.addi %mul3A_1517, %add3A_1518 : i32
          %get3A_1520 = arith.index_cast %add3A_1519 : i32 to index
          %get3A_1521 = arith.constant 64 : index
          %get3A_1522 = tpu.vector_load %arg5[%get3A_1520, %get3A_1521] {strides = array<i32>} : memref<160x128xf32, #tpu.memory_space<vmem>>, vector<1x16xf32>,
          %get3A_1523 = vector.shape_cast %get3A_1522 : vector<1x16xf32> to vector<16xf32>
          %add3A_1524 = arith.addf %add3A_1515, %get3A_1523 : vector<16xf32>
          %mul3A_1525 = arith.constant 32 : i32
          %mul3A_1526 = arith.muli %scan3A_118, %mul3A_1525 : i32
          %add3A_1527 = arith.constant 30 : i32
          %add3A_1528 = arith.addi %mul3A_1526, %add3A_1527 : i32
          %get3A_1529 = arith.index_cast %add3A_1528 : i32 to index
          %get3A_1530 = arith.constant 64 : index
          %get3A_1531 = tpu.vector_load %arg5[%get3A_1529, %get3A_1530] {strides = array<i32>} : memref<160x128xf32, #tpu.memory_space<vmem>>, vector<1x16xf32>,
          %get3A_1532 = vector.shape_cast %get3A_1531 : vector<1x16xf32> to vector<16xf32>
          %add3A_1533 = arith.addf %add3A_1524, %get3A_1532 : vector<16xf32>
          %mul3A_1534 = arith.constant 32 : i32
          %mul3A_1535 = arith.muli %scan3A_118, %mul3A_1534 : i32
          %add3A_1536 = arith.constant 31 : i32
          %add3A_1537 = arith.addi %mul3A_1535, %add3A_1536 : i32
          %get3A_1538 = arith.index_cast %add3A_1537 : i32 to index
          %get3A_1539 = arith.constant 64 : index
          %get3A_1540 = tpu.vector_load %arg5[%get3A_1538, %get3A_1539] {strides = array<i32>} : memref<160x128xf32, #tpu.memory_space<vmem>>, vector<1x16xf32>,
          %get3A_1541 = vector.shape_cast %get3A_1540 : vector<1x16xf32> to vector<16xf32>
          %add3A_1542 = arith.addf %add3A_1533, %get3A_1541 : vector<16xf32>
          %mul3A_1543 = arith.constant 32 : i32
          %mul3A_1544 = arith.muli %scan3A_118, %mul3A_1543 : i32
          %get3A_1545 = arith.index_cast %mul3A_1544 : i32 to index
          %get3A_1546 = arith.constant 80 : index
          %get3A_1547 = tpu.vector_load %arg5[%get3A_1545, %get3A_1546] {strides = array<i32>} : memref<160x128xf32, #tpu.memory_space<vmem>>, vector<1x16xf32>,
          %get3A_1548 = vector.shape_cast %get3A_1547 : vector<1x16xf32> to vector<16xf32>
          %mul3A_1549 = arith.constant 32 : i32
          %mul3A_1550 = arith.muli %scan3A_118, %mul3A_1549 : i32
          %add3A_1551 = arith.constant 1 : i32
          %add3A_1552 = arith.addi %mul3A_1550, %add3A_1551 : i32
          %get3A_1553 = arith.index_cast %add3A_1552 : i32 to index
          %get3A_1554 = arith.constant 80 : index
          %get3A_1555 = tpu.vector_load %arg5[%get3A_1553, %get3A_1554] {strides = array<i32>} : memref<160x128xf32, #tpu.memory_space<vmem>>, vector<1x16xf32>,
          %get3A_1556 = vector.shape_cast %get3A_1555 : vector<1x16xf32> to vector<16xf32>
          %add3A_1557 = arith.addf %get3A_1548, %get3A_1556 : vector<16xf32>
          %mul3A_1558 = arith.constant 32 : i32
          %mul3A_1559 = arith.muli %scan3A_118, %mul3A_1558 : i32
          %add3A_1560 = arith.constant 2 : i32
          %add3A_1561 = arith.addi %mul3A_1559, %add3A_1560 : i32
          %get3A_1562 = arith.index_cast %add3A_1561 : i32 to index
          %get3A_1563 = arith.constant 80 : index
          %get3A_1564 = tpu.vector_load %arg5[%get3A_1562, %get3A_1563] {strides = array<i32>} : memref<160x128xf32, #tpu.memory_space<vmem>>, vector<1x16xf32>,
          %get3A_1565 = vector.shape_cast %get3A_1564 : vector<1x16xf32> to vector<16xf32>
          %add3A_1566 = arith.addf %add3A_1557, %get3A_1565 : vector<16xf32>
          %mul3A_1567 = arith.constant 32 : i32
          %mul3A_1568 = arith.muli %scan3A_118, %mul3A_1567 : i32
          %add3A_1569 = arith.constant 3 : i32
          %add3A_1570 = arith.addi %mul3A_1568, %add3A_1569 : i32
          %get3A_1571 = arith.index_cast %add3A_1570 : i32 to index
          %get3A_1572 = arith.constant 80 : index
          %get3A_1573 = tpu.vector_load %arg5[%get3A_1571, %get3A_1572] {strides = array<i32>} : memref<160x128xf32, #tpu.memory_space<vmem>>, vector<1x16xf32>,
          %get3A_1574 = vector.shape_cast %get3A_1573 : vector<1x16xf32> to vector<16xf32>
          %add3A_1575 = arith.addf %add3A_1566, %get3A_1574 : vector<16xf32>
          %mul3A_1576 = arith.constant 32 : i32
          %mul3A_1577 = arith.muli %scan3A_118, %mul3A_1576 : i32
          %add3A_1578 = arith.constant 4 : i32
          %add3A_1579 = arith.addi %mul3A_1577, %add3A_1578 : i32
          %get3A_1580 = arith.index_cast %add3A_1579 : i32 to index
          %get3A_1581 = arith.constant 80 : index
          %get3A_1582 = tpu.vector_load %arg5[%get3A_1580, %get3A_1581] {strides = array<i32>} : memref<160x128xf32, #tpu.memory_space<vmem>>, vector<1x16xf32>,
          %get3A_1583 = vector.shape_cast %get3A_1582 : vector<1x16xf32> to vector<16xf32>
          %add3A_1584 = arith.addf %add3A_1575, %get3A_1583 : vector<16xf32>
          %mul3A_1585 = arith.constant 32 : i32
          %mul3A_1586 = arith.muli %scan3A_118, %mul3A_1585 : i32
          %add3A_1587 = arith.constant 5 : i32
          %add3A_1588 = arith.addi %mul3A_1586, %add3A_1587 : i32
          %get3A_1589 = arith.index_cast %add3A_1588 : i32 to index
          %get3A_1590 = arith.constant 80 : index
          %get3A_1591 = tpu.vector_load %arg5[%get3A_1589, %get3A_1590] {strides = array<i32>} : memref<160x128xf32, #tpu.memory_space<vmem>>, vector<1x16xf32>,
          %get3A_1592 = vector.shape_cast %get3A_1591 : vector<1x16xf32> to vector<16xf32>
          %add3A_1593 = arith.addf %add3A_1584, %get3A_1592 : vector<16xf32>
          %mul3A_1594 = arith.constant 32 : i32
          %mul3A_1595 = arith.muli %scan3A_118, %mul3A_1594 : i32
          %add3A_1596 = arith.constant 6 : i32
          %add3A_1597 = arith.addi %mul3A_1595, %add3A_1596 : i32
          %get3A_1598 = arith.index_cast %add3A_1597 : i32 to index
          %get3A_1599 = arith.constant 80 : index
          %get3A_1600 = tpu.vector_load %arg5[%get3A_1598, %get3A_1599] {strides = array<i32>} : memref<160x128xf32, #tpu.memory_space<vmem>>, vector<1x16xf32>,
          %get3A_1601 = vector.shape_cast %get3A_1600 : vector<1x16xf32> to vector<16xf32>
          %add3A_1602 = arith.addf %add3A_1593, %get3A_1601 : vector<16xf32>
          %mul3A_1603 = arith.constant 32 : i32
          %mul3A_1604 = arith.muli %scan3A_118, %mul3A_1603 : i32
          %add3A_1605 = arith.constant 7 : i32
          %add3A_1606 = arith.addi %mul3A_1604, %add3A_1605 : i32
          %get3A_1607 = arith.index_cast %add3A_1606 : i32 to index
          %get3A_1608 = arith.constant 80 : index
          %get3A_1609 = tpu.vector_load %arg5[%get3A_1607, %get3A_1608] {strides = array<i32>} : memref<160x128xf32, #tpu.memory_space<vmem>>, vector<1x16xf32>,
          %get3A_1610 = vector.shape_cast %get3A_1609 : vector<1x16xf32> to vector<16xf32>
          %add3A_1611 = arith.addf %add3A_1602, %get3A_1610 : vector<16xf32>
          %mul3A_1612 = arith.constant 32 : i32
          %mul3A_1613 = arith.muli %scan3A_118, %mul3A_1612 : i32
          %add3A_1614 = arith.constant 8 : i32
          %add3A_1615 = arith.addi %mul3A_1613, %add3A_1614 : i32
          %get3A_1616 = arith.index_cast %add3A_1615 : i32 to index
          %get3A_1617 = arith.constant 80 : index
          %get3A_1618 = tpu.vector_load %arg5[%get3A_1616, %get3A_1617] {strides = array<i32>} : memref<160x128xf32, #tpu.memory_space<vmem>>, vector<1x16xf32>,
          %get3A_1619 = vector.shape_cast %get3A_1618 : vector<1x16xf32> to vector<16xf32>
          %add3A_1620 = arith.addf %add3A_1611, %get3A_1619 : vector<16xf32>
          %mul3A_1621 = arith.constant 32 : i32
          %mul3A_1622 = arith.muli %scan3A_118, %mul3A_1621 : i32
          %add3A_1623 = arith.constant 9 : i32
          %add3A_1624 = arith.addi %mul3A_1622, %add3A_1623 : i32
          %get3A_1625 = arith.index_cast %add3A_1624 : i32 to index
          %get3A_1626 = arith.constant 80 : index
          %get3A_1627 = tpu.vector_load %arg5[%get3A_1625, %get3A_1626] {strides = array<i32>} : memref<160x128xf32, #tpu.memory_space<vmem>>, vector<1x16xf32>,
          %get3A_1628 = vector.shape_cast %get3A_1627 : vector<1x16xf32> to vector<16xf32>
          %add3A_1629 = arith.addf %add3A_1620, %get3A_1628 : vector<16xf32>
          %mul3A_1630 = arith.constant 32 : i32
          %mul3A_1631 = arith.muli %scan3A_118, %mul3A_1630 : i32
          %add3A_1632 = arith.constant 10 : i32
          %add3A_1633 = arith.addi %mul3A_1631, %add3A_1632 : i32
          %get3A_1634 = arith.index_cast %add3A_1633 : i32 to index
          %get3A_1635 = arith.constant 80 : index
          %get3A_1636 = tpu.vector_load %arg5[%get3A_1634, %get3A_1635] {strides = array<i32>} : memref<160x128xf32, #tpu.memory_space<vmem>>, vector<1x16xf32>,
          %get3A_1637 = vector.shape_cast %get3A_1636 : vector<1x16xf32> to vector<16xf32>
          %add3A_1638 = arith.addf %add3A_1629, %get3A_1637 : vector<16xf32>
          %mul3A_1639 = arith.constant 32 : i32
          %mul3A_1640 = arith.muli %scan3A_118, %mul3A_1639 : i32
          %add3A_1641 = arith.constant 11 : i32
          %add3A_1642 = arith.addi %mul3A_1640, %add3A_1641 : i32
          %get3A_1643 = arith.index_cast %add3A_1642 : i32 to index
          %get3A_1644 = arith.constant 80 : index
          %get3A_1645 = tpu.vector_load %arg5[%get3A_1643, %get3A_1644] {strides = array<i32>} : memref<160x128xf32, #tpu.memory_space<vmem>>, vector<1x16xf32>,
          %get3A_1646 = vector.shape_cast %get3A_1645 : vector<1x16xf32> to vector<16xf32>
          %add3A_1647 = arith.addf %add3A_1638, %get3A_1646 : vector<16xf32>
          %mul3A_1648 = arith.constant 32 : i32
          %mul3A_1649 = arith.muli %scan3A_118, %mul3A_1648 : i32
          %add3A_1650 = arith.constant 12 : i32
          %add3A_1651 = arith.addi %mul3A_1649, %add3A_1650 : i32
          %get3A_1652 = arith.index_cast %add3A_1651 : i32 to index
          %get3A_1653 = arith.constant 80 : index
          %get3A_1654 = tpu.vector_load %arg5[%get3A_1652, %get3A_1653] {strides = array<i32>} : memref<160x128xf32, #tpu.memory_space<vmem>>, vector<1x16xf32>,
          %get3A_1655 = vector.shape_cast %get3A_1654 : vector<1x16xf32> to vector<16xf32>
          %add3A_1656 = arith.addf %add3A_1647, %get3A_1655 : vector<16xf32>
          %mul3A_1657 = arith.constant 32 : i32
          %mul3A_1658 = arith.muli %scan3A_118, %mul3A_1657 : i32
          %add3A_1659 = arith.constant 13 : i32
          %add3A_1660 = arith.addi %mul3A_1658, %add3A_1659 : i32
          %get3A_1661 = arith.index_cast %add3A_1660 : i32 to index
          %get3A_1662 = arith.constant 80 : index
          %get3A_1663 = tpu.vector_load %arg5[%get3A_1661, %get3A_1662] {strides = array<i32>} : memref<160x128xf32, #tpu.memory_space<vmem>>, vector<1x16xf32>,
          %get3A_1664 = vector.shape_cast %get3A_1663 : vector<1x16xf32> to vector<16xf32>
          %add3A_1665 = arith.addf %add3A_1656, %get3A_1664 : vector<16xf32>
          %mul3A_1666 = arith.constant 32 : i32
          %mul3A_1667 = arith.muli %scan3A_118, %mul3A_1666 : i32
          %add3A_1668 = arith.constant 14 : i32
          %add3A_1669 = arith.addi %mul3A_1667, %add3A_1668 : i32
          %get3A_1670 = arith.index_cast %add3A_1669 : i32 to index
          %get3A_1671 = arith.constant 80 : index
          %get3A_1672 = tpu.vector_load %arg5[%get3A_1670, %get3A_1671] {strides = array<i32>} : memref<160x128xf32, #tpu.memory_space<vmem>>, vector<1x16xf32>,
          %get3A_1673 = vector.shape_cast %get3A_1672 : vector<1x16xf32> to vector<16xf32>
          %add3A_1674 = arith.addf %add3A_1665, %get3A_1673 : vector<16xf32>
          %mul3A_1675 = arith.constant 32 : i32
          %mul3A_1676 = arith.muli %scan3A_118, %mul3A_1675 : i32
          %add3A_1677 = arith.constant 15 : i32
          %add3A_1678 = arith.addi %mul3A_1676, %add3A_1677 : i32
          %get3A_1679 = arith.index_cast %add3A_1678 : i32 to index
          %get3A_1680 = arith.constant 80 : index
          %get3A_1681 = tpu.vector_load %arg5[%get3A_1679, %get3A_1680] {strides = array<i32>} : memref<160x128xf32, #tpu.memory_space<vmem>>, vector<1x16xf32>,
          %get3A_1682 = vector.shape_cast %get3A_1681 : vector<1x16xf32> to vector<16xf32>
          %add3A_1683 = arith.addf %add3A_1674, %get3A_1682 : vector<16xf32>
          %mul3A_1684 = arith.constant 32 : i32
          %mul3A_1685 = arith.muli %scan3A_118, %mul3A_1684 : i32
          %add3A_1686 = arith.constant 16 : i32
          %add3A_1687 = arith.addi %mul3A_1685, %add3A_1686 : i32
          %get3A_1688 = arith.index_cast %add3A_1687 : i32 to index
          %get3A_1689 = arith.constant 80 : index
          %get3A_1690 = tpu.vector_load %arg5[%get3A_1688, %get3A_1689] {strides = array<i32>} : memref<160x128xf32, #tpu.memory_space<vmem>>, vector<1x16xf32>,
          %get3A_1691 = vector.shape_cast %get3A_1690 : vector<1x16xf32> to vector<16xf32>
          %add3A_1692 = arith.addf %add3A_1683, %get3A_1691 : vector<16xf32>
          %mul3A_1693 = arith.constant 32 : i32
          %mul3A_1694 = arith.muli %scan3A_118, %mul3A_1693 : i32
          %add3A_1695 = arith.constant 17 : i32
          %add3A_1696 = arith.addi %mul3A_1694, %add3A_1695 : i32
          %get3A_1697 = arith.index_cast %add3A_1696 : i32 to index
          %get3A_1698 = arith.constant 80 : index
          %get3A_1699 = tpu.vector_load %arg5[%get3A_1697, %get3A_1698] {strides = array<i32>} : memref<160x128xf32, #tpu.memory_space<vmem>>, vector<1x16xf32>,
          %get3A_1700 = vector.shape_cast %get3A_1699 : vector<1x16xf32> to vector<16xf32>
          %add3A_1701 = arith.addf %add3A_1692, %get3A_1700 : vector<16xf32>
          %mul3A_1702 = arith.constant 32 : i32
          %mul3A_1703 = arith.muli %scan3A_118, %mul3A_1702 : i32
          %add3A_1704 = arith.constant 18 : i32
          %add3A_1705 = arith.addi %mul3A_1703, %add3A_1704 : i32
          %get3A_1706 = arith.index_cast %add3A_1705 : i32 to index
          %get3A_1707 = arith.constant 80 : index
          %get3A_1708 = tpu.vector_load %arg5[%get3A_1706, %get3A_1707] {strides = array<i32>} : memref<160x128xf32, #tpu.memory_space<vmem>>, vector<1x16xf32>,
          %get3A_1709 = vector.shape_cast %get3A_1708 : vector<1x16xf32> to vector<16xf32>
          %add3A_1710 = arith.addf %add3A_1701, %get3A_1709 : vector<16xf32>
          %mul3A_1711 = arith.constant 32 : i32
          %mul3A_1712 = arith.muli %scan3A_118, %mul3A_1711 : i32
          %add3A_1713 = arith.constant 19 : i32
          %add3A_1714 = arith.addi %mul3A_1712, %add3A_1713 : i32
          %get3A_1715 = arith.index_cast %add3A_1714 : i32 to index
          %get3A_1716 = arith.constant 80 : index
          %get3A_1717 = tpu.vector_load %arg5[%get3A_1715, %get3A_1716] {strides = array<i32>} : memref<160x128xf32, #tpu.memory_space<vmem>>, vector<1x16xf32>,
          %get3A_1718 = vector.shape_cast %get3A_1717 : vector<1x16xf32> to vector<16xf32>
          %add3A_1719 = arith.addf %add3A_1710, %get3A_1718 : vector<16xf32>
          %mul3A_1720 = arith.constant 32 : i32
          %mul3A_1721 = arith.muli %scan3A_118, %mul3A_1720 : i32
          %add3A_1722 = arith.constant 20 : i32
          %add3A_1723 = arith.addi %mul3A_1721, %add3A_1722 : i32
          %get3A_1724 = arith.index_cast %add3A_1723 : i32 to index
          %get3A_1725 = arith.constant 80 : index
          %get3A_1726 = tpu.vector_load %arg5[%get3A_1724, %get3A_1725] {strides = array<i32>} : memref<160x128xf32, #tpu.memory_space<vmem>>, vector<1x16xf32>,
          %get3A_1727 = vector.shape_cast %get3A_1726 : vector<1x16xf32> to vector<16xf32>
          %add3A_1728 = arith.addf %add3A_1719, %get3A_1727 : vector<16xf32>
          %mul3A_1729 = arith.constant 32 : i32
          %mul3A_1730 = arith.muli %scan3A_118, %mul3A_1729 : i32
          %add3A_1731 = arith.constant 21 : i32
          %add3A_1732 = arith.addi %mul3A_1730, %add3A_1731 : i32
          %get3A_1733 = arith.index_cast %add3A_1732 : i32 to index
          %get3A_1734 = arith.constant 80 : index
          %get3A_1735 = tpu.vector_load %arg5[%get3A_1733, %get3A_1734] {strides = array<i32>} : memref<160x128xf32, #tpu.memory_space<vmem>>, vector<1x16xf32>,
          %get3A_1736 = vector.shape_cast %get3A_1735 : vector<1x16xf32> to vector<16xf32>
          %add3A_1737 = arith.addf %add3A_1728, %get3A_1736 : vector<16xf32>
          %mul3A_1738 = arith.constant 32 : i32
          %mul3A_1739 = arith.muli %scan3A_118, %mul3A_1738 : i32
          %add3A_1740 = arith.constant 22 : i32
          %add3A_1741 = arith.addi %mul3A_1739, %add3A_1740 : i32
          %get3A_1742 = arith.index_cast %add3A_1741 : i32 to index
          %get3A_1743 = arith.constant 80 : index
          %get3A_1744 = tpu.vector_load %arg5[%get3A_1742, %get3A_1743] {strides = array<i32>} : memref<160x128xf32, #tpu.memory_space<vmem>>, vector<1x16xf32>,
          %get3A_1745 = vector.shape_cast %get3A_1744 : vector<1x16xf32> to vector<16xf32>
          %add3A_1746 = arith.addf %add3A_1737, %get3A_1745 : vector<16xf32>
          %mul3A_1747 = arith.constant 32 : i32
          %mul3A_1748 = arith.muli %scan3A_118, %mul3A_1747 : i32
          %add3A_1749 = arith.constant 23 : i32
          %add3A_1750 = arith.addi %mul3A_1748, %add3A_1749 : i32
          %get3A_1751 = arith.index_cast %add3A_1750 : i32 to index
          %get3A_1752 = arith.constant 80 : index
          %get3A_1753 = tpu.vector_load %arg5[%get3A_1751, %get3A_1752] {strides = array<i32>} : memref<160x128xf32, #tpu.memory_space<vmem>>, vector<1x16xf32>,
          %get3A_1754 = vector.shape_cast %get3A_1753 : vector<1x16xf32> to vector<16xf32>
          %add3A_1755 = arith.addf %add3A_1746, %get3A_1754 : vector<16xf32>
          %mul3A_1756 = arith.constant 32 : i32
          %mul3A_1757 = arith.muli %scan3A_118, %mul3A_1756 : i32
          %add3A_1758 = arith.constant 24 : i32
          %add3A_1759 = arith.addi %mul3A_1757, %add3A_1758 : i32
          %get3A_1760 = arith.index_cast %add3A_1759 : i32 to index
          %get3A_1761 = arith.constant 80 : index
          %get3A_1762 = tpu.vector_load %arg5[%get3A_1760, %get3A_1761] {strides = array<i32>} : memref<160x128xf32, #tpu.memory_space<vmem>>, vector<1x16xf32>,
          %get3A_1763 = vector.shape_cast %get3A_1762 : vector<1x16xf32> to vector<16xf32>
          %add3A_1764 = arith.addf %add3A_1755, %get3A_1763 : vector<16xf32>
          %mul3A_1765 = arith.constant 32 : i32
          %mul3A_1766 = arith.muli %scan3A_118, %mul3A_1765 : i32
          %add3A_1767 = arith.constant 25 : i32
          %add3A_1768 = arith.addi %mul3A_1766, %add3A_1767 : i32
          %get3A_1769 = arith.index_cast %add3A_1768 : i32 to index
          %get3A_1770 = arith.constant 80 : index
          %get3A_1771 = tpu.vector_load %arg5[%get3A_1769, %get3A_1770] {strides = array<i32>} : memref<160x128xf32, #tpu.memory_space<vmem>>, vector<1x16xf32>,
          %get3A_1772 = vector.shape_cast %get3A_1771 : vector<1x16xf32> to vector<16xf32>
          %add3A_1773 = arith.addf %add3A_1764, %get3A_1772 : vector<16xf32>
          %mul3A_1774 = arith.constant 32 : i32
          %mul3A_1775 = arith.muli %scan3A_118, %mul3A_1774 : i32
          %add3A_1776 = arith.constant 26 : i32
          %add3A_1777 = arith.addi %mul3A_1775, %add3A_1776 : i32
          %get3A_1778 = arith.index_cast %add3A_1777 : i32 to index
          %get3A_1779 = arith.constant 80 : index
          %get3A_1780 = tpu.vector_load %arg5[%get3A_1778, %get3A_1779] {strides = array<i32>} : memref<160x128xf32, #tpu.memory_space<vmem>>, vector<1x16xf32>,
          %get3A_1781 = vector.shape_cast %get3A_1780 : vector<1x16xf32> to vector<16xf32>
          %add3A_1782 = arith.addf %add3A_1773, %get3A_1781 : vector<16xf32>
          %mul3A_1783 = arith.constant 32 : i32
          %mul3A_1784 = arith.muli %scan3A_118, %mul3A_1783 : i32
          %add3A_1785 = arith.constant 27 : i32
          %add3A_1786 = arith.addi %mul3A_1784, %add3A_1785 : i32
          %get3A_1787 = arith.index_cast %add3A_1786 : i32 to index
          %get3A_1788 = arith.constant 80 : index
          %get3A_1789 = tpu.vector_load %arg5[%get3A_1787, %get3A_1788] {strides = array<i32>} : memref<160x128xf32, #tpu.memory_space<vmem>>, vector<1x16xf32>,
          %get3A_1790 = vector.shape_cast %get3A_1789 : vector<1x16xf32> to vector<16xf32>
          %add3A_1791 = arith.addf %add3A_1782, %get3A_1790 : vector<16xf32>
          %mul3A_1792 = arith.constant 32 : i32
          %mul3A_1793 = arith.muli %scan3A_118, %mul3A_1792 : i32
          %add3A_1794 = arith.constant 28 : i32
          %add3A_1795 = arith.addi %mul3A_1793, %add3A_1794 : i32
          %get3A_1796 = arith.index_cast %add3A_1795 : i32 to index
          %get3A_1797 = arith.constant 80 : index
          %get3A_1798 = tpu.vector_load %arg5[%get3A_1796, %get3A_1797] {strides = array<i32>} : memref<160x128xf32, #tpu.memory_space<vmem>>, vector<1x16xf32>,
          %get3A_1799 = vector.shape_cast %get3A_1798 : vector<1x16xf32> to vector<16xf32>
          %add3A_1800 = arith.addf %add3A_1791, %get3A_1799 : vector<16xf32>
          %mul3A_1801 = arith.constant 32 : i32
          %mul3A_1802 = arith.muli %scan3A_118, %mul3A_1801 : i32
          %add3A_1803 = arith.constant 29 : i32
          %add3A_1804 = arith.addi %mul3A_1802, %add3A_1803 : i32
          %get3A_1805 = arith.index_cast %add3A_1804 : i32 to index
          %get3A_1806 = arith.constant 80 : index
          %get3A_1807 = tpu.vector_load %arg5[%get3A_1805, %get3A_1806] {strides = array<i32>} : memref<160x128xf32, #tpu.memory_space<vmem>>, vector<1x16xf32>,
          %get3A_1808 = vector.shape_cast %get3A_1807 : vector<1x16xf32> to vector<16xf32>
          %add3A_1809 = arith.addf %add3A_1800, %get3A_1808 : vector<16xf32>
          %mul3A_1810 = arith.constant 32 : i32
          %mul3A_1811 = arith.muli %scan3A_118, %mul3A_1810 : i32
          %add3A_1812 = arith.constant 30 : i32
          %add3A_1813 = arith.addi %mul3A_1811, %add3A_1812 : i32
          %get3A_1814 = arith.index_cast %add3A_1813 : i32 to index
          %get3A_1815 = arith.constant 80 : index
          %get3A_1816 = tpu.vector_load %arg5[%get3A_1814, %get3A_1815] {strides = array<i32>} : memref<160x128xf32, #tpu.memory_space<vmem>>, vector<1x16xf32>,
          %get3A_1817 = vector.shape_cast %get3A_1816 : vector<1x16xf32> to vector<16xf32>
          %add3A_1818 = arith.addf %add3A_1809, %get3A_1817 : vector<16xf32>
          %mul3A_1819 = arith.constant 32 : i32
          %mul3A_1820 = arith.muli %scan3A_118, %mul3A_1819 : i32
          %add3A_1821 = arith.constant 31 : i32
          %add3A_1822 = arith.addi %mul3A_1820, %add3A_1821 : i32
          %get3A_1823 = arith.index_cast %add3A_1822 : i32 to index
          %get3A_1824 = arith.constant 80 : index
          %get3A_1825 = tpu.vector_load %arg5[%get3A_1823, %get3A_1824] {strides = array<i32>} : memref<160x128xf32, #tpu.memory_space<vmem>>, vector<1x16xf32>,
          %get3A_1826 = vector.shape_cast %get3A_1825 : vector<1x16xf32> to vector<16xf32>
          %add3A_1827 = arith.addf %add3A_1818, %get3A_1826 : vector<16xf32>
          %mul3A_1828 = arith.constant 32 : i32
          %mul3A_1829 = arith.muli %scan3A_118, %mul3A_1828 : i32
          %get3A_1830 = arith.index_cast %mul3A_1829 : i32 to index
          %get3A_1831 = arith.constant 96 : index
          %get3A_1832 = tpu.vector_load %arg5[%get3A_1830, %get3A_1831] {strides = array<i32>} : memref<160x128xf32, #tpu.memory_space<vmem>>, vector<1x16xf32>,
          %get3A_1833 = vector.shape_cast %get3A_1832 : vector<1x16xf32> to vector<16xf32>
          %mul3A_1834 = arith.constant 32 : i32
          %mul3A_1835 = arith.muli %scan3A_118, %mul3A_1834 : i32
          %add3A_1836 = arith.constant 1 : i32
          %add3A_1837 = arith.addi %mul3A_1835, %add3A_1836 : i32
          %get3A_1838 = arith.index_cast %add3A_1837 : i32 to index
          %get3A_1839 = arith.constant 96 : index
          %get3A_1840 = tpu.vector_load %arg5[%get3A_1838, %get3A_1839] {strides = array<i32>} : memref<160x128xf32, #tpu.memory_space<vmem>>, vector<1x16xf32>,
          %get3A_1841 = vector.shape_cast %get3A_1840 : vector<1x16xf32> to vector<16xf32>
          %add3A_1842 = arith.addf %get3A_1833, %get3A_1841 : vector<16xf32>
          %mul3A_1843 = arith.constant 32 : i32
          %mul3A_1844 = arith.muli %scan3A_118, %mul3A_1843 : i32
          %add3A_1845 = arith.constant 2 : i32
          %add3A_1846 = arith.addi %mul3A_1844, %add3A_1845 : i32
          %get3A_1847 = arith.index_cast %add3A_1846 : i32 to index
          %get3A_1848 = arith.constant 96 : index
          %get3A_1849 = tpu.vector_load %arg5[%get3A_1847, %get3A_1848] {strides = array<i32>} : memref<160x128xf32, #tpu.memory_space<vmem>>, vector<1x16xf32>,
          %get3A_1850 = vector.shape_cast %get3A_1849 : vector<1x16xf32> to vector<16xf32>
          %add3A_1851 = arith.addf %add3A_1842, %get3A_1850 : vector<16xf32>
          %mul3A_1852 = arith.constant 32 : i32
          %mul3A_1853 = arith.muli %scan3A_118, %mul3A_1852 : i32
          %add3A_1854 = arith.constant 3 : i32
          %add3A_1855 = arith.addi %mul3A_1853, %add3A_1854 : i32
          %get3A_1856 = arith.index_cast %add3A_1855 : i32 to index
          %get3A_1857 = arith.constant 96 : index
          %get3A_1858 = tpu.vector_load %arg5[%get3A_1856, %get3A_1857] {strides = array<i32>} : memref<160x128xf32, #tpu.memory_space<vmem>>, vector<1x16xf32>,
          %get3A_1859 = vector.shape_cast %get3A_1858 : vector<1x16xf32> to vector<16xf32>
          %add3A_1860 = arith.addf %add3A_1851, %get3A_1859 : vector<16xf32>
          %mul3A_1861 = arith.constant 32 : i32
          %mul3A_1862 = arith.muli %scan3A_118, %mul3A_1861 : i32
          %add3A_1863 = arith.constant 4 : i32
          %add3A_1864 = arith.addi %mul3A_1862, %add3A_1863 : i32
          %get3A_1865 = arith.index_cast %add3A_1864 : i32 to index
          %get3A_1866 = arith.constant 96 : index
          %get3A_1867 = tpu.vector_load %arg5[%get3A_1865, %get3A_1866] {strides = array<i32>} : memref<160x128xf32, #tpu.memory_space<vmem>>, vector<1x16xf32>,
          %get3A_1868 = vector.shape_cast %get3A_1867 : vector<1x16xf32> to vector<16xf32>
          %add3A_1869 = arith.addf %add3A_1860, %get3A_1868 : vector<16xf32>
          %mul3A_1870 = arith.constant 32 : i32
          %mul3A_1871 = arith.muli %scan3A_118, %mul3A_1870 : i32
          %add3A_1872 = arith.constant 5 : i32
          %add3A_1873 = arith.addi %mul3A_1871, %add3A_1872 : i32
          %get3A_1874 = arith.index_cast %add3A_1873 : i32 to index
          %get3A_1875 = arith.constant 96 : index
          %get3A_1876 = tpu.vector_load %arg5[%get3A_1874, %get3A_1875] {strides = array<i32>} : memref<160x128xf32, #tpu.memory_space<vmem>>, vector<1x16xf32>,
          %get3A_1877 = vector.shape_cast %get3A_1876 : vector<1x16xf32> to vector<16xf32>
          %add3A_1878 = arith.addf %add3A_1869, %get3A_1877 : vector<16xf32>
          %mul3A_1879 = arith.constant 32 : i32
          %mul3A_1880 = arith.muli %scan3A_118, %mul3A_1879 : i32
          %add3A_1881 = arith.constant 6 : i32
          %add3A_1882 = arith.addi %mul3A_1880, %add3A_1881 : i32
          %get3A_1883 = arith.index_cast %add3A_1882 : i32 to index
          %get3A_1884 = arith.constant 96 : index
          %get3A_1885 = tpu.vector_load %arg5[%get3A_1883, %get3A_1884] {strides = array<i32>} : memref<160x128xf32, #tpu.memory_space<vmem>>, vector<1x16xf32>,
          %get3A_1886 = vector.shape_cast %get3A_1885 : vector<1x16xf32> to vector<16xf32>
          %add3A_1887 = arith.addf %add3A_1878, %get3A_1886 : vector<16xf32>
          %mul3A_1888 = arith.constant 32 : i32
          %mul3A_1889 = arith.muli %scan3A_118, %mul3A_1888 : i32
          %add3A_1890 = arith.constant 7 : i32
          %add3A_1891 = arith.addi %mul3A_1889, %add3A_1890 : i32
          %get3A_1892 = arith.index_cast %add3A_1891 : i32 to index
          %get3A_1893 = arith.constant 96 : index
          %get3A_1894 = tpu.vector_load %arg5[%get3A_1892, %get3A_1893] {strides = array<i32>} : memref<160x128xf32, #tpu.memory_space<vmem>>, vector<1x16xf32>,
          %get3A_1895 = vector.shape_cast %get3A_1894 : vector<1x16xf32> to vector<16xf32>
          %add3A_1896 = arith.addf %add3A_1887, %get3A_1895 : vector<16xf32>
          %mul3A_1897 = arith.constant 32 : i32
          %mul3A_1898 = arith.muli %scan3A_118, %mul3A_1897 : i32
          %add3A_1899 = arith.constant 8 : i32
          %add3A_1900 = arith.addi %mul3A_1898, %add3A_1899 : i32
          %get3A_1901 = arith.index_cast %add3A_1900 : i32 to index
          %get3A_1902 = arith.constant 96 : index
          %get3A_1903 = tpu.vector_load %arg5[%get3A_1901, %get3A_1902] {strides = array<i32>} : memref<160x128xf32, #tpu.memory_space<vmem>>, vector<1x16xf32>,
          %get3A_1904 = vector.shape_cast %get3A_1903 : vector<1x16xf32> to vector<16xf32>
          %add3A_1905 = arith.addf %add3A_1896, %get3A_1904 : vector<16xf32>
          %mul3A_1906 = arith.constant 32 : i32
          %mul3A_1907 = arith.muli %scan3A_118, %mul3A_1906 : i32
          %add3A_1908 = arith.constant 9 : i32
          %add3A_1909 = arith.addi %mul3A_1907, %add3A_1908 : i32
          %get3A_1910 = arith.index_cast %add3A_1909 : i32 to index
          %get3A_1911 = arith.constant 96 : index
          %get3A_1912 = tpu.vector_load %arg5[%get3A_1910, %get3A_1911] {strides = array<i32>} : memref<160x128xf32, #tpu.memory_space<vmem>>, vector<1x16xf32>,
          %get3A_1913 = vector.shape_cast %get3A_1912 : vector<1x16xf32> to vector<16xf32>
          %add3A_1914 = arith.addf %add3A_1905, %get3A_1913 : vector<16xf32>
          %mul3A_1915 = arith.constant 32 : i32
          %mul3A_1916 = arith.muli %scan3A_118, %mul3A_1915 : i32
          %add3A_1917 = arith.constant 10 : i32
          %add3A_1918 = arith.addi %mul3A_1916, %add3A_1917 : i32
          %get3A_1919 = arith.index_cast %add3A_1918 : i32 to index
          %get3A_1920 = arith.constant 96 : index
          %get3A_1921 = tpu.vector_load %arg5[%get3A_1919, %get3A_1920] {strides = array<i32>} : memref<160x128xf32, #tpu.memory_space<vmem>>, vector<1x16xf32>,
          %get3A_1922 = vector.shape_cast %get3A_1921 : vector<1x16xf32> to vector<16xf32>
          %add3A_1923 = arith.addf %add3A_1914, %get3A_1922 : vector<16xf32>
          %mul3A_1924 = arith.constant 32 : i32
          %mul3A_1925 = arith.muli %scan3A_118, %mul3A_1924 : i32
          %add3A_1926 = arith.constant 11 : i32
          %add3A_1927 = arith.addi %mul3A_1925, %add3A_1926 : i32
          %get3A_1928 = arith.index_cast %add3A_1927 : i32 to index
          %get3A_1929 = arith.constant 96 : index
          %get3A_1930 = tpu.vector_load %arg5[%get3A_1928, %get3A_1929] {strides = array<i32>} : memref<160x128xf32, #tpu.memory_space<vmem>>, vector<1x16xf32>,
          %get3A_1931 = vector.shape_cast %get3A_1930 : vector<1x16xf32> to vector<16xf32>
          %add3A_1932 = arith.addf %add3A_1923, %get3A_1931 : vector<16xf32>
          %mul3A_1933 = arith.constant 32 : i32
          %mul3A_1934 = arith.muli %scan3A_118, %mul3A_1933 : i32
          %add3A_1935 = arith.constant 12 : i32
          %add3A_1936 = arith.addi %mul3A_1934, %add3A_1935 : i32
          %get3A_1937 = arith.index_cast %add3A_1936 : i32 to index
          %get3A_1938 = arith.constant 96 : index
          %get3A_1939 = tpu.vector_load %arg5[%get3A_1937, %get3A_1938] {strides = array<i32>} : memref<160x128xf32, #tpu.memory_space<vmem>>, vector<1x16xf32>,
          %get3A_1940 = vector.shape_cast %get3A_1939 : vector<1x16xf32> to vector<16xf32>
          %add3A_1941 = arith.addf %add3A_1932, %get3A_1940 : vector<16xf32>
          %mul3A_1942 = arith.constant 32 : i32
          %mul3A_1943 = arith.muli %scan3A_118, %mul3A_1942 : i32
          %add3A_1944 = arith.constant 13 : i32
          %add3A_1945 = arith.addi %mul3A_1943, %add3A_1944 : i32
          %get3A_1946 = arith.index_cast %add3A_1945 : i32 to index
          %get3A_1947 = arith.constant 96 : index
          %get3A_1948 = tpu.vector_load %arg5[%get3A_1946, %get3A_1947] {strides = array<i32>} : memref<160x128xf32, #tpu.memory_space<vmem>>, vector<1x16xf32>,
          %get3A_1949 = vector.shape_cast %get3A_1948 : vector<1x16xf32> to vector<16xf32>
          %add3A_1950 = arith.addf %add3A_1941, %get3A_1949 : vector<16xf32>
          %mul3A_1951 = arith.constant 32 : i32
          %mul3A_1952 = arith.muli %scan3A_118, %mul3A_1951 : i32
          %add3A_1953 = arith.constant 14 : i32
          %add3A_1954 = arith.addi %mul3A_1952, %add3A_1953 : i32
          %get3A_1955 = arith.index_cast %add3A_1954 : i32 to index
          %get3A_1956 = arith.constant 96 : index
          %get3A_1957 = tpu.vector_load %arg5[%get3A_1955, %get3A_1956] {strides = array<i32>} : memref<160x128xf32, #tpu.memory_space<vmem>>, vector<1x16xf32>,
          %get3A_1958 = vector.shape_cast %get3A_1957 : vector<1x16xf32> to vector<16xf32>
          %add3A_1959 = arith.addf %add3A_1950, %get3A_1958 : vector<16xf32>
          %mul3A_1960 = arith.constant 32 : i32
          %mul3A_1961 = arith.muli %scan3A_118, %mul3A_1960 : i32
          %add3A_1962 = arith.constant 15 : i32
          %add3A_1963 = arith.addi %mul3A_1961, %add3A_1962 : i32
          %get3A_1964 = arith.index_cast %add3A_1963 : i32 to index
          %get3A_1965 = arith.constant 96 : index
          %get3A_1966 = tpu.vector_load %arg5[%get3A_1964, %get3A_1965] {strides = array<i32>} : memref<160x128xf32, #tpu.memory_space<vmem>>, vector<1x16xf32>,
          %get3A_1967 = vector.shape_cast %get3A_1966 : vector<1x16xf32> to vector<16xf32>
          %add3A_1968 = arith.addf %add3A_1959, %get3A_1967 : vector<16xf32>
          %mul3A_1969 = arith.constant 32 : i32
          %mul3A_1970 = arith.muli %scan3A_118, %mul3A_1969 : i32
          %add3A_1971 = arith.constant 16 : i32
          %add3A_1972 = arith.addi %mul3A_1970, %add3A_1971 : i32
          %get3A_1973 = arith.index_cast %add3A_1972 : i32 to index
          %get3A_1974 = arith.constant 96 : index
          %get3A_1975 = tpu.vector_load %arg5[%get3A_1973, %get3A_1974] {strides = array<i32>} : memref<160x128xf32, #tpu.memory_space<vmem>>, vector<1x16xf32>,
          %get3A_1976 = vector.shape_cast %get3A_1975 : vector<1x16xf32> to vector<16xf32>
          %add3A_1977 = arith.addf %add3A_1968, %get3A_1976 : vector<16xf32>
          %mul3A_1978 = arith.constant 32 : i32
          %mul3A_1979 = arith.muli %scan3A_118, %mul3A_1978 : i32
          %add3A_1980 = arith.constant 17 : i32
          %add3A_1981 = arith.addi %mul3A_1979, %add3A_1980 : i32
          %get3A_1982 = arith.index_cast %add3A_1981 : i32 to index
          %get3A_1983 = arith.constant 96 : index
          %get3A_1984 = tpu.vector_load %arg5[%get3A_1982, %get3A_1983] {strides = array<i32>} : memref<160x128xf32, #tpu.memory_space<vmem>>, vector<1x16xf32>,
          %get3A_1985 = vector.shape_cast %get3A_1984 : vector<1x16xf32> to vector<16xf32>
          %add3A_1986 = arith.addf %add3A_1977, %get3A_1985 : vector<16xf32>
          %mul3A_1987 = arith.constant 32 : i32
          %mul3A_1988 = arith.muli %scan3A_118, %mul3A_1987 : i32
          %add3A_1989 = arith.constant 18 : i32
          %add3A_1990 = arith.addi %mul3A_1988, %add3A_1989 : i32
          %get3A_1991 = arith.index_cast %add3A_1990 : i32 to index
          %get3A_1992 = arith.constant 96 : index
          %get3A_1993 = tpu.vector_load %arg5[%get3A_1991, %get3A_1992] {strides = array<i32>} : memref<160x128xf32, #tpu.memory_space<vmem>>, vector<1x16xf32>,
          %get3A_1994 = vector.shape_cast %get3A_1993 : vector<1x16xf32> to vector<16xf32>
          %add3A_1995 = arith.addf %add3A_1986, %get3A_1994 : vector<16xf32>
          %mul3A_1996 = arith.constant 32 : i32
          %mul3A_1997 = arith.muli %scan3A_118, %mul3A_1996 : i32
          %add3A_1998 = arith.constant 19 : i32
          %add3A_1999 = arith.addi %mul3A_1997, %add3A_1998 : i32
          %get3A_2000 = arith.index_cast %add3A_1999 : i32 to index
          %get3A_2001 = arith.constant 96 : index
          %get3A_2002 = tpu.vector_load %arg5[%get3A_2000, %get3A_2001] {strides = array<i32>} : memref<160x128xf32, #tpu.memory_space<vmem>>, vector<1x16xf32>,
          %get3A_2003 = vector.shape_cast %get3A_2002 : vector<1x16xf32> to vector<16xf32>
          %add3A_2004 = arith.addf %add3A_1995, %get3A_2003 : vector<16xf32>
          %mul3A_2005 = arith.constant 32 : i32
          %mul3A_2006 = arith.muli %scan3A_118, %mul3A_2005 : i32
          %add3A_2007 = arith.constant 20 : i32
          %add3A_2008 = arith.addi %mul3A_2006, %add3A_2007 : i32
          %get3A_2009 = arith.index_cast %add3A_2008 : i32 to index
          %get3A_2010 = arith.constant 96 : index
          %get3A_2011 = tpu.vector_load %arg5[%get3A_2009, %get3A_2010] {strides = array<i32>} : memref<160x128xf32, #tpu.memory_space<vmem>>, vector<1x16xf32>,
          %get3A_2012 = vector.shape_cast %get3A_2011 : vector<1x16xf32> to vector<16xf32>
          %add3A_2013 = arith.addf %add3A_2004, %get3A_2012 : vector<16xf32>
          %mul3A_2014 = arith.constant 32 : i32
          %mul3A_2015 = arith.muli %scan3A_118, %mul3A_2014 : i32
          %add3A_2016 = arith.constant 21 : i32
          %add3A_2017 = arith.addi %mul3A_2015, %add3A_2016 : i32
          %get3A_2018 = arith.index_cast %add3A_2017 : i32 to index
          %get3A_2019 = arith.constant 96 : index
          %get3A_2020 = tpu.vector_load %arg5[%get3A_2018, %get3A_2019] {strides = array<i32>} : memref<160x128xf32, #tpu.memory_space<vmem>>, vector<1x16xf32>,
          %get3A_2021 = vector.shape_cast %get3A_2020 : vector<1x16xf32> to vector<16xf32>
          %add3A_2022 = arith.addf %add3A_2013, %get3A_2021 : vector<16xf32>
          %mul3A_2023 = arith.constant 32 : i32
          %mul3A_2024 = arith.muli %scan3A_118, %mul3A_2023 : i32
          %add3A_2025 = arith.constant 22 : i32
          %add3A_2026 = arith.addi %mul3A_2024, %add3A_2025 : i32
          %get3A_2027 = arith.index_cast %add3A_2026 : i32 to index
          %get3A_2028 = arith.constant 96 : index
          %get3A_2029 = tpu.vector_load %arg5[%get3A_2027, %get3A_2028] {strides = array<i32>} : memref<160x128xf32, #tpu.memory_space<vmem>>, vector<1x16xf32>,
          %get3A_2030 = vector.shape_cast %get3A_2029 : vector<1x16xf32> to vector<16xf32>
          %add3A_2031 = arith.addf %add3A_2022, %get3A_2030 : vector<16xf32>
          %mul3A_2032 = arith.constant 32 : i32
          %mul3A_2033 = arith.muli %scan3A_118, %mul3A_2032 : i32
          %add3A_2034 = arith.constant 23 : i32
          %add3A_2035 = arith.addi %mul3A_2033, %add3A_2034 : i32
          %get3A_2036 = arith.index_cast %add3A_2035 : i32 to index
          %get3A_2037 = arith.constant 96 : index
          %get3A_2038 = tpu.vector_load %arg5[%get3A_2036, %get3A_2037] {strides = array<i32>} : memref<160x128xf32, #tpu.memory_space<vmem>>, vector<1x16xf32>,
          %get3A_2039 = vector.shape_cast %get3A_2038 : vector<1x16xf32> to vector<16xf32>
          %add3A_2040 = arith.addf %add3A_2031, %get3A_2039 : vector<16xf32>
          %mul3A_2041 = arith.constant 32 : i32
          %mul3A_2042 = arith.muli %scan3A_118, %mul3A_2041 : i32
          %add3A_2043 = arith.constant 24 : i32
          %add3A_2044 = arith.addi %mul3A_2042, %add3A_2043 : i32
          %get3A_2045 = arith.index_cast %add3A_2044 : i32 to index
          %get3A_2046 = arith.constant 96 : index
          %get3A_2047 = tpu.vector_load %arg5[%get3A_2045, %get3A_2046] {strides = array<i32>} : memref<160x128xf32, #tpu.memory_space<vmem>>, vector<1x16xf32>,
          %get3A_2048 = vector.shape_cast %get3A_2047 : vector<1x16xf32> to vector<16xf32>
          %add3A_2049 = arith.addf %add3A_2040, %get3A_2048 : vector<16xf32>
          %mul3A_2050 = arith.constant 32 : i32
          %mul3A_2051 = arith.muli %scan3A_118, %mul3A_2050 : i32
          %add3A_2052 = arith.constant 25 : i32
          %add3A_2053 = arith.addi %mul3A_2051, %add3A_2052 : i32
          %get3A_2054 = arith.index_cast %add3A_2053 : i32 to index
          %get3A_2055 = arith.constant 96 : index
          %get3A_2056 = tpu.vector_load %arg5[%get3A_2054, %get3A_2055] {strides = array<i32>} : memref<160x128xf32, #tpu.memory_space<vmem>>, vector<1x16xf32>,
          %get3A_2057 = vector.shape_cast %get3A_2056 : vector<1x16xf32> to vector<16xf32>
          %add3A_2058 = arith.addf %add3A_2049, %get3A_2057 : vector<16xf32>
          %mul3A_2059 = arith.constant 32 : i32
          %mul3A_2060 = arith.muli %scan3A_118, %mul3A_2059 : i32
          %add3A_2061 = arith.constant 26 : i32
          %add3A_2062 = arith.addi %mul3A_2060, %add3A_2061 : i32
          %get3A_2063 = arith.index_cast %add3A_2062 : i32 to index
          %get3A_2064 = arith.constant 96 : index
          %get3A_2065 = tpu.vector_load %arg5[%get3A_2063, %get3A_2064] {strides = array<i32>} : memref<160x128xf32, #tpu.memory_space<vmem>>, vector<1x16xf32>,
          %get3A_2066 = vector.shape_cast %get3A_2065 : vector<1x16xf32> to vector<16xf32>
          %add3A_2067 = arith.addf %add3A_2058, %get3A_2066 : vector<16xf32>
          %mul3A_2068 = arith.constant 32 : i32
          %mul3A_2069 = arith.muli %scan3A_118, %mul3A_2068 : i32
          %add3A_2070 = arith.constant 27 : i32
          %add3A_2071 = arith.addi %mul3A_2069, %add3A_2070 : i32
          %get3A_2072 = arith.index_cast %add3A_2071 : i32 to index
          %get3A_2073 = arith.constant 96 : index
          %get3A_2074 = tpu.vector_load %arg5[%get3A_2072, %get3A_2073] {strides = array<i32>} : memref<160x128xf32, #tpu.memory_space<vmem>>, vector<1x16xf32>,
          %get3A_2075 = vector.shape_cast %get3A_2074 : vector<1x16xf32> to vector<16xf32>
          %add3A_2076 = arith.addf %add3A_2067, %get3A_2075 : vector<16xf32>
          %mul3A_2077 = arith.constant 32 : i32
          %mul3A_2078 = arith.muli %scan3A_118, %mul3A_2077 : i32
          %add3A_2079 = arith.constant 28 : i32
          %add3A_2080 = arith.addi %mul3A_2078, %add3A_2079 : i32
          %get3A_2081 = arith.index_cast %add3A_2080 : i32 to index
          %get3A_2082 = arith.constant 96 : index
          %get3A_2083 = tpu.vector_load %arg5[%get3A_2081, %get3A_2082] {strides = array<i32>} : memref<160x128xf32, #tpu.memory_space<vmem>>, vector<1x16xf32>,
          %get3A_2084 = vector.shape_cast %get3A_2083 : vector<1x16xf32> to vector<16xf32>
          %add3A_2085 = arith.addf %add3A_2076, %get3A_2084 : vector<16xf32>
          %mul3A_2086 = arith.constant 32 : i32
          %mul3A_2087 = arith.muli %scan3A_118, %mul3A_2086 : i32
          %add3A_2088 = arith.constant 29 : i32
          %add3A_2089 = arith.addi %mul3A_2087, %add3A_2088 : i32
          %get3A_2090 = arith.index_cast %add3A_2089 : i32 to index
          %get3A_2091 = arith.constant 96 : index
          %get3A_2092 = tpu.vector_load %arg5[%get3A_2090, %get3A_2091] {strides = array<i32>} : memref<160x128xf32, #tpu.memory_space<vmem>>, vector<1x16xf32>,
          %get3A_2093 = vector.shape_cast %get3A_2092 : vector<1x16xf32> to vector<16xf32>
          %add3A_2094 = arith.addf %add3A_2085, %get3A_2093 : vector<16xf32>
          %mul3A_2095 = arith.constant 32 : i32
          %mul3A_2096 = arith.muli %scan3A_118, %mul3A_2095 : i32
          %add3A_2097 = arith.constant 30 : i32
          %add3A_2098 = arith.addi %mul3A_2096, %add3A_2097 : i32
          %get3A_2099 = arith.index_cast %add3A_2098 : i32 to index
          %get3A_2100 = arith.constant 96 : index
          %get3A_2101 = tpu.vector_load %arg5[%get3A_2099, %get3A_2100] {strides = array<i32>} : memref<160x128xf32, #tpu.memory_space<vmem>>, vector<1x16xf32>,
          %get3A_2102 = vector.shape_cast %get3A_2101 : vector<1x16xf32> to vector<16xf32>
          %add3A_2103 = arith.addf %add3A_2094, %get3A_2102 : vector<16xf32>
          %mul3A_2104 = arith.constant 32 : i32
          %mul3A_2105 = arith.muli %scan3A_118, %mul3A_2104 : i32
          %add3A_2106 = arith.constant 31 : i32
          %add3A_2107 = arith.addi %mul3A_2105, %add3A_2106 : i32
          %get3A_2108 = arith.index_cast %add3A_2107 : i32 to index
          %get3A_2109 = arith.constant 96 : index
          %get3A_2110 = tpu.vector_load %arg5[%get3A_2108, %get3A_2109] {strides = array<i32>} : memref<160x128xf32, #tpu.memory_space<vmem>>, vector<1x16xf32>,
          %get3A_2111 = vector.shape_cast %get3A_2110 : vector<1x16xf32> to vector<16xf32>
          %add3A_2112 = arith.addf %add3A_2103, %get3A_2111 : vector<16xf32>
          %mul3A_2113 = arith.constant 32 : i32
          %mul3A_2114 = arith.muli %scan3A_118, %mul3A_2113 : i32
          %get3A_2115 = arith.index_cast %mul3A_2114 : i32 to index
          %get3A_2116 = arith.constant 112 : index
          %get3A_2117 = tpu.vector_load %arg5[%get3A_2115, %get3A_2116] {strides = array<i32>} : memref<160x128xf32, #tpu.memory_space<vmem>>, vector<1x16xf32>,
          %get3A_2118 = vector.shape_cast %get3A_2117 : vector<1x16xf32> to vector<16xf32>
          %mul3A_2119 = arith.constant 32 : i32
          %mul3A_2120 = arith.muli %scan3A_118, %mul3A_2119 : i32
          %add3A_2121 = arith.constant 1 : i32
          %add3A_2122 = arith.addi %mul3A_2120, %add3A_2121 : i32
          %get3A_2123 = arith.index_cast %add3A_2122 : i32 to index
          %get3A_2124 = arith.constant 112 : index
          %get3A_2125 = tpu.vector_load %arg5[%get3A_2123, %get3A_2124] {strides = array<i32>} : memref<160x128xf32, #tpu.memory_space<vmem>>, vector<1x16xf32>,
          %get3A_2126 = vector.shape_cast %get3A_2125 : vector<1x16xf32> to vector<16xf32>
          %add3A_2127 = arith.addf %get3A_2118, %get3A_2126 : vector<16xf32>
          %mul3A_2128 = arith.constant 32 : i32
          %mul3A_2129 = arith.muli %scan3A_118, %mul3A_2128 : i32
          %add3A_2130 = arith.constant 2 : i32
          %add3A_2131 = arith.addi %mul3A_2129, %add3A_2130 : i32
          %get3A_2132 = arith.index_cast %add3A_2131 : i32 to index
          %get3A_2133 = arith.constant 112 : index
          %get3A_2134 = tpu.vector_load %arg5[%get3A_2132, %get3A_2133] {strides = array<i32>} : memref<160x128xf32, #tpu.memory_space<vmem>>, vector<1x16xf32>,
          %get3A_2135 = vector.shape_cast %get3A_2134 : vector<1x16xf32> to vector<16xf32>
          %add3A_2136 = arith.addf %add3A_2127, %get3A_2135 : vector<16xf32>
          %mul3A_2137 = arith.constant 32 : i32
          %mul3A_2138 = arith.muli %scan3A_118, %mul3A_2137 : i32
          %add3A_2139 = arith.constant 3 : i32
          %add3A_2140 = arith.addi %mul3A_2138, %add3A_2139 : i32
          %get3A_2141 = arith.index_cast %add3A_2140 : i32 to index
          %get3A_2142 = arith.constant 112 : index
          %get3A_2143 = tpu.vector_load %arg5[%get3A_2141, %get3A_2142] {strides = array<i32>} : memref<160x128xf32, #tpu.memory_space<vmem>>, vector<1x16xf32>,
          %get3A_2144 = vector.shape_cast %get3A_2143 : vector<1x16xf32> to vector<16xf32>
          %add3A_2145 = arith.addf %add3A_2136, %get3A_2144 : vector<16xf32>
          %mul3A_2146 = arith.constant 32 : i32
          %mul3A_2147 = arith.muli %scan3A_118, %mul3A_2146 : i32
          %add3A_2148 = arith.constant 4 : i32
          %add3A_2149 = arith.addi %mul3A_2147, %add3A_2148 : i32
          %get3A_2150 = arith.index_cast %add3A_2149 : i32 to index
          %get3A_2151 = arith.constant 112 : index
          %get3A_2152 = tpu.vector_load %arg5[%get3A_2150, %get3A_2151] {strides = array<i32>} : memref<160x128xf32, #tpu.memory_space<vmem>>, vector<1x16xf32>,
          %get3A_2153 = vector.shape_cast %get3A_2152 : vector<1x16xf32> to vector<16xf32>
          %add3A_2154 = arith.addf %add3A_2145, %get3A_2153 : vector<16xf32>
          %mul3A_2155 = arith.constant 32 : i32
          %mul3A_2156 = arith.muli %scan3A_118, %mul3A_2155 : i32
          %add3A_2157 = arith.constant 5 : i32
          %add3A_2158 = arith.addi %mul3A_2156, %add3A_2157 : i32
          %get3A_2159 = arith.index_cast %add3A_2158 : i32 to index
          %get3A_2160 = arith.constant 112 : index
          %get3A_2161 = tpu.vector_load %arg5[%get3A_2159, %get3A_2160] {strides = array<i32>} : memref<160x128xf32, #tpu.memory_space<vmem>>, vector<1x16xf32>,
          %get3A_2162 = vector.shape_cast %get3A_2161 : vector<1x16xf32> to vector<16xf32>
          %add3A_2163 = arith.addf %add3A_2154, %get3A_2162 : vector<16xf32>
          %mul3A_2164 = arith.constant 32 : i32
          %mul3A_2165 = arith.muli %scan3A_118, %mul3A_2164 : i32
          %add3A_2166 = arith.constant 6 : i32
          %add3A_2167 = arith.addi %mul3A_2165, %add3A_2166 : i32
          %get3A_2168 = arith.index_cast %add3A_2167 : i32 to index
          %get3A_2169 = arith.constant 112 : index
          %get3A_2170 = tpu.vector_load %arg5[%get3A_2168, %get3A_2169] {strides = array<i32>} : memref<160x128xf32, #tpu.memory_space<vmem>>, vector<1x16xf32>,
          %get3A_2171 = vector.shape_cast %get3A_2170 : vector<1x16xf32> to vector<16xf32>
          %add3A_2172 = arith.addf %add3A_2163, %get3A_2171 : vector<16xf32>
          %mul3A_2173 = arith.constant 32 : i32
          %mul3A_2174 = arith.muli %scan3A_118, %mul3A_2173 : i32
          %add3A_2175 = arith.constant 7 : i32
          %add3A_2176 = arith.addi %mul3A_2174, %add3A_2175 : i32
          %get3A_2177 = arith.index_cast %add3A_2176 : i32 to index
          %get3A_2178 = arith.constant 112 : index
          %get3A_2179 = tpu.vector_load %arg5[%get3A_2177, %get3A_2178] {strides = array<i32>} : memref<160x128xf32, #tpu.memory_space<vmem>>, vector<1x16xf32>,
          %get3A_2180 = vector.shape_cast %get3A_2179 : vector<1x16xf32> to vector<16xf32>
          %add3A_2181 = arith.addf %add3A_2172, %get3A_2180 : vector<16xf32>
          %mul3A_2182 = arith.constant 32 : i32
          %mul3A_2183 = arith.muli %scan3A_118, %mul3A_2182 : i32
          %add3A_2184 = arith.constant 8 : i32
          %add3A_2185 = arith.addi %mul3A_2183, %add3A_2184 : i32
          %get3A_2186 = arith.index_cast %add3A_2185 : i32 to index
          %get3A_2187 = arith.constant 112 : index
          %get3A_2188 = tpu.vector_load %arg5[%get3A_2186, %get3A_2187] {strides = array<i32>} : memref<160x128xf32, #tpu.memory_space<vmem>>, vector<1x16xf32>,
          %get3A_2189 = vector.shape_cast %get3A_2188 : vector<1x16xf32> to vector<16xf32>
          %add3A_2190 = arith.addf %add3A_2181, %get3A_2189 : vector<16xf32>
          %mul3A_2191 = arith.constant 32 : i32
          %mul3A_2192 = arith.muli %scan3A_118, %mul3A_2191 : i32
          %add3A_2193 = arith.constant 9 : i32
          %add3A_2194 = arith.addi %mul3A_2192, %add3A_2193 : i32
          %get3A_2195 = arith.index_cast %add3A_2194 : i32 to index
          %get3A_2196 = arith.constant 112 : index
          %get3A_2197 = tpu.vector_load %arg5[%get3A_2195, %get3A_2196] {strides = array<i32>} : memref<160x128xf32, #tpu.memory_space<vmem>>, vector<1x16xf32>,
          %get3A_2198 = vector.shape_cast %get3A_2197 : vector<1x16xf32> to vector<16xf32>
          %add3A_2199 = arith.addf %add3A_2190, %get3A_2198 : vector<16xf32>
          %mul3A_2200 = arith.constant 32 : i32
          %mul3A_2201 = arith.muli %scan3A_118, %mul3A_2200 : i32
          %add3A_2202 = arith.constant 10 : i32
          %add3A_2203 = arith.addi %mul3A_2201, %add3A_2202 : i32
          %get3A_2204 = arith.index_cast %add3A_2203 : i32 to index
          %get3A_2205 = arith.constant 112 : index
          %get3A_2206 = tpu.vector_load %arg5[%get3A_2204, %get3A_2205] {strides = array<i32>} : memref<160x128xf32, #tpu.memory_space<vmem>>, vector<1x16xf32>,
          %get3A_2207 = vector.shape_cast %get3A_2206 : vector<1x16xf32> to vector<16xf32>
          %add3A_2208 = arith.addf %add3A_2199, %get3A_2207 : vector<16xf32>
          %mul3A_2209 = arith.constant 32 : i32
          %mul3A_2210 = arith.muli %scan3A_118, %mul3A_2209 : i32
          %add3A_2211 = arith.constant 11 : i32
          %add3A_2212 = arith.addi %mul3A_2210, %add3A_2211 : i32
          %get3A_2213 = arith.index_cast %add3A_2212 : i32 to index
          %get3A_2214 = arith.constant 112 : index
          %get3A_2215 = tpu.vector_load %arg5[%get3A_2213, %get3A_2214] {strides = array<i32>} : memref<160x128xf32, #tpu.memory_space<vmem>>, vector<1x16xf32>,
          %get3A_2216 = vector.shape_cast %get3A_2215 : vector<1x16xf32> to vector<16xf32>
          %add3A_2217 = arith.addf %add3A_2208, %get3A_2216 : vector<16xf32>
          %mul3A_2218 = arith.constant 32 : i32
          %mul3A_2219 = arith.muli %scan3A_118, %mul3A_2218 : i32
          %add3A_2220 = arith.constant 12 : i32
          %add3A_2221 = arith.addi %mul3A_2219, %add3A_2220 : i32
          %get3A_2222 = arith.index_cast %add3A_2221 : i32 to index
          %get3A_2223 = arith.constant 112 : index
          %get3A_2224 = tpu.vector_load %arg5[%get3A_2222, %get3A_2223] {strides = array<i32>} : memref<160x128xf32, #tpu.memory_space<vmem>>, vector<1x16xf32>,
          %get3A_2225 = vector.shape_cast %get3A_2224 : vector<1x16xf32> to vector<16xf32>
          %add3A_2226 = arith.addf %add3A_2217, %get3A_2225 : vector<16xf32>
          %mul3A_2227 = arith.constant 32 : i32
          %mul3A_2228 = arith.muli %scan3A_118, %mul3A_2227 : i32
          %add3A_2229 = arith.constant 13 : i32
          %add3A_2230 = arith.addi %mul3A_2228, %add3A_2229 : i32
          %get3A_2231 = arith.index_cast %add3A_2230 : i32 to index
          %get3A_2232 = arith.constant 112 : index
          %get3A_2233 = tpu.vector_load %arg5[%get3A_2231, %get3A_2232] {strides = array<i32>} : memref<160x128xf32, #tpu.memory_space<vmem>>, vector<1x16xf32>,
          %get3A_2234 = vector.shape_cast %get3A_2233 : vector<1x16xf32> to vector<16xf32>
          %add3A_2235 = arith.addf %add3A_2226, %get3A_2234 : vector<16xf32>
          %mul3A_2236 = arith.constant 32 : i32
          %mul3A_2237 = arith.muli %scan3A_118, %mul3A_2236 : i32
          %add3A_2238 = arith.constant 14 : i32
          %add3A_2239 = arith.addi %mul3A_2237, %add3A_2238 : i32
          %get3A_2240 = arith.index_cast %add3A_2239 : i32 to index
          %get3A_2241 = arith.constant 112 : index
          %get3A_2242 = tpu.vector_load %arg5[%get3A_2240, %get3A_2241] {strides = array<i32>} : memref<160x128xf32, #tpu.memory_space<vmem>>, vector<1x16xf32>,
          %get3A_2243 = vector.shape_cast %get3A_2242 : vector<1x16xf32> to vector<16xf32>
          %add3A_2244 = arith.addf %add3A_2235, %get3A_2243 : vector<16xf32>
          %mul3A_2245 = arith.constant 32 : i32
          %mul3A_2246 = arith.muli %scan3A_118, %mul3A_2245 : i32
          %add3A_2247 = arith.constant 15 : i32
          %add3A_2248 = arith.addi %mul3A_2246, %add3A_2247 : i32
          %get3A_2249 = arith.index_cast %add3A_2248 : i32 to index
          %get3A_2250 = arith.constant 112 : index
          %get3A_2251 = tpu.vector_load %arg5[%get3A_2249, %get3A_2250] {strides = array<i32>} : memref<160x128xf32, #tpu.memory_space<vmem>>, vector<1x16xf32>,
          %get3A_2252 = vector.shape_cast %get3A_2251 : vector<1x16xf32> to vector<16xf32>
          %add3A_2253 = arith.addf %add3A_2244, %get3A_2252 : vector<16xf32>
          %mul3A_2254 = arith.constant 32 : i32
          %mul3A_2255 = arith.muli %scan3A_118, %mul3A_2254 : i32
          %add3A_2256 = arith.constant 16 : i32
          %add3A_2257 = arith.addi %mul3A_2255, %add3A_2256 : i32
          %get3A_2258 = arith.index_cast %add3A_2257 : i32 to index
          %get3A_2259 = arith.constant 112 : index
          %get3A_2260 = tpu.vector_load %arg5[%get3A_2258, %get3A_2259] {strides = array<i32>} : memref<160x128xf32, #tpu.memory_space<vmem>>, vector<1x16xf32>,
          %get3A_2261 = vector.shape_cast %get3A_2260 : vector<1x16xf32> to vector<16xf32>
          %add3A_2262 = arith.addf %add3A_2253, %get3A_2261 : vector<16xf32>
          %mul3A_2263 = arith.constant 32 : i32
          %mul3A_2264 = arith.muli %scan3A_118, %mul3A_2263 : i32
          %add3A_2265 = arith.constant 17 : i32
          %add3A_2266 = arith.addi %mul3A_2264, %add3A_2265 : i32
          %get3A_2267 = arith.index_cast %add3A_2266 : i32 to index
          %get3A_2268 = arith.constant 112 : index
          %get3A_2269 = tpu.vector_load %arg5[%get3A_2267, %get3A_2268] {strides = array<i32>} : memref<160x128xf32, #tpu.memory_space<vmem>>, vector<1x16xf32>,
          %get3A_2270 = vector.shape_cast %get3A_2269 : vector<1x16xf32> to vector<16xf32>
          %add3A_2271 = arith.addf %add3A_2262, %get3A_2270 : vector<16xf32>
          %mul3A_2272 = arith.constant 32 : i32
          %mul3A_2273 = arith.muli %scan3A_118, %mul3A_2272 : i32
          %add3A_2274 = arith.constant 18 : i32
          %add3A_2275 = arith.addi %mul3A_2273, %add3A_2274 : i32
          %get3A_2276 = arith.index_cast %add3A_2275 : i32 to index
          %get3A_2277 = arith.constant 112 : index
          %get3A_2278 = tpu.vector_load %arg5[%get3A_2276, %get3A_2277] {strides = array<i32>} : memref<160x128xf32, #tpu.memory_space<vmem>>, vector<1x16xf32>,
          %get3A_2279 = vector.shape_cast %get3A_2278 : vector<1x16xf32> to vector<16xf32>
          %add3A_2280 = arith.addf %add3A_2271, %get3A_2279 : vector<16xf32>
          %mul3A_2281 = arith.constant 32 : i32
          %mul3A_2282 = arith.muli %scan3A_118, %mul3A_2281 : i32
          %add3A_2283 = arith.constant 19 : i32
          %add3A_2284 = arith.addi %mul3A_2282, %add3A_2283 : i32
          %get3A_2285 = arith.index_cast %add3A_2284 : i32 to index
          %get3A_2286 = arith.constant 112 : index
          %get3A_2287 = tpu.vector_load %arg5[%get3A_2285, %get3A_2286] {strides = array<i32>} : memref<160x128xf32, #tpu.memory_space<vmem>>, vector<1x16xf32>,
          %get3A_2288 = vector.shape_cast %get3A_2287 : vector<1x16xf32> to vector<16xf32>
          %add3A_2289 = arith.addf %add3A_2280, %get3A_2288 : vector<16xf32>
          %mul3A_2290 = arith.constant 32 : i32
          %mul3A_2291 = arith.muli %scan3A_118, %mul3A_2290 : i32
          %add3A_2292 = arith.constant 20 : i32
          %add3A_2293 = arith.addi %mul3A_2291, %add3A_2292 : i32
          %get3A_2294 = arith.index_cast %add3A_2293 : i32 to index
          %get3A_2295 = arith.constant 112 : index
          %get3A_2296 = tpu.vector_load %arg5[%get3A_2294, %get3A_2295] {strides = array<i32>} : memref<160x128xf32, #tpu.memory_space<vmem>>, vector<1x16xf32>,
          %get3A_2297 = vector.shape_cast %get3A_2296 : vector<1x16xf32> to vector<16xf32>
          %add3A_2298 = arith.addf %add3A_2289, %get3A_2297 : vector<16xf32>
          %mul3A_2299 = arith.constant 32 : i32
          %mul3A_2300 = arith.muli %scan3A_118, %mul3A_2299 : i32
          %add3A_2301 = arith.constant 21 : i32
          %add3A_2302 = arith.addi %mul3A_2300, %add3A_2301 : i32
          %get3A_2303 = arith.index_cast %add3A_2302 : i32 to index
          %get3A_2304 = arith.constant 112 : index
          %get3A_2305 = tpu.vector_load %arg5[%get3A_2303, %get3A_2304] {strides = array<i32>} : memref<160x128xf32, #tpu.memory_space<vmem>>, vector<1x16xf32>,
          %get3A_2306 = vector.shape_cast %get3A_2305 : vector<1x16xf32> to vector<16xf32>
          %add3A_2307 = arith.addf %add3A_2298, %get3A_2306 : vector<16xf32>
          %mul3A_2308 = arith.constant 32 : i32
          %mul3A_2309 = arith.muli %scan3A_118, %mul3A_2308 : i32
          %add3A_2310 = arith.constant 22 : i32
          %add3A_2311 = arith.addi %mul3A_2309, %add3A_2310 : i32
          %get3A_2312 = arith.index_cast %add3A_2311 : i32 to index
          %get3A_2313 = arith.constant 112 : index
          %get3A_2314 = tpu.vector_load %arg5[%get3A_2312, %get3A_2313] {strides = array<i32>} : memref<160x128xf32, #tpu.memory_space<vmem>>, vector<1x16xf32>,
          %get3A_2315 = vector.shape_cast %get3A_2314 : vector<1x16xf32> to vector<16xf32>
          %add3A_2316 = arith.addf %add3A_2307, %get3A_2315 : vector<16xf32>
          %mul3A_2317 = arith.constant 32 : i32
          %mul3A_2318 = arith.muli %scan3A_118, %mul3A_2317 : i32
          %add3A_2319 = arith.constant 23 : i32
          %add3A_2320 = arith.addi %mul3A_2318, %add3A_2319 : i32
          %get3A_2321 = arith.index_cast %add3A_2320 : i32 to index
          %get3A_2322 = arith.constant 112 : index
          %get3A_2323 = tpu.vector_load %arg5[%get3A_2321, %get3A_2322] {strides = array<i32>} : memref<160x128xf32, #tpu.memory_space<vmem>>, vector<1x16xf32>,
          %get3A_2324 = vector.shape_cast %get3A_2323 : vector<1x16xf32> to vector<16xf32>
          %add3A_2325 = arith.addf %add3A_2316, %get3A_2324 : vector<16xf32>
          %mul3A_2326 = arith.constant 32 : i32
          %mul3A_2327 = arith.muli %scan3A_118, %mul3A_2326 : i32
          %add3A_2328 = arith.constant 24 : i32
          %add3A_2329 = arith.addi %mul3A_2327, %add3A_2328 : i32
          %get3A_2330 = arith.index_cast %add3A_2329 : i32 to index
          %get3A_2331 = arith.constant 112 : index
          %get3A_2332 = tpu.vector_load %arg5[%get3A_2330, %get3A_2331] {strides = array<i32>} : memref<160x128xf32, #tpu.memory_space<vmem>>, vector<1x16xf32>,
          %get3A_2333 = vector.shape_cast %get3A_2332 : vector<1x16xf32> to vector<16xf32>
          %add3A_2334 = arith.addf %add3A_2325, %get3A_2333 : vector<16xf32>
          %mul3A_2335 = arith.constant 32 : i32
          %mul3A_2336 = arith.muli %scan3A_118, %mul3A_2335 : i32
          %add3A_2337 = arith.constant 25 : i32
          %add3A_2338 = arith.addi %mul3A_2336, %add3A_2337 : i32
          %get3A_2339 = arith.index_cast %add3A_2338 : i32 to index
          %get3A_2340 = arith.constant 112 : index
          %get3A_2341 = tpu.vector_load %arg5[%get3A_2339, %get3A_2340] {strides = array<i32>} : memref<160x128xf32, #tpu.memory_space<vmem>>, vector<1x16xf32>,
          %get3A_2342 = vector.shape_cast %get3A_2341 : vector<1x16xf32> to vector<16xf32>
          %add3A_2343 = arith.addf %add3A_2334, %get3A_2342 : vector<16xf32>
          %mul3A_2344 = arith.constant 32 : i32
          %mul3A_2345 = arith.muli %scan3A_118, %mul3A_2344 : i32
          %add3A_2346 = arith.constant 26 : i32
          %add3A_2347 = arith.addi %mul3A_2345, %add3A_2346 : i32
          %get3A_2348 = arith.index_cast %add3A_2347 : i32 to index
          %get3A_2349 = arith.constant 112 : index
          %get3A_2350 = tpu.vector_load %arg5[%get3A_2348, %get3A_2349] {strides = array<i32>} : memref<160x128xf32, #tpu.memory_space<vmem>>, vector<1x16xf32>,
          %get3A_2351 = vector.shape_cast %get3A_2350 : vector<1x16xf32> to vector<16xf32>
          %add3A_2352 = arith.addf %add3A_2343, %get3A_2351 : vector<16xf32>
          %mul3A_2353 = arith.constant 32 : i32
          %mul3A_2354 = arith.muli %scan3A_118, %mul3A_2353 : i32
          %add3A_2355 = arith.constant 27 : i32
          %add3A_2356 = arith.addi %mul3A_2354, %add3A_2355 : i32
          %get3A_2357 = arith.index_cast %add3A_2356 : i32 to index
          %get3A_2358 = arith.constant 112 : index
          %get3A_2359 = tpu.vector_load %arg5[%get3A_2357, %get3A_2358] {strides = array<i32>} : memref<160x128xf32, #tpu.memory_space<vmem>>, vector<1x16xf32>,
          %get3A_2360 = vector.shape_cast %get3A_2359 : vector<1x16xf32> to vector<16xf32>
          %add3A_2361 = arith.addf %add3A_2352, %get3A_2360 : vector<16xf32>
          %mul3A_2362 = arith.constant 32 : i32
          %mul3A_2363 = arith.muli %scan3A_118, %mul3A_2362 : i32
          %add3A_2364 = arith.constant 28 : i32
          %add3A_2365 = arith.addi %mul3A_2363, %add3A_2364 : i32
          %get3A_2366 = arith.index_cast %add3A_2365 : i32 to index
          %get3A_2367 = arith.constant 112 : index
          %get3A_2368 = tpu.vector_load %arg5[%get3A_2366, %get3A_2367] {strides = array<i32>} : memref<160x128xf32, #tpu.memory_space<vmem>>, vector<1x16xf32>,
          %get3A_2369 = vector.shape_cast %get3A_2368 : vector<1x16xf32> to vector<16xf32>
          %add3A_2370 = arith.addf %add3A_2361, %get3A_2369 : vector<16xf32>
          %mul3A_2371 = arith.constant 32 : i32
          %mul3A_2372 = arith.muli %scan3A_118, %mul3A_2371 : i32
          %add3A_2373 = arith.constant 29 : i32
          %add3A_2374 = arith.addi %mul3A_2372, %add3A_2373 : i32
          %get3A_2375 = arith.index_cast %add3A_2374 : i32 to index
          %get3A_2376 = arith.constant 112 : index
          %get3A_2377 = tpu.vector_load %arg5[%get3A_2375, %get3A_2376] {strides = array<i32>} : memref<160x128xf32, #tpu.memory_space<vmem>>, vector<1x16xf32>,
          %get3A_2378 = vector.shape_cast %get3A_2377 : vector<1x16xf32> to vector<16xf32>
          %add3A_2379 = arith.addf %add3A_2370, %get3A_2378 : vector<16xf32>
          %mul3A_2380 = arith.constant 32 : i32
          %mul3A_2381 = arith.muli %scan3A_118, %mul3A_2380 : i32
          %add3A_2382 = arith.constant 30 : i32
          %add3A_2383 = arith.addi %mul3A_2381, %add3A_2382 : i32
          %get3A_2384 = arith.index_cast %add3A_2383 : i32 to index
          %get3A_2385 = arith.constant 112 : index
          %get3A_2386 = tpu.vector_load %arg5[%get3A_2384, %get3A_2385] {strides = array<i32>} : memref<160x128xf32, #tpu.memory_space<vmem>>, vector<1x16xf32>,
          %get3A_2387 = vector.shape_cast %get3A_2386 : vector<1x16xf32> to vector<16xf32>
          %add3A_2388 = arith.addf %add3A_2379, %get3A_2387 : vector<16xf32>
          %mul3A_2389 = arith.constant 32 : i32
          %mul3A_2390 = arith.muli %scan3A_118, %mul3A_2389 : i32
          %add3A_2391 = arith.constant 31 : i32
          %add3A_2392 = arith.addi %mul3A_2390, %add3A_2391 : i32
          %get3A_2393 = arith.index_cast %add3A_2392 : i32 to index
          %get3A_2394 = arith.constant 112 : index
          %get3A_2395 = tpu.vector_load %arg5[%get3A_2393, %get3A_2394] {strides = array<i32>} : memref<160x128xf32, #tpu.memory_space<vmem>>, vector<1x16xf32>,
          %get3A_2396 = vector.shape_cast %get3A_2395 : vector<1x16xf32> to vector<16xf32>
          %add3A_2397 = arith.addf %add3A_2388, %get3A_2396 : vector<16xf32>
          %swap3A = arith.index_cast %scan3A_118 : i32 to index
          %swap3A_2398 = arith.constant 0 : index
          %swap3A_2399 = tpu.vector_load %arg7[%swap3A, %swap3A_2398] {strides = array<i32>} : memref<5x128xf32, #tpu.memory_space<vmem>>, vector<1x16xf32>,
          %swap3A_2400 = vector.shape_cast %swap3A_2399 : vector<1x16xf32> to vector<16xf32>
          %swap3A_2401 = vector.shape_cast %add3A_402 : vector<16xf32> to vector<1x16xf32>
          tpu.vector_store %arg7[%swap3A, %swap3A_2398], %swap3A_2401 {strides = array<i32>} : memref<5x128xf32, #tpu.memory_space<vmem>>, vector<1x16xf32>,
          %swap3A_2402 = arith.index_cast %scan3A_118 : i32 to index
          %swap3A_2403 = arith.constant 16 : index
          %swap3A_2404 = tpu.vector_load %arg7[%swap3A_2402, %swap3A_2403] {strides = array<i32>} : memref<5x128xf32, #tpu.memory_space<vmem>>, vector<1x16xf32>,
          %swap3A_2405 = vector.shape_cast %swap3A_2404 : vector<1x16xf32> to vector<16xf32>
          %swap3A_2406 = vector.shape_cast %add3A_687 : vector<16xf32> to vector<1x16xf32>
          tpu.vector_store %arg7[%swap3A_2402, %swap3A_2403], %swap3A_2406 {strides = array<i32>} : memref<5x128xf32, #tpu.memory_space<vmem>>, vector<1x16xf32>,
          %swap3A_2407 = arith.index_cast %scan3A_118 : i32 to index
          %swap3A_2408 = arith.constant 32 : index
          %swap3A_2409 = tpu.vector_load %arg7[%swap3A_2407, %swap3A_2408] {strides = array<i32>} : memref<5x128xf32, #tpu.memory_space<vmem>>, vector<1x16xf32>,
          %swap3A_2410 = vector.shape_cast %swap3A_2409 : vector<1x16xf32> to vector<16xf32>
          %swap3A_2411 = vector.shape_cast %add3A_972 : vector<16xf32> to vector<1x16xf32>
          tpu.vector_store %arg7[%swap3A_2407, %swap3A_2408], %swap3A_2411 {strides = array<i32>} : memref<5x128xf32, #tpu.memory_space<vmem>>, vector<1x16xf32>,
          %swap3A_2412 = arith.index_cast %scan3A_118 : i32 to index
          %swap3A_2413 = arith.constant 48 : index
          %swap3A_2414 = tpu.vector_load %arg7[%swap3A_2412, %swap3A_2413] {strides = array<i32>} : memref<5x128xf32, #tpu.memory_space<vmem>>, vector<1x16xf32>,
          %swap3A_2415 = vector.shape_cast %swap3A_2414 : vector<1x16xf32> to vector<16xf32>
          %swap3A_2416 = vector.shape_cast %add3A_1257 : vector<16xf32> to vector<1x16xf32>
          tpu.vector_store %arg7[%swap3A_2412, %swap3A_2413], %swap3A_2416 {strides = array<i32>} : memref<5x128xf32, #tpu.memory_space<vmem>>, vector<1x16xf32>,
          %swap3A_2417 = arith.index_cast %scan3A_118 : i32 to index
          %swap3A_2418 = arith.constant 64 : index
          %swap3A_2419 = tpu.vector_load %arg7[%swap3A_2417, %swap3A_2418] {strides = array<i32>} : memref<5x128xf32, #tpu.memory_space<vmem>>, vector<1x16xf32>,
          %swap3A_2420 = vector.shape_cast %swap3A_2419 : vector<1x16xf32> to vector<16xf32>
          %swap3A_2421 = vector.shape_cast %add3A_1542 : vector<16xf32> to vector<1x16xf32>
          tpu.vector_store %arg7[%swap3A_2417, %swap3A_2418], %swap3A_2421 {strides = array<i32>} : memref<5x128xf32, #tpu.memory_space<vmem>>, vector<1x16xf32>,
          %swap3A_2422 = arith.index_cast %scan3A_118 : i32 to index
          %swap3A_2423 = arith.constant 80 : index
          %swap3A_2424 = tpu.vector_load %arg7[%swap3A_2422, %swap3A_2423] {strides = array<i32>} : memref<5x128xf32, #tpu.memory_space<vmem>>, vector<1x16xf32>,
          %swap3A_2425 = vector.shape_cast %swap3A_2424 : vector<1x16xf32> to vector<16xf32>
          %swap3A_2426 = vector.shape_cast %add3A_1827 : vector<16xf32> to vector<1x16xf32>
          tpu.vector_store %arg7[%swap3A_2422, %swap3A_2423], %swap3A_2426 {strides = array<i32>} : memref<5x128xf32, #tpu.memory_space<vmem>>, vector<1x16xf32>,
          %swap3A_2427 = arith.index_cast %scan3A_118 : i32 to index
          %swap3A_2428 = arith.constant 96 : index
          %swap3A_2429 = tpu.vector_load %arg7[%swap3A_2427, %swap3A_2428] {strides = array<i32>} : memref<5x128xf32, #tpu.memory_space<vmem>>, vector<1x16xf32>,
          %swap3A_2430 = vector.shape_cast %swap3A_2429 : vector<1x16xf32> to vector<16xf32>
          %swap3A_2431 = vector.shape_cast %add3A_2112 : vector<16xf32> to vector<1x16xf32>
          tpu.vector_store %arg7[%swap3A_2427, %swap3A_2428], %swap3A_2431 {strides = array<i32>} : memref<5x128xf32, #tpu.memory_space<vmem>>, vector<1x16xf32>,
          %swap3A_2432 = arith.index_cast %scan3A_118 : i32 to index
          %swap3A_2433 = arith.constant 112 : index
          %swap3A_2434 = tpu.vector_load %arg7[%swap3A_2432, %swap3A_2433] {strides = array<i32>} : memref<5x128xf32, #tpu.memory_space<vmem>>, vector<1x16xf32>,
          %swap3A_2435 = vector.shape_cast %swap3A_2434 : vector<1x16xf32> to vector<16xf32>
          %swap3A_2436 = vector.shape_cast %add3A_2397 : vector<16xf32> to vector<1x16xf32>
          tpu.vector_store %arg7[%swap3A_2432, %swap3A_2433], %swap3A_2436 {strides = array<i32>} : memref<5x128xf32, #tpu.memory_space<vmem>>, vector<1x16xf32>,
        }
        %scan3A_101 = arith.constant 5 : i32
        %add3A_102 = arith.constant 2 : i32
        %add3A_103 = arith.addi %scan3A_44, %add3A_102 : i32
        %lt3A_104 = arith.constant 25 : i32
        %lt3A_105 = arith.cmpi slt, %add3A_103, %lt3A_104 : i32
        %convert_element_type3A_106 = arith.extui %lt3A_105 : i1 to i32
        %cond3A_107 = arith.constant 0 : i32
        %cond3A_108 = arith.cmpi ne, %convert_element_type3A_106, %cond3A_107 : i32
        scf.if %cond3A_108 {
          %add3A_118 = arith.constant 64 : i32
          %add3A_119 = arith.addi %add3A_82, %add3A_118 : i32
          %dma_start3A_120 = arith.constant 0 : i32
          %dma_start3A_121 = arith.constant 0 : i32
          %dma_start3A_122 = tpu.memref_slice %arg2[%add3A_119, %dma_start3A_120, %dma_start3A_121] : memref<2000x160x128xf32, #tpu.memory_space<hbm>> -> memref<1x160x128xf32, #tpu.memory_space<hbm>>
          %dma_start3A_123 = tpu.memref_squeeze %dma_start3A_122 : memref<1x160x128xf32, #tpu.memory_space<hbm>> -> memref<160x128xf32, #tpu.memory_space<hbm>>
          %dma_start3A_124 = arith.constant 0 : i32
          %dma_start3A_125 = arith.constant 0 : i32
          %dma_start3A_126 = tpu.memref_slice %arg2[%add3A_119, %dma_start3A_124, %dma_start3A_125] : memref<2000x160x128xf32, #tpu.memory_space<hbm>> -> memref<1x160x128xf32, #tpu.memory_space<hbm>>
          %dma_start3A_127 = tpu.memref_squeeze %dma_start3A_126 : memref<1x160x128xf32, #tpu.memory_space<hbm>> -> memref<160x128xf32, #tpu.memory_space<hbm>>
          tpu.enqueue_dma source(%dma_start3A_127 : memref<160x128xf32, #tpu.memory_space<hbm>>) target(%arg5 : memref<160x128xf32, #tpu.memory_space<vmem>>) target_semaphore(%arg9 : memref<!tpu.dma_semaphore, #tpu.memory_space<semaphore_mem>>)
        } else {
        }
        %sub3A = arith.constant 1200 : i32
        %sub3A_109 = arith.subi %add3A_82, %sub3A : i32
        %dma_start3A_110 = arith.constant 0 : i32
        %dma_start3A_111 = arith.constant 0 : i32
        %dma_start3A_112 = tpu.memref_slice %arg3[%sub3A_109, %dma_start3A_110, %dma_start3A_111] : memref<800x5x128xf32, #tpu.memory_space<hbm>> -> memref<1x5x128xf32, #tpu.memory_space<hbm>>
        %dma_start3A_113 = tpu.memref_squeeze %dma_start3A_112 : memref<1x5x128xf32, #tpu.memory_space<hbm>> -> memref<5x128xf32, #tpu.memory_space<hbm>>
        %dma_start3A_114 = arith.constant 0 : i32
        %dma_start3A_115 = arith.constant 0 : i32
        %dma_start3A_116 = tpu.memref_slice %arg3[%sub3A_109, %dma_start3A_114, %dma_start3A_115] : memref<800x5x128xf32, #tpu.memory_space<hbm>> -> memref<1x5x128xf32, #tpu.memory_space<hbm>>
        %dma_start3A_117 = tpu.memref_squeeze %dma_start3A_116 : memref<1x5x128xf32, #tpu.memory_space<hbm>> -> memref<5x128xf32, #tpu.memory_space<hbm>>
        tpu.enqueue_dma source(%arg7 : memref<5x128xf32, #tpu.memory_space<vmem>>) target(%dma_start3A_117 : memref<5x128xf32, #tpu.memory_space<hbm>>) target_semaphore(%arg11 : memref<!tpu.dma_semaphore, #tpu.memory_space<semaphore_mem>>)
      } else {
      }
    }
    %scan3A_26 = arith.constant 25 : i32
    %dma_wait3A = arith.constant 0 : i32
    %dma_wait3A_27 = arith.constant 0 : i32
    %dma_wait3A_28 = arith.constant 0 : i32
    %dma_wait3A_29 = tpu.memref_slice %arg3[%dma_wait3A, %dma_wait3A_27, %dma_wait3A_28] : memref<800x5x128xf32, #tpu.memory_space<hbm>> -> memref<1x5x128xf32, #tpu.memory_space<hbm>>
    %dma_wait3A_30 = tpu.memref_squeeze %dma_wait3A_29 : memref<1x5x128xf32, #tpu.memory_space<hbm>> -> memref<5x128xf32, #tpu.memory_space<hbm>>
    %dma_wait3A_31 = arith.constant 0 : i32
    %dma_wait3A_32 = arith.constant 0 : i32
    %dma_wait3A_33 = tpu.memref_slice %arg3[%dma_wait3A, %dma_wait3A_31, %dma_wait3A_32] : memref<800x5x128xf32, #tpu.memory_space<hbm>> -> memref<1x5x128xf32, #tpu.memory_space<hbm>>
    %dma_wait3A_34 = tpu.memref_squeeze %dma_wait3A_33 : memref<1x5x128xf32, #tpu.memory_space<hbm>> -> memref<5x128xf32, #tpu.memory_space<hbm>>
    tpu.wait_dma2 semaphore(%arg10 : memref<!tpu.dma_semaphore, #tpu.memory_space<semaphore_mem>>) src(%arg6 : memref<5x128xf32, #tpu.memory_space<vmem>>) dst(%dma_wait3A_34 : memref<5x128xf32, #tpu.memory_space<hbm>>)
    %dma_wait3A_35 = arith.constant 0 : i32
    %dma_wait3A_36 = arith.constant 0 : i32
    %dma_wait3A_37 = arith.constant 0 : i32
    %dma_wait3A_38 = tpu.memref_slice %arg3[%dma_wait3A_35, %dma_wait3A_36, %dma_wait3A_37] : memref<800x5x128xf32, #tpu.memory_space<hbm>> -> memref<1x5x128xf32, #tpu.memory_space<hbm>>
    %dma_wait3A_39 = tpu.memref_squeeze %dma_wait3A_38 : memref<1x5x128xf32, #tpu.memory_space<hbm>> -> memref<5x128xf32, #tpu.memory_space<hbm>>
    %dma_wait3A_40 = arith.constant 0 : i32
    %dma_wait3A_41 = arith.constant 0 : i32
    %dma_wait3A_42 = tpu.memref_slice %arg3[%dma_wait3A_35, %dma_wait3A_40, %dma_wait3A_41] : memref<800x5x128xf32, #tpu.memory_space<hbm>> -> memref<1x5x128xf32, #tpu.memory_space<hbm>>
    %dma_wait3A_43 = tpu.memref_squeeze %dma_wait3A_42 : memref<1x5x128xf32, #tpu.memory_space<hbm>> -> memref<5x128xf32, #tpu.memory_space<hbm>>
    tpu.wait_dma2 semaphore(%arg11 : memref<!tpu.dma_semaphore, #tpu.memory_space<semaphore_mem>>) src(%arg7 : memref<5x128xf32, #tpu.memory_space<vmem>>) dst(%dma_wait3A_43 : memref<5x128xf32, #tpu.memory_space<hbm>>)
    return
  }
}

module attributes {stable_mosaic.version = 14 : i64} {
  func.func @_tc_reduce_body(%arg0: i32, %arg1: memref<400x32x128xf32, #tpu.memory_space<vmem>>, %arg2: memref<400x128xf32, #tpu.memory_space<vmem>>) attributes {dimension_semantics = [#tpu.dimension_semantics<arbitrary>], iteration_bounds = array<i64: 15>, scalar_prefetch = 0 : i64, scratch_operands = 0 : i64, tpu.core_type = #tpu.core_type<tc>, window_params = [{transform_indices = @transform_0, window_bounds = array<i64: 400, 32, 128>}, {transform_indices = @transform_1, window_bounds = array<i64: 400, 128>}]} {
    %get3A = arith.constant 0 : index
    %get3A_0 = arith.constant 0 : index
    %get3A_1 = arith.constant 0 : index
    %get3A_2 = vector.load %arg1[%get3A, %get3A_0, %get3A_1] : memref<400x32x128xf32, #tpu.memory_space<vmem>>, vector<400x32x128xf32>
    %reduce_sum3A = arith.constant dense<0.000000e+00> : vector<400x128xf32>
    %reduce_sum3A_3 = vector.multi_reduction <add>, %get3A_2, %reduce_sum3A [1] : vector<400x32x128xf32> to vector<400x128xf32>
    %swap3A = arith.constant 0 : index
    %swap3A_4 = arith.constant 0 : index
    %swap3A_5 = vector.load %arg2[%swap3A, %swap3A_4] : memref<400x128xf32, #tpu.memory_space<vmem>>, vector<400x128xf32>
    tpu.vector_store %arg2[%swap3A, %swap3A_4], %reduce_sum3A_3 {strides = array<i32>} : memref<400x128xf32, #tpu.memory_space<vmem>>, vector<400x128xf32>,
    return
  }
  func.func @transform_0(%arg0: i32) -> (i32, i32, i32) {
    %c0_i32 = arith.constant 0 : i32
    %c0_i32_0 = arith.constant 0 : i32
    %c0_i32_1 = arith.constant 0 : i32
    return %arg0, %c0_i32, %c0_i32_0 : i32, i32, i32
  }
  func.func @transform_1(%arg0: i32) -> (i32, i32) {
    %c0_i32 = arith.constant 0 : i32
    %c0_i32_0 = arith.constant 0 : i32
    return %arg0, %c0_i32 : i32, i32
  }
}

</mosaic_0001>

<sc_bundles>
// kernel: kernel.4.cloned.1.call-start
scs
__scs_entry_jumppad:
0x0: {  	(pc) =	sbr.rel $0x88, $3  }
0x1: {  	(tag) =	ssettag $0x0;
	lr =	simm.s32 $0x1  }
0x2: {  	[smem:$0x3FA0] =	sst lr;
	_ =	strace $0xD0000000  }
0x3: {  	_ = 	snop  }
0x4: {  	_ = 	snop  }
0x5: {  	_ = 	snop  }
0x6: {  	_ = 	snop  }
0x7: {  	_ = 	snop  }
__scs_overlays_trampoline_lowered:
0x8: {  	[smem:$0x3FAF] =	sst s0  }
0x9: {  	[smem:$0x3FB0] =	sst s1  }
0xa: {  	[smem:$0x3FB1] =	sst s2  }
0xb: {  	[smem:$0x3FB2] =	sst s3  }
0xc: {  	[smem:$0x3FB3] =	sst s4  }
0xd: {  	[smem:$0x3FB4] =	sst s5  }
0xe: {  	[smem:$0x3FB5] =	sst s6  }
0xf: {  	[smem:$0x3FB6] =	sst s7  }
0x10: {  	[smem:$0x3FB7] =	sst s8  }
0x11: {  	[smem:$0x3FB8] =	sst s9;
	s0 =	simm.s32 @!p0 $0x0  }
0x12: {  	s1 =	sld [smem:$0x3F9E];
	s0 =	simm.s32 @p0 $0x1  }
0x13: {  	[smem:$0x3FB9] =	sst s0;
	s0 =	simm.s32 @!p1 $0x0  }
0x14: {  	s2 =	sld [smem:$0x3F9D];
	s0 =	simm.s32 @p1 $0x1  }
0x15: {  	[smem:$0x3FBA] =	sst s0;
	s0 =	simm.s32 @!p2 $0x0  }
0x16: {  	s3 =	sld [smem:$0x3FDB];
	s0 =	simm.s32 @p2 $0x1  }
0x17: {  	s4 =	simm.s32 $0x1BF5;
	[smem:$0x3FBC] =	sst s0  }
0x18: {  	s0 =	sld [smem:$0x3F9F];
	_ =	swait.ge [sflag:s4], $0x0  }
0x19: {  	s7 =	sld [smem:$0x3FA0]  }
0x1a: {  	s8 =	sadd.s32 $0xFFFFE003, lr  }
0x1b: {  	s9 =	sadd.s32 $0xFFFFFEF7, lr;
	s5 =	simm.s32 $0xFFFFFFFF;
	p2 =	slt.u32 s8, $0xFFFFF086  }
0x1c: {  	p1 =	slt.u32 s9, $0xF7A;
	s5 =	simm.s32 @!p2 $0x0  }
0x1d: {  	s5 =	simm.s32 @p1 $0x1;
	p0 =	seq.s32 s7, s2  }
0x1e: {  	s7 =	smul.u32 @!p0 $0xF7A, s2;
	p2 =	seq.s32 @!p0 s5, $0x0  }
0x1f: {  	s9 =	smul.u32 $0xF7A, s1;
	s8 =	simm.s32 @!p0 $0x1BF5;
	p2 =	por !p2, p0  }
0x20: {  	[sflag:s8] =	ssyncset.s32 @!p0 $0xFFFFF086;
	s6 =	sadd.s32 @!p0 s3, s7;
	s7 =	simm.s32 @!p0 $0x108  }
0x21: {  	s3 =	sadd.s32 s3, s9;
	s6 =	sadd.s32 @!p0 $0x88, s6;
	s7 =	simm.s32 @p2 $0x1082  }
0x22: {  	[simem:s7], [sflag:s8] =	dma.local @!p0 [hbm:s6], $0xF7A  }
0x23: {  	s9 =	sor.u32 $0xD0000000, s2;
	s6 =	simm.s32 $0x108;
	_ =	swait.ge @!p0 [sflag:s8], $0x0  }
0x24: {  	s3 =	sadd.s32 $0x88, s3;
	s6 =	simm.s32 @!p1 $0x1082;
	[sflag:s4] =	ssyncset.s32 $0xFFFFF086  }
0x25: {  	[simem:s6], [sflag:s4] =	dma.local [hbm:s3], $0xF7A  }
0x26: {  	[smem:$0x3FA0] =	sst s1;
	(tag) =	ssettag s2;
	_ =	strace s9  }
0x27: {  	s1 =	sld [smem:$0x3FB0]  }
0x28: {  	s2 =	sld [smem:$0x3FB1]  }
0x29: {  	s4 =	sld [smem:$0x3FB3]  }
0x2a: {  	p0 =	seq.s32 s5, $0x0;
	s5 =	sld [smem:$0x3FB4]  }
0x2b: {  	s6 =	sld [smem:$0x3FB5]  }
0x2c: {  	s7 =	sld [smem:$0x3FB6]  }
0x2d: {  	s3 =	simm.s32 $0x108;
	s8 =	sld [smem:$0x3FB7]  }
0x2e: {  	s3 =	simm.s32 @!p0 $0x1082;
	s9 =	sld [smem:$0x3FB8]  }
0x2f: {  	lr =	sadd.s32 s0, s3;
	s0 =	sld [smem:$0x3FAF]  }
0x30: {  	s3 =	sld [smem:$0x3FB2]  }
0x31: {  	[smem:$0x3FBB] =	sst s10  }
0x32: {  	s10 =	sld [smem:$0x3FB9];
	_ =	sdelay $0x3  }
0x33: {  	p0 =	seq.s32 s10, $0x1;
	s10 =	sld [smem:$0x3FBB];
	_ =	sdelay $0x3  }
0x34: {  	[smem:$0x3FBB] =	sst s10  }
0x35: {  	s10 =	sld [smem:$0x3FBA];
	_ =	sdelay $0x3  }
0x36: {  	p1 =	seq.s32 s10, $0x1;
	s10 =	sld [smem:$0x3FBB];
	_ =	sdelay $0x3  }
0x37: {  	[smem:$0x3FBB] =	sst s10  }
0x38: {  	s10 =	sld [smem:$0x3FBC]  }
0x39: {  	_ = 	snop;
	(pc) =	sbr.ind lr, $3  }
0x3a: {  	_ = 	snop  }
0x3b: {  	_ = 	snop  }
0x3c: {  	p2 =	seq.s32 s10, $0x1;
	s10 =	sld [smem:$0x3FBB]  }
0x3d: {  	_ =	shalt  }
0x3e: {  	_ =	shalt  }
0x3f: {  	_ =	shalt  }
0x40: {  	_ =	shalt  }
0x41: {  	_ =	shalt  }
0x42: {  	_ =	shalt  }
0x43: {  	_ =	shalt  }
0x44: {  	_ =	shalt  }
0x45: {  	_ =	shalt  }
0x46: {  	_ =	shalt  }
0x47: {  	_ =	shalt  }
0x48: {  	_ =	shalt  }
0x49: {  	_ =	shalt  }
0x4a: {  	_ =	shalt  }
0x4b: {  	_ =	shalt  }
0x4c: {  	_ =	shalt  }
0x4d: {  	_ =	shalt  }
0x4e: {  	_ =	shalt  }
0x4f: {  	_ =	shalt  }
0x50: {  	_ =	shalt  }
0x51: {  	_ =	shalt  }
0x52: {  	_ =	shalt  }
0x53: {  	_ =	shalt  }
0x54: {  	_ =	shalt  }
0x55: {  	_ =	shalt  }
0x56: {  	_ =	shalt  }
0x57: {  	_ =	shalt  }
0x58: {  	_ =	shalt  }
0x59: {  	_ =	shalt  }
0x5a: {  	_ =	shalt  }
0x5b: {  	_ =	shalt  }
0x5c: {  	_ =	shalt  }
0x5d: {  	_ =	shalt  }
0x5e: {  	_ =	shalt  }
0x5f: {  	_ =	shalt  }
0x60: {  	_ =	shalt  }
0x61: {  	_ =	shalt  }
0x62: {  	_ =	shalt  }
0x63: {  	_ =	shalt  }
0x64: {  	_ =	shalt  }
0x65: {  	_ =	shalt  }
0x66: {  	_ =	shalt  }
0x67: {  	_ =	shalt  }
0x68: {  	_ =	shalt  }
0x69: {  	_ =	shalt  }
0x6a: {  	_ =	shalt  }
0x6b: {  	_ =	shalt  }
0x6c: {  	_ =	shalt  }
0x6d: {  	_ =	shalt  }
0x6e: {  	_ =	shalt  }
0x6f: {  	_ =	shalt  }
0x70: {  	_ =	shalt  }
0x71: {  	_ =	shalt  }
0x72: {  	_ =	shalt  }
0x73: {  	_ =	shalt  }
0x74: {  	_ =	shalt  }
0x75: {  	_ =	shalt  }
0x76: {  	_ =	shalt  }
0x77: {  	_ =	shalt  }
0x78: {  	_ =	shalt  }
0x79: {  	_ =	shalt  }
0x7a: {  	_ =	shalt  }
0x7b: {  	_ =	shalt  }
0x7c: {  	_ =	shalt  }
0x7d: {  	_ =	shalt  }
0x7e: {  	_ =	shalt  }
0x7f: {  	_ =	shalt  }
0x80: {  	_ =	shalt  }
0x81: {  	_ =	shalt  }
0x82: {  	_ =	shalt  }
0x83: {  	_ =	shalt  }
0x84: {  	_ =	shalt  }
0x85: {  	_ =	shalt  }
0x86: {  	_ =	shalt  }
0x87: {  	_ =	shalt  }
.Lfunc_end0:
.L_simem_size_0:
called_computation_lowered:
.L_overlay_start_0:
0x88: {  	s2 =	sld [smem:$0x3FD9]  }
0x89: {  	s3 =	sld [smem:$0x3FFE];
	_ =	sdelay $0x1  }
0x8a: {  	s1 =	srdreg.scid  }
0x8b: {  	s0 =	sand.u32 $0x1, s1  }
0x8c: {  	s17 =	sshll.u32 s0, $0xA;
	s2 =	sadd.s32 s3, s2  }
0x8d: {  	s2 =	sadd.s32 s2, s17  }
0x8e: {  	[smem:$0x3FC7] =	sst s2  }
0x8f: {  	_ = 	snop  }
0x90: {  	s2 =	sld [smem:$0x3FC9];
	(tm) =	ssettm $0x1  }
0x91: {  	s18 =	sld [smem:$0x3FFB];
	_ =	sdelay $0x3  }
0x92: {  	_ =	strace s18  }
0x93: {  	s3 =	sld [smem:$0x3FFC];
	_ =	sdelay $0x3  }
0x94: {  	_ =	strace s3  }
0x95: {  	s3 =	sld [smem:$0x3FFD];
	_ =	sdelay $0x3  }
0x96: {  	_ =	strace s3  }
0x97: {  	_ =	strace $0x8FFFFFFF  }
0x98: {  	s19 =	sld [smem:$0x3FDB];
	_ =	sdelay $0x1  }
0x99: {  	s4 =	simm.s32 $_scs_section_size  }
0x9a: {  	s5 =	simm.s32 $_size__tile_overlayer_lowered;
	s6 =	simm.s32 $_tile_overlayer_lowered  }
0x9b: {  	s22 =	simm.s32 $0x1BFF;
	s21 =	sshll.u32 s6, $0x1;
	s3 =	sadd.s32 s4, s19  }
0x9c: {  	s7 =	simm.s32 $0x0;
	s20 =	sshll.u32 s5, $0x1;
	s5 =	sadd.s32 s21, s3  }
0x9d: {  	[timem:s7], [sflag:s22] =	dma.local [hbm:s5], s20  }
0x9e: {  	_ =	swait.ge [sflag:s22], s20  }
0x9f: {  	s4 =	ssub.s32 $0x0, s20;
	[sflag:s22] =	ssyncset.done $0x0  }
0xa0: {  	[sflag:s22] =	ssyncadd.s32 s4;
	_ =	sdelay $0x1  }
0xa1: {  	s23 =	simm.s32 $0x1B8B  }
0xa2: {  	_ =	swait.ge [sflag:s23], $0x1  }
0xa3: {  	[sflag:s23] =	ssyncset.done $0x0  }
0xa4: {  	s25 =	simm.s32 $0x1B8E;
	s24 =	sld [smem:$0x3FFE];
	[sflag:s23] =	ssyncadd.s32 $0xFFFFFFFF  }
0xa5: {  	s26 =	simm.s32 $execute0_lowered;
	[smem:$0x3FD2] =	sst s25  }
0xa6: {  	s5 =	sshll.u32 s26, $0x1;
	_ =	strace $0x80000046;
	[dreg:$0x1] =	wrdreg $0xFFFFFFFF  }
0xa7: {  	s28 =	simm.s32 $_size_execute0_lowered;
	s3 =	sadd.s32 s3, s5;
	[dreg:$0x0] =	wrdreg $0x0  }
0xa8: {  	s5 =	sshll.u32 s28, $0x1;
	[dreg:$0x2] =	wrdreg s3  }
0xa9: {  	[dreg:$0x3] =	wrdreg s5  }
0xaa: {  	[dreg:$0x4] =	wrdreg $0xC0  }
0xab: {  	_ =	task [dreg:s7], $0x5FFFF  }
0xac: {  	[dreg:$0x1] =	wrdreg $0xFFFFFFFF  }
0xad: {  	[dreg:$0x0] =	wrdreg $0x60  }
0xae: {  	[dreg:$0x2] =	wrdreg s2  }
0xaf: {  	[dreg:$0x3] =	wrdreg s24  }
0xb0: {  	[dreg:$0x4] =	wrdreg $0x9  }
0xb1: {  	_ =	task.clear_ibuf [dreg:s7], $0x5FFFF;
	_ =	strace $0x90000046  }
0xb2: {  	s29 =	simm.s32 $0x9;
	_ =	strace $0x80000048  }
0xb3: {  	_ =	swait.ge [sflag:s29], $0x1  }
0xb4: {  	[sflag:s29] =	ssyncadd.s32 $0xFFFFFFFF  }
0xb5: {  	_ =	strace $0x90000048  }
0xb6: {  	_ =	sfence  }
0xb7: {  	s30 =	sld [smem:$0x0];
	_ =	sdelay $0x2  }
0xb8: {  	s31 =	sshll.u32 s1, $0xD;
	s1 =	sshrl.u32 s1, $0x2  }
0xb9: {  	s3 =	sand.u32 $0x4000, s31;
	s1 =	sadd.s32 s1, s30  }
0xba: {  	s0 =	sor.u32 s3, s0;
	s1 =	sshll.u32 s1, $0x11  }
0xbb: {  	s0 =	sor.u32 s1, s0  }
0xbc: {  	s0 =	sadd.s32 $0x8F2B, s0  }
0xbd: {  	[sflag:s0] =	ssyncadd.remote.s32 $0x1  }
0xbe: {  	_ =	sfence.sel $0xFFFF  }
0xbf: {  	[dreg:$0x0] =	wrdreg $0xFFFFFFFF;
	(pc) =	sbr.abs _section_cstart, $3  }
0xc0: {  	[dreg:$0x1] =	wrdreg $0xFFFFFFFF  }
0xc1: {  	_ =	task.clear_ibuf [dreg:s7], $0x2FFFF;
	_ =	strace $0x9FFFFFFF  }
0xc2: {  	(tm) =	ssettm $0x7FFFFFFF  }
0xc3: {  	_ =	shalt  }
tec
execute0_lowered:
.L_overlay_start_1:
0x0: {  	(tag) =	ssettag $0x1  }
0x1: {  	s2 =	rddreg [dreg:$0x0];
	s1 =	srdreg.scid  }
0x2: {  	s0 =	stileid.u32;
	s6 =	rddreg [dreg:$0x1];
	s3 =	simm.s32 $0x0  }
0x3: {  	s11 =	simm.s32 $0x2;
	s12 =	simm.s32 $0xA400;
	s13 =	simm.s32 $0x3  }
0x4: {  	s14 =	simm.s32 $0x4;
	s7 =	sand.u32 $0x1, s1;
	s4 =	sshll.u32 s0, $0x1  }
0x5: {  	s15 =	simm.s32 $0x1;
	s16 =	simm.s32 $0xA000;
	s4 =	sor.u32 s7, s4  }
0x6: {  	s17 =	simm.s32 $0x0;
	s1 =	rddreg [dreg:$0x2];
	s8 =	smul.u32 $0x5000, s4  }
.Ltmp0:
0x7: {  	[smem:$0x7FF] =	sst s3;
	s5 =	sadd.s32 $0x4B0, s4;
	(pc) =	sbr.rel .LBB2_1-.Ltmp0, $4  }
0x8: {  	s6 =	sadd.s32 $0x400, s6;
	s7 =	ssub.s32 $0x2, s7;
	s9 =	smul.u32 $0xA00, s5  }
0x9: {  	_ =	strace $0x80000047;
	s10 =	sshrl.u32 s7, $0x1;
	s8 =	sshrl.u32 s8, $0x3  }
0xa: {  	s10 =	ssub.s32 s7, s10;
	s8 =	sadd.s32 s2, s8;
	s7 =	sadd.s32 s2, s9  }
0xb: {  	s9 =	smax.u32 s10, $0x1;
	s10 =	simm.s32 $0x5000;
	s8 =	sadd.s32 $0x302000, s8  }
.LBB2_10:
0xc: {  	s17 =	sadd.s32 $0x1, s17  }
0xd: {  	_ =	swait.ge [sflag:s13], $0x280;
	p0 =	sne.s32 s17, s9  }
.Ltmp1:
0xe: {  	[sflag:s13] =	ssyncset.done $0x0;
	(pc) =	sbr.rel @!p0 .LBB2_11-.Ltmp1, $4  }
0xf: {  	[sflag:s13] =	ssyncadd.s32 $0xFFFFFD80  }
0x10: {  	_ =	swait.ge [sflag:s14], $0x280  }
0x11: {  	[sflag:s14] =	ssyncset.done $0x0  }
0x12: {  	[sflag:s14] =	ssyncadd.s32 $0xFFFFFD80  }
.LBB2_1:
.Ltmp2:
0x13: {  	(pc) =	sbr.rel .LBB2_2-.Ltmp2, $4  }
0x14: {  	_ = 	snop  }
0x15: {  	[tilespmem:s3], [sflag:$0x1] =	stream.linear.gather [hbm4b:s7+s3], $0x5000, $0x38;
	[tilespmem:$0xA800] =	vst v63  }
0x16: {  	s18 =	simm.s32 $0x0  }
0x17: {  	[tilespmem:s10], [sflag:$0x2] =	stream.linear.gather [hbm4b:s8+s3], $0x5000, $0x38;
	[tilespmem:$0xA800] =	vst v63  }
.LBB2_9:
0x18: {  	s18 =	sadd.s32 $0x1, s18  }
0x19: {  	p0 =	sne.s32 s18, $0x19  }
.Ltmp3:
0x1a: {  	_ = 	snop;
	(pc) =	sbr.rel @!p0 .LBB2_10-.Ltmp3, $1  }
0x1b: {  	_ =	sdelay $0x3  }
.LBB2_2:
0x1c: {  	s21 =	sand.u32 $0x1, s18  }
0x1d: {  	p0 =	seq.s32 s21, $0x1  }
.Ltmp4:
0x1e: {  	_ = 	snop;
	(pc) =	sbr.rel @p0 .LBB2_6-.Ltmp4, $3  }
0x1f: {  	_ =	sdelay $0x1  }
0x20: {  	s19 =	sshll.u32 s18, $0x5  }
0x21: {  	s20 =	sadd.s32 s5, s19  }
0x22: {  	p0 =	slt.u32 s18, $0x2  }
0x23: {  	s22 =	simm.s32 @!p0 $0x3  }
0x24: {  	_ =	swait.ge @!p0 [sflag:s22], $0x280  }
0x25: {  	[sflag:s22] =	ssyncset.done @!p0 $0x0  }
0x26: {  	[sflag:s22] =	ssyncadd.s32 @!p0 $0xFFFFFD80  }
0x27: {  	_ =	swait.ge [sflag:s15], $0x5000  }
0x28: {  	[sflag:s15] =	ssyncset.done $0x0  }
0x29: {  	s22 =	simm.s32 $0x0;
	[sflag:s15] =	ssyncadd.s32 $0xFFFFB000  }
.LBB2_4:
0x2a: {  	s23 =	sshll.u32 s22, $0xC  }
0x2b: {  	s23 =	sand.u32 $0x3FFFF000, s23  }
0x2c: {  	v42 =	vld [tilespmem:s23+$0x0]  }
0x2d: {  	v40 =	vld [tilespmem:s23+$0x80]  }
0x2e: {  	v44 =	vld [tilespmem:s23+$0x100]  }
0x2f: {  	v48 =	vld [tilespmem:s23+$0x180]  }
0x30: {  	v52 =	vld [tilespmem:s23+$0x200]  }
0x31: {  	v56 =	vld [tilespmem:s23+$0x280]  }
0x32: {  	v60 =	vld [tilespmem:s23+$0x300]  }
0x33: {  	v0 =	vld [tilespmem:s23+$0x380]  }
0x34: {  	v25 =	vld [tilespmem:s23+$0x400]  }
0x35: {  	v26 =	vld [tilespmem:s23+$0x480]  }
0x36: {  	v27 =	vld [tilespmem:s23+$0x500]  }
0x37: {  	v28 =	vld [tilespmem:s23+$0x580]  }
0x38: {  	v29 =	vld [tilespmem:s23+$0x600]  }
0x39: {  	v30 =	vld [tilespmem:s23+$0x680]  }
0x3a: {  	v31 =	vld [tilespmem:s23+$0x700]  }
0x3b: {  	v32 =	vld [tilespmem:s23+$0x780]  }
0x3c: {  	v33 =	vld [tilespmem:s23+$0x800]  }
0x3d: {  	v34 =	vld [tilespmem:s23+$0x880]  }
0x3e: {  	v35 =	vld [tilespmem:s23+$0x900]  }
0x3f: {  	v36 =	vld [tilespmem:s23+$0x980]  }
0x40: {  	v37 =	vld [tilespmem:s23+$0xA00]  }
0x41: {  	v38 =	vld [tilespmem:s23+$0xA80]  }
0x42: {  	v39 =	vld [tilespmem:s23+$0xB00]  }
0x43: {  	v41 =	vld [tilespmem:s23+$0xB80]  }
0x44: {  	v43 =	vld [tilespmem:s23+$0xC00]  }
0x45: {  	v45 =	vld [tilespmem:s23+$0xC80]  }
0x46: {  	v46 =	vld [tilespmem:s23+$0xD00]  }
0x47: {  	v47 =	vld [tilespmem:s23+$0xD80]  }
0x48: {  	v49 =	vld [tilespmem:s23+$0xE00]  }
0x49: {  	v50 =	vld [tilespmem:s23+$0xE80]  }
0x4a: {  	v51 =	vld [tilespmem:s23+$0xF00]  }
0x4b: {  	v53 =	vld [tilespmem:s23+$0xF80]  }
0x4c: {  	v22 =	vld [tilespmem:s23+$0x10]  }
0x4d: {  	v20 =	vld [tilespmem:s23+$0x90]  }
0x4e: {  	v24 =	vld [tilespmem:s23+$0x110]  }
0x4f: {  	v57 =	vld [tilespmem:s23+$0x590]  }
0x50: {  	v61 =	vld [tilespmem:s23+$0x610]  }
0x51: {  	v54 =	vld [tilespmem:s23+$0x690]  }
0x52: {  	v55 =	vld [tilespmem:s23+$0x710]  }
0x53: {  	v58 =	vld [tilespmem:s23+$0x790]  }
0x54: {  	v59 =	vld [tilespmem:s23+$0x810]  }
0x55: {  	v62 =	vld [tilespmem:s23+$0x890]  }
0x56: {  	v63 =	vld [tilespmem:s23+$0x910]  }
0x57: {  	v4 =	vld [tilespmem:s23+$0x990]  }
0x58: {  	v5 =	vld [tilespmem:s23+$0xA10]  }
0x59: {  	v6 =	vld [tilespmem:s23+$0xA90]  }
0x5a: {  	v7 =	vld [tilespmem:s23+$0xB10]  }
0x5b: {  	v8 =	vld [tilespmem:s23+$0xB90]  }
0x5c: {  	v9 =	vld [tilespmem:s23+$0xC10]  }
0x5d: {  	v10 =	vld [tilespmem:s23+$0xC90]  }
0x5e: {  	v11 =	vld [tilespmem:s23+$0xD10]  }
0x5f: {  	v12 =	vld [tilespmem:s23+$0xD90]  }
0x60: {  	v13 =	vld [tilespmem:s23+$0xE10]  }
0x61: {  	v14 =	vld [tilespmem:s23+$0xE90]  }
0x62: {  	v15 =	vld [tilespmem:s23+$0xF10]  }
0x63: {  	v16 =	vld [tilespmem:s23+$0xF90]  }
0x64: {  	v18 =	vld [tilespmem:s23+$0x320]  }
0x65: {  	v21 =	vld [tilespmem:s23+$0x3A0]  }
0x66: {  	v17 =	vld [tilespmem:s23+$0x9A0]  }
0x67: {  	v19 =	vld [tilespmem:s23+$0xA20]  }
0x68: {  	v23 =	vld [tilespmem:s23+$0xAA0]  }
0x69: {  	v1 =	vld [tilespmem:s23+$0x30]  }
0x6a: {  	v2 =	vld [tilespmem:s23+$0x130]  }
0x6b: {  	v3 =	vld [tilespmem:s23+$0x1B0]  }
0x6c: {  	[tilespmem:$0x1FA90] =	vst v27;
	v27 =	vld [tilespmem:s23+$0x190]  }
0x6d: {  	[tilespmem:$0x1FAC0] =	vst v30;
	v30 =	vld [tilespmem:s23+$0x210]  }
0x6e: {  	[tilespmem:$0x1FB20] =	vst v33;
	v33 =	vld [tilespmem:s23+$0x290]  }
0x6f: {  	[tilespmem:$0x1FB80] =	vst v36;
	v36 =	vld [tilespmem:s23+$0x310]  }
0x70: {  	[tilespmem:$0x1FC00] =	vst v39;
	v39 =	vld [tilespmem:s23+$0x390]  }
0x71: {  	[tilespmem:$0x1FC90] =	vst v45;
	v45 =	vld [tilespmem:s23+$0x410]  }
0x72: {  	[tilespmem:$0x1FD50] =	vst v49;
	v49 =	vld [tilespmem:s23+$0x490]  }
0x73: {  	[tilespmem:$0x1FE10] =	vst v53;
	v53 =	vld [tilespmem:s23+$0x510]  }
0x74: {  	[tilespmem:$0x1FC50] =	vst v8;
	v8 =	vld [tilespmem:s23+$0x20]  }
0x75: {  	[tilespmem:$0x1FC20] =	vst v7;
	v7 =	vld [tilespmem:s23+$0xA0]  }
0x76: {  	[tilespmem:$0x1FCB0] =	vst v10;
	v10 =	vld [tilespmem:s23+$0x120]  }
0x77: {  	[tilespmem:$0x1FD30] =	vst v12;
	v12 =	vld [tilespmem:s23+$0x1A0]  }
0x78: {  	[tilespmem:$0x1FDB0] =	vst v14;
	v14 =	vld [tilespmem:s23+$0x220]  }
0x79: {  	[tilespmem:$0x1FE30] =	vst v16;
	v16 =	vld [tilespmem:s23+$0x2A0]  }
0x7a: {  	[tilespmem:$0x1FA70] =	vst v25;
	v25 =	vld [tilespmem:s23+$0x420]  }
0x7b: {  	[tilespmem:$0x1FAA0] =	vst v28;
	v28 =	vld [tilespmem:s23+$0x4A0]  }
0x7c: {  	[tilespmem:$0x1FAE0] =	vst v31;
	v31 =	vld [tilespmem:s23+$0x520]  }
0x7d: {  	[tilespmem:$0x1FB40] =	vst v34;
	v34 =	vld [tilespmem:s23+$0x5A0]  }
0x7e: {  	[tilespmem:$0x1FBA0] =	vst v37;
	v37 =	vld [tilespmem:s23+$0x620]  }
0x7f: {  	[tilespmem:$0x1FC30] =	vst v41;
	v41 =	vld [tilespmem:s23+$0x6A0]  }
0x80: {  	[tilespmem:$0x1FCD0] =	vst v46;
	v46 =	vld [tilespmem:s23+$0x720]  }
0x81: {  	[tilespmem:$0x1FD90] =	vst v50;
	v50 =	vld [tilespmem:s23+$0x7A0]  }
0x82: {  	[tilespmem:$0x1FAD0] =	vst v54;
	v54 =	vld [tilespmem:s23+$0x820]  }
0x83: {  	[tilespmem:$0x1FB10] =	vst v58;
	v58 =	vld [tilespmem:s23+$0x8A0]  }
0x84: {  	[tilespmem:$0x1FB50] =	vst v62;
	v62 =	vld [tilespmem:s23+$0x920]  }
0x85: {  	[tilespmem:$0x1FA80] =	vst v26;
	v26 =	vld [tilespmem:s23+$0xB20]  }
0x86: {  	[tilespmem:$0x1FAB0] =	vst v29;
	v29 =	vld [tilespmem:s23+$0xBA0]  }
0x87: {  	[tilespmem:$0x1FB00] =	vst v32;
	v32 =	vld [tilespmem:s23+$0xC20]  }
0x88: {  	[tilespmem:$0x1FB60] =	vst v35;
	v35 =	vld [tilespmem:s23+$0xCA0]  }
0x89: {  	[tilespmem:$0x1FBD0] =	vst v38;
	v38 =	vld [tilespmem:s23+$0xD20]  }
0x8a: {  	[tilespmem:$0x1FC60] =	vst v43;
	v43 =	vld [tilespmem:s23+$0xDA0]  }
0x8b: {  	[tilespmem:$0x1FD10] =	vst v47;
	v47 =	vld [tilespmem:s23+$0xE20]  }
0x8c: {  	[tilespmem:$0x1FDD0] =	vst v51;
	v51 =	vld [tilespmem:s23+$0xEA0]  }
0x8d: {  	[tilespmem:$0x1FAF0] =	vst v55;
	v55 =	vld [tilespmem:s23+$0xF20]  }
0x8e: {  	[tilespmem:$0x1FB30] =	vst v59;
	v59 =	vld [tilespmem:s23+$0xFA0]  }
0x8f: {  	[tilespmem:$0x1FA60] =	vst v0;
	v0 =	vld [tilespmem:s23+$0xB0]  }
0x90: {  	[tilespmem:$0x1FB90] =	vst v4;
	v4 =	vld [tilespmem:s23+$0x230]  }
0x91: {  	[tilespmem:$0x1FBC0] =	vst v5;
	v5 =	vld [tilespmem:s23+$0x2B0]  }
0x92: {  	[tilespmem:$0x1FBF0] =	vst v6;
	v6 =	vld [tilespmem:s23+$0x330]  }
0x93: {  	[tilespmem:$0x1FC80] =	vst v9;
	v9 =	vld [tilespmem:s23+$0x3B0]  }
0x94: {  	[tilespmem:$0x1FCF0] =	vst v11;
	v11 =	vld [tilespmem:s23+$0x430]  }
0x95: {  	[tilespmem:$0x1FD70] =	vst v13;
	v13 =	vld [tilespmem:s23+$0x4B0]  }
0x96: {  	[tilespmem:$0x1FDF0] =	vst v15;
	v15 =	vld [tilespmem:s23+$0x530]  }
0x97: {  	[tilespmem:$0x1FB70] =	vst v63;
	v63 =	vld [tilespmem:s23+$0xC30]  }
0x98: {  	[tilespmem:$0x1FBB0] =	vst v17;
	v17 =	vld [tilespmem:s23+$0x5B0]  }
0x99: {  	[tilespmem:$0x1FBE0] =	vst v19;
	v19 =	vld [tilespmem:s23+$0x630];
	v40 =	vadd.f32 v40, v42  }
0x9a: {  	[tilespmem:$0x1FC10] =	vst v23;
	v23 =	vld [tilespmem:s23+$0x6B0]  }
0x9b: {  	v42 =	vadd.f32 v44, v40;
	v44 =	vld [tilespmem:s23+$0x540]  }
0x9c: {  	[tilespmem:$0x1FCC0] =	vst v63;
	v63 =	vld [tilespmem:s23+$0xCB0]  }
0x9d: {  	v40 =	vld [tilespmem:s23+$0x6C0]  }
0x9e: {  	[tilespmem:$0x1FC40] =	vst v26;
	v26 =	vld [tilespmem:s23+$0x730]  }
0x9f: {  	[tilespmem:$0x1FC70] =	vst v29;
	v29 =	vld [tilespmem:s23+$0x7B0]  }
0xa0: {  	[tilespmem:$0x1FCA0] =	vst v32;
	v32 =	vld [tilespmem:s23+$0x830]  }
0xa1: {  	[tilespmem:$0x1FD00] =	vst v63;
	v63 =	vld [tilespmem:s23+$0xD30]  }
0xa2: {  	[tilespmem:$0x1FCE0] =	vst v35;
	v35 =	vld [tilespmem:s23+$0x8B0]  }
0xa3: {  	[tilespmem:$0x1FD20] =	vst v38;
	v38 =	vld [tilespmem:s23+$0x930]  }
0xa4: {  	[tilespmem:$0x1FD60] =	vst v43;
	v43 =	vld [tilespmem:s23+$0x9B0]  }
0xa5: {  	[tilespmem:$0x1FDA0] =	vst v47;
	v47 =	vld [tilespmem:s23+$0xA30]  }
0xa6: {  	[tilespmem:$0x1FD40] =	vst v63;
	v63 =	vld [tilespmem:s23+$0xDB0]  }
0xa7: {  	[tilespmem:$0x1FDE0] =	vst v51;
	v51 =	vld [tilespmem:s23+$0xAB0]  }
0xa8: {  	v20 =	vadd.f32 v20, v22;
	v22 =	vadd.f32 v48, v42;
	[tilespmem:$0x1FE20] =	vst v55;
	v55 =	vld [tilespmem:s23+$0xB30]  }
0xa9: {  	[tilespmem:$0x1FE50] =	vst v59;
	v59 =	vld [tilespmem:s23+$0xBB0]  }
0xaa: {  	v0 =	vadd.f32 v0, v1;
	v1 =	vadd.f32 v52, v22;
	v52 =	vld [tilespmem:s23+$0x7C0]  }
0xab: {  	[tilespmem:$0x1FD80] =	vst v63;
	v63 =	vld [tilespmem:s23+$0xE30]  }
0xac: {  	v7 =	vadd.f32 v7, v8;
	v22 =	vld [tilespmem:s23+$0xBC0]  }
0xad: {  	[tilespmem:$0x1FF10] =	vst v44;
	v44 =	vld [tilespmem:s23+$0x740]  }
0xae: {  	v7 =	vadd.f32 v10, v7;
	v10 =	vld [tilespmem:s23+$0x940]  }
0xaf: {  	[tilespmem:$0x1FF40] =	vst v40;
	v40 =	vld [tilespmem:$0x1FAF0]  }
0xb0: {  	[tilespmem:$0x1FDC0] =	vst v63;
	v63 =	vld [tilespmem:s23+$0xEB0]  }
0xb1: {  	v1 =	vadd.f32 v56, v1;
	v56 =	vld [tilespmem:s23+$0x840]  }
0xb2: {  	v42 =	vadd.f32 v12, v7;
	v12 =	vld [tilespmem:s23+$0x9C0]  }
0xb3: {  	v7 =	vld [tilespmem:s23+$0xDD0]  }
0xb4: {  	v1 =	vadd.f32 v60, v1;
	v60 =	vld [tilespmem:s23+$0xCC0]  }
0xb5: {  	[tilespmem:$0x1FE00] =	vst v63;
	v63 =	vld [tilespmem:s23+$0xF30]  }
0xb6: {  	v0 =	vadd.f32 v2, v0;
	v2 =	vadd.f32 v14, v42;
	v14 =	vld [tilespmem:$0x1FA60]  }
0xb7: {  	[tilespmem:$0x1FF60] =	vst v52;
	v52 =	vld [tilespmem:s23+$0xDC0]  }
0xb8: {  	v42 =	vld [tilespmem:$0x1FB10]  }
0xb9: {  	v0 =	vadd.f32 v3, v0;
	[tilespmem:$0x1FFE0] =	vst v22;
	v22 =	vld [tilespmem:s23+$0x750]  }
0xba: {  	[tilespmem:$0x1FE40] =	vst v63;
	v63 =	vld [tilespmem:s23+$0xFB0]  }
0xbb: {  	v0 =	vadd.f32 v4, v0;
	v4 =	vld [tilespmem:s23+$0xED0]  }
0xbc: {  	[tilespmem:$0x1FF90] =	vst v10;
	v10 =	vld [tilespmem:$0x1FBC0]  }
0xbd: {  	v2 =	vadd.f32 v16, v2;
	v16 =	vld [tilespmem:s23+$0xA40]  }
0xbe: {  	[tilespmem:$0x1FF70] =	vst v56;
	v56 =	vld [tilespmem:s23+$0xD40]  }
0xbf: {  	[tilespmem:$0x1FE80] =	vst v63;
	v63 =	vld [tilespmem:s23+$0x40]  }
0xc0: {  	[tilespmem:$0x1FFA0] =	vst v12;
	v12 =	vld [tilespmem:$0x1FBE0]  }
0xc1: {  	v0 =	vadd.f32 v5, v0;
	v2 =	vadd.f32 v18, v2;
	v18 =	vld [tilespmem:s23+$0xAC0]  }
0xc2: {  	v1 =	vadd.f32 v14, v1;
	v14 =	vld [tilespmem:$0x1FC00]  }
0xc3: {  	v0 =	vadd.f32 v6, v0;
	v2 =	vadd.f32 v21, v2;
	v21 =	vld [tilespmem:s23+$0xB40]  }
0xc4: {  	[tilespmem:$0x1FE60] =	vst v63;
	v63 =	vld [tilespmem:s23+$0xC0]  }
0xc5: {  	v0 =	vadd.f32 v9, v0;
	v9 =	vld [tilespmem:$0x1FBB0]  }
0xc6: {  	[tilespmem:$0x1FFB0] =	vst v16;
	v16 =	vld [tilespmem:$0x1FC20]  }
0xc7: {  	v2 =	vadd.f32 v25, v2;
	v25 =	vld [tilespmem:s23+$0xC40]  }
0xc8: {  	v0 =	vadd.f32 v11, v0;
	v11 =	vld [tilespmem:$0x1FBD0]  }
0xc9: {  	[tilespmem:$0x1FE70] =	vst v63;
	v63 =	vld [tilespmem:s23+$0x140]  }
0xca: {  	[tilespmem:$0x1FFC0] =	vst v18;
	v18 =	vld [tilespmem:s23+$0x850]  }
0xcb: {  	v2 =	vadd.f32 v28, v2;
	v28 =	vld [tilespmem:s23+$0x50]  }
0xcc: {  	v0 =	vadd.f32 v13, v0;
	v13 =	vld [tilespmem:$0x1FBF0]  }
0xcd: {  	[tilespmem:$0x1FFD0] =	vst v21;
	v21 =	vld [tilespmem:s23+$0x7D0]  }
0xce: {  	[tilespmem:$0x1FE90] =	vst v63;
	v63 =	vld [tilespmem:s23+$0x1C0]  }
0xcf: {  	v2 =	vadd.f32 v31, v2;
	v31 =	vld [tilespmem:s23+$0x150]  }
0xd0: {  	v0 =	vadd.f32 v15, v0;
	v15 =	vld [tilespmem:$0x1FC10]  }
0xd1: {  	[tilespmem:$0x1FFF0] =	vst v25;
	v25 =	vld [tilespmem:s23+$0x550]  }
0xd2: {  	v2 =	vadd.f32 v34, v2;
	v34 =	vld [tilespmem:s23+$0x250]  }
0xd3: {  	[tilespmem:$0x1FEA0] =	vst v63;
	v63 =	vld [tilespmem:s23+$0x240]  }
0xd4: {  	v0 =	vadd.f32 v17, v0;
	v17 =	vld [tilespmem:s23+$0x8D0]  }
0xd5: {  	v2 =	vadd.f32 v37, v2;
	v37 =	vld [tilespmem:$0x1FAD0]  }
0xd6: {  	v0 =	vadd.f32 v19, v0;
	v19 =	vld [tilespmem:$0x1FC30]  }
0xd7: {  	v2 =	vadd.f32 v41, v2;
	v41 =	vld [tilespmem:$0x1FB00]  }
0xd8: {  	[tilespmem:$0x1FEB0] =	vst v63;
	v63 =	vld [tilespmem:s23+$0x2C0]  }
0xd9: {  	v0 =	vadd.f32 v23, v0;
	v23 =	vld [tilespmem:s23+$0x650]  }
0xda: {  	v2 =	vadd.f32 v46, v2;
	v46 =	vld [tilespmem:$0x1FB20]  }
0xdb: {  	v0 =	vadd.f32 v26, v0;
	v26 =	vld [tilespmem:s23+$0x4D0]  }
0xdc: {  	v2 =	vadd.f32 v50, v2;
	v50 =	vld [tilespmem:$0x1FB30]  }
0xdd: {  	[tilespmem:$0x1FEC0] =	vst v63;
	v63 =	vld [tilespmem:s23+$0x340]  }
0xde: {  	v0 =	vadd.f32 v29, v0;
	v29 =	vld [tilespmem:$0x1FC40]  }
0xdf: {  	v2 =	vadd.f32 v54, v2;
	v54 =	vld [tilespmem:$0x1FB50]  }
0xe0: {  	v0 =	vadd.f32 v32, v0;
	v32 =	vld [tilespmem:$0x1FC50]  }
0xe1: {  	v2 =	vadd.f32 v58, v2;
	v58 =	vld [tilespmem:$0x1FB70]  }
0xe2: {  	v0 =	vadd.f32 v35, v0;
	[tilespmem:$0x1FED0] =	vst v63;
	v63 =	vld [tilespmem:s23+$0x3C0]  }
0xe3: {  	v35 =	vld [tilespmem:$0x1FC60]  }
0xe4: {  	v0 =	vadd.f32 v38, v0;
	v38 =	vld [tilespmem:$0x1FC70]  }
0xe5: {  	v2 =	vadd.f32 v62, v2;
	v62 =	vld [tilespmem:$0x1FD60]  }
0xe6: {  	v0 =	vadd.f32 v43, v0;
	v43 =	vld [tilespmem:$0x1FCB0]  }
0xe7: {  	v2 =	vadd.f32 v9, v2;
	[tilespmem:$0x1FEE0] =	vst v63;
	v63 =	vld [tilespmem:s23+$0x440]  }
0xe8: {  	v9 =	vld [tilespmem:s23+$0xD50]  }
0xe9: {  	v2 =	vadd.f32 v12, v2;
	v12 =	vld [tilespmem:s23+$0xCD0]  }
0xea: {  	v0 =	vadd.f32 v47, v0;
	v47 =	vld [tilespmem:$0x1FCD0]  }
0xeb: {  	v2 =	vadd.f32 v15, v2;
	v15 =	vld [tilespmem:s23+$0x950]  }
0xec: {  	v0 =	vadd.f32 v51, v0;
	[tilespmem:$0x1FEF0] =	vst v63;
	v63 =	vld [tilespmem:s23+$0x4C0]  }
0xed: {  	v51 =	vld [tilespmem:$0x1FCF0]  }
0xee: {  	v0 =	vadd.f32 v55, v0;
	v55 =	vld [tilespmem:$0x1FD20]  }
0xef: {  	v2 =	vadd.f32 v29, v2;
	v29 =	vld [tilespmem:$0x1FD80]  }
0xf0: {  	v0 =	vadd.f32 v59, v0;
	v59 =	vld [tilespmem:$0x1FD40]  }
0xf1: {  	v2 =	vadd.f32 v38, v2;
	v38 =	vld [tilespmem:$0x1FDB0];
	[tilespmem:$0x1FF00] =	vst v63;
	v63 =	vadd.f32 v24, v20  }
0xf2: {  	v20 =	vld [tilespmem:s23+$0x5C0]  }
0xf3: {  	v24 =	vld [tilespmem:s23+$0x640];
	v8 =	vadd.f32 v27, v63  }
0xf4: {  	v27 =	vld [tilespmem:$0x1FA90]  }
0xf5: {  	v48 =	vadd.f32 v30, v8;
	v8 =	vld [tilespmem:s23+$0x8C0]  }
0xf6: {  	v30 =	vld [tilespmem:$0x1FAA0]  }
0xf7: {  	[tilespmem:$0x1FF20] =	vst v20;
	v20 =	vld [tilespmem:$0x1FA70]  }
0xf8: {  	[tilespmem:$0x1FF30] =	vst v24;
	v24 =	vld [tilespmem:$0x1FA80]  }
0xf9: {  	v63 =	vadd.f32 v33, v48;
	v48 =	vld [tilespmem:s23+$0xEC0]  }
0xfa: {  	v33 =	vld [tilespmem:$0x1FAB0]  }
0xfb: {  	v3 =	vadd.f32 v36, v63;
	v36 =	vld [tilespmem:$0x1FAC0]  }
0xfc: {  	v63 =	vld [tilespmem:$0x1FB90]  }
0xfd: {  	[tilespmem:$0x1FF80] =	vst v8;
	v8 =	vld [tilespmem:$0x1FBA0]  }
0xfe: {  	v3 =	vadd.f32 v39, v3;
	v1 =	vadd.f32 v20, v1;
	v39 =	vld [tilespmem:$0x1FAE0]  }
0xff: {  	v20 =	vld [tilespmem:s23+$0x6D0]  }
0x100: {  	v3 =	vadd.f32 v45, v3;
	v1 =	vadd.f32 v24, v1;
	v45 =	vld [tilespmem:s23+$0xF40]  }
0x101: {  	v24 =	vld [tilespmem:s23+$0x5D0]  }
0x102: {  	v3 =	vadd.f32 v49, v3;
	v1 =	vadd.f32 v27, v1;
	v49 =	vld [tilespmem:s23+$0xE40]  }
0x103: {  	v27 =	vld [tilespmem:s23+$0x450]  }
0x104: {  	v3 =	vadd.f32 v53, v3;
	v1 =	vadd.f32 v30, v1;
	v30 =	vld [tilespmem:s23+$0xD0]  }
0x105: {  	v53 =	vld [tilespmem:$0x1FB40]  }
0x106: {  	v3 =	vadd.f32 v57, v3;
	v1 =	vadd.f32 v33, v1;
	v33 =	vld [tilespmem:s23+$0x1D0]  }
0x107: {  	v57 =	vld [tilespmem:$0x1FB60]  }
0x108: {  	v3 =	vadd.f32 v61, v3;
	v1 =	vadd.f32 v36, v1;
	v36 =	vld [tilespmem:s23+$0x3D0]  }
0x109: {  	v61 =	vld [tilespmem:$0x1FB80]  }
0x10a: {  	v28 =	vadd.f32 v30, v28;
	v3 =	vadd.f32 v37, v3;
	v37 =	vld [tilespmem:s23+$0x2D0]  }
0x10b: {  	v1 =	vadd.f32 v39, v1;
	v39 =	vld [tilespmem:s23+$0x350]  }
0x10c: {  	v28 =	vadd.f32 v31, v28;
	v3 =	vadd.f32 v40, v3;
	v40 =	vld [tilespmem:$0x1FC80]  }
0x10d: {  	v1 =	vadd.f32 v41, v1;
	v41 =	vld [tilespmem:$0x1FC90]  }
0x10e: {  	v28 =	vadd.f32 v33, v28;
	v3 =	vadd.f32 v42, v3;
	v42 =	vld [tilespmem:$0x1FCA0]  }
0x10f: {  	v1 =	vadd.f32 v46, v1;
	v46 =	vld [tilespmem:$0x1FCC0]  }
0x110: {  	v28 =	vadd.f32 v34, v28;
	v3 =	vadd.f32 v50, v3;
	v50 =	vld [tilespmem:$0x1FCE0]  }
0x111: {  	v1 =	vadd.f32 v53, v1;
	v53 =	vld [tilespmem:$0x1FD00]  }
0x112: {  	v28 =	vadd.f32 v37, v28;
	v37 =	vld [tilespmem:s23+$0x6E0]  }
0x113: {  	v3 =	vadd.f32 v54, v3;
	v54 =	vld [tilespmem:$0x1FD10]  }
0x114: {  	v1 =	vadd.f32 v57, v1;
	v57 =	vld [tilespmem:$0x1FD30]  }
0x115: {  	v2 =	vadd.f32 v42, v2;
	v42 =	vld [tilespmem:$0x1FDE0]  }
0x116: {  	v0 =	vadd.f32 v46, v0;
	v46 =	vld [tilespmem:$0x1FE00]  }
0x117: {  	v28 =	vadd.f32 v39, v28;
	v39 =	vld [tilespmem:s23+$0x670]  }
0x118: {  	v1 =	vadd.f32 v61, v1;
	v61 =	vld [tilespmem:$0x1FD50]  }
0x119: {  	v2 =	vadd.f32 v50, v2;
	v50 =	vld [tilespmem:$0x1FE20]  }
0x11a: {  	v3 =	vadd.f32 v58, v3;
	v0 =	vadd.f32 v53, v0;
	v53 =	vld [tilespmem:$0x1FE30]  }
0x11b: {  	v1 =	vadd.f32 v8, v1;
	v8 =	vld [tilespmem:s23+$0xE50]  }
0x11c: {  	v3 =	vadd.f32 v63, v3;
	v63 =	vld [tilespmem:$0x1FD70]  }
0x11d: {  	v2 =	vadd.f32 v55, v2;
	v55 =	vld [tilespmem:$0x1FE50]  }
0x11e: {  	v0 =	vadd.f32 v59, v0;
	v59 =	vld [tilespmem:s23+$0x170]  }
0x11f: {  	v1 =	vadd.f32 v11, v1;
	v11 =	vld [tilespmem:s23+$0xBD0]  }
0x120: {  	v3 =	vadd.f32 v10, v3;
	v10 =	vld [tilespmem:s23+$0xC50]  }
0x121: {  	v6 =	vadd.f32 v29, v0;
	v0 =	vld [tilespmem:s23+$0xFD0]  }
0x122: {  	v29 =	vld [tilespmem:s23+$0x60]  }
0x123: {  	v2 =	vadd.f32 v62, v2;
	v62 =	vld [tilespmem:s23+$0x260]  }
0x124: {  	v3 =	vadd.f32 v13, v3;
	v1 =	vadd.f32 v14, v1;
	v14 =	vld [tilespmem:s23+$0xAD0]  }
0x125: {  	v13 =	vld [tilespmem:s23+$0xB50]  }
0x126: {  	v3 =	vadd.f32 v16, v3;
	v16 =	vld [tilespmem:s23+$0x9D0]  }
0x127: {  	v1 =	vadd.f32 v19, v1;
	v19 =	vld [tilespmem:s23+$0xA50]  }
0x128: {  	v3 =	vadd.f32 v32, v3;
	v32 =	vld [tilespmem:$0x1FD90]  }
0x129: {  	v1 =	vadd.f32 v35, v1;
	v35 =	vld [tilespmem:$0x1FDA0]  }
0x12a: {  	v3 =	vadd.f32 v40, v3;
	v40 =	vld [tilespmem:$0x1FDC0]  }
0x12b: {  	v1 =	vadd.f32 v41, v1;
	v41 =	vld [tilespmem:$0x1FDD0]  }
0x12c: {  	v3 =	vadd.f32 v43, v3;
	v43 =	vld [tilespmem:$0x1FDF0]  }
0x12d: {  	v1 =	vadd.f32 v47, v1;
	v47 =	vld [tilespmem:$0x1FE10]  }
0x12e: {  	v2 =	vadd.f32 v35, v2;
	v35 =	vld [tilespmem:s23+$0x160]  }
0x12f: {  	v3 =	vadd.f32 v51, v3;
	v51 =	vld [tilespmem:s23+$0xF0]  }
0x130: {  	v1 =	vadd.f32 v54, v1;
	v54 =	vld [tilespmem:$0x1FE40]  }
0x131: {  	v2 =	vadd.f32 v42, v2;
	v42 =	vld [tilespmem:s23+$0x1E0]  }
0x132: {  	v58 =	vadd.f32 v57, v3;
	v3 =	vld [tilespmem:s23+$0xF50]  }
0x133: {  	v6 =	vadd.f32 v40, v6;
	v57 =	vld [tilespmem:$0x1FE60]  }
0x134: {  	v1 =	vadd.f32 v61, v1;
	v61 =	vld [tilespmem:$0x1FE80]  }
0x135: {  	v6 =	vadd.f32 v46, v6;
	v46 =	vld [tilespmem:$0x1FEE0]  }
0x136: {  	v1 =	vadd.f32 v32, v1;
	v32 =	vld [tilespmem:s23+$0xE0]  }
0x137: {  	v5 =	vadd.f32 v63, v58;
	v58 =	vld [tilespmem:$0x1FE70]  }
0x138: {  	v63 =	vld [tilespmem:$0x1FE90]  }
0x139: {  	v6 =	vadd.f32 v54, v6;
	v54 =	vld [tilespmem:s23+$0x270]  }
0x13a: {  	v5 =	vadd.f32 v38, v5;
	v38 =	vld [tilespmem:s23+$0x70]  }
0x13b: {  	v1 =	vadd.f32 v41, v1;
	v41 =	vld [tilespmem:s23+$0x760]  }
0x13c: {  	v6 =	vadd.f32 v61, v6;
	v61 =	vld [tilespmem:$0x1FEC0]  }
0x13d: {  	v5 =	vadd.f32 v43, v5;
	v1 =	vadd.f32 v47, v1;
	v47 =	vld [tilespmem:s23+$0x1F0]  }
0x13e: {  	v40 =	vadd.f32 v50, v2;
	v43 =	vld [tilespmem:s23+$0x4E0]  }
0x13f: {  	v2 =	vadd.f32 v53, v5;
	v53 =	vld [tilespmem:$0x1FEA0]  }
0x140: {  	v5 =	vadd.f32 v55, v40;
	v55 =	vld [tilespmem:s23+$0x360]  }
0x141: {  	v40 =	vadd.f32 v58, v57;
	v57 =	vld [tilespmem:$0x1FEB0]  }
0x142: {  	v58 =	vld [tilespmem:s23+$0x2F0]  }
0x143: {  	v29 =	vadd.f32 v32, v29;
	v50 =	vadd.f32 v51, v38;
	v51 =	vld [tilespmem:s23+$0x2E0]  }
0x144: {  	v38 =	vld [tilespmem:$0x1FF20]  }
0x145: {  	v29 =	vadd.f32 v35, v29;
	v40 =	vadd.f32 v63, v40;
	v63 =	vld [tilespmem:s23+$0x460]  }
0x146: {  	v31 =	vadd.f32 v59, v50;
	v59 =	vld [tilespmem:s23+$0x3E0]  }
0x147: {  	v29 =	vadd.f32 v42, v29;
	v42 =	vld [tilespmem:s23+$0x3F0]  }
0x148: {  	v50 =	vld [tilespmem:s23+$0x560]  }
0x149: {  	v29 =	vadd.f32 v62, v29;
	v62 =	vld [tilespmem:s23+$0x370]  }
0x14a: {  	v40 =	vadd.f32 v53, v40;
	v31 =	vadd.f32 v47, v31;
	v47 =	vld [tilespmem:s23+$0x470]  }
0x14b: {  	v53 =	vld [tilespmem:s23+$0x4F0]  }
0x14c: {  	v40 =	vadd.f32 v57, v40;
	v29 =	vadd.f32 v51, v29;
	v51 =	vld [tilespmem:$0x1FEF0]  }
0x14d: {  	v57 =	vld [tilespmem:$0x1FF00]  }
0x14e: {  	v31 =	vadd.f32 v54, v31;
	v34 =	vadd.f32 v61, v40;
	v40 =	vld [tilespmem:$0x1FED0]  }
0x14f: {  	v29 =	vadd.f32 v55, v29;
	v55 =	vld [tilespmem:s23+$0x5E0]  }
0x150: {  	v31 =	vadd.f32 v58, v31;
	v58 =	vld [tilespmem:s23+$0x570]  }
0x151: {  	v61 =	vld [tilespmem:s23+$0x660];
	v29 =	vadd.f32 v59, v29  }
0x152: {  	v30 =	vadd.f32 v62, v31;
	v62 =	vld [tilespmem:$0x1FF10]  }
0x153: {  	v29 =	vadd.f32 v63, v29;
	v63 =	vld [tilespmem:s23+$0x5F0]  }
0x154: {  	v54 =	vadd.f32 v42, v30;
	v42 =	vld [tilespmem:$0x1FF30]  }
0x155: {  	v28 =	vadd.f32 v36, v28;
	v29 =	vadd.f32 v43, v29;
	v43 =	vld [tilespmem:s23+$0x6F0]  }
0x156: {  	v34 =	vadd.f32 v40, v34;
	v59 =	vadd.f32 v47, v54;
	v47 =	vld [tilespmem:s23+$0x7E0]  }
0x157: {  	v27 =	vadd.f32 v27, v28;
	v54 =	vld [tilespmem:s23+$0x860]  }
0x158: {  	v34 =	vadd.f32 v46, v34;
	v29 =	vadd.f32 v50, v29;
	v50 =	vld [tilespmem:$0x1FF40]  }
0x159: {  	v36 =	vadd.f32 v53, v59;
	v59 =	vld [tilespmem:s23+$0x8E0]  }
0x15a: {  	[tilespmem:$0x1FF50] =	vst v44;
	v26 =	vadd.f32 v26, v27;
	v34 =	vadd.f32 v51, v34;
	v51 =	vld [tilespmem:s23+$0x770]  }
0x15b: {  	v29 =	vadd.f32 v55, v29;
	v55 =	vld [tilespmem:$0x1FF50]  }
0x15c: {  	v25 =	vadd.f32 v25, v26;
	v40 =	vadd.f32 v58, v36;
	v36 =	vld [tilespmem:s23+$0x9E0]  }
0x15d: {  	v34 =	vadd.f32 v57, v34;
	v57 =	vld [tilespmem:s23+$0x7F0]  }
0x15e: {  	v24 =	vadd.f32 v24, v25;
	v28 =	vadd.f32 v61, v29;
	v61 =	vld [tilespmem:$0x1FF60]  }
0x15f: {  	v46 =	vadd.f32 v63, v40;
	v40 =	vld [tilespmem:s23+$0xA60];
	v33 =	vadd.f32 v62, v34  }
0x160: {  	v23 =	vadd.f32 v23, v24;
	v62 =	vld [tilespmem:s23+$0x870]  }
0x161: {  	v34 =	vld [tilespmem:s23+$0x8F0];
	v32 =	vadd.f32 v38, v33  }
0x162: {  	v20 =	vadd.f32 v20, v23;
	v27 =	vadd.f32 v37, v28;
	v37 =	vld [tilespmem:$0x1FF80]  }
0x163: {  	v53 =	vadd.f32 v39, v46;
	v46 =	vld [tilespmem:s23+$0xAE0];
	v32 =	vadd.f32 v42, v32  }
0x164: {  	v33 =	vld [tilespmem:$0x1FF70]  }
0x165: {  	v20 =	vadd.f32 v22, v20;
	v38 =	vld [tilespmem:s23+$0x970];
	v32 =	vadd.f32 v50, v32  }
0x166: {  	v58 =	vadd.f32 v43, v53;
	v26 =	vadd.f32 v41, v27;
	v41 =	vld [tilespmem:$0x1FF90]  }
0x167: {  	v20 =	vadd.f32 v21, v20;
	v53 =	vld [tilespmem:s23+$0xB60];
	v31 =	vadd.f32 v55, v32  }
0x168: {  	v42 =	vld [tilespmem:s23+$0x9F0];
	v63 =	vadd.f32 v51, v58;
	v25 =	vadd.f32 v47, v26  }
0x169: {  	v18 =	vadd.f32 v18, v20;
	v32 =	vld [tilespmem:s23+$0x960];
	v30 =	vadd.f32 v61, v31  }
0x16a: {  	v47 =	vld [tilespmem:$0x1FFA0];
	v35 =	vadd.f32 v57, v63;
	v24 =	vadd.f32 v54, v25  }
0x16b: {  	v17 =	vadd.f32 v17, v18;
	v58 =	vld [tilespmem:$0x1FFC0];
	v29 =	vadd.f32 v33, v30  }
0x16c: {  	v50 =	vld [tilespmem:s23+$0xA70];
	v39 =	vadd.f32 v62, v35;
	v23 =	vadd.f32 v59, v24  }
0x16d: {  	v15 =	vadd.f32 v15, v17;
	v54 =	vld [tilespmem:$0x1FFB0];
	v28 =	vadd.f32 v37, v29  }
0x16e: {  	v57 =	vld [tilespmem:s23+$0xBE0];
	v43 =	vadd.f32 v34, v39;
	v22 =	vadd.f32 v32, v23  }
0x16f: {  	v15 =	vadd.f32 v16, v15;
	v63 =	vld [tilespmem:$0x1FFD0];
	v27 =	vadd.f32 v41, v28  }
0x170: {  	v55 =	vld [tilespmem:s23+$0xAF0];
	v51 =	vadd.f32 v38, v43;
	v21 =	vadd.f32 v36, v22  }
0x171: {  	v15 =	vadd.f32 v19, v15;
	v59 =	vld [tilespmem:s23+$0xB70];
	v26 =	vadd.f32 v47, v27  }
0x172: {  	v62 =	vld [tilespmem:s23+$0xC60];
	v16 =	vadd.f32 v42, v51;
	v20 =	vadd.f32 v40, v21  }
0x173: {  	v14 =	vadd.f32 v14, v15;
	v32 =	vld [tilespmem:$0x1FFF0];
	v25 =	vadd.f32 v54, v26  }
0x174: {  	v28 =	vld [tilespmem:$0x1FFE0];
	v61 =	vadd.f32 v50, v16;
	v18 =	vadd.f32 v46, v20  }
0x175: {  	v13 =	vadd.f32 v13, v14;
	v24 =	vadd.f32 v58, v25;
	v25 =	vld [tilespmem:s23+$0xBF0]  }
0x176: {  	v29 =	vld [tilespmem:s23+$0xC70];
	v26 =	vadd.f32 v55, v61;
	v17 =	vadd.f32 v53, v18  }
0x177: {  	v11 =	vadd.f32 v11, v13;
	v27 =	vld [tilespmem:s23+$0xCE0];
	v23 =	vadd.f32 v63, v24  }
0x178: {  	v31 =	vld [tilespmem:s23+$0xD60];
	v30 =	vadd.f32 v59, v26;
	v17 =	vadd.f32 v57, v17  }
0x179: {  	v10 =	vadd.f32 v10, v11;
	v33 =	vld [tilespmem:s23+$0xCF0];
	v22 =	vadd.f32 v28, v23  }
0x17a: {  	v35 =	vld [tilespmem:s23+$0xDE0];
	v16 =	vadd.f32 v62, v17;
	v34 =	vadd.f32 v25, v30  }
0x17b: {  	v10 =	vadd.f32 v12, v10;
	v37 =	vld [tilespmem:s23+$0xD70];
	v21 =	vadd.f32 v32, v22  }
0x17c: {  	v38 =	vld [tilespmem:s23+$0xE60];
	v15 =	vadd.f32 v27, v16;
	v11 =	vadd.f32 v29, v34  }
0x17d: {  	v9 =	vadd.f32 v9, v10;
	v40 =	vld [tilespmem:s23+$0xDF0];
	v36 =	vadd.f32 v60, v21  }
0x17e: {  	v43 =	vld [tilespmem:s23+$0xE70];
	v14 =	vadd.f32 v31, v15;
	v41 =	vadd.f32 v33, v11  }
0x17f: {  	v7 =	vadd.f32 v7, v9;
	v42 =	vld [tilespmem:s23+$0xEE0];
	v39 =	vadd.f32 v56, v36  }
0x180: {  	v50 =	vld [tilespmem:s23+$0xEF0];
	v13 =	vadd.f32 v35, v14;
	v46 =	vadd.f32 v37, v41  }
0x181: {  	v7 =	vadd.f32 v8, v7;
	v47 =	vld [tilespmem:s23+$0xF60];
	v18 =	vadd.f32 v52, v39  }
0x182: {  	v54 =	vld [tilespmem:s23+$0xF70];
	v12 =	vadd.f32 v38, v13;
	v51 =	vadd.f32 v40, v46  }
0x183: {  	s24 =	sshll.u32 s22, $0x7;
	v4 =	vadd.f32 v4, v7;
	v52 =	vld [tilespmem:s23+$0xFE0];
	v49 =	vadd.f32 v49, v18  }
0x184: {  	s31 =	sand.u32 $0x3FFFFF80, s24;
	v44 =	vld [tilespmem:s23+$0xFC0];
	v11 =	vadd.f32 v42, v12;
	v56 =	vadd.f32 v43, v51  }
0x185: {  	v55 =	vld [tilespmem:s23+$0xFF0];
	v58 =	vadd.f32 v3, v4;
	[tilespmem:s31+$0xA000] =	vst v1;
	v53 =	vadd.f32 v48, v49  }
0x186: {  	[tilespmem:s31+$0xA010] =	vst v2;
	v61 =	vadd.f32 v47, v11;
	v59 =	vadd.f32 v50, v56  }
0x187: {  	p0 =	sne.s32 s22, $0x4;
	v0 =	vadd.f32 v0, v58;
	[tilespmem:s31+$0xA020] =	vst v5;
	v57 =	vadd.f32 v45, v53  }
.Ltmp5:
0x188: {  	[tilespmem:s31+$0xA030] =	vst v6;
	v63 =	vadd.f32 v52, v61;
	v62 =	vadd.f32 v54, v59;
	(pc) =	sbr.rel @p0 .LBB2_4-.Ltmp5, $4  }
0x189: {  	[tilespmem:s31+$0xA050] =	vst v0;
	v60 =	vadd.f32 v44, v57  }
0x18a: {  	[tilespmem:s31+$0xA060] =	vst v63;
	v1 =	vadd.f32 v55, v62  }
0x18b: {  	[tilespmem:s31+$0xA040] =	vst v60  }
0x18c: {  	s22 =	sadd.s32 $0x1, s22;
	[tilespmem:s31+$0xA070] =	vst v1  }
0x18d: {  	p0 =	sgt.u32 s18, $0x16  }
0x18e: {  	s22 =	smul.u32 @!p0 $0x5000, s20;
	_ =	sdelay $0x1  }
0x18f: {  	s22 =	sshrl.u32 @!p0 s22, $0x3  }
0x190: {  	s22 =	sadd.s32 @!p0 s2, s22  }
0x191: {  	s23 =	simm.s32 @!p0 $0x0;
	s22 =	sadd.s32 @!p0 $0x28000, s22  }
0x192: {  	[tilespmem:s23], [sflag:$0x1] =	stream.linear.gather @!p0 [hbm4b:s22+s23], $0x5000, $0x38;
	[tilespmem:$0xA800] =	vst v63  }
0x193: {  	p0 =	seq.s32 s21, $0x0  }
.Ltmp6:
0x194: {  	_ = 	snop;
	(pc) =	sbr.rel @p0 .LBB2_9-.Ltmp6, $4  }
0x195: {  	s31 =	sor.u32 s4, s19  }
0x196: {  	s22 =	sshll.u32 s31, $0x7  }
0x197: {  	s22 =	sadd.s32 s6, s22  }
0x198: {  	[hbm4b:s22+s3] =	stream.linear.scatter [tilespmem:s16], [sflag:$0x3], $0x280, $0x38;
	[tilespmem:$0xA800] =	vst v63  }
.LBB2_6:
0x199: {  	p0 =	slt.u32 s18, $0x2  }
0x19a: {  	s21 =	simm.s32 @!p0 $0x4  }
0x19b: {  	_ =	swait.ge @!p0 [sflag:s21], $0x280  }
0x19c: {  	[sflag:s21] =	ssyncset.done @!p0 $0x0  }
0x19d: {  	[sflag:s21] =	ssyncadd.s32 @!p0 $0xFFFFFD80  }
0x19e: {  	_ =	swait.ge [sflag:s11], $0x5000  }
0x19f: {  	[sflag:s11] =	ssyncset.done $0x0  }
0x1a0: {  	s21 =	simm.s32 $0x0;
	[sflag:s11] =	ssyncadd.s32 $0xFFFFB000  }
.LBB2_7:
0x1a1: {  	s22 =	sshll.u32 s21, $0xC  }
0x1a2: {  	s22 =	sand.u32 $0x3FFFF000, s22  }
0x1a3: {  	v42 =	vld [tilespmem:s22+$0x5000]  }
0x1a4: {  	v40 =	vld [tilespmem:s22+$0x5080]  }
0x1a5: {  	v44 =	vld [tilespmem:s22+$0x5100]  }
0x1a6: {  	v48 =	vld [tilespmem:s22+$0x5180]  }
0x1a7: {  	v52 =	vld [tilespmem:s22+$0x5200]  }
0x1a8: {  	v56 =	vld [tilespmem:s22+$0x5280]  }
0x1a9: {  	v60 =	vld [tilespmem:s22+$0x5300]  }
0x1aa: {  	v0 =	vld [tilespmem:s22+$0x5380]  }
0x1ab: {  	v25 =	vld [tilespmem:s22+$0x5400]  }
0x1ac: {  	v26 =	vld [tilespmem:s22+$0x5480]  }
0x1ad: {  	v27 =	vld [tilespmem:s22+$0x5500]  }
0x1ae: {  	v28 =	vld [tilespmem:s22+$0x5580]  }
0x1af: {  	v29 =	vld [tilespmem:s22+$0x5600]  }
0x1b0: {  	v30 =	vld [tilespmem:s22+$0x5680]  }
0x1b1: {  	v31 =	vld [tilespmem:s22+$0x5700]  }
0x1b2: {  	v32 =	vld [tilespmem:s22+$0x5780]  }
0x1b3: {  	v33 =	vld [tilespmem:s22+$0x5800]  }
0x1b4: {  	v34 =	vld [tilespmem:s22+$0x5880]  }
0x1b5: {  	v35 =	vld [tilespmem:s22+$0x5900]  }
0x1b6: {  	v36 =	vld [tilespmem:s22+$0x5980]  }
0x1b7: {  	v37 =	vld [tilespmem:s22+$0x5A00]  }
0x1b8: {  	v38 =	vld [tilespmem:s22+$0x5A80]  }
0x1b9: {  	v39 =	vld [tilespmem:s22+$0x5B00]  }
0x1ba: {  	v41 =	vld [tilespmem:s22+$0x5B80]  }
0x1bb: {  	v43 =	vld [tilespmem:s22+$0x5C00]  }
0x1bc: {  	v45 =	vld [tilespmem:s22+$0x5C80]  }
0x1bd: {  	v46 =	vld [tilespmem:s22+$0x5D00]  }
0x1be: {  	v47 =	vld [tilespmem:s22+$0x5D80]  }
0x1bf: {  	v49 =	vld [tilespmem:s22+$0x5E00]  }
0x1c0: {  	v50 =	vld [tilespmem:s22+$0x5E80]  }
0x1c1: {  	v51 =	vld [tilespmem:s22+$0x5F00]  }
0x1c2: {  	v53 =	vld [tilespmem:s22+$0x5F80]  }
0x1c3: {  	v22 =	vld [tilespmem:s22+$0x5010]  }
0x1c4: {  	v20 =	vld [tilespmem:s22+$0x5090]  }
0x1c5: {  	v24 =	vld [tilespmem:s22+$0x5110]  }
0x1c6: {  	v57 =	vld [tilespmem:s22+$0x5590]  }
0x1c7: {  	v61 =	vld [tilespmem:s22+$0x5610]  }
0x1c8: {  	v54 =	vld [tilespmem:s22+$0x5690]  }
0x1c9: {  	v55 =	vld [tilespmem:s22+$0x5710]  }
0x1ca: {  	v58 =	vld [tilespmem:s22+$0x5790]  }
0x1cb: {  	v59 =	vld [tilespmem:s22+$0x5810]  }
0x1cc: {  	v62 =	vld [tilespmem:s22+$0x5890]  }
0x1cd: {  	v63 =	vld [tilespmem:s22+$0x5910]  }
0x1ce: {  	v4 =	vld [tilespmem:s22+$0x5990]  }
0x1cf: {  	v5 =	vld [tilespmem:s22+$0x5A10]  }
0x1d0: {  	v6 =	vld [tilespmem:s22+$0x5A90]  }
0x1d1: {  	v7 =	vld [tilespmem:s22+$0x5B10]  }
0x1d2: {  	v8 =	vld [tilespmem:s22+$0x5B90]  }
0x1d3: {  	v9 =	vld [tilespmem:s22+$0x5C10]  }
0x1d4: {  	v10 =	vld [tilespmem:s22+$0x5C90]  }
0x1d5: {  	v11 =	vld [tilespmem:s22+$0x5D10]  }
0x1d6: {  	v12 =	vld [tilespmem:s22+$0x5D90]  }
0x1d7: {  	v13 =	vld [tilespmem:s22+$0x5E10]  }
0x1d8: {  	v14 =	vld [tilespmem:s22+$0x5E90]  }
0x1d9: {  	v15 =	vld [tilespmem:s22+$0x5F10]  }
0x1da: {  	v16 =	vld [tilespmem:s22+$0x5F90]  }
0x1db: {  	v18 =	vld [tilespmem:s22+$0x5320]  }
0x1dc: {  	v21 =	vld [tilespmem:s22+$0x53A0]  }
0x1dd: {  	v17 =	vld [tilespmem:s22+$0x59A0]  }
0x1de: {  	v19 =	vld [tilespmem:s22+$0x5A20]  }
0x1df: {  	v23 =	vld [tilespmem:s22+$0x5AA0]  }
0x1e0: {  	v1 =	vld [tilespmem:s22+$0x5030]  }
0x1e1: {  	v2 =	vld [tilespmem:s22+$0x5130]  }
0x1e2: {  	v3 =	vld [tilespmem:s22+$0x51B0]  }
0x1e3: {  	[tilespmem:$0x1F4F0] =	vst v27;
	v27 =	vld [tilespmem:s22+$0x5190]  }
0x1e4: {  	[tilespmem:$0x1F520] =	vst v30;
	v30 =	vld [tilespmem:s22+$0x5210]  }
0x1e5: {  	[tilespmem:$0x1F580] =	vst v33;
	v33 =	vld [tilespmem:s22+$0x5290]  }
0x1e6: {  	[tilespmem:$0x1F5E0] =	vst v36;
	v36 =	vld [tilespmem:s22+$0x5310]  }
0x1e7: {  	[tilespmem:$0x1F660] =	vst v39;
	v39 =	vld [tilespmem:s22+$0x5390]  }
0x1e8: {  	[tilespmem:$0x1F6F0] =	vst v45;
	v45 =	vld [tilespmem:s22+$0x5410]  }
0x1e9: {  	[tilespmem:$0x1F7B0] =	vst v49;
	v49 =	vld [tilespmem:s22+$0x5490]  }
0x1ea: {  	[tilespmem:$0x1F870] =	vst v53;
	v53 =	vld [tilespmem:s22+$0x5510]  }
0x1eb: {  	[tilespmem:$0x1F6B0] =	vst v8;
	v8 =	vld [tilespmem:s22+$0x5020]  }
0x1ec: {  	[tilespmem:$0x1F680] =	vst v7;
	v7 =	vld [tilespmem:s22+$0x50A0]  }
0x1ed: {  	[tilespmem:$0x1F710] =	vst v10;
	v10 =	vld [tilespmem:s22+$0x5120]  }
0x1ee: {  	[tilespmem:$0x1F790] =	vst v12;
	v12 =	vld [tilespmem:s22+$0x51A0]  }
0x1ef: {  	[tilespmem:$0x1F810] =	vst v14;
	v14 =	vld [tilespmem:s22+$0x5220]  }
0x1f0: {  	[tilespmem:$0x1F890] =	vst v16;
	v16 =	vld [tilespmem:s22+$0x52A0]  }
0x1f1: {  	[tilespmem:$0x1F4D0] =	vst v25;
	v25 =	vld [tilespmem:s22+$0x5420]  }
0x1f2: {  	[tilespmem:$0x1F500] =	vst v28;
	v28 =	vld [tilespmem:s22+$0x54A0]  }
0x1f3: {  	[tilespmem:$0x1F540] =	vst v31;
	v31 =	vld [tilespmem:s22+$0x5520]  }
0x1f4: {  	[tilespmem:$0x1F5A0] =	vst v34;
	v34 =	vld [tilespmem:s22+$0x55A0]  }
0x1f5: {  	[tilespmem:$0x1F600] =	vst v37;
	v37 =	vld [tilespmem:s22+$0x5620]  }
0x1f6: {  	[tilespmem:$0x1F690] =	vst v41;
	v41 =	vld [tilespmem:s22+$0x56A0]  }
0x1f7: {  	[tilespmem:$0x1F730] =	vst v46;
	v46 =	vld [tilespmem:s22+$0x5720]  }
0x1f8: {  	[tilespmem:$0x1F7F0] =	vst v50;
	v50 =	vld [tilespmem:s22+$0x57A0]  }
0x1f9: {  	[tilespmem:$0x1F530] =	vst v54;
	v54 =	vld [tilespmem:s22+$0x5820]  }
0x1fa: {  	[tilespmem:$0x1F570] =	vst v58;
	v58 =	vld [tilespmem:s22+$0x58A0]  }
0x1fb: {  	[tilespmem:$0x1F5B0] =	vst v62;
	v62 =	vld [tilespmem:s22+$0x5920]  }
0x1fc: {  	[tilespmem:$0x1F4E0] =	vst v26;
	v26 =	vld [tilespmem:s22+$0x5B20]  }
0x1fd: {  	[tilespmem:$0x1F510] =	vst v29;
	v29 =	vld [tilespmem:s22+$0x5BA0]  }
0x1fe: {  	[tilespmem:$0x1F560] =	vst v32;
	v32 =	vld [tilespmem:s22+$0x5C20]  }
0x1ff: {  	[tilespmem:$0x1F5C0] =	vst v35;
	v35 =	vld [tilespmem:s22+$0x5CA0]  }
0x200: {  	[tilespmem:$0x1F630] =	vst v38;
	v38 =	vld [tilespmem:s22+$0x5D20]  }
0x201: {  	[tilespmem:$0x1F6C0] =	vst v43;
	v43 =	vld [tilespmem:s22+$0x5DA0]  }
0x202: {  	[tilespmem:$0x1F770] =	vst v47;
	v47 =	vld [tilespmem:s22+$0x5E20]  }
0x203: {  	[tilespmem:$0x1F830] =	vst v51;
	v51 =	vld [tilespmem:s22+$0x5EA0]  }
0x204: {  	[tilespmem:$0x1F550] =	vst v55;
	v55 =	vld [tilespmem:s22+$0x5F20]  }
0x205: {  	[tilespmem:$0x1F590] =	vst v59;
	v59 =	vld [tilespmem:s22+$0x5FA0]  }
0x206: {  	[tilespmem:$0x1F4C0] =	vst v0;
	v0 =	vld [tilespmem:s22+$0x50B0]  }
0x207: {  	[tilespmem:$0x1F5F0] =	vst v4;
	v4 =	vld [tilespmem:s22+$0x5230]  }
0x208: {  	[tilespmem:$0x1F620] =	vst v5;
	v5 =	vld [tilespmem:s22+$0x52B0]  }
0x209: {  	[tilespmem:$0x1F650] =	vst v6;
	v6 =	vld [tilespmem:s22+$0x5330]  }
0x20a: {  	[tilespmem:$0x1F6E0] =	vst v9;
	v9 =	vld [tilespmem:s22+$0x53B0]  }
0x20b: {  	[tilespmem:$0x1F750] =	vst v11;
	v11 =	vld [tilespmem:s22+$0x5430]  }
0x20c: {  	[tilespmem:$0x1F7D0] =	vst v13;
	v13 =	vld [tilespmem:s22+$0x54B0]  }
0x20d: {  	[tilespmem:$0x1F850] =	vst v15;
	v15 =	vld [tilespmem:s22+$0x5530]  }
0x20e: {  	[tilespmem:$0x1F5D0] =	vst v63;
	v63 =	vld [tilespmem:s22+$0x5C30]  }
0x20f: {  	[tilespmem:$0x1F610] =	vst v17;
	v17 =	vld [tilespmem:s22+$0x55B0]  }
0x210: {  	[tilespmem:$0x1F640] =	vst v19;
	v19 =	vld [tilespmem:s22+$0x5630];
	v40 =	vadd.f32 v40, v42  }
0x211: {  	[tilespmem:$0x1F670] =	vst v23;
	v23 =	vld [tilespmem:s22+$0x56B0]  }
0x212: {  	v42 =	vadd.f32 v44, v40;
	v44 =	vld [tilespmem:s22+$0x5540]  }
0x213: {  	[tilespmem:$0x1F720] =	vst v63;
	v63 =	vld [tilespmem:s22+$0x5CB0]  }
0x214: {  	v40 =	vld [tilespmem:s22+$0x56C0]  }
0x215: {  	[tilespmem:$0x1F6A0] =	vst v26;
	v26 =	vld [tilespmem:s22+$0x5730]  }
0x216: {  	[tilespmem:$0x1F6D0] =	vst v29;
	v29 =	vld [tilespmem:s22+$0x57B0]  }
0x217: {  	[tilespmem:$0x1F700] =	vst v32;
	v32 =	vld [tilespmem:s22+$0x5830]  }
0x218: {  	[tilespmem:$0x1F760] =	vst v63;
	v63 =	vld [tilespmem:s22+$0x5D30]  }
0x219: {  	[tilespmem:$0x1F740] =	vst v35;
	v35 =	vld [tilespmem:s22+$0x58B0]  }
0x21a: {  	[tilespmem:$0x1F780] =	vst v38;
	v38 =	vld [tilespmem:s22+$0x5930]  }
0x21b: {  	[tilespmem:$0x1F7C0] =	vst v43;
	v43 =	vld [tilespmem:s22+$0x59B0]  }
0x21c: {  	[tilespmem:$0x1F800] =	vst v47;
	v47 =	vld [tilespmem:s22+$0x5A30]  }
0x21d: {  	[tilespmem:$0x1F7A0] =	vst v63;
	v63 =	vld [tilespmem:s22+$0x5DB0]  }
0x21e: {  	[tilespmem:$0x1F840] =	vst v51;
	v51 =	vld [tilespmem:s22+$0x5AB0]  }
0x21f: {  	v20 =	vadd.f32 v20, v22;
	v22 =	vadd.f32 v48, v42;
	[tilespmem:$0x1F880] =	vst v55;
	v55 =	vld [tilespmem:s22+$0x5B30]  }
0x220: {  	[tilespmem:$0x1F8B0] =	vst v59;
	v59 =	vld [tilespmem:s22+$0x5BB0]  }
0x221: {  	v0 =	vadd.f32 v0, v1;
	v1 =	vadd.f32 v52, v22;
	v52 =	vld [tilespmem:s22+$0x57C0]  }
0x222: {  	[tilespmem:$0x1F7E0] =	vst v63;
	v63 =	vld [tilespmem:s22+$0x5E30]  }
0x223: {  	v7 =	vadd.f32 v7, v8;
	v22 =	vld [tilespmem:s22+$0x5BC0]  }
0x224: {  	[tilespmem:$0x1F970] =	vst v44;
	v44 =	vld [tilespmem:s22+$0x5740]  }
0x225: {  	v7 =	vadd.f32 v10, v7;
	v10 =	vld [tilespmem:s22+$0x5940]  }
0x226: {  	[tilespmem:$0x1F9A0] =	vst v40;
	v40 =	vld [tilespmem:$0x1F550]  }
0x227: {  	[tilespmem:$0x1F820] =	vst v63;
	v63 =	vld [tilespmem:s22+$0x5EB0]  }
0x228: {  	v1 =	vadd.f32 v56, v1;
	v56 =	vld [tilespmem:s22+$0x5840]  }
0x229: {  	v42 =	vadd.f32 v12, v7;
	v12 =	vld [tilespmem:s22+$0x59C0]  }
0x22a: {  	v7 =	vld [tilespmem:s22+$0x5DD0]  }
0x22b: {  	v1 =	vadd.f32 v60, v1;
	v60 =	vld [tilespmem:s22+$0x5CC0]  }
0x22c: {  	[tilespmem:$0x1F860] =	vst v63;
	v63 =	vld [tilespmem:s22+$0x5F30]  }
0x22d: {  	v0 =	vadd.f32 v2, v0;
	v2 =	vadd.f32 v14, v42;
	v14 =	vld [tilespmem:$0x1F4C0]  }
0x22e: {  	[tilespmem:$0x1F9C0] =	vst v52;
	v52 =	vld [tilespmem:s22+$0x5DC0]  }
0x22f: {  	v42 =	vld [tilespmem:$0x1F570]  }
0x230: {  	v0 =	vadd.f32 v3, v0;
	[tilespmem:$0x1FA40] =	vst v22;
	v22 =	vld [tilespmem:s22+$0x5750]  }
0x231: {  	[tilespmem:$0x1F8A0] =	vst v63;
	v63 =	vld [tilespmem:s22+$0x5FB0]  }
0x232: {  	v0 =	vadd.f32 v4, v0;
	v4 =	vld [tilespmem:s22+$0x5ED0]  }
0x233: {  	[tilespmem:$0x1F9F0] =	vst v10;
	v10 =	vld [tilespmem:$0x1F620]  }
0x234: {  	v2 =	vadd.f32 v16, v2;
	v16 =	vld [tilespmem:s22+$0x5A40]  }
0x235: {  	[tilespmem:$0x1F9D0] =	vst v56;
	v56 =	vld [tilespmem:s22+$0x5D40]  }
0x236: {  	[tilespmem:$0x1F8E0] =	vst v63;
	v63 =	vld [tilespmem:s22+$0x5040]  }
0x237: {  	[tilespmem:$0x1FA00] =	vst v12;
	v12 =	vld [tilespmem:$0x1F640]  }
0x238: {  	v0 =	vadd.f32 v5, v0;
	v2 =	vadd.f32 v18, v2;
	v18 =	vld [tilespmem:s22+$0x5AC0]  }
0x239: {  	v1 =	vadd.f32 v14, v1;
	v14 =	vld [tilespmem:$0x1F660]  }
0x23a: {  	v0 =	vadd.f32 v6, v0;
	v2 =	vadd.f32 v21, v2;
	v21 =	vld [tilespmem:s22+$0x5B40]  }
0x23b: {  	[tilespmem:$0x1F8C0] =	vst v63;
	v63 =	vld [tilespmem:s22+$0x50C0]  }
0x23c: {  	v0 =	vadd.f32 v9, v0;
	v9 =	vld [tilespmem:$0x1F610]  }
0x23d: {  	[tilespmem:$0x1FA10] =	vst v16;
	v16 =	vld [tilespmem:$0x1F680]  }
0x23e: {  	v2 =	vadd.f32 v25, v2;
	v25 =	vld [tilespmem:s22+$0x5C40]  }
0x23f: {  	v0 =	vadd.f32 v11, v0;
	v11 =	vld [tilespmem:$0x1F630]  }
0x240: {  	[tilespmem:$0x1F8D0] =	vst v63;
	v63 =	vld [tilespmem:s22+$0x5140]  }
0x241: {  	[tilespmem:$0x1FA20] =	vst v18;
	v18 =	vld [tilespmem:s22+$0x5850]  }
0x242: {  	v2 =	vadd.f32 v28, v2;
	v28 =	vld [tilespmem:s22+$0x5050]  }
0x243: {  	v0 =	vadd.f32 v13, v0;
	v13 =	vld [tilespmem:$0x1F650]  }
0x244: {  	[tilespmem:$0x1FA30] =	vst v21;
	v21 =	vld [tilespmem:s22+$0x57D0]  }
0x245: {  	[tilespmem:$0x1F8F0] =	vst v63;
	v63 =	vld [tilespmem:s22+$0x51C0]  }
0x246: {  	v2 =	vadd.f32 v31, v2;
	v31 =	vld [tilespmem:s22+$0x5150]  }
0x247: {  	v0 =	vadd.f32 v15, v0;
	v15 =	vld [tilespmem:$0x1F670]  }
0x248: {  	[tilespmem:$0x1FA50] =	vst v25;
	v25 =	vld [tilespmem:s22+$0x5550]  }
0x249: {  	v2 =	vadd.f32 v34, v2;
	v34 =	vld [tilespmem:s22+$0x5250]  }
0x24a: {  	[tilespmem:$0x1F900] =	vst v63;
	v63 =	vld [tilespmem:s22+$0x5240]  }
0x24b: {  	v0 =	vadd.f32 v17, v0;
	v17 =	vld [tilespmem:s22+$0x58D0]  }
0x24c: {  	v2 =	vadd.f32 v37, v2;
	v37 =	vld [tilespmem:$0x1F530]  }
0x24d: {  	v0 =	vadd.f32 v19, v0;
	v19 =	vld [tilespmem:$0x1F690]  }
0x24e: {  	v2 =	vadd.f32 v41, v2;
	v41 =	vld [tilespmem:$0x1F560]  }
0x24f: {  	[tilespmem:$0x1F910] =	vst v63;
	v63 =	vld [tilespmem:s22+$0x52C0]  }
0x250: {  	v0 =	vadd.f32 v23, v0;
	v23 =	vld [tilespmem:s22+$0x5650]  }
0x251: {  	v2 =	vadd.f32 v46, v2;
	v46 =	vld [tilespmem:$0x1F580]  }
0x252: {  	v0 =	vadd.f32 v26, v0;
	v26 =	vld [tilespmem:s22+$0x54D0]  }
0x253: {  	v2 =	vadd.f32 v50, v2;
	v50 =	vld [tilespmem:$0x1F590]  }
0x254: {  	[tilespmem:$0x1F920] =	vst v63;
	v63 =	vld [tilespmem:s22+$0x5340]  }
0x255: {  	v0 =	vadd.f32 v29, v0;
	v29 =	vld [tilespmem:$0x1F6A0]  }
0x256: {  	v2 =	vadd.f32 v54, v2;
	v54 =	vld [tilespmem:$0x1F5B0]  }
0x257: {  	v0 =	vadd.f32 v32, v0;
	v32 =	vld [tilespmem:$0x1F6B0]  }
0x258: {  	v2 =	vadd.f32 v58, v2;
	v58 =	vld [tilespmem:$0x1F5D0]  }
0x259: {  	v0 =	vadd.f32 v35, v0;
	[tilespmem:$0x1F930] =	vst v63;
	v63 =	vld [tilespmem:s22+$0x53C0]  }
0x25a: {  	v35 =	vld [tilespmem:$0x1F6C0]  }
0x25b: {  	v0 =	vadd.f32 v38, v0;
	v38 =	vld [tilespmem:$0x1F6D0]  }
0x25c: {  	v2 =	vadd.f32 v62, v2;
	v62 =	vld [tilespmem:$0x1F7C0]  }
0x25d: {  	v0 =	vadd.f32 v43, v0;
	v43 =	vld [tilespmem:$0x1F710]  }
0x25e: {  	v2 =	vadd.f32 v9, v2;
	[tilespmem:$0x1F940] =	vst v63;
	v63 =	vld [tilespmem:s22+$0x5440]  }
0x25f: {  	v9 =	vld [tilespmem:s22+$0x5D50]  }
0x260: {  	v2 =	vadd.f32 v12, v2;
	v12 =	vld [tilespmem:s22+$0x5CD0]  }
0x261: {  	v0 =	vadd.f32 v47, v0;
	v47 =	vld [tilespmem:$0x1F730]  }
0x262: {  	v2 =	vadd.f32 v15, v2;
	v15 =	vld [tilespmem:s22+$0x5950]  }
0x263: {  	v0 =	vadd.f32 v51, v0;
	[tilespmem:$0x1F950] =	vst v63;
	v63 =	vld [tilespmem:s22+$0x54C0]  }
0x264: {  	v51 =	vld [tilespmem:$0x1F750]  }
0x265: {  	v0 =	vadd.f32 v55, v0;
	v55 =	vld [tilespmem:$0x1F780]  }
0x266: {  	v2 =	vadd.f32 v29, v2;
	v29 =	vld [tilespmem:$0x1F7E0]  }
0x267: {  	v0 =	vadd.f32 v59, v0;
	v59 =	vld [tilespmem:$0x1F7A0]  }
0x268: {  	v2 =	vadd.f32 v38, v2;
	v38 =	vld [tilespmem:$0x1F810];
	[tilespmem:$0x1F960] =	vst v63;
	v63 =	vadd.f32 v24, v20  }
0x269: {  	v20 =	vld [tilespmem:s22+$0x55C0]  }
0x26a: {  	v24 =	vld [tilespmem:s22+$0x5640];
	v8 =	vadd.f32 v27, v63  }
0x26b: {  	v27 =	vld [tilespmem:$0x1F4F0]  }
0x26c: {  	v48 =	vadd.f32 v30, v8;
	v8 =	vld [tilespmem:s22+$0x58C0]  }
0x26d: {  	v30 =	vld [tilespmem:$0x1F500]  }
0x26e: {  	[tilespmem:$0x1F980] =	vst v20;
	v20 =	vld [tilespmem:$0x1F4D0]  }
0x26f: {  	[tilespmem:$0x1F990] =	vst v24;
	v24 =	vld [tilespmem:$0x1F4E0]  }
0x270: {  	v63 =	vadd.f32 v33, v48;
	v48 =	vld [tilespmem:s22+$0x5EC0]  }
0x271: {  	v33 =	vld [tilespmem:$0x1F510]  }
0x272: {  	v3 =	vadd.f32 v36, v63;
	v36 =	vld [tilespmem:$0x1F520]  }
0x273: {  	v63 =	vld [tilespmem:$0x1F5F0]  }
0x274: {  	[tilespmem:$0x1F9E0] =	vst v8;
	v8 =	vld [tilespmem:$0x1F600]  }
0x275: {  	v3 =	vadd.f32 v39, v3;
	v1 =	vadd.f32 v20, v1;
	v39 =	vld [tilespmem:$0x1F540]  }
0x276: {  	v20 =	vld [tilespmem:s22+$0x56D0]  }
0x277: {  	v3 =	vadd.f32 v45, v3;
	v1 =	vadd.f32 v24, v1;
	v45 =	vld [tilespmem:s22+$0x5F40]  }
0x278: {  	v24 =	vld [tilespmem:s22+$0x55D0]  }
0x279: {  	v3 =	vadd.f32 v49, v3;
	v1 =	vadd.f32 v27, v1;
	v49 =	vld [tilespmem:s22+$0x5E40]  }
0x27a: {  	v27 =	vld [tilespmem:s22+$0x5450]  }
0x27b: {  	v3 =	vadd.f32 v53, v3;
	v1 =	vadd.f32 v30, v1;
	v30 =	vld [tilespmem:s22+$0x50D0]  }
0x27c: {  	v53 =	vld [tilespmem:$0x1F5A0]  }
0x27d: {  	v3 =	vadd.f32 v57, v3;
	v1 =	vadd.f32 v33, v1;
	v33 =	vld [tilespmem:s22+$0x51D0]  }
0x27e: {  	v57 =	vld [tilespmem:$0x1F5C0]  }
0x27f: {  	v3 =	vadd.f32 v61, v3;
	v1 =	vadd.f32 v36, v1;
	v36 =	vld [tilespmem:s22+$0x53D0]  }
0x280: {  	v61 =	vld [tilespmem:$0x1F5E0]  }
0x281: {  	v28 =	vadd.f32 v30, v28;
	v3 =	vadd.f32 v37, v3;
	v37 =	vld [tilespmem:s22+$0x52D0]  }
0x282: {  	v1 =	vadd.f32 v39, v1;
	v39 =	vld [tilespmem:s22+$0x5350]  }
0x283: {  	v28 =	vadd.f32 v31, v28;
	v3 =	vadd.f32 v40, v3;
	v40 =	vld [tilespmem:$0x1F6E0]  }
0x284: {  	v1 =	vadd.f32 v41, v1;
	v41 =	vld [tilespmem:$0x1F6F0]  }
0x285: {  	v28 =	vadd.f32 v33, v28;
	v3 =	vadd.f32 v42, v3;
	v42 =	vld [tilespmem:$0x1F700]  }
0x286: {  	v1 =	vadd.f32 v46, v1;
	v46 =	vld [tilespmem:$0x1F720]  }
0x287: {  	v28 =	vadd.f32 v34, v28;
	v3 =	vadd.f32 v50, v3;
	v50 =	vld [tilespmem:$0x1F740]  }
0x288: {  	v1 =	vadd.f32 v53, v1;
	v53 =	vld [tilespmem:$0x1F760]  }
0x289: {  	v28 =	vadd.f32 v37, v28;
	v37 =	vld [tilespmem:s22+$0x56E0]  }
0x28a: {  	v3 =	vadd.f32 v54, v3;
	v54 =	vld [tilespmem:$0x1F770]  }
0x28b: {  	v1 =	vadd.f32 v57, v1;
	v57 =	vld [tilespmem:$0x1F790]  }
0x28c: {  	v2 =	vadd.f32 v42, v2;
	v42 =	vld [tilespmem:$0x1F840]  }
0x28d: {  	v0 =	vadd.f32 v46, v0;
	v46 =	vld [tilespmem:$0x1F860]  }
0x28e: {  	v28 =	vadd.f32 v39, v28;
	v39 =	vld [tilespmem:s22+$0x5670]  }
0x28f: {  	v1 =	vadd.f32 v61, v1;
	v61 =	vld [tilespmem:$0x1F7B0]  }
0x290: {  	v2 =	vadd.f32 v50, v2;
	v50 =	vld [tilespmem:$0x1F880]  }
0x291: {  	v3 =	vadd.f32 v58, v3;
	v0 =	vadd.f32 v53, v0;
	v53 =	vld [tilespmem:$0x1F890]  }
0x292: {  	v1 =	vadd.f32 v8, v1;
	v8 =	vld [tilespmem:s22+$0x5E50]  }
0x293: {  	v3 =	vadd.f32 v63, v3;
	v63 =	vld [tilespmem:$0x1F7D0]  }
0x294: {  	v2 =	vadd.f32 v55, v2;
	v55 =	vld [tilespmem:$0x1F8B0]  }
0x295: {  	v0 =	vadd.f32 v59, v0;
	v59 =	vld [tilespmem:s22+$0x5170]  }
0x296: {  	v1 =	vadd.f32 v11, v1;
	v11 =	vld [tilespmem:s22+$0x5BD0]  }
0x297: {  	v3 =	vadd.f32 v10, v3;
	v10 =	vld [tilespmem:s22+$0x5C50]  }
0x298: {  	v6 =	vadd.f32 v29, v0;
	v0 =	vld [tilespmem:s22+$0x5FD0]  }
0x299: {  	v29 =	vld [tilespmem:s22+$0x5060]  }
0x29a: {  	v2 =	vadd.f32 v62, v2;
	v62 =	vld [tilespmem:s22+$0x5260]  }
0x29b: {  	v3 =	vadd.f32 v13, v3;
	v1 =	vadd.f32 v14, v1;
	v14 =	vld [tilespmem:s22+$0x5AD0]  }
0x29c: {  	v13 =	vld [tilespmem:s22+$0x5B50]  }
0x29d: {  	v3 =	vadd.f32 v16, v3;
	v16 =	vld [tilespmem:s22+$0x59D0]  }
0x29e: {  	v1 =	vadd.f32 v19, v1;
	v19 =	vld [tilespmem:s22+$0x5A50]  }
0x29f: {  	v3 =	vadd.f32 v32, v3;
	v32 =	vld [tilespmem:$0x1F7F0]  }
0x2a0: {  	v1 =	vadd.f32 v35, v1;
	v35 =	vld [tilespmem:$0x1F800]  }
0x2a1: {  	v3 =	vadd.f32 v40, v3;
	v40 =	vld [tilespmem:$0x1F820]  }
0x2a2: {  	v1 =	vadd.f32 v41, v1;
	v41 =	vld [tilespmem:$0x1F830]  }
0x2a3: {  	v3 =	vadd.f32 v43, v3;
	v43 =	vld [tilespmem:$0x1F850]  }
0x2a4: {  	v1 =	vadd.f32 v47, v1;
	v47 =	vld [tilespmem:$0x1F870]  }
0x2a5: {  	v2 =	vadd.f32 v35, v2;
	v35 =	vld [tilespmem:s22+$0x5160]  }
0x2a6: {  	v3 =	vadd.f32 v51, v3;
	v51 =	vld [tilespmem:s22+$0x50F0]  }
0x2a7: {  	v1 =	vadd.f32 v54, v1;
	v54 =	vld [tilespmem:$0x1F8A0]  }
0x2a8: {  	v2 =	vadd.f32 v42, v2;
	v42 =	vld [tilespmem:s22+$0x51E0]  }
0x2a9: {  	v58 =	vadd.f32 v57, v3;
	v3 =	vld [tilespmem:s22+$0x5F50]  }
0x2aa: {  	v6 =	vadd.f32 v40, v6;
	v57 =	vld [tilespmem:$0x1F8C0]  }
0x2ab: {  	v1 =	vadd.f32 v61, v1;
	v61 =	vld [tilespmem:$0x1F8E0]  }
0x2ac: {  	v6 =	vadd.f32 v46, v6;
	v46 =	vld [tilespmem:$0x1F940]  }
0x2ad: {  	v1 =	vadd.f32 v32, v1;
	v32 =	vld [tilespmem:s22+$0x50E0]  }
0x2ae: {  	v5 =	vadd.f32 v63, v58;
	v58 =	vld [tilespmem:$0x1F8D0]  }
0x2af: {  	v63 =	vld [tilespmem:$0x1F8F0]  }
0x2b0: {  	v6 =	vadd.f32 v54, v6;
	v54 =	vld [tilespmem:s22+$0x5270]  }
0x2b1: {  	v5 =	vadd.f32 v38, v5;
	v38 =	vld [tilespmem:s22+$0x5070]  }
0x2b2: {  	v1 =	vadd.f32 v41, v1;
	v41 =	vld [tilespmem:s22+$0x5760]  }
0x2b3: {  	v6 =	vadd.f32 v61, v6;
	v61 =	vld [tilespmem:$0x1F920]  }
0x2b4: {  	v5 =	vadd.f32 v43, v5;
	v1 =	vadd.f32 v47, v1;
	v47 =	vld [tilespmem:s22+$0x51F0]  }
0x2b5: {  	v40 =	vadd.f32 v50, v2;
	v43 =	vld [tilespmem:s22+$0x54E0]  }
0x2b6: {  	v2 =	vadd.f32 v53, v5;
	v53 =	vld [tilespmem:$0x1F900]  }
0x2b7: {  	v5 =	vadd.f32 v55, v40;
	v55 =	vld [tilespmem:s22+$0x5360]  }
0x2b8: {  	v40 =	vadd.f32 v58, v57;
	v57 =	vld [tilespmem:$0x1F910]  }
0x2b9: {  	v58 =	vld [tilespmem:s22+$0x52F0]  }
0x2ba: {  	v29 =	vadd.f32 v32, v29;
	v50 =	vadd.f32 v51, v38;
	v51 =	vld [tilespmem:s22+$0x52E0]  }
0x2bb: {  	v38 =	vld [tilespmem:$0x1F980]  }
0x2bc: {  	v29 =	vadd.f32 v35, v29;
	v40 =	vadd.f32 v63, v40;
	v63 =	vld [tilespmem:s22+$0x5460]  }
0x2bd: {  	v31 =	vadd.f32 v59, v50;
	v59 =	vld [tilespmem:s22+$0x53E0]  }
0x2be: {  	v29 =	vadd.f32 v42, v29;
	v42 =	vld [tilespmem:s22+$0x53F0]  }
0x2bf: {  	v50 =	vld [tilespmem:s22+$0x5560]  }
0x2c0: {  	v29 =	vadd.f32 v62, v29;
	v62 =	vld [tilespmem:s22+$0x5370]  }
0x2c1: {  	v40 =	vadd.f32 v53, v40;
	v31 =	vadd.f32 v47, v31;
	v47 =	vld [tilespmem:s22+$0x5470]  }
0x2c2: {  	v53 =	vld [tilespmem:s22+$0x54F0]  }
0x2c3: {  	v40 =	vadd.f32 v57, v40;
	v29 =	vadd.f32 v51, v29;
	v51 =	vld [tilespmem:$0x1F950]  }
0x2c4: {  	v57 =	vld [tilespmem:$0x1F960]  }
0x2c5: {  	v31 =	vadd.f32 v54, v31;
	v34 =	vadd.f32 v61, v40;
	v40 =	vld [tilespmem:$0x1F930]  }
0x2c6: {  	v29 =	vadd.f32 v55, v29;
	v55 =	vld [tilespmem:s22+$0x55E0]  }
0x2c7: {  	v31 =	vadd.f32 v58, v31;
	v58 =	vld [tilespmem:s22+$0x5570]  }
0x2c8: {  	v61 =	vld [tilespmem:s22+$0x5660];
	v29 =	vadd.f32 v59, v29  }
0x2c9: {  	v30 =	vadd.f32 v62, v31;
	v62 =	vld [tilespmem:$0x1F970]  }
0x2ca: {  	v29 =	vadd.f32 v63, v29;
	v63 =	vld [tilespmem:s22+$0x55F0]  }
0x2cb: {  	v54 =	vadd.f32 v42, v30;
	v42 =	vld [tilespmem:$0x1F990]  }
0x2cc: {  	v28 =	vadd.f32 v36, v28;
	v29 =	vadd.f32 v43, v29;
	v43 =	vld [tilespmem:s22+$0x56F0]  }
0x2cd: {  	v34 =	vadd.f32 v40, v34;
	v59 =	vadd.f32 v47, v54;
	v47 =	vld [tilespmem:s22+$0x57E0]  }
0x2ce: {  	v27 =	vadd.f32 v27, v28;
	v54 =	vld [tilespmem:s22+$0x5860]  }
0x2cf: {  	v34 =	vadd.f32 v46, v34;
	v29 =	vadd.f32 v50, v29;
	v50 =	vld [tilespmem:$0x1F9A0]  }
0x2d0: {  	v36 =	vadd.f32 v53, v59;
	v59 =	vld [tilespmem:s22+$0x58E0]  }
0x2d1: {  	[tilespmem:$0x1F9B0] =	vst v44;
	v26 =	vadd.f32 v26, v27;
	v34 =	vadd.f32 v51, v34;
	v51 =	vld [tilespmem:s22+$0x5770]  }
0x2d2: {  	v29 =	vadd.f32 v55, v29;
	v55 =	vld [tilespmem:$0x1F9B0]  }
0x2d3: {  	v25 =	vadd.f32 v25, v26;
	v40 =	vadd.f32 v58, v36;
	v36 =	vld [tilespmem:s22+$0x59E0]  }
0x2d4: {  	v34 =	vadd.f32 v57, v34;
	v57 =	vld [tilespmem:s22+$0x57F0]  }
0x2d5: {  	v24 =	vadd.f32 v24, v25;
	v28 =	vadd.f32 v61, v29;
	v61 =	vld [tilespmem:$0x1F9C0]  }
0x2d6: {  	v46 =	vadd.f32 v63, v40;
	v40 =	vld [tilespmem:s22+$0x5A60];
	v33 =	vadd.f32 v62, v34  }
0x2d7: {  	v23 =	vadd.f32 v23, v24;
	v62 =	vld [tilespmem:s22+$0x5870]  }
0x2d8: {  	v34 =	vld [tilespmem:s22+$0x58F0];
	v32 =	vadd.f32 v38, v33  }
0x2d9: {  	v20 =	vadd.f32 v20, v23;
	v27 =	vadd.f32 v37, v28;
	v37 =	vld [tilespmem:$0x1F9E0]  }
0x2da: {  	v53 =	vadd.f32 v39, v46;
	v46 =	vld [tilespmem:s22+$0x5AE0];
	v32 =	vadd.f32 v42, v32  }
0x2db: {  	v33 =	vld [tilespmem:$0x1F9D0]  }
0x2dc: {  	v20 =	vadd.f32 v22, v20;
	v38 =	vld [tilespmem:s22+$0x5970];
	v32 =	vadd.f32 v50, v32  }
0x2dd: {  	v58 =	vadd.f32 v43, v53;
	v26 =	vadd.f32 v41, v27;
	v41 =	vld [tilespmem:$0x1F9F0]  }
0x2de: {  	v20 =	vadd.f32 v21, v20;
	v53 =	vld [tilespmem:s22+$0x5B60];
	v31 =	vadd.f32 v55, v32  }
0x2df: {  	v42 =	vld [tilespmem:s22+$0x59F0];
	v63 =	vadd.f32 v51, v58;
	v25 =	vadd.f32 v47, v26  }
0x2e0: {  	v18 =	vadd.f32 v18, v20;
	v32 =	vld [tilespmem:s22+$0x5960];
	v30 =	vadd.f32 v61, v31  }
0x2e1: {  	v47 =	vld [tilespmem:$0x1FA00];
	v35 =	vadd.f32 v57, v63;
	v24 =	vadd.f32 v54, v25  }
0x2e2: {  	v17 =	vadd.f32 v17, v18;
	v58 =	vld [tilespmem:$0x1FA20];
	v29 =	vadd.f32 v33, v30  }
0x2e3: {  	v50 =	vld [tilespmem:s22+$0x5A70];
	v39 =	vadd.f32 v62, v35;
	v23 =	vadd.f32 v59, v24  }
0x2e4: {  	v15 =	vadd.f32 v15, v17;
	v54 =	vld [tilespmem:$0x1FA10];
	v28 =	vadd.f32 v37, v29  }
0x2e5: {  	v57 =	vld [tilespmem:s22+$0x5BE0];
	v43 =	vadd.f32 v34, v39;
	v22 =	vadd.f32 v32, v23  }
0x2e6: {  	v15 =	vadd.f32 v16, v15;
	v63 =	vld [tilespmem:$0x1FA30];
	v27 =	vadd.f32 v41, v28  }
0x2e7: {  	v55 =	vld [tilespmem:s22+$0x5AF0];
	v51 =	vadd.f32 v38, v43;
	v21 =	vadd.f32 v36, v22  }
0x2e8: {  	v15 =	vadd.f32 v19, v15;
	v59 =	vld [tilespmem:s22+$0x5B70];
	v26 =	vadd.f32 v47, v27  }
0x2e9: {  	v62 =	vld [tilespmem:s22+$0x5C60];
	v16 =	vadd.f32 v42, v51;
	v20 =	vadd.f32 v40, v21  }
0x2ea: {  	v14 =	vadd.f32 v14, v15;
	v32 =	vld [tilespmem:$0x1FA50];
	v25 =	vadd.f32 v54, v26  }
0x2eb: {  	v28 =	vld [tilespmem:$0x1FA40];
	v61 =	vadd.f32 v50, v16;
	v18 =	vadd.f32 v46, v20  }
0x2ec: {  	v13 =	vadd.f32 v13, v14;
	v24 =	vadd.f32 v58, v25;
	v25 =	vld [tilespmem:s22+$0x5BF0]  }
0x2ed: {  	v29 =	vld [tilespmem:s22+$0x5C70];
	v26 =	vadd.f32 v55, v61;
	v17 =	vadd.f32 v53, v18  }
0x2ee: {  	v11 =	vadd.f32 v11, v13;
	v27 =	vld [tilespmem:s22+$0x5CE0];
	v23 =	vadd.f32 v63, v24  }
0x2ef: {  	v31 =	vld [tilespmem:s22+$0x5D60];
	v30 =	vadd.f32 v59, v26;
	v17 =	vadd.f32 v57, v17  }
0x2f0: {  	v10 =	vadd.f32 v10, v11;
	v33 =	vld [tilespmem:s22+$0x5CF0];
	v22 =	vadd.f32 v28, v23  }
0x2f1: {  	v35 =	vld [tilespmem:s22+$0x5DE0];
	v16 =	vadd.f32 v62, v17;
	v34 =	vadd.f32 v25, v30  }
0x2f2: {  	v10 =	vadd.f32 v12, v10;
	v37 =	vld [tilespmem:s22+$0x5D70];
	v21 =	vadd.f32 v32, v22  }
0x2f3: {  	v38 =	vld [tilespmem:s22+$0x5E60];
	v15 =	vadd.f32 v27, v16;
	v11 =	vadd.f32 v29, v34  }
0x2f4: {  	v9 =	vadd.f32 v9, v10;
	v40 =	vld [tilespmem:s22+$0x5DF0];
	v36 =	vadd.f32 v60, v21  }
0x2f5: {  	v43 =	vld [tilespmem:s22+$0x5E70];
	v14 =	vadd.f32 v31, v15;
	v41 =	vadd.f32 v33, v11  }
0x2f6: {  	v7 =	vadd.f32 v7, v9;
	v42 =	vld [tilespmem:s22+$0x5EE0];
	v39 =	vadd.f32 v56, v36  }
0x2f7: {  	v50 =	vld [tilespmem:s22+$0x5EF0];
	v13 =	vadd.f32 v35, v14;
	v46 =	vadd.f32 v37, v41  }
0x2f8: {  	v7 =	vadd.f32 v8, v7;
	v47 =	vld [tilespmem:s22+$0x5F60];
	v18 =	vadd.f32 v52, v39  }
0x2f9: {  	v54 =	vld [tilespmem:s22+$0x5F70];
	v12 =	vadd.f32 v38, v13;
	v51 =	vadd.f32 v40, v46  }
0x2fa: {  	s23 =	sshll.u32 s21, $0x7;
	v4 =	vadd.f32 v4, v7;
	v52 =	vld [tilespmem:s22+$0x5FE0];
	v49 =	vadd.f32 v49, v18  }
0x2fb: {  	s31 =	sand.u32 $0x3FFFFF80, s23;
	v44 =	vld [tilespmem:s22+$0x5FC0];
	v11 =	vadd.f32 v42, v12;
	v56 =	vadd.f32 v43, v51  }
0x2fc: {  	v55 =	vld [tilespmem:s22+$0x5FF0];
	v58 =	vadd.f32 v3, v4;
	[tilespmem:s31+$0xA400] =	vst v1;
	v53 =	vadd.f32 v48, v49  }
0x2fd: {  	[tilespmem:s31+$0xA410] =	vst v2;
	v61 =	vadd.f32 v47, v11;
	v59 =	vadd.f32 v50, v56  }
0x2fe: {  	p0 =	sne.s32 s21, $0x4;
	v0 =	vadd.f32 v0, v58;
	[tilespmem:s31+$0xA420] =	vst v5;
	v57 =	vadd.f32 v45, v53  }
.Ltmp7:
0x2ff: {  	[tilespmem:s31+$0xA430] =	vst v6;
	v63 =	vadd.f32 v52, v61;
	v62 =	vadd.f32 v54, v59;
	(pc) =	sbr.rel @p0 .LBB2_7-.Ltmp7, $4  }
0x300: {  	[tilespmem:s31+$0xA450] =	vst v0;
	v60 =	vadd.f32 v44, v57  }
0x301: {  	[tilespmem:s31+$0xA460] =	vst v63;
	v1 =	vadd.f32 v55, v62  }
0x302: {  	[tilespmem:s31+$0xA440] =	vst v60  }
0x303: {  	s21 =	sadd.s32 $0x1, s21;
	[tilespmem:s31+$0xA470] =	vst v1  }
0x304: {  	p0 =	sgt.u32 s18, $0x16  }
0x305: {  	s20 =	smul.u32 @!p0 $0x5000, s20;
	_ =	sdelay $0x1  }
0x306: {  	s19 =	sor.u32 s4, s19;
	s20 =	sshrl.u32 @!p0 s20, $0x3  }
.Ltmp8:
0x307: {  	s21 =	simm.s32 @!p0 $0x0;
	s20 =	sadd.s32 @!p0 s2, s20;
	(pc) =	sbr.rel .LBB2_9-.Ltmp8, $4  }
0x308: {  	s22 =	simm.s32 @!p0 $0x5000;
	s19 =	sshll.u32 s19, $0x7;
	s20 =	sadd.s32 @!p0 $0x28000, s20  }
0x309: {  	[tilespmem:s22], [sflag:$0x2] =	stream.linear.gather @!p0 [hbm4b:s20+s21], $0x5000, $0x38;
	[tilespmem:$0xA800] =	vst v63  }
0x30a: {  	s19 =	sadd.s32 s6, s19  }
0x30b: {  	[hbm4b:s19+s3] =	stream.linear.scatter [tilespmem:s12], [sflag:$0x4], $0x280, $0x38;
	[tilespmem:$0xA800] =	vst v63  }
.LBB2_11:
0x30c: {  	_ =	sfence.sel $0x180000  }
0x30d: {  	[bflag:$0x0] =	sbarrier.arrive $0xFFFF  }
0x30e: {  	p0 =	sne.s32 s0, $0x0;
	_ =	strace $0x90000047  }
0x30f: {  	s0 =	sadd.s32 @!p0 $0x100000, s1;
	[bflag:$0x2] =	sbarrier.arrive $0xFFFF  }
0x310: {  	[sflag:s0] =	ssyncadd.tile.s32 @!p0 $0x1;
	_ =	shalt  }
.Lfunc_end2:
_tile_overlayer_lowered:
.L_overlay_start_2:
0x311: {  	(tag) =	ssettag $0x2  }
0x312: {  	s0 =	rddreg [dreg:$0x0];
	s2 =	stileid.u32  }
0x313: {  	s1 =	rddreg [dreg:$0x1];
	p0 =	sne.s32 s2, $0x0  }
0x314: {  	s3 =	rddreg [dreg:$0x2];
	[bflag:$0x3] =	sbarrier.arrive $0xFFFF;
	s2 =	simm.s32 @!p0 $0x1C05  }
0x315: {  	[timem:s3], [sflag:s2] =	dma.local @!p0 [hbm:s0], s1  }
0x316: {  	s0 =	simm.s32 @!p0 $0x5  }
0x317: {  	_ =	swait.ge @!p0 [sflag:s0], s1  }
0x318: {  	s1 =	ssub.s32 @!p0 $0x0, s1;
	[sflag:s0] =	ssyncset.done @!p0 $0x0  }
0x319: {  	[sflag:s0] =	ssyncadd.s32 @!p0 s1  }
0x31a: {  	[bflag:$0x3] =	sbarrier.arrive $0xFFFF  }
0x31b: {  	_ =	shalt  }

</sc_bundles>
